<compile_context>
chip_gen: v7x
topology: tpu7x:2x2x1
jax: 0.10.2.dev20260603
libtpu: 0.0.44.dev20260713+nightly
codegen_flags: <defaults>
</compile_context>

<pallas_src>
import functools

import jax
import jax.numpy as jnp
import numpy as np
from jax import lax
from jax.experimental import pallas as pl
from jax.experimental.pallas import tpu as pltpu
from jax.experimental.pallas import tpu_sc as plsc

HEAD = 16
KD = 64
DM = 1024
ROUND = 4
BUCKETS = 64
NEG = float(np.finfo(np.float32).max)

SC_CORES = 2
SC_SUBCORES = 16
SC_WORKERS = SC_CORES * SC_SUBCORES



def _matmul_body(a_ref, w_ref, b_ref, o_ref):
    a = a_ref[...]
    w = w_ref[...]
    o_ref[...] = (
        jnp.dot(a, w, preferred_element_type=jnp.float32) + b_ref[...]
    )


def k_matmul(a, w, b, bm=512, bn=512):
    m, k = a.shape
    k2, n = w.shape
    assert k == k2 and b.shape == (n,)
    return pl.pallas_call(
        _matmul_body,
        grid=(m // bm, n // bn),
        in_specs=[
            pl.BlockSpec((bm, k), lambda i, j: (i, 0)),
            pl.BlockSpec((k, bn), lambda i, j: (0, j)),
            pl.BlockSpec((1, bn), lambda i, j: (0, j)),
        ],
        out_specs=pl.BlockSpec((bm, bn), lambda i, j: (i, j)),
        out_shape=jax.ShapeDtypeStruct((m, n), jnp.float32),
    )(a, w, b.reshape(1, n))



def _hash_body(qk_ref, hv_ref, o_ref):
    qk = qk_ref[0]
    hv = hv_ref[0]
    rot = jnp.dot(qk, hv, preferred_element_type=jnp.float32)
    s = rot.shape[0]
    cols = []
    half = BUCKETS // 2
    iota = lax.broadcasted_iota(jnp.int32, (s, BUCKETS), 1)
    for r in range(ROUND):
        xr = rot[:, r * half:(r + 1) * half]
        c = jnp.concatenate([-xr, xr], axis=1)
        m = jnp.max(c, axis=1, keepdims=True)
        idx = jnp.min(jnp.where(c == m, iota, BUCKETS), axis=1, keepdims=True)
        cols.append(idx)
    o_ref[0] = jnp.concatenate(cols, axis=1)


def k_hash(qk_h, hv):
    bh, s, _ = qk_h.shape
    return pl.pallas_call(
        _hash_body,
        grid=(bh,),
        in_specs=[
            pl.BlockSpec((1, s, KD), lambda i: (i, 0, 0)),
            pl.BlockSpec((1, KD, ROUND * (BUCKETS // 2)),
                         lambda i: (i % HEAD, 0, 0)),
        ],
        out_specs=pl.BlockSpec((1, s, ROUND), lambda i: (i, 0, 0)),
        out_shape=jax.ShapeDtypeStruct((bh, s, ROUND), jnp.int32),
    )(qk_h, hv)



def _rank_body(bk_ref, posl_ref, posg_ref, *, s):
    kk = bk_ref[0]
    sp = kk.shape[0]
    lane_lt = (lax.broadcasted_iota(jnp.int32, (128, 128), 0)
               < lax.broadcasted_iota(jnp.int32, (128, 128), 1)
               ).astype(jnp.float32)
    row_lt = (lax.broadcasted_iota(jnp.int32, (sp, sp), 0)
              > lax.broadcasted_iota(jnp.int32, (sp, sp), 1)
              ).astype(jnp.float32)
    pos = jnp.zeros((sp, 128), jnp.float32)
    acc = jnp.float32(0.0)
    for v in range(BUCKETS):
        eq = (kk == v).astype(jnp.float32)
        lane_prefix = jnp.dot(eq, lane_lt, preferred_element_type=jnp.float32)
        rowsum = jnp.sum(eq, axis=1, keepdims=True)
        rowsum_b = jnp.broadcast_to(rowsum, (sp, 128))
        rowexcl = jnp.dot(row_lt, rowsum_b,
                          preferred_element_type=jnp.float32)
        total = jnp.sum(eq)
        pos = pos + eq * (acc + rowexcl + lane_prefix)
        acc = acc + total
    posl = pos.astype(jnp.int32)
    posl_ref[0] = posl
    posg_ref[0] = posl + pl.program_id(0) * s


def k_rank(bk):
    bhr, sp, _ = bk.shape
    s = sp * 128
    return pl.pallas_call(
        functools.partial(_rank_body, s=s),
        grid=(bhr,),
        in_specs=[pl.BlockSpec((1, sp, 128), lambda i: (i, 0, 0))],
        out_specs=[
            pl.BlockSpec((1, sp, 128), lambda i: (i, 0, 0)),
            pl.BlockSpec((1, sp, 128), lambda i: (i, 0, 0)),
        ],
        out_shape=[
            jax.ShapeDtypeStruct((bhr, sp, 128), jnp.int32),
            jax.ShapeDtypeStruct((bhr, sp, 128), jnp.int32),
        ],
    )(bk)



def _sc_sort_gather(posl, bkp, qkvf, *, bhr, s):
    tasks_per_w = bhr // SC_WORKERS
    ch = 128
    nch = s // ch
    mesh = plsc.VectorSubcoreMesh(core_axis_name="c", subcore_axis_name="s")

    @functools.partial(
        pl.kernel,
        out_type=(
            jax.ShapeDtypeStruct((bhr * s, 128), jnp.float32),
            jax.ShapeDtypeStruct((bhr, s // 128, 128), jnp.int32),
            jax.ShapeDtypeStruct((bhr, s // 128, 128), jnp.int32),
        ),
        mesh=mesh,
        scratch_types=[
            pltpu.VMEM((s,), jnp.int32),
            pltpu.VMEM((s,), jnp.int32),
            pltpu.VMEM((s // 128, 128), jnp.int32),
            pltpu.VMEM((s // 128, 128), jnp.int32),
            pltpu.VMEM((ch, 128), jnp.float32),
            pltpu.SemaphoreType.DMA,
        ],
        compiler_params=pltpu.CompilerParams(needs_layout_passes=False),
    )
    def body(posl_hbm, bkp_hbm, qkvf_hbm, sqkv_hbm, st_hbm, bkps_hbm,
             posl_v, bkp_v, st_v, bkps_v, bufqv, sem):
        wid = lax.axis_index("s") * SC_CORES + lax.axis_index("c")
        for t in range(tasks_per_w):
            task = wid * tasks_per_w + t
            bh = task // ROUND
            base_val = bh * s
            pltpu.sync_copy(posl_hbm.at[pl.ds(task * s, s)], posl_v)
            pltpu.sync_copy(bkp_hbm.at[pl.ds(bh * s, s)], bkp_v)

            def scat(i, _):
                idx = posl_v[pl.ds(i * 16, 16)]
                row = lax.shift_right_logical(idx, 7)
                lane = lax.bitwise_and(idx, 127)
                vals = lax.iota(jnp.int32, 16) + (i * 16 + base_val)
                plsc.store_scatter(st_v, [row, lane], vals)
                plsc.store_scatter(bkps_v, [row, lane],
                                   bkp_v[pl.ds(i * 16, 16)])
                return 0

            lax.fori_loop(0, s // 16, scat, 0, unroll=4)
            pltpu.sync_copy(st_v, st_hbm.at[task])
            pltpu.sync_copy(bkps_v, bkps_hbm.at[task])

            def gath(j, _):
                sl = st_v.at[j]
                pltpu.async_copy(qkvf_hbm.at[sl], bufqv, sem).wait()
                pltpu.sync_copy(
                    bufqv, sqkv_hbm.at[pl.ds(task * s + j * ch, ch)])
                return 0

            lax.fori_loop(0, nch, gath, 0)

    return body(posl, bkp, qkvf)



def _sc_unsort(posg, volf, *, bhr, s):
    tasks_per_w = bhr // SC_WORKERS
    ch = 128
    nch = s // ch
    mesh = plsc.VectorSubcoreMesh(core_axis_name="c", subcore_axis_name="s")

    @functools.partial(
        pl.kernel,
        out_type=jax.ShapeDtypeStruct((bhr * s, 128), jnp.float32),
        mesh=mesh,
        scratch_types=[
            pltpu.VMEM((s,), jnp.int32),
            pltpu.VMEM((ch, 128), jnp.float32),
            pltpu.SemaphoreType.DMA,
        ],
        compiler_params=pltpu.CompilerParams(needs_layout_passes=False),
    )
    def body(posg_hbm, volf_hbm, volu_hbm, idx_v, bufv, sem):
        wid = lax.axis_index("s") * SC_CORES + lax.axis_index("c")
        for t in range(tasks_per_w):
            task = wid * tasks_per_w + t
            pltpu.sync_copy(posg_hbm.at[pl.ds(task * s, s)], idx_v)

            def gath(j, _):
                sl = idx_v.at[pl.ds(j * ch, ch)]
                pltpu.async_copy(volf_hbm.at[sl], bufv, sem).wait()
                pltpu.sync_copy(
                    bufv, volu_hbm.at[pl.ds(task * s + j * ch, ch)])
                return 0

            lax.fori_loop(0, nch, gath, 0)

    return body(posg, volf)



def _win(a, lo, w, axis):
    n = a.shape[axis]
    lo = lo % n
    if lo + w <= n:
        return lax.slice_in_dim(a, lo, lo + w, axis=axis)
    first = lax.slice_in_dim(a, lo, n, axis=axis)
    second = lax.slice_in_dim(a, 0, lo + w - n, axis=axis)
    return jnp.concatenate([first, second], axis=axis)


_LOGDUP = tuple(float(np.log(k + 1e-9)) for k in range(ROUND + 1))


def _attn_body(sqkv_ref, mi_ref, mit_ref, volse_ref, *,
               s, cs, cb):
    qkv = sqkv_ref[0]
    qk = qkv[:, :KD]
    v = qkv[:, KD:]
    qm = mi_ref[0]
    kt = mit_ref[0]
    r_cur = pl.program_id(0) % ROUND
    rsh = r_cur * 6

    scale = KD ** -0.5
    nrm2 = jnp.dot(qk * qk, jnp.ones((KD, 1), jnp.float32),
                   preferred_element_type=jnp.float32)
    kscal = lax.rsqrt(jnp.maximum(nrm2, 1e-24)) * scale
    kn = qk * kscal

    rb = cb * cs
    w = rb + 2 * cs
    nblk = s // rb
    qi = lax.broadcasted_iota(jnp.int32, (rb, w), 0) // cs
    kj = lax.broadcasted_iota(jnp.int32, (rb, w), 1) // cs - 1
    invalid = jnp.abs(qi - kj) > 1

    for blk in range(nblk):
        lo = blk * rb - cs
        q = lax.slice_in_dim(qk, blk * rb, (blk + 1) * rb, axis=0)
        qmb = lax.slice_in_dim(qm, blk * rb, (blk + 1) * rb, axis=0)
        kwin = _win(kn, lo, w, 0)
        vwin = _win(v, lo, w, 0)
        ktw = _win(kt, lo, w, 1)

        dots = lax.dot_general(
            q, kwin, (((1,), (1,)), ((), ())),
            preferred_element_type=jnp.float32)
        qtick = qmb[:, 0:1]
        ktick = ktw[0:1, :]
        qp = qmb[:, 1:2]
        kp = ktw[1:2, :]

        x = lax.bitwise_xor(qp, kp)
        d = jnp.int32(0)
        for rr in range(ROUND):
            mrr = (lax.bitwise_and(x, 63 << (6 * rr)) == 0)
            d = d + mrr.astype(jnp.int32)
        logdup = jnp.where(
            d == 0, _LOGDUP[0],
            jnp.where(d == 1, _LOGDUP[1],
                      jnp.where(d == 2, _LOGDUP[2],
                                jnp.where(d == 3, _LOGDUP[3], _LOGDUP[4]))))
        qcur = lax.bitwise_and(lax.shift_right_logical(qp, rsh), 63)
        kcur = lax.bitwise_and(lax.shift_right_logical(kp, rsh), 63)
        killed = jnp.logical_or(qcur != kcur, invalid)

        dots = jnp.where(qtick == ktick, jnp.float32(-100000.0), dots)
        dots = jnp.where(killed, -NEG, dots) - logdup

        m = jnp.max(dots, axis=1, keepdims=True)
        e = jnp.exp(dots - m)
        ssum = jnp.sum(e, axis=1, keepdims=True)
        lse = m + jnp.log(ssum)
        p = e * (1.0 / ssum)
        vo = jnp.dot(p, vwin, preferred_element_type=jnp.float32)
        volse_ref[0, pl.ds(blk * rb, rb), :KD] = vo
        volse_ref[0, pl.ds(blk * rb, rb), KD:] = jnp.broadcast_to(
            lse, (rb, 128 - KD))


def k_attn(sqkv, meta, metat, cs, cb=8):
    bhr, s, _ = sqkv.shape
    return pl.pallas_call(
        functools.partial(_attn_body, s=s, cs=cs, cb=cb),
        grid=(bhr,),
        in_specs=[
            pl.BlockSpec((1, s, 128), lambda i: (i, 0, 0)),
            pl.BlockSpec((1, s, 8), lambda i: (i, 0, 0)),
            pl.BlockSpec((1, 8, s), lambda i: (i, 0, 0)),
        ],
        out_specs=pl.BlockSpec((1, s, 128), lambda i: (i, 0, 0)),
        out_shape=jax.ShapeDtypeStruct((bhr, s, 128), jnp.float32),
    )(sqkv, meta, metat)



def _combine_body(volu_ref, o_ref):
    ls = [volu_ref[0, rr][:, KD:KD + 1] for rr in range(ROUND)]
    m = ls[0]
    for rr in range(1, ROUND):
        m = jnp.maximum(m, ls[rr])
    ws = [jnp.exp(l - m) for l in ls]
    den = ws[0]
    for rr in range(1, ROUND):
        den = den + ws[rr]
    acc = volu_ref[0, 0][:, :KD] * ws[0]
    for rr in range(1, ROUND):
        acc = acc + volu_ref[0, rr][:, :KD] * ws[rr]
    o_ref[0] = acc / den


def k_combine(volu):
    bh, r, s, _ = volu.shape
    return pl.pallas_call(
        _combine_body,
        grid=(bh,),
        in_specs=[
            pl.BlockSpec((1, r, s, 128), lambda i: (i, 0, 0, 0)),
        ],
        out_specs=pl.BlockSpec((1, s, KD), lambda i: (i, 0, 0)),
        out_shape=jax.ShapeDtypeStruct((bh, s, KD), jnp.float32),
    )(volu)



def kernel(x, Wq, bq, Wv, bv, Wo, bo, hash_vec):
    b, s, d = x.shape
    bh = b * HEAD
    bhr = bh * ROUND
    cs = s // BUCKETS

    xf = x.reshape(b * s, d)
    wqv = jnp.concatenate([Wq.T, Wv.T], axis=1)
    bqv = jnp.concatenate([bq, bv], axis=0)
    proj = k_matmul(xf, wqv, bqv)
    qk = proj[:, :d].reshape(b, s, HEAD, KD).transpose(0, 2, 1, 3)
    v = proj[:, d:].reshape(b, s, HEAD, KD).transpose(0, 2, 1, 3)
    qk_h = qk.reshape(bh, s, KD)
    v_h = v.reshape(bh, s, KD)

    hv = hash_vec.transpose(0, 1, 3, 2).reshape(
        HEAD, KD, ROUND * (BUCKETS // 2))
    bq_ids = k_hash(qk_h, hv)

    bk = bq_ids.transpose(0, 2, 1).reshape(bhr, s // 128, 128)
    posl, posg = k_rank(bk)
    posl_f = posl.reshape(bhr * s)
    posg_f = posg.reshape(bhr * s)

    bkp = (bq_ids[..., 0] | (bq_ids[..., 1] << 6) | (bq_ids[..., 2] << 12)
           | (bq_ids[..., 3] << 18)).reshape(bh * s)

    qkv = jnp.concatenate(
        [qk_h.reshape(bh * s, KD), v_h.reshape(bh * s, KD)], axis=1)
    sqkv_f, st, bkps = _sc_sort_gather(posl_f, bkp, qkv, bhr=bhr, s=s)
    sqkv = sqkv_f.reshape(bhr, s, 128)

    tick = st.reshape(bhr, s) % s
    bkps2 = bkps.reshape(bhr, s)
    zpad = jnp.zeros((bhr, s), jnp.int32)
    meta = jnp.stack([tick, bkps2] + [zpad] * 6, axis=2)
    metat = meta.transpose(0, 2, 1)

    volse = k_attn(sqkv, meta, metat, cs)

    volu_f = _sc_unsort(posg_f, volse.reshape(bhr * s, 128), bhr=bhr, s=s)
    volu = volu_f.reshape(bh, ROUND, s, 128)

    ho = k_combine(volu)
    hflat = ho.reshape(b, HEAD, s, KD).transpose(0, 2, 1, 3).reshape(
        b * s, d)
    out = k_matmul(hflat, Wo.T, bo, bn=512)[: b * s].reshape(b, s, d)

    buckets_out = bq_ids.reshape(b, HEAD, s, ROUND).transpose(0, 1, 3, 2)
    return out, buckets_out

# --- scband reference (transcript-rebuilt; emitter-appended) ---
"""Pipeline reference for scband-lshattention-87359634801119 (READ-ONLY COPY).

The authoritative reference and input builder live on the scoring server;
editing this copy changes nothing except your own understanding.
"""

import jax, jax.numpy as jnp
import numpy as np

HEAD = 16
K_DIM = 64
D_MODEL = 1024
ROUND = 4
BUCKETS = 64
ACN = 1
B = 2
S = 2048


def across_chunk_attend(cv, a):
    parts = [jnp.roll(cv, s, axis=3) for s in range(a, 0, -1)] + [cv] + [jnp.roll(cv, -s, axis=3) for s in range(1, a + 1)]
    return jnp.concatenate(parts, axis=-2)


def batched_index_select(src, sticker):
    b, h, s, k = src.shape
    r = sticker.shape[2]
    src_b = jnp.broadcast_to(src[:, :, None, :, :], (b, h, r, s, k))
    idx = jnp.broadcast_to(sticker[..., None], (b, h, r, s, k))
    return jnp.take_along_axis(src_b, idx, axis=3)


def setup_inputs(seed: int = 0):
    key = jax.random.key(seed)
    ks = jax.random.split(key, 8)
    D = D_MODEL
    sc = 1.0 / np.sqrt(D)
    x = jax.random.normal(ks[0], (B, S, D), dtype=jnp.float32)
    Wq = jax.random.uniform(ks[1], (D, D), minval=-sc, maxval=sc, dtype=jnp.float32)
    bq = jax.random.uniform(ks[2], (D,), minval=-sc, maxval=sc, dtype=jnp.float32)
    Wv = jax.random.uniform(ks[3], (D, D), minval=-sc, maxval=sc, dtype=jnp.float32)
    bv = jax.random.uniform(ks[4], (D,), minval=-sc, maxval=sc, dtype=jnp.float32)
    Wo = jax.random.uniform(ks[5], (D, D), minval=-sc, maxval=sc, dtype=jnp.float32)
    bo = jax.random.uniform(ks[6], (D,), minval=-sc, maxval=sc, dtype=jnp.float32)
    hash_vec = jax.random.normal(ks[7], (HEAD, K_DIM, BUCKETS // 2, ROUND), dtype=jnp.float32)
    return {"x": x, "Wq": Wq, "bq": bq, "Wv": Wv, "bv": bv, "Wo": Wo, "bo": bo, "hash_vec": hash_vec}


def _forward(x, Wq, bq, Wv, bv, Wo, bo, hash_vec):
    b, s, d = x.shape
    h, kd, r, bn, a = HEAD, K_DIM, ROUND, BUCKETS, ACN
    qk = x @ Wq.T + bq
    v = x @ Wv.T + bv
    qk = jnp.transpose(qk.reshape(b, s, h, kd), (0, 2, 1, 3))
    v = jnp.transpose(v.reshape(b, s, h, kd), (0, 2, 1, 3))
    # get_hash
    rot = jnp.einsum('bhsk,hkvr->bhsvr', qk, hash_vec)
    rot = jnp.concatenate([-rot, rot], axis=-2)
    buckets = jnp.argmax(rot, axis=-2)            # [b,h,s,r]
    buckets = jnp.transpose(buckets, (0, 1, 3, 2))  # [b,h,r,s]
    ticker = jnp.arange(s)
    buckets = buckets * s + ticker
    s_ticker = jnp.argsort(buckets, axis=-1)
    s_buckets = jnp.take_along_axis(buckets, s_ticker, axis=-1)
    undo_sort = jnp.argsort(s_ticker, axis=-1)
    s_qk = batched_index_select(qk, s_ticker)
    s_v = batched_index_select(v, s_ticker)
    s_q = s_qk
    s_k = s_qk / jnp.maximum(jnp.linalg.norm(s_qk, axis=-1, keepdims=True), 1e-12)
    cs = s // bn
    chunk_t = s_ticker.reshape(b, h, r, -1, cs)
    cq = s_q.reshape(b, h, r, -1, cs, kd)
    ck = s_k.reshape(b, h, r, -1, cs, kd)
    cvv = s_v.reshape(b, h, r, -1, cs, kd)
    at = across_chunk_attend(chunk_t[..., None], a)[..., 0]
    ak = across_chunk_attend(ck, a)
    av = across_chunk_attend(cvv, a)
    dots = jnp.matmul(cq, jnp.swapaxes(ak, -1, -2)) * (kd ** -0.5)
    neg = -jnp.finfo(dots.dtype).max
    self_mask = chunk_t[..., :, None] == at[..., None, :]
    dots = jnp.where(self_mask, jnp.float32(-100000.0), dots)
    sb = s_buckets // s
    csb = sb.reshape(b, h, r, -1, cs)
    asb = across_chunk_attend(csb[..., None], a)[..., 0]
    dots = jnp.where(csb[..., :, None] != asb[..., None, :], neg, dots)
    loc = jnp.transpose(buckets // s, (0, 1, 3, 2))  # [b,h,s,r]
    s_loc = batched_index_select(loc, s_ticker)      # [b,h,r,s,r]
    c_loc = s_loc.reshape(b, h, r, -1, cs, r)
    a_loc = across_chunk_attend(c_loc, a)
    dup = jnp.sum(c_loc[:, :, :, :, :, None, :] == a_loc[:, :, :, :, None, :, :], axis=-1).astype(dots.dtype)
    dots = dots - jnp.log(dup + 1e-9)
    lse = jax.scipy.special.logsumexp(dots, axis=-1, keepdims=True)
    dots = jnp.exp(dots - lse)
    vo = jnp.matmul(dots, av).reshape(b, h, r, s, kd)
    lse = lse.reshape(b, h, r, s)
    normal_vo = jnp.take_along_axis(vo, jnp.broadcast_to(undo_sort[..., None], vo.shape), axis=3)
    ndr = jnp.take_along_axis(lse, undo_sort, axis=-1)
    ndr_lse = jax.scipy.special.logsumexp(ndr, axis=2, keepdims=True)
    ndr = jnp.exp(ndr - ndr_lse)
    normal_vo = (normal_vo * ndr[..., None]).sum(axis=2)  # [b,h,s,kd]
    out = jnp.transpose(normal_vo, (0, 2, 1, 3)).reshape(b, s, d)
    out = out @ Wo.T + bo
    # dropout is identity at inference
    return out, buckets // s


def reference(x, Wq, bq, Wv, bv, Wo, bo, hash_vec):
    return _forward(x, Wq, bq, Wv, bv, Wo, bo, hash_vec)

if __name__ == "__main__":
    import jax
    _d = setup_inputs()
    print(jax.jit(kernel)(*tuple(_d.values())))

</pallas_src>

<mosaic_0001>
#map = affine_map<(d0, d1) -> (0)>
#map1 = affine_map<(d0, d1) -> (0, 0)>
#map2 = affine_map<(d0, d1) -> (0, 0, 0)>
module attributes {stable_mosaic.version = 14 : i64} {
  func.func @body(%arg0: i32, %arg1: i32, %arg2: memref<262144xi32, #tpu.memory_space<hbm>>, %arg3: memref<65536xi32, #tpu.memory_space<hbm>>, %arg4: memref<65536x128xf32, #tpu.memory_space<hbm>>, %arg5: memref<262144x128xf32, #tpu.memory_space<hbm>>, %arg6: memref<128x16x128xi32, #tpu.memory_space<hbm>>, %arg7: memref<128x16x128xi32, #tpu.memory_space<hbm>>, %arg8: memref<2048xi32, #tpu.memory_space<vmem>>, %arg9: memref<2048xi32, #tpu.memory_space<vmem>>, %arg10: memref<16x128xi32, #tpu.memory_space<vmem>>, %arg11: memref<16x128xi32, #tpu.memory_space<vmem>>, %arg12: memref<128x128xf32, #tpu.memory_space<vmem>>, %arg13: memref<!tpu.dma_semaphore, #tpu.memory_space<semaphore_mem>>) attributes {dimension_semantics = [#tpu.dimension_semantics<core_parallel>, #tpu.dimension_semantics<subcore_parallel>], iteration_bounds = array<i64: 2, 16>, scalar_prefetch = 0 : i64, scratch_operands = 6 : i64, tpu.core_type = #tpu.core_type<sc_vector_subcore>, window_params = [{transform_indices = #map}, {transform_indices = #map}, {transform_indices = #map1}, {transform_indices = #map1}, {transform_indices = #map2}, {transform_indices = #map2}]} {
    %mul3A = arith.constant 2 : i32
    %mul3A_0 = arith.muli %arg1, %mul3A : i32
    %add3A = arith.addi %mul3A_0, %arg0 : i32
    %mul3A_1 = arith.constant 4 : i32
    %mul3A_2 = arith.muli %add3A, %mul3A_1 : i32
    %add3A_3 = arith.constant 0 : i32
    %add3A_4 = arith.addi %mul3A_2, %add3A_3 : i32
    %jit3A = arith.constant 4 : i32
    %div3A = arith.divsi %add3A_4, %jit3A : i32
    %sign3A = arith.constant 0 : i32
    %sign3A_5 = arith.cmpi sgt, %add3A_4, %sign3A : i32
    %sign3A_6 = arith.extui %sign3A_5 : i1 to i32
    %sign3A_7 = arith.constant 0 : i32
    %sign3A_8 = arith.cmpi slt, %add3A_4, %sign3A_7 : i32
    %sign3A_9 = arith.extui %sign3A_8 : i1 to i32
    %sign3A_10 = arith.subi %sign3A_6, %sign3A_9 : i32
    %sign3A_11 = arith.constant 0 : i32
    %sign3A_12 = arith.cmpi sgt, %jit3A, %sign3A_11 : i32
    %sign3A_13 = arith.extui %sign3A_12 : i1 to i32
    %sign3A_14 = arith.constant 0 : i32
    %sign3A_15 = arith.cmpi slt, %jit3A, %sign3A_14 : i32
    %sign3A_16 = arith.extui %sign3A_15 : i1 to i32
    %sign3A_17 = arith.subi %sign3A_13, %sign3A_16 : i32
    %ne3A = arith.cmpi ne, %sign3A_10, %sign3A_17 : i32
    %rem3A = arith.remsi %add3A_4, %jit3A : i32
    %ne3A_18 = arith.constant 0 : i32
    %ne3A_19 = arith.cmpi ne, %rem3A, %ne3A_18 : i32
    %and3A = arith.andi %ne3A, %ne3A_19 : i1
    %sub3A = arith.constant 1 : i32
    %sub3A_20 = arith.subi %div3A, %sub3A : i32
    %select_n3A = arith.select %and3A, %sub3A_20, %div3A : i32
    %mul3A_21 = arith.constant 2048 : i32
    %mul3A_22 = arith.muli %select_n3A, %mul3A_21 : i32
    %mul3A_23 = arith.constant 2048 : i32
    %mul3A_24 = arith.muli %add3A_4, %mul3A_23 : i32
    "tpu.region"() ({
      %run_scoped3A = tpu.sem_alloc : memref<!tpu.dma_semaphore, #tpu.memory_space<semaphore_mem>>
      %dma_start3A = tpu.memref_slice %arg2[%mul3A_24] : memref<262144xi32, #tpu.memory_space<hbm>> -> memref<2048xi32, #tpu.memory_space<hbm>>
      %dma_start3A_184 = tpu.memref_slice %arg2[%mul3A_24] : memref<262144xi32, #tpu.memory_space<hbm>> -> memref<2048xi32, #tpu.memory_space<hbm>>
      tpu.enqueue_dma source(%dma_start3A_184 : memref<2048xi32, #tpu.memory_space<hbm>>) target(%arg8 : memref<2048xi32, #tpu.memory_space<vmem>>) target_semaphore(%run_scoped3A : memref<!tpu.dma_semaphore, #tpu.memory_space<semaphore_mem>>)
      %dma_wait3A = tpu.memref_slice %arg2[%mul3A_24] : memref<262144xi32, #tpu.memory_space<hbm>> -> memref<2048xi32, #tpu.memory_space<hbm>>
      %dma_wait3A_185 = tpu.memref_slice %arg2[%mul3A_24] : memref<262144xi32, #tpu.memory_space<hbm>> -> memref<2048xi32, #tpu.memory_space<hbm>>
      tpu.wait_dma2 semaphore(%run_scoped3A : memref<!tpu.dma_semaphore, #tpu.memory_space<semaphore_mem>>) src(%dma_wait3A_185 : memref<2048xi32, #tpu.memory_space<hbm>>) dst(%arg8 : memref<2048xi32, #tpu.memory_space<vmem>>)
      tpu.yield
    }) : () -> ()
    %mul3A_25 = arith.constant 2048 : i32
    %mul3A_26 = arith.muli %select_n3A, %mul3A_25 : i32
    "tpu.region"() ({
      %run_scoped3A = tpu.sem_alloc : memref<!tpu.dma_semaphore, #tpu.memory_space<semaphore_mem>>
      %dma_start3A = tpu.memref_slice %arg3[%mul3A_26] : memref<65536xi32, #tpu.memory_space<hbm>> -> memref<2048xi32, #tpu.memory_space<hbm>>
      %dma_start3A_184 = tpu.memref_slice %arg3[%mul3A_26] : memref<65536xi32, #tpu.memory_space<hbm>> -> memref<2048xi32, #tpu.memory_space<hbm>>
      tpu.enqueue_dma source(%dma_start3A_184 : memref<2048xi32, #tpu.memory_space<hbm>>) target(%arg9 : memref<2048xi32, #tpu.memory_space<vmem>>) target_semaphore(%run_scoped3A : memref<!tpu.dma_semaphore, #tpu.memory_space<semaphore_mem>>)
      %dma_wait3A = tpu.memref_slice %arg3[%mul3A_26] : memref<65536xi32, #tpu.memory_space<hbm>> -> memref<2048xi32, #tpu.memory_space<hbm>>
      %dma_wait3A_185 = tpu.memref_slice %arg3[%mul3A_26] : memref<65536xi32, #tpu.memory_space<hbm>> -> memref<2048xi32, #tpu.memory_space<hbm>>
      tpu.wait_dma2 semaphore(%run_scoped3A : memref<!tpu.dma_semaphore, #tpu.memory_space<semaphore_mem>>) src(%dma_wait3A_185 : memref<2048xi32, #tpu.memory_space<hbm>>) dst(%arg9 : memref<2048xi32, #tpu.memory_space<vmem>>)
      tpu.yield
    }) : () -> ()
    %scan3A = arith.constant 0 : i32
    %scan3A_27 = arith.constant 0 : i32
    %scan3A_28 = arith.constant 128 : i32
    %scan3A_29 = arith.addi %scan3A_27, %scan3A_28 : i32
    %scan3A_30 = arith.constant 4 : i32
    %scan3A_31 = scf.for %scan3A_184 = %scan3A_27 to %scan3A_29 step %scan3A_30 iter_args(%scan3A_185 = %scan3A) -> (i32)  : i32 {
      %mul3A_186 = arith.constant 16 : i32
      %mul3A_187 = arith.muli %scan3A_184, %mul3A_186 : i32
      %get3A = arith.index_cast %mul3A_187 : i32 to index
      %get3A_188 = tpu.vector_load %arg8[%get3A] {strides = array<i32>} : memref<2048xi32, #tpu.memory_space<vmem>>, vector<16xi32>,
      %shift_right_logical3A = arith.constant 7 : i32
      %shift_right_logical3A_189 = vector.broadcast %shift_right_logical3A : i32 to vector<16xi32>
      %shift_right_logical3A_190 = arith.shrui %get3A_188, %shift_right_logical3A_189 : vector<16xi32>
      %and3A_191 = arith.constant 127 : i32
      %and3A_192 = vector.broadcast %and3A_191 : i32 to vector<16xi32>
      %and3A_193 = arith.andi %get3A_188, %and3A_192 : vector<16xi32>
      %iota3A = tpu.iota {dimensions = array<i32: 0>} : vector<16xi32>
      %mul3A_194 = arith.constant 16 : i32
      %mul3A_195 = arith.muli %scan3A_184, %mul3A_194 : i32
      %add3A_196 = arith.addi %mul3A_195, %mul3A_22 : i32
      %add3A_197 = vector.broadcast %add3A_196 : i32 to vector<16xi32>
      %add3A_198 = arith.addi %iota3A, %add3A_197 : vector<16xi32>
      tpu.vector_store_idx %arg10[%shift_right_logical3A_190, %and3A_193], %add3A_198 : memref<16x128xi32, #tpu.memory_space<vmem>>[vector<16xi32>, vector<16xi32>], vector<16xi32>,
      %mul3A_199 = arith.constant 16 : i32
      %mul3A_200 = arith.muli %scan3A_184, %mul3A_199 : i32
      %get3A_201 = arith.index_cast %mul3A_200 : i32 to index
      %get3A_202 = tpu.vector_load %arg9[%get3A_201] {strides = array<i32>} : memref<2048xi32, #tpu.memory_space<vmem>>, vector<16xi32>,
      tpu.vector_store_idx %arg11[%shift_right_logical3A_190, %and3A_193], %get3A_202 : memref<16x128xi32, #tpu.memory_space<vmem>>[vector<16xi32>, vector<16xi32>], vector<16xi32>,
      %scan3A_203 = arith.constant 0 : i32
      %scan3A_204 = arith.constant 1 : i32
      %scan3A_205 = arith.addi %scan3A_184, %scan3A_204 : i32
      %mul3A_206 = arith.constant 16 : i32
      %mul3A_207 = arith.muli %scan3A_205, %mul3A_206 : i32
      %get3A_208 = arith.index_cast %mul3A_207 : i32 to index
      %get3A_209 = tpu.vector_load %arg8[%get3A_208] {strides = array<i32>} : memref<2048xi32, #tpu.memory_space<vmem>>, vector<16xi32>,
      %shift_right_logical3A_210 = arith.constant 7 : i32
      %shift_right_logical3A_211 = vector.broadcast %shift_right_logical3A_210 : i32 to vector<16xi32>
      %shift_right_logical3A_212 = arith.shrui %get3A_209, %shift_right_logical3A_211 : vector<16xi32>
      %and3A_213 = arith.constant 127 : i32
      %and3A_214 = vector.broadcast %and3A_213 : i32 to vector<16xi32>
      %and3A_215 = arith.andi %get3A_209, %and3A_214 : vector<16xi32>
      %iota3A_216 = tpu.iota {dimensions = array<i32: 0>} : vector<16xi32>
      %mul3A_217 = arith.constant 16 : i32
      %mul3A_218 = arith.muli %scan3A_205, %mul3A_217 : i32
      %add3A_219 = arith.addi %mul3A_218, %mul3A_22 : i32
      %add3A_220 = vector.broadcast %add3A_219 : i32 to vector<16xi32>
      %add3A_221 = arith.addi %iota3A_216, %add3A_220 : vector<16xi32>
      tpu.vector_store_idx %arg10[%shift_right_logical3A_212, %and3A_215], %add3A_221 : memref<16x128xi32, #tpu.memory_space<vmem>>[vector<16xi32>, vector<16xi32>], vector<16xi32>,
      %mul3A_222 = arith.constant 16 : i32
      %mul3A_223 = arith.muli %scan3A_205, %mul3A_222 : i32
      %get3A_224 = arith.index_cast %mul3A_223 : i32 to index
      %get3A_225 = tpu.vector_load %arg9[%get3A_224] {strides = array<i32>} : memref<2048xi32, #tpu.memory_space<vmem>>, vector<16xi32>,
      tpu.vector_store_idx %arg11[%shift_right_logical3A_212, %and3A_215], %get3A_225 : memref<16x128xi32, #tpu.memory_space<vmem>>[vector<16xi32>, vector<16xi32>], vector<16xi32>,
      %scan3A_226 = arith.constant 0 : i32
      %scan3A_227 = arith.constant 2 : i32
      %scan3A_228 = arith.addi %scan3A_184, %scan3A_227 : i32
      %mul3A_229 = arith.constant 16 : i32
      %mul3A_230 = arith.muli %scan3A_228, %mul3A_229 : i32
      %get3A_231 = arith.index_cast %mul3A_230 : i32 to index
      %get3A_232 = tpu.vector_load %arg8[%get3A_231] {strides = array<i32>} : memref<2048xi32, #tpu.memory_space<vmem>>, vector<16xi32>,
      %shift_right_logical3A_233 = arith.constant 7 : i32
      %shift_right_logical3A_234 = vector.broadcast %shift_right_logical3A_233 : i32 to vector<16xi32>
      %shift_right_logical3A_235 = arith.shrui %get3A_232, %shift_right_logical3A_234 : vector<16xi32>
      %and3A_236 = arith.constant 127 : i32
      %and3A_237 = vector.broadcast %and3A_236 : i32 to vector<16xi32>
      %and3A_238 = arith.andi %get3A_232, %and3A_237 : vector<16xi32>
      %iota3A_239 = tpu.iota {dimensions = array<i32: 0>} : vector<16xi32>
      %mul3A_240 = arith.constant 16 : i32
      %mul3A_241 = arith.muli %scan3A_228, %mul3A_240 : i32
      %add3A_242 = arith.addi %mul3A_241, %mul3A_22 : i32
      %add3A_243 = vector.broadcast %add3A_242 : i32 to vector<16xi32>
      %add3A_244 = arith.addi %iota3A_239, %add3A_243 : vector<16xi32>
      tpu.vector_store_idx %arg10[%shift_right_logical3A_235, %and3A_238], %add3A_244 : memref<16x128xi32, #tpu.memory_space<vmem>>[vector<16xi32>, vector<16xi32>], vector<16xi32>,
      %mul3A_245 = arith.constant 16 : i32
      %mul3A_246 = arith.muli %scan3A_228, %mul3A_245 : i32
      %get3A_247 = arith.index_cast %mul3A_246 : i32 to index
      %get3A_248 = tpu.vector_load %arg9[%get3A_247] {strides = array<i32>} : memref<2048xi32, #tpu.memory_space<vmem>>, vector<16xi32>,
      tpu.vector_store_idx %arg11[%shift_right_logical3A_235, %and3A_238], %get3A_248 : memref<16x128xi32, #tpu.memory_space<vmem>>[vector<16xi32>, vector<16xi32>], vector<16xi32>,
      %scan3A_249 = arith.constant 0 : i32
      %scan3A_250 = arith.constant 3 : i32
      %scan3A_251 = arith.addi %scan3A_184, %scan3A_250 : i32
      %mul3A_252 = arith.constant 16 : i32
      %mul3A_253 = arith.muli %scan3A_251, %mul3A_252 : i32
      %get3A_254 = arith.index_cast %mul3A_253 : i32 to index
      %get3A_255 = tpu.vector_load %arg8[%get3A_254] {strides = array<i32>} : memref<2048xi32, #tpu.memory_space<vmem>>, vector<16xi32>,
      %shift_right_logical3A_256 = arith.constant 7 : i32
      %shift_right_logical3A_257 = vector.broadcast %shift_right_logical3A_256 : i32 to vector<16xi32>
      %shift_right_logical3A_258 = arith.shrui %get3A_255, %shift_right_logical3A_257 : vector<16xi32>
      %and3A_259 = arith.constant 127 : i32
      %and3A_260 = vector.broadcast %and3A_259 : i32 to vector<16xi32>
      %and3A_261 = arith.andi %get3A_255, %and3A_260 : vector<16xi32>
      %iota3A_262 = tpu.iota {dimensions = array<i32: 0>} : vector<16xi32>
      %mul3A_263 = arith.constant 16 : i32
      %mul3A_264 = arith.muli %scan3A_251, %mul3A_263 : i32
      %add3A_265 = arith.addi %mul3A_264, %mul3A_22 : i32
      %add3A_266 = vector.broadcast %add3A_265 : i32 to vector<16xi32>
      %add3A_267 = arith.addi %iota3A_262, %add3A_266 : vector<16xi32>
      tpu.vector_store_idx %arg10[%shift_right_logical3A_258, %and3A_261], %add3A_267 : memref<16x128xi32, #tpu.memory_space<vmem>>[vector<16xi32>, vector<16xi32>], vector<16xi32>,
      %mul3A_268 = arith.constant 16 : i32
      %mul3A_269 = arith.muli %scan3A_251, %mul3A_268 : i32
      %get3A_270 = arith.index_cast %mul3A_269 : i32 to index
      %get3A_271 = tpu.vector_load %arg9[%get3A_270] {strides = array<i32>} : memref<2048xi32, #tpu.memory_space<vmem>>, vector<16xi32>,
      tpu.vector_store_idx %arg11[%shift_right_logical3A_258, %and3A_261], %get3A_271 : memref<16x128xi32, #tpu.memory_space<vmem>>[vector<16xi32>, vector<16xi32>], vector<16xi32>,
      %scan3A_272 = arith.constant 0 : i32
      scf.yield %scan3A_272 : i32
    }
    %scan3A_32 = arith.constant 128 : i32
    "tpu.region"() ({
      %run_scoped3A = tpu.sem_alloc : memref<!tpu.dma_semaphore, #tpu.memory_space<semaphore_mem>>
      %dma_start3A = arith.constant 0 : i32
      %dma_start3A_184 = arith.constant 0 : i32
      %dma_start3A_185 = tpu.memref_slice %arg6[%add3A_4, %dma_start3A, %dma_start3A_184] : memref<128x16x128xi32, #tpu.memory_space<hbm>> -> memref<1x16x128xi32, #tpu.memory_space<hbm>>
      %dma_start3A_186 = tpu.memref_squeeze %dma_start3A_185 : memref<1x16x128xi32, #tpu.memory_space<hbm>> -> memref<16x128xi32, #tpu.memory_space<hbm>>
      %dma_start3A_187 = arith.constant 0 : i32
      %dma_start3A_188 = arith.constant 0 : i32
      %dma_start3A_189 = tpu.memref_slice %arg6[%add3A_4, %dma_start3A_187, %dma_start3A_188] : memref<128x16x128xi32, #tpu.memory_space<hbm>> -> memref<1x16x128xi32, #tpu.memory_space<hbm>>
      %dma_start3A_190 = tpu.memref_squeeze %dma_start3A_189 : memref<1x16x128xi32, #tpu.memory_space<hbm>> -> memref<16x128xi32, #tpu.memory_space<hbm>>
      tpu.enqueue_dma source(%arg10 : memref<16x128xi32, #tpu.memory_space<vmem>>) target(%dma_start3A_190 : memref<16x128xi32, #tpu.memory_space<hbm>>) target_semaphore(%run_scoped3A : memref<!tpu.dma_semaphore, #tpu.memory_space<semaphore_mem>>)
      %dma_wait3A = arith.constant 0 : i32
      %dma_wait3A_191 = arith.constant 0 : i32
      %dma_wait3A_192 = tpu.memref_slice %arg6[%add3A_4, %dma_wait3A, %dma_wait3A_191] : memref<128x16x128xi32, #tpu.memory_space<hbm>> -> memref<1x16x128xi32, #tpu.memory_space<hbm>>
      %dma_wait3A_193 = tpu.memref_squeeze %dma_wait3A_192 : memref<1x16x128xi32, #tpu.memory_space<hbm>> -> memref<16x128xi32, #tpu.memory_space<hbm>>
      %dma_wait3A_194 = arith.constant 0 : i32
      %dma_wait3A_195 = arith.constant 0 : i32
      %dma_wait3A_196 = tpu.memref_slice %arg6[%add3A_4, %dma_wait3A_194, %dma_wait3A_195] : memref<128x16x128xi32, #tpu.memory_space<hbm>> -> memref<1x16x128xi32, #tpu.memory_space<hbm>>
      %dma_wait3A_197 = tpu.memref_squeeze %dma_wait3A_196 : memref<1x16x128xi32, #tpu.memory_space<hbm>> -> memref<16x128xi32, #tpu.memory_space<hbm>>
      tpu.wait_dma2 semaphore(%run_scoped3A : memref<!tpu.dma_semaphore, #tpu.memory_space<semaphore_mem>>) src(%arg10 : memref<16x128xi32, #tpu.memory_space<vmem>>) dst(%dma_wait3A_197 : memref<16x128xi32, #tpu.memory_space<hbm>>)
      tpu.yield
    }) : () -> ()
    "tpu.region"() ({
      %run_scoped3A = tpu.sem_alloc : memref<!tpu.dma_semaphore, #tpu.memory_space<semaphore_mem>>
      %dma_start3A = arith.constant 0 : i32
      %dma_start3A_184 = arith.constant 0 : i32
      %dma_start3A_185 = tpu.memref_slice %arg7[%add3A_4, %dma_start3A, %dma_start3A_184] : memref<128x16x128xi32, #tpu.memory_space<hbm>> -> memref<1x16x128xi32, #tpu.memory_space<hbm>>
      %dma_start3A_186 = tpu.memref_squeeze %dma_start3A_185 : memref<1x16x128xi32, #tpu.memory_space<hbm>> -> memref<16x128xi32, #tpu.memory_space<hbm>>
      %dma_start3A_187 = arith.constant 0 : i32
      %dma_start3A_188 = arith.constant 0 : i32
      %dma_start3A_189 = tpu.memref_slice %arg7[%add3A_4, %dma_start3A_187, %dma_start3A_188] : memref<128x16x128xi32, #tpu.memory_space<hbm>> -> memref<1x16x128xi32, #tpu.memory_space<hbm>>
      %dma_start3A_190 = tpu.memref_squeeze %dma_start3A_189 : memref<1x16x128xi32, #tpu.memory_space<hbm>> -> memref<16x128xi32, #tpu.memory_space<hbm>>
      tpu.enqueue_dma source(%arg11 : memref<16x128xi32, #tpu.memory_space<vmem>>) target(%dma_start3A_190 : memref<16x128xi32, #tpu.memory_space<hbm>>) target_semaphore(%run_scoped3A : memref<!tpu.dma_semaphore, #tpu.memory_space<semaphore_mem>>)
      %dma_wait3A = arith.constant 0 : i32
      %dma_wait3A_191 = arith.constant 0 : i32
      %dma_wait3A_192 = tpu.memref_slice %arg7[%add3A_4, %dma_wait3A, %dma_wait3A_191] : memref<128x16x128xi32, #tpu.memory_space<hbm>> -> memref<1x16x128xi32, #tpu.memory_space<hbm>>
      %dma_wait3A_193 = tpu.memref_squeeze %dma_wait3A_192 : memref<1x16x128xi32, #tpu.memory_space<hbm>> -> memref<16x128xi32, #tpu.memory_space<hbm>>
      %dma_wait3A_194 = arith.constant 0 : i32
      %dma_wait3A_195 = arith.constant 0 : i32
      %dma_wait3A_196 = tpu.memref_slice %arg7[%add3A_4, %dma_wait3A_194, %dma_wait3A_195] : memref<128x16x128xi32, #tpu.memory_space<hbm>> -> memref<1x16x128xi32, #tpu.memory_space<hbm>>
      %dma_wait3A_197 = tpu.memref_squeeze %dma_wait3A_196 : memref<1x16x128xi32, #tpu.memory_space<hbm>> -> memref<16x128xi32, #tpu.memory_space<hbm>>
      tpu.wait_dma2 semaphore(%run_scoped3A : memref<!tpu.dma_semaphore, #tpu.memory_space<semaphore_mem>>) src(%arg11 : memref<16x128xi32, #tpu.memory_space<vmem>>) dst(%dma_wait3A_197 : memref<16x128xi32, #tpu.memory_space<hbm>>)
      tpu.yield
    }) : () -> ()
    %scan3A_33 = arith.constant 0 : i32
    %scan3A_34 = arith.constant 0 : i32
    %scan3A_35 = arith.constant 16 : i32
    %scan3A_36 = arith.addi %scan3A_34, %scan3A_35 : i32
    %scan3A_37 = arith.constant 1 : i32
    %scan3A_38 = scf.for %scan3A_184 = %scan3A_34 to %scan3A_36 step %scan3A_37 iter_args(%scan3A_185 = %scan3A_33) -> (i32)  : i32 {
      %dma_start3A = arith.constant 0 : i32
      %dma_start3A_186 = tpu.memref_slice %arg10[%scan3A_184, %dma_start3A] : memref<16x128xi32, #tpu.memory_space<vmem>> -> memref<1x128xi32, #tpu.memory_space<vmem>>
      %dma_start3A_187 = tpu.memref_squeeze %dma_start3A_186 : memref<1x128xi32, #tpu.memory_space<vmem>> -> memref<128xi32, #tpu.memory_space<vmem>>
      %dma_start3A_188 = arith.constant 0 : i32
      %dma_start3A_189 = arith.constant 0 : i32
      %dma_start3A_190 = tpu.memref_slice %arg4[%dma_start3A_188, %dma_start3A_189] : memref<65536x128xf32, #tpu.memory_space<hbm>> -> memref<65536x128xf32, #tpu.memory_space<hbm>>
      tpu.enqueue_indirect_dma source(%dma_start3A_190 : memref<65536x128xf32, #tpu.memory_space<hbm>>) target(%arg12 : memref<128x128xf32, #tpu.memory_space<vmem>>) offsets(%dma_start3A_187 : memref<128xi32, #tpu.memory_space<vmem>>) semaphore(%arg13 : memref<!tpu.dma_semaphore, #tpu.memory_space<semaphore_mem>>)
      %dma_wait3A = arith.constant 0 : i32
      %dma_wait3A_191 = tpu.memref_slice %arg10[%scan3A_184, %dma_wait3A] : memref<16x128xi32, #tpu.memory_space<vmem>> -> memref<1x128xi32, #tpu.memory_space<vmem>>
      %dma_wait3A_192 = tpu.memref_squeeze %dma_wait3A_191 : memref<1x128xi32, #tpu.memory_space<vmem>> -> memref<128xi32, #tpu.memory_space<vmem>>
      %dma_wait3A_193 = arith.constant 0 : i32
      %dma_wait3A_194 = arith.constant 0 : i32
      %dma_wait3A_195 = tpu.memref_slice %arg4[%dma_wait3A_193, %dma_wait3A_194] : memref<65536x128xf32, #tpu.memory_space<hbm>> -> memref<65536x128xf32, #tpu.memory_space<hbm>>
      tpu.wait_indirect_dma semaphore(%arg13 : memref<!tpu.dma_semaphore, #tpu.memory_space<semaphore_mem>>) src(%dma_wait3A_195 : memref<65536x128xf32, #tpu.memory_space<hbm>>) dst(%arg12 : memref<128x128xf32, #tpu.memory_space<vmem>>)
      %mul3A_196 = arith.constant 2048 : i32
      %mul3A_197 = arith.muli %add3A_4, %mul3A_196 : i32
      %mul3A_198 = arith.constant 128 : i32
      %mul3A_199 = arith.muli %scan3A_184, %mul3A_198 : i32
      %add3A_200 = arith.addi %mul3A_197, %mul3A_199 : i32
      "tpu.region"() ({
        %run_scoped3A = tpu.sem_alloc : memref<!tpu.dma_semaphore, #tpu.memory_space<semaphore_mem>>
        %dma_start3A_202 = arith.constant 0 : i32
        %dma_start3A_203 = tpu.memref_slice %arg5[%add3A_200, %dma_start3A_202] : memref<262144x128xf32, #tpu.memory_space<hbm>> -> memref<128x128xf32, #tpu.memory_space<hbm>>
        %dma_start3A_204 = arith.constant 0 : i32
        %dma_start3A_205 = tpu.memref_slice %arg5[%add3A_200, %dma_start3A_204] : memref<262144x128xf32, #tpu.memory_space<hbm>> -> memref<128x128xf32, #tpu.memory_space<hbm>>
        tpu.enqueue_dma source(%arg12 : memref<128x128xf32, #tpu.memory_space<vmem>>) target(%dma_start3A_205 : memref<128x128xf32, #tpu.memory_space<hbm>>) target_semaphore(%run_scoped3A : memref<!tpu.dma_semaphore, #tpu.memory_space<semaphore_mem>>)
        %dma_wait3A_206 = arith.constant 0 : i32
        %dma_wait3A_207 = tpu.memref_slice %arg5[%add3A_200, %dma_wait3A_206] : memref<262144x128xf32, #tpu.memory_space<hbm>> -> memref<128x128xf32, #tpu.memory_space<hbm>>
        %dma_wait3A_208 = arith.constant 0 : i32
        %dma_wait3A_209 = tpu.memref_slice %arg5[%add3A_200, %dma_wait3A_208] : memref<262144x128xf32, #tpu.memory_space<hbm>> -> memref<128x128xf32, #tpu.memory_space<hbm>>
        tpu.wait_dma2 semaphore(%run_scoped3A : memref<!tpu.dma_semaphore, #tpu.memory_space<semaphore_mem>>) src(%arg12 : memref<128x128xf32, #tpu.memory_space<vmem>>) dst(%dma_wait3A_209 : memref<128x128xf32, #tpu.memory_space<hbm>>)
        tpu.yield
      }) : () -> ()
      %scan3A_201 = arith.constant 0 : i32
      scf.yield %scan3A_201 : i32
    }
    %scan3A_39 = arith.constant 16 : i32
    %mul3A_40 = arith.constant 4 : i32
    %mul3A_41 = arith.muli %add3A, %mul3A_40 : i32
    %add3A_42 = arith.constant 1 : i32
    %add3A_43 = arith.addi %mul3A_41, %add3A_42 : i32
    %jit3A_44 = arith.constant 4 : i32
    %div3A_45 = arith.divsi %add3A_43, %jit3A_44 : i32
    %sign3A_46 = arith.constant 0 : i32
    %sign3A_47 = arith.cmpi sgt, %add3A_43, %sign3A_46 : i32
    %sign3A_48 = arith.extui %sign3A_47 : i1 to i32
    %sign3A_49 = arith.constant 0 : i32
    %sign3A_50 = arith.cmpi slt, %add3A_43, %sign3A_49 : i32
    %sign3A_51 = arith.extui %sign3A_50 : i1 to i32
    %sign3A_52 = arith.subi %sign3A_48, %sign3A_51 : i32
    %sign3A_53 = arith.constant 0 : i32
    %sign3A_54 = arith.cmpi sgt, %jit3A_44, %sign3A_53 : i32
    %sign3A_55 = arith.extui %sign3A_54 : i1 to i32
    %sign3A_56 = arith.constant 0 : i32
    %sign3A_57 = arith.cmpi slt, %jit3A_44, %sign3A_56 : i32
    %sign3A_58 = arith.extui %sign3A_57 : i1 to i32
    %sign3A_59 = arith.subi %sign3A_55, %sign3A_58 : i32
    %ne3A_60 = arith.cmpi ne, %sign3A_52, %sign3A_59 : i32
    %rem3A_61 = arith.remsi %add3A_43, %jit3A_44 : i32
    %ne3A_62 = arith.constant 0 : i32
    %ne3A_63 = arith.cmpi ne, %rem3A_61, %ne3A_62 : i32
    %and3A_64 = arith.andi %ne3A_60, %ne3A_63 : i1
    %sub3A_65 = arith.constant 1 : i32
    %sub3A_66 = arith.subi %div3A_45, %sub3A_65 : i32
    %select_n3A_67 = arith.select %and3A_64, %sub3A_66, %div3A_45 : i32
    %mul3A_68 = arith.constant 2048 : i32
    %mul3A_69 = arith.muli %select_n3A_67, %mul3A_68 : i32
    %mul3A_70 = arith.constant 2048 : i32
    %mul3A_71 = arith.muli %add3A_43, %mul3A_70 : i32
    "tpu.region"() ({
      %run_scoped3A = tpu.sem_alloc : memref<!tpu.dma_semaphore, #tpu.memory_space<semaphore_mem>>
      %dma_start3A = tpu.memref_slice %arg2[%mul3A_71] : memref<262144xi32, #tpu.memory_space<hbm>> -> memref<2048xi32, #tpu.memory_space<hbm>>
      %dma_start3A_184 = tpu.memref_slice %arg2[%mul3A_71] : memref<262144xi32, #tpu.memory_space<hbm>> -> memref<2048xi32, #tpu.memory_space<hbm>>
      tpu.enqueue_dma source(%dma_start3A_184 : memref<2048xi32, #tpu.memory_space<hbm>>) target(%arg8 : memref<2048xi32, #tpu.memory_space<vmem>>) target_semaphore(%run_scoped3A : memref<!tpu.dma_semaphore, #tpu.memory_space<semaphore_mem>>)
      %dma_wait3A = tpu.memref_slice %arg2[%mul3A_71] : memref<262144xi32, #tpu.memory_space<hbm>> -> memref<2048xi32, #tpu.memory_space<hbm>>
      %dma_wait3A_185 = tpu.memref_slice %arg2[%mul3A_71] : memref<262144xi32, #tpu.memory_space<hbm>> -> memref<2048xi32, #tpu.memory_space<hbm>>
      tpu.wait_dma2 semaphore(%run_scoped3A : memref<!tpu.dma_semaphore, #tpu.memory_space<semaphore_mem>>) src(%dma_wait3A_185 : memref<2048xi32, #tpu.memory_space<hbm>>) dst(%arg8 : memref<2048xi32, #tpu.memory_space<vmem>>)
      tpu.yield
    }) : () -> ()
    %mul3A_72 = arith.constant 2048 : i32
    %mul3A_73 = arith.muli %select_n3A_67, %mul3A_72 : i32
    "tpu.region"() ({
      %run_scoped3A = tpu.sem_alloc : memref<!tpu.dma_semaphore, #tpu.memory_space<semaphore_mem>>
      %dma_start3A = tpu.memref_slice %arg3[%mul3A_73] : memref<65536xi32, #tpu.memory_space<hbm>> -> memref<2048xi32, #tpu.memory_space<hbm>>
      %dma_start3A_184 = tpu.memref_slice %arg3[%mul3A_73] : memref<65536xi32, #tpu.memory_space<hbm>> -> memref<2048xi32, #tpu.memory_space<hbm>>
      tpu.enqueue_dma source(%dma_start3A_184 : memref<2048xi32, #tpu.memory_space<hbm>>) target(%arg9 : memref<2048xi32, #tpu.memory_space<vmem>>) target_semaphore(%run_scoped3A : memref<!tpu.dma_semaphore, #tpu.memory_space<semaphore_mem>>)
      %dma_wait3A = tpu.memref_slice %arg3[%mul3A_73] : memref<65536xi32, #tpu.memory_space<hbm>> -> memref<2048xi32, #tpu.memory_space<hbm>>
      %dma_wait3A_185 = tpu.memref_slice %arg3[%mul3A_73] : memref<65536xi32, #tpu.memory_space<hbm>> -> memref<2048xi32, #tpu.memory_space<hbm>>
      tpu.wait_dma2 semaphore(%run_scoped3A : memref<!tpu.dma_semaphore, #tpu.memory_space<semaphore_mem>>) src(%dma_wait3A_185 : memref<2048xi32, #tpu.memory_space<hbm>>) dst(%arg9 : memref<2048xi32, #tpu.memory_space<vmem>>)
      tpu.yield
    }) : () -> ()
    %scan3A_74 = arith.constant 0 : i32
    %scan3A_75 = arith.constant 0 : i32
    %scan3A_76 = arith.constant 128 : i32
    %scan3A_77 = arith.addi %scan3A_75, %scan3A_76 : i32
    %scan3A_78 = arith.constant 4 : i32
    %scan3A_79 = scf.for %scan3A_184 = %scan3A_75 to %scan3A_77 step %scan3A_78 iter_args(%scan3A_185 = %scan3A_74) -> (i32)  : i32 {
      %mul3A_186 = arith.constant 16 : i32
      %mul3A_187 = arith.muli %scan3A_184, %mul3A_186 : i32
      %get3A = arith.index_cast %mul3A_187 : i32 to index
      %get3A_188 = tpu.vector_load %arg8[%get3A] {strides = array<i32>} : memref<2048xi32, #tpu.memory_space<vmem>>, vector<16xi32>,
      %shift_right_logical3A = arith.constant 7 : i32
      %shift_right_logical3A_189 = vector.broadcast %shift_right_logical3A : i32 to vector<16xi32>
      %shift_right_logical3A_190 = arith.shrui %get3A_188, %shift_right_logical3A_189 : vector<16xi32>
      %and3A_191 = arith.constant 127 : i32
      %and3A_192 = vector.broadcast %and3A_191 : i32 to vector<16xi32>
      %and3A_193 = arith.andi %get3A_188, %and3A_192 : vector<16xi32>
      %iota3A = tpu.iota {dimensions = array<i32: 0>} : vector<16xi32>
      %mul3A_194 = arith.constant 16 : i32
      %mul3A_195 = arith.muli %scan3A_184, %mul3A_194 : i32
      %add3A_196 = arith.addi %mul3A_195, %mul3A_69 : i32
      %add3A_197 = vector.broadcast %add3A_196 : i32 to vector<16xi32>
      %add3A_198 = arith.addi %iota3A, %add3A_197 : vector<16xi32>
      tpu.vector_store_idx %arg10[%shift_right_logical3A_190, %and3A_193], %add3A_198 : memref<16x128xi32, #tpu.memory_space<vmem>>[vector<16xi32>, vector<16xi32>], vector<16xi32>,
      %mul3A_199 = arith.constant 16 : i32
      %mul3A_200 = arith.muli %scan3A_184, %mul3A_199 : i32
      %get3A_201 = arith.index_cast %mul3A_200 : i32 to index
      %get3A_202 = tpu.vector_load %arg9[%get3A_201] {strides = array<i32>} : memref<2048xi32, #tpu.memory_space<vmem>>, vector<16xi32>,
      tpu.vector_store_idx %arg11[%shift_right_logical3A_190, %and3A_193], %get3A_202 : memref<16x128xi32, #tpu.memory_space<vmem>>[vector<16xi32>, vector<16xi32>], vector<16xi32>,
      %scan3A_203 = arith.constant 0 : i32
      %scan3A_204 = arith.constant 1 : i32
      %scan3A_205 = arith.addi %scan3A_184, %scan3A_204 : i32
      %mul3A_206 = arith.constant 16 : i32
      %mul3A_207 = arith.muli %scan3A_205, %mul3A_206 : i32
      %get3A_208 = arith.index_cast %mul3A_207 : i32 to index
      %get3A_209 = tpu.vector_load %arg8[%get3A_208] {strides = array<i32>} : memref<2048xi32, #tpu.memory_space<vmem>>, vector<16xi32>,
      %shift_right_logical3A_210 = arith.constant 7 : i32
      %shift_right_logical3A_211 = vector.broadcast %shift_right_logical3A_210 : i32 to vector<16xi32>
      %shift_right_logical3A_212 = arith.shrui %get3A_209, %shift_right_logical3A_211 : vector<16xi32>
      %and3A_213 = arith.constant 127 : i32
      %and3A_214 = vector.broadcast %and3A_213 : i32 to vector<16xi32>
      %and3A_215 = arith.andi %get3A_209, %and3A_214 : vector<16xi32>
      %iota3A_216 = tpu.iota {dimensions = array<i32: 0>} : vector<16xi32>
      %mul3A_217 = arith.constant 16 : i32
      %mul3A_218 = arith.muli %scan3A_205, %mul3A_217 : i32
      %add3A_219 = arith.addi %mul3A_218, %mul3A_69 : i32
      %add3A_220 = vector.broadcast %add3A_219 : i32 to vector<16xi32>
      %add3A_221 = arith.addi %iota3A_216, %add3A_220 : vector<16xi32>
      tpu.vector_store_idx %arg10[%shift_right_logical3A_212, %and3A_215], %add3A_221 : memref<16x128xi32, #tpu.memory_space<vmem>>[vector<16xi32>, vector<16xi32>], vector<16xi32>,
      %mul3A_222 = arith.constant 16 : i32
      %mul3A_223 = arith.muli %scan3A_205, %mul3A_222 : i32
      %get3A_224 = arith.index_cast %mul3A_223 : i32 to index
      %get3A_225 = tpu.vector_load %arg9[%get3A_224] {strides = array<i32>} : memref<2048xi32, #tpu.memory_space<vmem>>, vector<16xi32>,
      tpu.vector_store_idx %arg11[%shift_right_logical3A_212, %and3A_215], %get3A_225 : memref<16x128xi32, #tpu.memory_space<vmem>>[vector<16xi32>, vector<16xi32>], vector<16xi32>,
      %scan3A_226 = arith.constant 0 : i32
      %scan3A_227 = arith.constant 2 : i32
      %scan3A_228 = arith.addi %scan3A_184, %scan3A_227 : i32
      %mul3A_229 = arith.constant 16 : i32
      %mul3A_230 = arith.muli %scan3A_228, %mul3A_229 : i32
      %get3A_231 = arith.index_cast %mul3A_230 : i32 to index
      %get3A_232 = tpu.vector_load %arg8[%get3A_231] {strides = array<i32>} : memref<2048xi32, #tpu.memory_space<vmem>>, vector<16xi32>,
      %shift_right_logical3A_233 = arith.constant 7 : i32
      %shift_right_logical3A_234 = vector.broadcast %shift_right_logical3A_233 : i32 to vector<16xi32>
      %shift_right_logical3A_235 = arith.shrui %get3A_232, %shift_right_logical3A_234 : vector<16xi32>
      %and3A_236 = arith.constant 127 : i32
      %and3A_237 = vector.broadcast %and3A_236 : i32 to vector<16xi32>
      %and3A_238 = arith.andi %get3A_232, %and3A_237 : vector<16xi32>
      %iota3A_239 = tpu.iota {dimensions = array<i32: 0>} : vector<16xi32>
      %mul3A_240 = arith.constant 16 : i32
      %mul3A_241 = arith.muli %scan3A_228, %mul3A_240 : i32
      %add3A_242 = arith.addi %mul3A_241, %mul3A_69 : i32
      %add3A_243 = vector.broadcast %add3A_242 : i32 to vector<16xi32>
      %add3A_244 = arith.addi %iota3A_239, %add3A_243 : vector<16xi32>
      tpu.vector_store_idx %arg10[%shift_right_logical3A_235, %and3A_238], %add3A_244 : memref<16x128xi32, #tpu.memory_space<vmem>>[vector<16xi32>, vector<16xi32>], vector<16xi32>,
      %mul3A_245 = arith.constant 16 : i32
      %mul3A_246 = arith.muli %scan3A_228, %mul3A_245 : i32
      %get3A_247 = arith.index_cast %mul3A_246 : i32 to index
      %get3A_248 = tpu.vector_load %arg9[%get3A_247] {strides = array<i32>} : memref<2048xi32, #tpu.memory_space<vmem>>, vector<16xi32>,
      tpu.vector_store_idx %arg11[%shift_right_logical3A_235, %and3A_238], %get3A_248 : memref<16x128xi32, #tpu.memory_space<vmem>>[vector<16xi32>, vector<16xi32>], vector<16xi32>,
      %scan3A_249 = arith.constant 0 : i32
      %scan3A_250 = arith.constant 3 : i32
      %scan3A_251 = arith.addi %scan3A_184, %scan3A_250 : i32
      %mul3A_252 = arith.constant 16 : i32
      %mul3A_253 = arith.muli %scan3A_251, %mul3A_252 : i32
      %get3A_254 = arith.index_cast %mul3A_253 : i32 to index
      %get3A_255 = tpu.vector_load %arg8[%get3A_254] {strides = array<i32>} : memref<2048xi32, #tpu.memory_space<vmem>>, vector<16xi32>,
      %shift_right_logical3A_256 = arith.constant 7 : i32
      %shift_right_logical3A_257 = vector.broadcast %shift_right_logical3A_256 : i32 to vector<16xi32>
      %shift_right_logical3A_258 = arith.shrui %get3A_255, %shift_right_logical3A_257 : vector<16xi32>
      %and3A_259 = arith.constant 127 : i32
      %and3A_260 = vector.broadcast %and3A_259 : i32 to vector<16xi32>
      %and3A_261 = arith.andi %get3A_255, %and3A_260 : vector<16xi32>
      %iota3A_262 = tpu.iota {dimensions = array<i32: 0>} : vector<16xi32>
      %mul3A_263 = arith.constant 16 : i32
      %mul3A_264 = arith.muli %scan3A_251, %mul3A_263 : i32
      %add3A_265 = arith.addi %mul3A_264, %mul3A_69 : i32
      %add3A_266 = vector.broadcast %add3A_265 : i32 to vector<16xi32>
      %add3A_267 = arith.addi %iota3A_262, %add3A_266 : vector<16xi32>
      tpu.vector_store_idx %arg10[%shift_right_logical3A_258, %and3A_261], %add3A_267 : memref<16x128xi32, #tpu.memory_space<vmem>>[vector<16xi32>, vector<16xi32>], vector<16xi32>,
      %mul3A_268 = arith.constant 16 : i32
      %mul3A_269 = arith.muli %scan3A_251, %mul3A_268 : i32
      %get3A_270 = arith.index_cast %mul3A_269 : i32 to index
      %get3A_271 = tpu.vector_load %arg9[%get3A_270] {strides = array<i32>} : memref<2048xi32, #tpu.memory_space<vmem>>, vector<16xi32>,
      tpu.vector_store_idx %arg11[%shift_right_logical3A_258, %and3A_261], %get3A_271 : memref<16x128xi32, #tpu.memory_space<vmem>>[vector<16xi32>, vector<16xi32>], vector<16xi32>,
      %scan3A_272 = arith.constant 0 : i32
      scf.yield %scan3A_272 : i32
    }
    %scan3A_80 = arith.constant 128 : i32
    "tpu.region"() ({
      %run_scoped3A = tpu.sem_alloc : memref<!tpu.dma_semaphore, #tpu.memory_space<semaphore_mem>>
      %dma_start3A = arith.constant 0 : i32
      %dma_start3A_184 = arith.constant 0 : i32
      %dma_start3A_185 = tpu.memref_slice %arg6[%add3A_43, %dma_start3A, %dma_start3A_184] : memref<128x16x128xi32, #tpu.memory_space<hbm>> -> memref<1x16x128xi32, #tpu.memory_space<hbm>>
      %dma_start3A_186 = tpu.memref_squeeze %dma_start3A_185 : memref<1x16x128xi32, #tpu.memory_space<hbm>> -> memref<16x128xi32, #tpu.memory_space<hbm>>
      %dma_start3A_187 = arith.constant 0 : i32
      %dma_start3A_188 = arith.constant 0 : i32
      %dma_start3A_189 = tpu.memref_slice %arg6[%add3A_43, %dma_start3A_187, %dma_start3A_188] : memref<128x16x128xi32, #tpu.memory_space<hbm>> -> memref<1x16x128xi32, #tpu.memory_space<hbm>>
      %dma_start3A_190 = tpu.memref_squeeze %dma_start3A_189 : memref<1x16x128xi32, #tpu.memory_space<hbm>> -> memref<16x128xi32, #tpu.memory_space<hbm>>
      tpu.enqueue_dma source(%arg10 : memref<16x128xi32, #tpu.memory_space<vmem>>) target(%dma_start3A_190 : memref<16x128xi32, #tpu.memory_space<hbm>>) target_semaphore(%run_scoped3A : memref<!tpu.dma_semaphore, #tpu.memory_space<semaphore_mem>>)
      %dma_wait3A = arith.constant 0 : i32
      %dma_wait3A_191 = arith.constant 0 : i32
      %dma_wait3A_192 = tpu.memref_slice %arg6[%add3A_43, %dma_wait3A, %dma_wait3A_191] : memref<128x16x128xi32, #tpu.memory_space<hbm>> -> memref<1x16x128xi32, #tpu.memory_space<hbm>>
      %dma_wait3A_193 = tpu.memref_squeeze %dma_wait3A_192 : memref<1x16x128xi32, #tpu.memory_space<hbm>> -> memref<16x128xi32, #tpu.memory_space<hbm>>
      %dma_wait3A_194 = arith.constant 0 : i32
      %dma_wait3A_195 = arith.constant 0 : i32
      %dma_wait3A_196 = tpu.memref_slice %arg6[%add3A_43, %dma_wait3A_194, %dma_wait3A_195] : memref<128x16x128xi32, #tpu.memory_space<hbm>> -> memref<1x16x128xi32, #tpu.memory_space<hbm>>
      %dma_wait3A_197 = tpu.memref_squeeze %dma_wait3A_196 : memref<1x16x128xi32, #tpu.memory_space<hbm>> -> memref<16x128xi32, #tpu.memory_space<hbm>>
      tpu.wait_dma2 semaphore(%run_scoped3A : memref<!tpu.dma_semaphore, #tpu.memory_space<semaphore_mem>>) src(%arg10 : memref<16x128xi32, #tpu.memory_space<vmem>>) dst(%dma_wait3A_197 : memref<16x128xi32, #tpu.memory_space<hbm>>)
      tpu.yield
    }) : () -> ()
    "tpu.region"() ({
      %run_scoped3A = tpu.sem_alloc : memref<!tpu.dma_semaphore, #tpu.memory_space<semaphore_mem>>
      %dma_start3A = arith.constant 0 : i32
      %dma_start3A_184 = arith.constant 0 : i32
      %dma_start3A_185 = tpu.memref_slice %arg7[%add3A_43, %dma_start3A, %dma_start3A_184] : memref<128x16x128xi32, #tpu.memory_space<hbm>> -> memref<1x16x128xi32, #tpu.memory_space<hbm>>
      %dma_start3A_186 = tpu.memref_squeeze %dma_start3A_185 : memref<1x16x128xi32, #tpu.memory_space<hbm>> -> memref<16x128xi32, #tpu.memory_space<hbm>>
      %dma_start3A_187 = arith.constant 0 : i32
      %dma_start3A_188 = arith.constant 0 : i32
      %dma_start3A_189 = tpu.memref_slice %arg7[%add3A_43, %dma_start3A_187, %dma_start3A_188] : memref<128x16x128xi32, #tpu.memory_space<hbm>> -> memref<1x16x128xi32, #tpu.memory_space<hbm>>
      %dma_start3A_190 = tpu.memref_squeeze %dma_start3A_189 : memref<1x16x128xi32, #tpu.memory_space<hbm>> -> memref<16x128xi32, #tpu.memory_space<hbm>>
      tpu.enqueue_dma source(%arg11 : memref<16x128xi32, #tpu.memory_space<vmem>>) target(%dma_start3A_190 : memref<16x128xi32, #tpu.memory_space<hbm>>) target_semaphore(%run_scoped3A : memref<!tpu.dma_semaphore, #tpu.memory_space<semaphore_mem>>)
      %dma_wait3A = arith.constant 0 : i32
      %dma_wait3A_191 = arith.constant 0 : i32
      %dma_wait3A_192 = tpu.memref_slice %arg7[%add3A_43, %dma_wait3A, %dma_wait3A_191] : memref<128x16x128xi32, #tpu.memory_space<hbm>> -> memref<1x16x128xi32, #tpu.memory_space<hbm>>
      %dma_wait3A_193 = tpu.memref_squeeze %dma_wait3A_192 : memref<1x16x128xi32, #tpu.memory_space<hbm>> -> memref<16x128xi32, #tpu.memory_space<hbm>>
      %dma_wait3A_194 = arith.constant 0 : i32
      %dma_wait3A_195 = arith.constant 0 : i32
      %dma_wait3A_196 = tpu.memref_slice %arg7[%add3A_43, %dma_wait3A_194, %dma_wait3A_195] : memref<128x16x128xi32, #tpu.memory_space<hbm>> -> memref<1x16x128xi32, #tpu.memory_space<hbm>>
      %dma_wait3A_197 = tpu.memref_squeeze %dma_wait3A_196 : memref<1x16x128xi32, #tpu.memory_space<hbm>> -> memref<16x128xi32, #tpu.memory_space<hbm>>
      tpu.wait_dma2 semaphore(%run_scoped3A : memref<!tpu.dma_semaphore, #tpu.memory_space<semaphore_mem>>) src(%arg11 : memref<16x128xi32, #tpu.memory_space<vmem>>) dst(%dma_wait3A_197 : memref<16x128xi32, #tpu.memory_space<hbm>>)
      tpu.yield
    }) : () -> ()
    %scan3A_81 = arith.constant 0 : i32
    %scan3A_82 = arith.constant 0 : i32
    %scan3A_83 = arith.constant 16 : i32
    %scan3A_84 = arith.addi %scan3A_82, %scan3A_83 : i32
    %scan3A_85 = arith.constant 1 : i32
    %scan3A_86 = scf.for %scan3A_184 = %scan3A_82 to %scan3A_84 step %scan3A_85 iter_args(%scan3A_185 = %scan3A_81) -> (i32)  : i32 {
      %dma_start3A = arith.constant 0 : i32
      %dma_start3A_186 = tpu.memref_slice %arg10[%scan3A_184, %dma_start3A] : memref<16x128xi32, #tpu.memory_space<vmem>> -> memref<1x128xi32, #tpu.memory_space<vmem>>
      %dma_start3A_187 = tpu.memref_squeeze %dma_start3A_186 : memref<1x128xi32, #tpu.memory_space<vmem>> -> memref<128xi32, #tpu.memory_space<vmem>>
      %dma_start3A_188 = arith.constant 0 : i32
      %dma_start3A_189 = arith.constant 0 : i32
      %dma_start3A_190 = tpu.memref_slice %arg4[%dma_start3A_188, %dma_start3A_189] : memref<65536x128xf32, #tpu.memory_space<hbm>> -> memref<65536x128xf32, #tpu.memory_space<hbm>>
      tpu.enqueue_indirect_dma source(%dma_start3A_190 : memref<65536x128xf32, #tpu.memory_space<hbm>>) target(%arg12 : memref<128x128xf32, #tpu.memory_space<vmem>>) offsets(%dma_start3A_187 : memref<128xi32, #tpu.memory_space<vmem>>) semaphore(%arg13 : memref<!tpu.dma_semaphore, #tpu.memory_space<semaphore_mem>>)
      %dma_wait3A = arith.constant 0 : i32
      %dma_wait3A_191 = tpu.memref_slice %arg10[%scan3A_184, %dma_wait3A] : memref<16x128xi32, #tpu.memory_space<vmem>> -> memref<1x128xi32, #tpu.memory_space<vmem>>
      %dma_wait3A_192 = tpu.memref_squeeze %dma_wait3A_191 : memref<1x128xi32, #tpu.memory_space<vmem>> -> memref<128xi32, #tpu.memory_space<vmem>>
      %dma_wait3A_193 = arith.constant 0 : i32
      %dma_wait3A_194 = arith.constant 0 : i32
      %dma_wait3A_195 = tpu.memref_slice %arg4[%dma_wait3A_193, %dma_wait3A_194] : memref<65536x128xf32, #tpu.memory_space<hbm>> -> memref<65536x128xf32, #tpu.memory_space<hbm>>
      tpu.wait_indirect_dma semaphore(%arg13 : memref<!tpu.dma_semaphore, #tpu.memory_space<semaphore_mem>>) src(%dma_wait3A_195 : memref<65536x128xf32, #tpu.memory_space<hbm>>) dst(%arg12 : memref<128x128xf32, #tpu.memory_space<vmem>>)
      %mul3A_196 = arith.constant 2048 : i32
      %mul3A_197 = arith.muli %add3A_43, %mul3A_196 : i32
      %mul3A_198 = arith.constant 128 : i32
      %mul3A_199 = arith.muli %scan3A_184, %mul3A_198 : i32
      %add3A_200 = arith.addi %mul3A_197, %mul3A_199 : i32
      "tpu.region"() ({
        %run_scoped3A = tpu.sem_alloc : memref<!tpu.dma_semaphore, #tpu.memory_space<semaphore_mem>>
        %dma_start3A_202 = arith.constant 0 : i32
        %dma_start3A_203 = tpu.memref_slice %arg5[%add3A_200, %dma_start3A_202] : memref<262144x128xf32, #tpu.memory_space<hbm>> -> memref<128x128xf32, #tpu.memory_space<hbm>>
        %dma_start3A_204 = arith.constant 0 : i32
        %dma_start3A_205 = tpu.memref_slice %arg5[%add3A_200, %dma_start3A_204] : memref<262144x128xf32, #tpu.memory_space<hbm>> -> memref<128x128xf32, #tpu.memory_space<hbm>>
        tpu.enqueue_dma source(%arg12 : memref<128x128xf32, #tpu.memory_space<vmem>>) target(%dma_start3A_205 : memref<128x128xf32, #tpu.memory_space<hbm>>) target_semaphore(%run_scoped3A : memref<!tpu.dma_semaphore, #tpu.memory_space<semaphore_mem>>)
        %dma_wait3A_206 = arith.constant 0 : i32
        %dma_wait3A_207 = tpu.memref_slice %arg5[%add3A_200, %dma_wait3A_206] : memref<262144x128xf32, #tpu.memory_space<hbm>> -> memref<128x128xf32, #tpu.memory_space<hbm>>
        %dma_wait3A_208 = arith.constant 0 : i32
        %dma_wait3A_209 = tpu.memref_slice %arg5[%add3A_200, %dma_wait3A_208] : memref<262144x128xf32, #tpu.memory_space<hbm>> -> memref<128x128xf32, #tpu.memory_space<hbm>>
        tpu.wait_dma2 semaphore(%run_scoped3A : memref<!tpu.dma_semaphore, #tpu.memory_space<semaphore_mem>>) src(%arg12 : memref<128x128xf32, #tpu.memory_space<vmem>>) dst(%dma_wait3A_209 : memref<128x128xf32, #tpu.memory_space<hbm>>)
        tpu.yield
      }) : () -> ()
      %scan3A_201 = arith.constant 0 : i32
      scf.yield %scan3A_201 : i32
    }
    %scan3A_87 = arith.constant 16 : i32
    %mul3A_88 = arith.constant 4 : i32
    %mul3A_89 = arith.muli %add3A, %mul3A_88 : i32
    %add3A_90 = arith.constant 2 : i32
    %add3A_91 = arith.addi %mul3A_89, %add3A_90 : i32
    %jit3A_92 = arith.constant 4 : i32
    %div3A_93 = arith.divsi %add3A_91, %jit3A_92 : i32
    %sign3A_94 = arith.constant 0 : i32
    %sign3A_95 = arith.cmpi sgt, %add3A_91, %sign3A_94 : i32
    %sign3A_96 = arith.extui %sign3A_95 : i1 to i32
    %sign3A_97 = arith.constant 0 : i32
    %sign3A_98 = arith.cmpi slt, %add3A_91, %sign3A_97 : i32
    %sign3A_99 = arith.extui %sign3A_98 : i1 to i32
    %sign3A_100 = arith.subi %sign3A_96, %sign3A_99 : i32
    %sign3A_101 = arith.constant 0 : i32
    %sign3A_102 = arith.cmpi sgt, %jit3A_92, %sign3A_101 : i32
    %sign3A_103 = arith.extui %sign3A_102 : i1 to i32
    %sign3A_104 = arith.constant 0 : i32
    %sign3A_105 = arith.cmpi slt, %jit3A_92, %sign3A_104 : i32
    %sign3A_106 = arith.extui %sign3A_105 : i1 to i32
    %sign3A_107 = arith.subi %sign3A_103, %sign3A_106 : i32
    %ne3A_108 = arith.cmpi ne, %sign3A_100, %sign3A_107 : i32
    %rem3A_109 = arith.remsi %add3A_91, %jit3A_92 : i32
    %ne3A_110 = arith.constant 0 : i32
    %ne3A_111 = arith.cmpi ne, %rem3A_109, %ne3A_110 : i32
    %and3A_112 = arith.andi %ne3A_108, %ne3A_111 : i1
    %sub3A_113 = arith.constant 1 : i32
    %sub3A_114 = arith.subi %div3A_93, %sub3A_113 : i32
    %select_n3A_115 = arith.select %and3A_112, %sub3A_114, %div3A_93 : i32
    %mul3A_116 = arith.constant 2048 : i32
    %mul3A_117 = arith.muli %select_n3A_115, %mul3A_116 : i32
    %mul3A_118 = arith.constant 2048 : i32
    %mul3A_119 = arith.muli %add3A_91, %mul3A_118 : i32
    "tpu.region"() ({
      %run_scoped3A = tpu.sem_alloc : memref<!tpu.dma_semaphore, #tpu.memory_space<semaphore_mem>>
      %dma_start3A = tpu.memref_slice %arg2[%mul3A_119] : memref<262144xi32, #tpu.memory_space<hbm>> -> memref<2048xi32, #tpu.memory_space<hbm>>
      %dma_start3A_184 = tpu.memref_slice %arg2[%mul3A_119] : memref<262144xi32, #tpu.memory_space<hbm>> -> memref<2048xi32, #tpu.memory_space<hbm>>
      tpu.enqueue_dma source(%dma_start3A_184 : memref<2048xi32, #tpu.memory_space<hbm>>) target(%arg8 : memref<2048xi32, #tpu.memory_space<vmem>>) target_semaphore(%run_scoped3A : memref<!tpu.dma_semaphore, #tpu.memory_space<semaphore_mem>>)
      %dma_wait3A = tpu.memref_slice %arg2[%mul3A_119] : memref<262144xi32, #tpu.memory_space<hbm>> -> memref<2048xi32, #tpu.memory_space<hbm>>
      %dma_wait3A_185 = tpu.memref_slice %arg2[%mul3A_119] : memref<262144xi32, #tpu.memory_space<hbm>> -> memref<2048xi32, #tpu.memory_space<hbm>>
      tpu.wait_dma2 semaphore(%run_scoped3A : memref<!tpu.dma_semaphore, #tpu.memory_space<semaphore_mem>>) src(%dma_wait3A_185 : memref<2048xi32, #tpu.memory_space<hbm>>) dst(%arg8 : memref<2048xi32, #tpu.memory_space<vmem>>)
      tpu.yield
    }) : () -> ()
    %mul3A_120 = arith.constant 2048 : i32
    %mul3A_121 = arith.muli %select_n3A_115, %mul3A_120 : i32
    "tpu.region"() ({
      %run_scoped3A = tpu.sem_alloc : memref<!tpu.dma_semaphore, #tpu.memory_space<semaphore_mem>>
      %dma_start3A = tpu.memref_slice %arg3[%mul3A_121] : memref<65536xi32, #tpu.memory_space<hbm>> -> memref<2048xi32, #tpu.memory_space<hbm>>
      %dma_start3A_184 = tpu.memref_slice %arg3[%mul3A_121] : memref<65536xi32, #tpu.memory_space<hbm>> -> memref<2048xi32, #tpu.memory_space<hbm>>
      tpu.enqueue_dma source(%dma_start3A_184 : memref<2048xi32, #tpu.memory_space<hbm>>) target(%arg9 : memref<2048xi32, #tpu.memory_space<vmem>>) target_semaphore(%run_scoped3A : memref<!tpu.dma_semaphore, #tpu.memory_space<semaphore_mem>>)
      %dma_wait3A = tpu.memref_slice %arg3[%mul3A_121] : memref<65536xi32, #tpu.memory_space<hbm>> -> memref<2048xi32, #tpu.memory_space<hbm>>
      %dma_wait3A_185 = tpu.memref_slice %arg3[%mul3A_121] : memref<65536xi32, #tpu.memory_space<hbm>> -> memref<2048xi32, #tpu.memory_space<hbm>>
      tpu.wait_dma2 semaphore(%run_scoped3A : memref<!tpu.dma_semaphore, #tpu.memory_space<semaphore_mem>>) src(%dma_wait3A_185 : memref<2048xi32, #tpu.memory_space<hbm>>) dst(%arg9 : memref<2048xi32, #tpu.memory_space<vmem>>)
      tpu.yield
    }) : () -> ()
    %scan3A_122 = arith.constant 0 : i32
    %scan3A_123 = arith.constant 0 : i32
    %scan3A_124 = arith.constant 128 : i32
    %scan3A_125 = arith.addi %scan3A_123, %scan3A_124 : i32
    %scan3A_126 = arith.constant 4 : i32
    %scan3A_127 = scf.for %scan3A_184 = %scan3A_123 to %scan3A_125 step %scan3A_126 iter_args(%scan3A_185 = %scan3A_122) -> (i32)  : i32 {
      %mul3A_186 = arith.constant 16 : i32
      %mul3A_187 = arith.muli %scan3A_184, %mul3A_186 : i32
      %get3A = arith.index_cast %mul3A_187 : i32 to index
      %get3A_188 = tpu.vector_load %arg8[%get3A] {strides = array<i32>} : memref<2048xi32, #tpu.memory_space<vmem>>, vector<16xi32>,
      %shift_right_logical3A = arith.constant 7 : i32
      %shift_right_logical3A_189 = vector.broadcast %shift_right_logical3A : i32 to vector<16xi32>
      %shift_right_logical3A_190 = arith.shrui %get3A_188, %shift_right_logical3A_189 : vector<16xi32>
      %and3A_191 = arith.constant 127 : i32
      %and3A_192 = vector.broadcast %and3A_191 : i32 to vector<16xi32>
      %and3A_193 = arith.andi %get3A_188, %and3A_192 : vector<16xi32>
      %iota3A = tpu.iota {dimensions = array<i32: 0>} : vector<16xi32>
      %mul3A_194 = arith.constant 16 : i32
      %mul3A_195 = arith.muli %scan3A_184, %mul3A_194 : i32
      %add3A_196 = arith.addi %mul3A_195, %mul3A_117 : i32
      %add3A_197 = vector.broadcast %add3A_196 : i32 to vector<16xi32>
      %add3A_198 = arith.addi %iota3A, %add3A_197 : vector<16xi32>
      tpu.vector_store_idx %arg10[%shift_right_logical3A_190, %and3A_193], %add3A_198 : memref<16x128xi32, #tpu.memory_space<vmem>>[vector<16xi32>, vector<16xi32>], vector<16xi32>,
      %mul3A_199 = arith.constant 16 : i32
      %mul3A_200 = arith.muli %scan3A_184, %mul3A_199 : i32
      %get3A_201 = arith.index_cast %mul3A_200 : i32 to index
      %get3A_202 = tpu.vector_load %arg9[%get3A_201] {strides = array<i32>} : memref<2048xi32, #tpu.memory_space<vmem>>, vector<16xi32>,
      tpu.vector_store_idx %arg11[%shift_right_logical3A_190, %and3A_193], %get3A_202 : memref<16x128xi32, #tpu.memory_space<vmem>>[vector<16xi32>, vector<16xi32>], vector<16xi32>,
      %scan3A_203 = arith.constant 0 : i32
      %scan3A_204 = arith.constant 1 : i32
      %scan3A_205 = arith.addi %scan3A_184, %scan3A_204 : i32
      %mul3A_206 = arith.constant 16 : i32
      %mul3A_207 = arith.muli %scan3A_205, %mul3A_206 : i32
      %get3A_208 = arith.index_cast %mul3A_207 : i32 to index
      %get3A_209 = tpu.vector_load %arg8[%get3A_208] {strides = array<i32>} : memref<2048xi32, #tpu.memory_space<vmem>>, vector<16xi32>,
      %shift_right_logical3A_210 = arith.constant 7 : i32
      %shift_right_logical3A_211 = vector.broadcast %shift_right_logical3A_210 : i32 to vector<16xi32>
      %shift_right_logical3A_212 = arith.shrui %get3A_209, %shift_right_logical3A_211 : vector<16xi32>
      %and3A_213 = arith.constant 127 : i32
      %and3A_214 = vector.broadcast %and3A_213 : i32 to vector<16xi32>
      %and3A_215 = arith.andi %get3A_209, %and3A_214 : vector<16xi32>
      %iota3A_216 = tpu.iota {dimensions = array<i32: 0>} : vector<16xi32>
      %mul3A_217 = arith.constant 16 : i32
      %mul3A_218 = arith.muli %scan3A_205, %mul3A_217 : i32
      %add3A_219 = arith.addi %mul3A_218, %mul3A_117 : i32
      %add3A_220 = vector.broadcast %add3A_219 : i32 to vector<16xi32>
      %add3A_221 = arith.addi %iota3A_216, %add3A_220 : vector<16xi32>
      tpu.vector_store_idx %arg10[%shift_right_logical3A_212, %and3A_215], %add3A_221 : memref<16x128xi32, #tpu.memory_space<vmem>>[vector<16xi32>, vector<16xi32>], vector<16xi32>,
      %mul3A_222 = arith.constant 16 : i32
      %mul3A_223 = arith.muli %scan3A_205, %mul3A_222 : i32
      %get3A_224 = arith.index_cast %mul3A_223 : i32 to index
      %get3A_225 = tpu.vector_load %arg9[%get3A_224] {strides = array<i32>} : memref<2048xi32, #tpu.memory_space<vmem>>, vector<16xi32>,
      tpu.vector_store_idx %arg11[%shift_right_logical3A_212, %and3A_215], %get3A_225 : memref<16x128xi32, #tpu.memory_space<vmem>>[vector<16xi32>, vector<16xi32>], vector<16xi32>,
      %scan3A_226 = arith.constant 0 : i32
      %scan3A_227 = arith.constant 2 : i32
      %scan3A_228 = arith.addi %scan3A_184, %scan3A_227 : i32
      %mul3A_229 = arith.constant 16 : i32
      %mul3A_230 = arith.muli %scan3A_228, %mul3A_229 : i32
      %get3A_231 = arith.index_cast %mul3A_230 : i32 to index
      %get3A_232 = tpu.vector_load %arg8[%get3A_231] {strides = array<i32>} : memref<2048xi32, #tpu.memory_space<vmem>>, vector<16xi32>,
      %shift_right_logical3A_233 = arith.constant 7 : i32
      %shift_right_logical3A_234 = vector.broadcast %shift_right_logical3A_233 : i32 to vector<16xi32>
      %shift_right_logical3A_235 = arith.shrui %get3A_232, %shift_right_logical3A_234 : vector<16xi32>
      %and3A_236 = arith.constant 127 : i32
      %and3A_237 = vector.broadcast %and3A_236 : i32 to vector<16xi32>
      %and3A_238 = arith.andi %get3A_232, %and3A_237 : vector<16xi32>
      %iota3A_239 = tpu.iota {dimensions = array<i32: 0>} : vector<16xi32>
      %mul3A_240 = arith.constant 16 : i32
      %mul3A_241 = arith.muli %scan3A_228, %mul3A_240 : i32
      %add3A_242 = arith.addi %mul3A_241, %mul3A_117 : i32
      %add3A_243 = vector.broadcast %add3A_242 : i32 to vector<16xi32>
      %add3A_244 = arith.addi %iota3A_239, %add3A_243 : vector<16xi32>
      tpu.vector_store_idx %arg10[%shift_right_logical3A_235, %and3A_238], %add3A_244 : memref<16x128xi32, #tpu.memory_space<vmem>>[vector<16xi32>, vector<16xi32>], vector<16xi32>,
      %mul3A_245 = arith.constant 16 : i32
      %mul3A_246 = arith.muli %scan3A_228, %mul3A_245 : i32
      %get3A_247 = arith.index_cast %mul3A_246 : i32 to index
      %get3A_248 = tpu.vector_load %arg9[%get3A_247] {strides = array<i32>} : memref<2048xi32, #tpu.memory_space<vmem>>, vector<16xi32>,
      tpu.vector_store_idx %arg11[%shift_right_logical3A_235, %and3A_238], %get3A_248 : memref<16x128xi32, #tpu.memory_space<vmem>>[vector<16xi32>, vector<16xi32>], vector<16xi32>,
      %scan3A_249 = arith.constant 0 : i32
      %scan3A_250 = arith.constant 3 : i32
      %scan3A_251 = arith.addi %scan3A_184, %scan3A_250 : i32
      %mul3A_252 = arith.constant 16 : i32
      %mul3A_253 = arith.muli %scan3A_251, %mul3A_252 : i32
      %get3A_254 = arith.index_cast %mul3A_253 : i32 to index
      %get3A_255 = tpu.vector_load %arg8[%get3A_254] {strides = array<i32>} : memref<2048xi32, #tpu.memory_space<vmem>>, vector<16xi32>,
      %shift_right_logical3A_256 = arith.constant 7 : i32
      %shift_right_logical3A_257 = vector.broadcast %shift_right_logical3A_256 : i32 to vector<16xi32>
      %shift_right_logical3A_258 = arith.shrui %get3A_255, %shift_right_logical3A_257 : vector<16xi32>
      %and3A_259 = arith.constant 127 : i32
      %and3A_260 = vector.broadcast %and3A_259 : i32 to vector<16xi32>
      %and3A_261 = arith.andi %get3A_255, %and3A_260 : vector<16xi32>
      %iota3A_262 = tpu.iota {dimensions = array<i32: 0>} : vector<16xi32>
      %mul3A_263 = arith.constant 16 : i32
      %mul3A_264 = arith.muli %scan3A_251, %mul3A_263 : i32
      %add3A_265 = arith.addi %mul3A_264, %mul3A_117 : i32
      %add3A_266 = vector.broadcast %add3A_265 : i32 to vector<16xi32>
      %add3A_267 = arith.addi %iota3A_262, %add3A_266 : vector<16xi32>
      tpu.vector_store_idx %arg10[%shift_right_logical3A_258, %and3A_261], %add3A_267 : memref<16x128xi32, #tpu.memory_space<vmem>>[vector<16xi32>, vector<16xi32>], vector<16xi32>,
      %mul3A_268 = arith.constant 16 : i32
      %mul3A_269 = arith.muli %scan3A_251, %mul3A_268 : i32
      %get3A_270 = arith.index_cast %mul3A_269 : i32 to index
      %get3A_271 = tpu.vector_load %arg9[%get3A_270] {strides = array<i32>} : memref<2048xi32, #tpu.memory_space<vmem>>, vector<16xi32>,
      tpu.vector_store_idx %arg11[%shift_right_logical3A_258, %and3A_261], %get3A_271 : memref<16x128xi32, #tpu.memory_space<vmem>>[vector<16xi32>, vector<16xi32>], vector<16xi32>,
      %scan3A_272 = arith.constant 0 : i32
      scf.yield %scan3A_272 : i32
    }
    %scan3A_128 = arith.constant 128 : i32
    "tpu.region"() ({
      %run_scoped3A = tpu.sem_alloc : memref<!tpu.dma_semaphore, #tpu.memory_space<semaphore_mem>>
      %dma_start3A = arith.constant 0 : i32
      %dma_start3A_184 = arith.constant 0 : i32
      %dma_start3A_185 = tpu.memref_slice %arg6[%add3A_91, %dma_start3A, %dma_start3A_184] : memref<128x16x128xi32, #tpu.memory_space<hbm>> -> memref<1x16x128xi32, #tpu.memory_space<hbm>>
      %dma_start3A_186 = tpu.memref_squeeze %dma_start3A_185 : memref<1x16x128xi32, #tpu.memory_space<hbm>> -> memref<16x128xi32, #tpu.memory_space<hbm>>
      %dma_start3A_187 = arith.constant 0 : i32
      %dma_start3A_188 = arith.constant 0 : i32
      %dma_start3A_189 = tpu.memref_slice %arg6[%add3A_91, %dma_start3A_187, %dma_start3A_188] : memref<128x16x128xi32, #tpu.memory_space<hbm>> -> memref<1x16x128xi32, #tpu.memory_space<hbm>>
      %dma_start3A_190 = tpu.memref_squeeze %dma_start3A_189 : memref<1x16x128xi32, #tpu.memory_space<hbm>> -> memref<16x128xi32, #tpu.memory_space<hbm>>
      tpu.enqueue_dma source(%arg10 : memref<16x128xi32, #tpu.memory_space<vmem>>) target(%dma_start3A_190 : memref<16x128xi32, #tpu.memory_space<hbm>>) target_semaphore(%run_scoped3A : memref<!tpu.dma_semaphore, #tpu.memory_space<semaphore_mem>>)
      %dma_wait3A = arith.constant 0 : i32
      %dma_wait3A_191 = arith.constant 0 : i32
      %dma_wait3A_192 = tpu.memref_slice %arg6[%add3A_91, %dma_wait3A, %dma_wait3A_191] : memref<128x16x128xi32, #tpu.memory_space<hbm>> -> memref<1x16x128xi32, #tpu.memory_space<hbm>>
      %dma_wait3A_193 = tpu.memref_squeeze %dma_wait3A_192 : memref<1x16x128xi32, #tpu.memory_space<hbm>> -> memref<16x128xi32, #tpu.memory_space<hbm>>
      %dma_wait3A_194 = arith.constant 0 : i32
      %dma_wait3A_195 = arith.constant 0 : i32
      %dma_wait3A_196 = tpu.memref_slice %arg6[%add3A_91, %dma_wait3A_194, %dma_wait3A_195] : memref<128x16x128xi32, #tpu.memory_space<hbm>> -> memref<1x16x128xi32, #tpu.memory_space<hbm>>
      %dma_wait3A_197 = tpu.memref_squeeze %dma_wait3A_196 : memref<1x16x128xi32, #tpu.memory_space<hbm>> -> memref<16x128xi32, #tpu.memory_space<hbm>>
      tpu.wait_dma2 semaphore(%run_scoped3A : memref<!tpu.dma_semaphore, #tpu.memory_space<semaphore_mem>>) src(%arg10 : memref<16x128xi32, #tpu.memory_space<vmem>>) dst(%dma_wait3A_197 : memref<16x128xi32, #tpu.memory_space<hbm>>)
      tpu.yield
    }) : () -> ()
    "tpu.region"() ({
      %run_scoped3A = tpu.sem_alloc : memref<!tpu.dma_semaphore, #tpu.memory_space<semaphore_mem>>
      %dma_start3A = arith.constant 0 : i32
      %dma_start3A_184 = arith.constant 0 : i32
      %dma_start3A_185 = tpu.memref_slice %arg7[%add3A_91, %dma_start3A, %dma_start3A_184] : memref<128x16x128xi32, #tpu.memory_space<hbm>> -> memref<1x16x128xi32, #tpu.memory_space<hbm>>
      %dma_start3A_186 = tpu.memref_squeeze %dma_start3A_185 : memref<1x16x128xi32, #tpu.memory_space<hbm>> -> memref<16x128xi32, #tpu.memory_space<hbm>>
      %dma_start3A_187 = arith.constant 0 : i32
      %dma_start3A_188 = arith.constant 0 : i32
      %dma_start3A_189 = tpu.memref_slice %arg7[%add3A_91, %dma_start3A_187, %dma_start3A_188] : memref<128x16x128xi32, #tpu.memory_space<hbm>> -> memref<1x16x128xi32, #tpu.memory_space<hbm>>
      %dma_start3A_190 = tpu.memref_squeeze %dma_start3A_189 : memref<1x16x128xi32, #tpu.memory_space<hbm>> -> memref<16x128xi32, #tpu.memory_space<hbm>>
      tpu.enqueue_dma source(%arg11 : memref<16x128xi32, #tpu.memory_space<vmem>>) target(%dma_start3A_190 : memref<16x128xi32, #tpu.memory_space<hbm>>) target_semaphore(%run_scoped3A : memref<!tpu.dma_semaphore, #tpu.memory_space<semaphore_mem>>)
      %dma_wait3A = arith.constant 0 : i32
      %dma_wait3A_191 = arith.constant 0 : i32
      %dma_wait3A_192 = tpu.memref_slice %arg7[%add3A_91, %dma_wait3A, %dma_wait3A_191] : memref<128x16x128xi32, #tpu.memory_space<hbm>> -> memref<1x16x128xi32, #tpu.memory_space<hbm>>
      %dma_wait3A_193 = tpu.memref_squeeze %dma_wait3A_192 : memref<1x16x128xi32, #tpu.memory_space<hbm>> -> memref<16x128xi32, #tpu.memory_space<hbm>>
      %dma_wait3A_194 = arith.constant 0 : i32
      %dma_wait3A_195 = arith.constant 0 : i32
      %dma_wait3A_196 = tpu.memref_slice %arg7[%add3A_91, %dma_wait3A_194, %dma_wait3A_195] : memref<128x16x128xi32, #tpu.memory_space<hbm>> -> memref<1x16x128xi32, #tpu.memory_space<hbm>>
      %dma_wait3A_197 = tpu.memref_squeeze %dma_wait3A_196 : memref<1x16x128xi32, #tpu.memory_space<hbm>> -> memref<16x128xi32, #tpu.memory_space<hbm>>
      tpu.wait_dma2 semaphore(%run_scoped3A : memref<!tpu.dma_semaphore, #tpu.memory_space<semaphore_mem>>) src(%arg11 : memref<16x128xi32, #tpu.memory_space<vmem>>) dst(%dma_wait3A_197 : memref<16x128xi32, #tpu.memory_space<hbm>>)
      tpu.yield
    }) : () -> ()
    %scan3A_129 = arith.constant 0 : i32
    %scan3A_130 = arith.constant 0 : i32
    %scan3A_131 = arith.constant 16 : i32
    %scan3A_132 = arith.addi %scan3A_130, %scan3A_131 : i32
    %scan3A_133 = arith.constant 1 : i32
    %scan3A_134 = scf.for %scan3A_184 = %scan3A_130 to %scan3A_132 step %scan3A_133 iter_args(%scan3A_185 = %scan3A_129) -> (i32)  : i32 {
      %dma_start3A = arith.constant 0 : i32
      %dma_start3A_186 = tpu.memref_slice %arg10[%scan3A_184, %dma_start3A] : memref<16x128xi32, #tpu.memory_space<vmem>> -> memref<1x128xi32, #tpu.memory_space<vmem>>
      %dma_start3A_187 = tpu.memref_squeeze %dma_start3A_186 : memref<1x128xi32, #tpu.memory_space<vmem>> -> memref<128xi32, #tpu.memory_space<vmem>>
      %dma_start3A_188 = arith.constant 0 : i32
      %dma_start3A_189 = arith.constant 0 : i32
      %dma_start3A_190 = tpu.memref_slice %arg4[%dma_start3A_188, %dma_start3A_189] : memref<65536x128xf32, #tpu.memory_space<hbm>> -> memref<65536x128xf32, #tpu.memory_space<hbm>>
      tpu.enqueue_indirect_dma source(%dma_start3A_190 : memref<65536x128xf32, #tpu.memory_space<hbm>>) target(%arg12 : memref<128x128xf32, #tpu.memory_space<vmem>>) offsets(%dma_start3A_187 : memref<128xi32, #tpu.memory_space<vmem>>) semaphore(%arg13 : memref<!tpu.dma_semaphore, #tpu.memory_space<semaphore_mem>>)
      %dma_wait3A = arith.constant 0 : i32
      %dma_wait3A_191 = tpu.memref_slice %arg10[%scan3A_184, %dma_wait3A] : memref<16x128xi32, #tpu.memory_space<vmem>> -> memref<1x128xi32, #tpu.memory_space<vmem>>
      %dma_wait3A_192 = tpu.memref_squeeze %dma_wait3A_191 : memref<1x128xi32, #tpu.memory_space<vmem>> -> memref<128xi32, #tpu.memory_space<vmem>>
      %dma_wait3A_193 = arith.constant 0 : i32
      %dma_wait3A_194 = arith.constant 0 : i32
      %dma_wait3A_195 = tpu.memref_slice %arg4[%dma_wait3A_193, %dma_wait3A_194] : memref<65536x128xf32, #tpu.memory_space<hbm>> -> memref<65536x128xf32, #tpu.memory_space<hbm>>
      tpu.wait_indirect_dma semaphore(%arg13 : memref<!tpu.dma_semaphore, #tpu.memory_space<semaphore_mem>>) src(%dma_wait3A_195 : memref<65536x128xf32, #tpu.memory_space<hbm>>) dst(%arg12 : memref<128x128xf32, #tpu.memory_space<vmem>>)
      %mul3A_196 = arith.constant 2048 : i32
      %mul3A_197 = arith.muli %add3A_91, %mul3A_196 : i32
      %mul3A_198 = arith.constant 128 : i32
      %mul3A_199 = arith.muli %scan3A_184, %mul3A_198 : i32
      %add3A_200 = arith.addi %mul3A_197, %mul3A_199 : i32
      "tpu.region"() ({
        %run_scoped3A = tpu.sem_alloc : memref<!tpu.dma_semaphore, #tpu.memory_space<semaphore_mem>>
        %dma_start3A_202 = arith.constant 0 : i32
        %dma_start3A_203 = tpu.memref_slice %arg5[%add3A_200, %dma_start3A_202] : memref<262144x128xf32, #tpu.memory_space<hbm>> -> memref<128x128xf32, #tpu.memory_space<hbm>>
        %dma_start3A_204 = arith.constant 0 : i32
        %dma_start3A_205 = tpu.memref_slice %arg5[%add3A_200, %dma_start3A_204] : memref<262144x128xf32, #tpu.memory_space<hbm>> -> memref<128x128xf32, #tpu.memory_space<hbm>>
        tpu.enqueue_dma source(%arg12 : memref<128x128xf32, #tpu.memory_space<vmem>>) target(%dma_start3A_205 : memref<128x128xf32, #tpu.memory_space<hbm>>) target_semaphore(%run_scoped3A : memref<!tpu.dma_semaphore, #tpu.memory_space<semaphore_mem>>)
        %dma_wait3A_206 = arith.constant 0 : i32
        %dma_wait3A_207 = tpu.memref_slice %arg5[%add3A_200, %dma_wait3A_206] : memref<262144x128xf32, #tpu.memory_space<hbm>> -> memref<128x128xf32, #tpu.memory_space<hbm>>
        %dma_wait3A_208 = arith.constant 0 : i32
        %dma_wait3A_209 = tpu.memref_slice %arg5[%add3A_200, %dma_wait3A_208] : memref<262144x128xf32, #tpu.memory_space<hbm>> -> memref<128x128xf32, #tpu.memory_space<hbm>>
        tpu.wait_dma2 semaphore(%run_scoped3A : memref<!tpu.dma_semaphore, #tpu.memory_space<semaphore_mem>>) src(%arg12 : memref<128x128xf32, #tpu.memory_space<vmem>>) dst(%dma_wait3A_209 : memref<128x128xf32, #tpu.memory_space<hbm>>)
        tpu.yield
      }) : () -> ()
      %scan3A_201 = arith.constant 0 : i32
      scf.yield %scan3A_201 : i32
    }
    %scan3A_135 = arith.constant 16 : i32
    %mul3A_136 = arith.constant 4 : i32
    %mul3A_137 = arith.muli %add3A, %mul3A_136 : i32
    %add3A_138 = arith.constant 3 : i32
    %add3A_139 = arith.addi %mul3A_137, %add3A_138 : i32
    %jit3A_140 = arith.constant 4 : i32
    %div3A_141 = arith.divsi %add3A_139, %jit3A_140 : i32
    %sign3A_142 = arith.constant 0 : i32
    %sign3A_143 = arith.cmpi sgt, %add3A_139, %sign3A_142 : i32
    %sign3A_144 = arith.extui %sign3A_143 : i1 to i32
    %sign3A_145 = arith.constant 0 : i32
    %sign3A_146 = arith.cmpi slt, %add3A_139, %sign3A_145 : i32
    %sign3A_147 = arith.extui %sign3A_146 : i1 to i32
    %sign3A_148 = arith.subi %sign3A_144, %sign3A_147 : i32
    %sign3A_149 = arith.constant 0 : i32
    %sign3A_150 = arith.cmpi sgt, %jit3A_140, %sign3A_149 : i32
    %sign3A_151 = arith.extui %sign3A_150 : i1 to i32
    %sign3A_152 = arith.constant 0 : i32
    %sign3A_153 = arith.cmpi slt, %jit3A_140, %sign3A_152 : i32
    %sign3A_154 = arith.extui %sign3A_153 : i1 to i32
    %sign3A_155 = arith.subi %sign3A_151, %sign3A_154 : i32
    %ne3A_156 = arith.cmpi ne, %sign3A_148, %sign3A_155 : i32
    %rem3A_157 = arith.remsi %add3A_139, %jit3A_140 : i32
    %ne3A_158 = arith.constant 0 : i32
    %ne3A_159 = arith.cmpi ne, %rem3A_157, %ne3A_158 : i32
    %and3A_160 = arith.andi %ne3A_156, %ne3A_159 : i1
    %sub3A_161 = arith.constant 1 : i32
    %sub3A_162 = arith.subi %div3A_141, %sub3A_161 : i32
    %select_n3A_163 = arith.select %and3A_160, %sub3A_162, %div3A_141 : i32
    %mul3A_164 = arith.constant 2048 : i32
    %mul3A_165 = arith.muli %select_n3A_163, %mul3A_164 : i32
    %mul3A_166 = arith.constant 2048 : i32
    %mul3A_167 = arith.muli %add3A_139, %mul3A_166 : i32
    "tpu.region"() ({
      %run_scoped3A = tpu.sem_alloc : memref<!tpu.dma_semaphore, #tpu.memory_space<semaphore_mem>>
      %dma_start3A = tpu.memref_slice %arg2[%mul3A_167] : memref<262144xi32, #tpu.memory_space<hbm>> -> memref<2048xi32, #tpu.memory_space<hbm>>
      %dma_start3A_184 = tpu.memref_slice %arg2[%mul3A_167] : memref<262144xi32, #tpu.memory_space<hbm>> -> memref<2048xi32, #tpu.memory_space<hbm>>
      tpu.enqueue_dma source(%dma_start3A_184 : memref<2048xi32, #tpu.memory_space<hbm>>) target(%arg8 : memref<2048xi32, #tpu.memory_space<vmem>>) target_semaphore(%run_scoped3A : memref<!tpu.dma_semaphore, #tpu.memory_space<semaphore_mem>>)
      %dma_wait3A = tpu.memref_slice %arg2[%mul3A_167] : memref<262144xi32, #tpu.memory_space<hbm>> -> memref<2048xi32, #tpu.memory_space<hbm>>
      %dma_wait3A_185 = tpu.memref_slice %arg2[%mul3A_167] : memref<262144xi32, #tpu.memory_space<hbm>> -> memref<2048xi32, #tpu.memory_space<hbm>>
      tpu.wait_dma2 semaphore(%run_scoped3A : memref<!tpu.dma_semaphore, #tpu.memory_space<semaphore_mem>>) src(%dma_wait3A_185 : memref<2048xi32, #tpu.memory_space<hbm>>) dst(%arg8 : memref<2048xi32, #tpu.memory_space<vmem>>)
      tpu.yield
    }) : () -> ()
    %mul3A_168 = arith.constant 2048 : i32
    %mul3A_169 = arith.muli %select_n3A_163, %mul3A_168 : i32
    "tpu.region"() ({
      %run_scoped3A = tpu.sem_alloc : memref<!tpu.dma_semaphore, #tpu.memory_space<semaphore_mem>>
      %dma_start3A = tpu.memref_slice %arg3[%mul3A_169] : memref<65536xi32, #tpu.memory_space<hbm>> -> memref<2048xi32, #tpu.memory_space<hbm>>
      %dma_start3A_184 = tpu.memref_slice %arg3[%mul3A_169] : memref<65536xi32, #tpu.memory_space<hbm>> -> memref<2048xi32, #tpu.memory_space<hbm>>
      tpu.enqueue_dma source(%dma_start3A_184 : memref<2048xi32, #tpu.memory_space<hbm>>) target(%arg9 : memref<2048xi32, #tpu.memory_space<vmem>>) target_semaphore(%run_scoped3A : memref<!tpu.dma_semaphore, #tpu.memory_space<semaphore_mem>>)
      %dma_wait3A = tpu.memref_slice %arg3[%mul3A_169] : memref<65536xi32, #tpu.memory_space<hbm>> -> memref<2048xi32, #tpu.memory_space<hbm>>
      %dma_wait3A_185 = tpu.memref_slice %arg3[%mul3A_169] : memref<65536xi32, #tpu.memory_space<hbm>> -> memref<2048xi32, #tpu.memory_space<hbm>>
      tpu.wait_dma2 semaphore(%run_scoped3A : memref<!tpu.dma_semaphore, #tpu.memory_space<semaphore_mem>>) src(%dma_wait3A_185 : memref<2048xi32, #tpu.memory_space<hbm>>) dst(%arg9 : memref<2048xi32, #tpu.memory_space<vmem>>)
      tpu.yield
    }) : () -> ()
    %scan3A_170 = arith.constant 0 : i32
    %scan3A_171 = arith.constant 0 : i32
    %scan3A_172 = arith.constant 128 : i32
    %scan3A_173 = arith.addi %scan3A_171, %scan3A_172 : i32
    %scan3A_174 = arith.constant 4 : i32
    %scan3A_175 = scf.for %scan3A_184 = %scan3A_171 to %scan3A_173 step %scan3A_174 iter_args(%scan3A_185 = %scan3A_170) -> (i32)  : i32 {
      %mul3A_186 = arith.constant 16 : i32
      %mul3A_187 = arith.muli %scan3A_184, %mul3A_186 : i32
      %get3A = arith.index_cast %mul3A_187 : i32 to index
      %get3A_188 = tpu.vector_load %arg8[%get3A] {strides = array<i32>} : memref<2048xi32, #tpu.memory_space<vmem>>, vector<16xi32>,
      %shift_right_logical3A = arith.constant 7 : i32
      %shift_right_logical3A_189 = vector.broadcast %shift_right_logical3A : i32 to vector<16xi32>
      %shift_right_logical3A_190 = arith.shrui %get3A_188, %shift_right_logical3A_189 : vector<16xi32>
      %and3A_191 = arith.constant 127 : i32
      %and3A_192 = vector.broadcast %and3A_191 : i32 to vector<16xi32>
      %and3A_193 = arith.andi %get3A_188, %and3A_192 : vector<16xi32>
      %iota3A = tpu.iota {dimensions = array<i32: 0>} : vector<16xi32>
      %mul3A_194 = arith.constant 16 : i32
      %mul3A_195 = arith.muli %scan3A_184, %mul3A_194 : i32
      %add3A_196 = arith.addi %mul3A_195, %mul3A_165 : i32
      %add3A_197 = vector.broadcast %add3A_196 : i32 to vector<16xi32>
      %add3A_198 = arith.addi %iota3A, %add3A_197 : vector<16xi32>
      tpu.vector_store_idx %arg10[%shift_right_logical3A_190, %and3A_193], %add3A_198 : memref<16x128xi32, #tpu.memory_space<vmem>>[vector<16xi32>, vector<16xi32>], vector<16xi32>,
      %mul3A_199 = arith.constant 16 : i32
      %mul3A_200 = arith.muli %scan3A_184, %mul3A_199 : i32
      %get3A_201 = arith.index_cast %mul3A_200 : i32 to index
      %get3A_202 = tpu.vector_load %arg9[%get3A_201] {strides = array<i32>} : memref<2048xi32, #tpu.memory_space<vmem>>, vector<16xi32>,
      tpu.vector_store_idx %arg11[%shift_right_logical3A_190, %and3A_193], %get3A_202 : memref<16x128xi32, #tpu.memory_space<vmem>>[vector<16xi32>, vector<16xi32>], vector<16xi32>,
      %scan3A_203 = arith.constant 0 : i32
      %scan3A_204 = arith.constant 1 : i32
      %scan3A_205 = arith.addi %scan3A_184, %scan3A_204 : i32
      %mul3A_206 = arith.constant 16 : i32
      %mul3A_207 = arith.muli %scan3A_205, %mul3A_206 : i32
      %get3A_208 = arith.index_cast %mul3A_207 : i32 to index
      %get3A_209 = tpu.vector_load %arg8[%get3A_208] {strides = array<i32>} : memref<2048xi32, #tpu.memory_space<vmem>>, vector<16xi32>,
      %shift_right_logical3A_210 = arith.constant 7 : i32
      %shift_right_logical3A_211 = vector.broadcast %shift_right_logical3A_210 : i32 to vector<16xi32>
      %shift_right_logical3A_212 = arith.shrui %get3A_209, %shift_right_logical3A_211 : vector<16xi32>
      %and3A_213 = arith.constant 127 : i32
      %and3A_214 = vector.broadcast %and3A_213 : i32 to vector<16xi32>
      %and3A_215 = arith.andi %get3A_209, %and3A_214 : vector<16xi32>
      %iota3A_216 = tpu.iota {dimensions = array<i32: 0>} : vector<16xi32>
      %mul3A_217 = arith.constant 16 : i32
      %mul3A_218 = arith.muli %scan3A_205, %mul3A_217 : i32
      %add3A_219 = arith.addi %mul3A_218, %mul3A_165 : i32
      %add3A_220 = vector.broadcast %add3A_219 : i32 to vector<16xi32>
      %add3A_221 = arith.addi %iota3A_216, %add3A_220 : vector<16xi32>
      tpu.vector_store_idx %arg10[%shift_right_logical3A_212, %and3A_215], %add3A_221 : memref<16x128xi32, #tpu.memory_space<vmem>>[vector<16xi32>, vector<16xi32>], vector<16xi32>,
      %mul3A_222 = arith.constant 16 : i32
      %mul3A_223 = arith.muli %scan3A_205, %mul3A_222 : i32
      %get3A_224 = arith.index_cast %mul3A_223 : i32 to index
      %get3A_225 = tpu.vector_load %arg9[%get3A_224] {strides = array<i32>} : memref<2048xi32, #tpu.memory_space<vmem>>, vector<16xi32>,
      tpu.vector_store_idx %arg11[%shift_right_logical3A_212, %and3A_215], %get3A_225 : memref<16x128xi32, #tpu.memory_space<vmem>>[vector<16xi32>, vector<16xi32>], vector<16xi32>,
      %scan3A_226 = arith.constant 0 : i32
      %scan3A_227 = arith.constant 2 : i32
      %scan3A_228 = arith.addi %scan3A_184, %scan3A_227 : i32
      %mul3A_229 = arith.constant 16 : i32
      %mul3A_230 = arith.muli %scan3A_228, %mul3A_229 : i32
      %get3A_231 = arith.index_cast %mul3A_230 : i32 to index
      %get3A_232 = tpu.vector_load %arg8[%get3A_231] {strides = array<i32>} : memref<2048xi32, #tpu.memory_space<vmem>>, vector<16xi32>,
      %shift_right_logical3A_233 = arith.constant 7 : i32
      %shift_right_logical3A_234 = vector.broadcast %shift_right_logical3A_233 : i32 to vector<16xi32>
      %shift_right_logical3A_235 = arith.shrui %get3A_232, %shift_right_logical3A_234 : vector<16xi32>
      %and3A_236 = arith.constant 127 : i32
      %and3A_237 = vector.broadcast %and3A_236 : i32 to vector<16xi32>
      %and3A_238 = arith.andi %get3A_232, %and3A_237 : vector<16xi32>
      %iota3A_239 = tpu.iota {dimensions = array<i32: 0>} : vector<16xi32>
      %mul3A_240 = arith.constant 16 : i32
      %mul3A_241 = arith.muli %scan3A_228, %mul3A_240 : i32
      %add3A_242 = arith.addi %mul3A_241, %mul3A_165 : i32
      %add3A_243 = vector.broadcast %add3A_242 : i32 to vector<16xi32>
      %add3A_244 = arith.addi %iota3A_239, %add3A_243 : vector<16xi32>
      tpu.vector_store_idx %arg10[%shift_right_logical3A_235, %and3A_238], %add3A_244 : memref<16x128xi32, #tpu.memory_space<vmem>>[vector<16xi32>, vector<16xi32>], vector<16xi32>,
      %mul3A_245 = arith.constant 16 : i32
      %mul3A_246 = arith.muli %scan3A_228, %mul3A_245 : i32
      %get3A_247 = arith.index_cast %mul3A_246 : i32 to index
      %get3A_248 = tpu.vector_load %arg9[%get3A_247] {strides = array<i32>} : memref<2048xi32, #tpu.memory_space<vmem>>, vector<16xi32>,
      tpu.vector_store_idx %arg11[%shift_right_logical3A_235, %and3A_238], %get3A_248 : memref<16x128xi32, #tpu.memory_space<vmem>>[vector<16xi32>, vector<16xi32>], vector<16xi32>,
      %scan3A_249 = arith.constant 0 : i32
      %scan3A_250 = arith.constant 3 : i32
      %scan3A_251 = arith.addi %scan3A_184, %scan3A_250 : i32
      %mul3A_252 = arith.constant 16 : i32
      %mul3A_253 = arith.muli %scan3A_251, %mul3A_252 : i32
      %get3A_254 = arith.index_cast %mul3A_253 : i32 to index
      %get3A_255 = tpu.vector_load %arg8[%get3A_254] {strides = array<i32>} : memref<2048xi32, #tpu.memory_space<vmem>>, vector<16xi32>,
      %shift_right_logical3A_256 = arith.constant 7 : i32
      %shift_right_logical3A_257 = vector.broadcast %shift_right_logical3A_256 : i32 to vector<16xi32>
      %shift_right_logical3A_258 = arith.shrui %get3A_255, %shift_right_logical3A_257 : vector<16xi32>
      %and3A_259 = arith.constant 127 : i32
      %and3A_260 = vector.broadcast %and3A_259 : i32 to vector<16xi32>
      %and3A_261 = arith.andi %get3A_255, %and3A_260 : vector<16xi32>
      %iota3A_262 = tpu.iota {dimensions = array<i32: 0>} : vector<16xi32>
      %mul3A_263 = arith.constant 16 : i32
      %mul3A_264 = arith.muli %scan3A_251, %mul3A_263 : i32
      %add3A_265 = arith.addi %mul3A_264, %mul3A_165 : i32
      %add3A_266 = vector.broadcast %add3A_265 : i32 to vector<16xi32>
      %add3A_267 = arith.addi %iota3A_262, %add3A_266 : vector<16xi32>
      tpu.vector_store_idx %arg10[%shift_right_logical3A_258, %and3A_261], %add3A_267 : memref<16x128xi32, #tpu.memory_space<vmem>>[vector<16xi32>, vector<16xi32>], vector<16xi32>,
      %mul3A_268 = arith.constant 16 : i32
      %mul3A_269 = arith.muli %scan3A_251, %mul3A_268 : i32
      %get3A_270 = arith.index_cast %mul3A_269 : i32 to index
      %get3A_271 = tpu.vector_load %arg9[%get3A_270] {strides = array<i32>} : memref<2048xi32, #tpu.memory_space<vmem>>, vector<16xi32>,
      tpu.vector_store_idx %arg11[%shift_right_logical3A_258, %and3A_261], %get3A_271 : memref<16x128xi32, #tpu.memory_space<vmem>>[vector<16xi32>, vector<16xi32>], vector<16xi32>,
      %scan3A_272 = arith.constant 0 : i32
      scf.yield %scan3A_272 : i32
    }
    %scan3A_176 = arith.constant 128 : i32
    "tpu.region"() ({
      %run_scoped3A = tpu.sem_alloc : memref<!tpu.dma_semaphore, #tpu.memory_space<semaphore_mem>>
      %dma_start3A = arith.constant 0 : i32
      %dma_start3A_184 = arith.constant 0 : i32
      %dma_start3A_185 = tpu.memref_slice %arg6[%add3A_139, %dma_start3A, %dma_start3A_184] : memref<128x16x128xi32, #tpu.memory_space<hbm>> -> memref<1x16x128xi32, #tpu.memory_space<hbm>>
      %dma_start3A_186 = tpu.memref_squeeze %dma_start3A_185 : memref<1x16x128xi32, #tpu.memory_space<hbm>> -> memref<16x128xi32, #tpu.memory_space<hbm>>
      %dma_start3A_187 = arith.constant 0 : i32
      %dma_start3A_188 = arith.constant 0 : i32
      %dma_start3A_189 = tpu.memref_slice %arg6[%add3A_139, %dma_start3A_187, %dma_start3A_188] : memref<128x16x128xi32, #tpu.memory_space<hbm>> -> memref<1x16x128xi32, #tpu.memory_space<hbm>>
      %dma_start3A_190 = tpu.memref_squeeze %dma_start3A_189 : memref<1x16x128xi32, #tpu.memory_space<hbm>> -> memref<16x128xi32, #tpu.memory_space<hbm>>
      tpu.enqueue_dma source(%arg10 : memref<16x128xi32, #tpu.memory_space<vmem>>) target(%dma_start3A_190 : memref<16x128xi32, #tpu.memory_space<hbm>>) target_semaphore(%run_scoped3A : memref<!tpu.dma_semaphore, #tpu.memory_space<semaphore_mem>>)
      %dma_wait3A = arith.constant 0 : i32
      %dma_wait3A_191 = arith.constant 0 : i32
      %dma_wait3A_192 = tpu.memref_slice %arg6[%add3A_139, %dma_wait3A, %dma_wait3A_191] : memref<128x16x128xi32, #tpu.memory_space<hbm>> -> memref<1x16x128xi32, #tpu.memory_space<hbm>>
      %dma_wait3A_193 = tpu.memref_squeeze %dma_wait3A_192 : memref<1x16x128xi32, #tpu.memory_space<hbm>> -> memref<16x128xi32, #tpu.memory_space<hbm>>
      %dma_wait3A_194 = arith.constant 0 : i32
      %dma_wait3A_195 = arith.constant 0 : i32
      %dma_wait3A_196 = tpu.memref_slice %arg6[%add3A_139, %dma_wait3A_194, %dma_wait3A_195] : memref<128x16x128xi32, #tpu.memory_space<hbm>> -> memref<1x16x128xi32, #tpu.memory_space<hbm>>
      %dma_wait3A_197 = tpu.memref_squeeze %dma_wait3A_196 : memref<1x16x128xi32, #tpu.memory_space<hbm>> -> memref<16x128xi32, #tpu.memory_space<hbm>>
      tpu.wait_dma2 semaphore(%run_scoped3A : memref<!tpu.dma_semaphore, #tpu.memory_space<semaphore_mem>>) src(%arg10 : memref<16x128xi32, #tpu.memory_space<vmem>>) dst(%dma_wait3A_197 : memref<16x128xi32, #tpu.memory_space<hbm>>)
      tpu.yield
    }) : () -> ()
    "tpu.region"() ({
      %run_scoped3A = tpu.sem_alloc : memref<!tpu.dma_semaphore, #tpu.memory_space<semaphore_mem>>
      %dma_start3A = arith.constant 0 : i32
      %dma_start3A_184 = arith.constant 0 : i32
      %dma_start3A_185 = tpu.memref_slice %arg7[%add3A_139, %dma_start3A, %dma_start3A_184] : memref<128x16x128xi32, #tpu.memory_space<hbm>> -> memref<1x16x128xi32, #tpu.memory_space<hbm>>
      %dma_start3A_186 = tpu.memref_squeeze %dma_start3A_185 : memref<1x16x128xi32, #tpu.memory_space<hbm>> -> memref<16x128xi32, #tpu.memory_space<hbm>>
      %dma_start3A_187 = arith.constant 0 : i32
      %dma_start3A_188 = arith.constant 0 : i32
      %dma_start3A_189 = tpu.memref_slice %arg7[%add3A_139, %dma_start3A_187, %dma_start3A_188] : memref<128x16x128xi32, #tpu.memory_space<hbm>> -> memref<1x16x128xi32, #tpu.memory_space<hbm>>
      %dma_start3A_190 = tpu.memref_squeeze %dma_start3A_189 : memref<1x16x128xi32, #tpu.memory_space<hbm>> -> memref<16x128xi32, #tpu.memory_space<hbm>>
      tpu.enqueue_dma source(%arg11 : memref<16x128xi32, #tpu.memory_space<vmem>>) target(%dma_start3A_190 : memref<16x128xi32, #tpu.memory_space<hbm>>) target_semaphore(%run_scoped3A : memref<!tpu.dma_semaphore, #tpu.memory_space<semaphore_mem>>)
      %dma_wait3A = arith.constant 0 : i32
      %dma_wait3A_191 = arith.constant 0 : i32
      %dma_wait3A_192 = tpu.memref_slice %arg7[%add3A_139, %dma_wait3A, %dma_wait3A_191] : memref<128x16x128xi32, #tpu.memory_space<hbm>> -> memref<1x16x128xi32, #tpu.memory_space<hbm>>
      %dma_wait3A_193 = tpu.memref_squeeze %dma_wait3A_192 : memref<1x16x128xi32, #tpu.memory_space<hbm>> -> memref<16x128xi32, #tpu.memory_space<hbm>>
      %dma_wait3A_194 = arith.constant 0 : i32
      %dma_wait3A_195 = arith.constant 0 : i32
      %dma_wait3A_196 = tpu.memref_slice %arg7[%add3A_139, %dma_wait3A_194, %dma_wait3A_195] : memref<128x16x128xi32, #tpu.memory_space<hbm>> -> memref<1x16x128xi32, #tpu.memory_space<hbm>>
      %dma_wait3A_197 = tpu.memref_squeeze %dma_wait3A_196 : memref<1x16x128xi32, #tpu.memory_space<hbm>> -> memref<16x128xi32, #tpu.memory_space<hbm>>
      tpu.wait_dma2 semaphore(%run_scoped3A : memref<!tpu.dma_semaphore, #tpu.memory_space<semaphore_mem>>) src(%arg11 : memref<16x128xi32, #tpu.memory_space<vmem>>) dst(%dma_wait3A_197 : memref<16x128xi32, #tpu.memory_space<hbm>>)
      tpu.yield
    }) : () -> ()
    %scan3A_177 = arith.constant 0 : i32
    %scan3A_178 = arith.constant 0 : i32
    %scan3A_179 = arith.constant 16 : i32
    %scan3A_180 = arith.addi %scan3A_178, %scan3A_179 : i32
    %scan3A_181 = arith.constant 1 : i32
    %scan3A_182 = scf.for %scan3A_184 = %scan3A_178 to %scan3A_180 step %scan3A_181 iter_args(%scan3A_185 = %scan3A_177) -> (i32)  : i32 {
      %dma_start3A = arith.constant 0 : i32
      %dma_start3A_186 = tpu.memref_slice %arg10[%scan3A_184, %dma_start3A] : memref<16x128xi32, #tpu.memory_space<vmem>> -> memref<1x128xi32, #tpu.memory_space<vmem>>
      %dma_start3A_187 = tpu.memref_squeeze %dma_start3A_186 : memref<1x128xi32, #tpu.memory_space<vmem>> -> memref<128xi32, #tpu.memory_space<vmem>>
      %dma_start3A_188 = arith.constant 0 : i32
      %dma_start3A_189 = arith.constant 0 : i32
      %dma_start3A_190 = tpu.memref_slice %arg4[%dma_start3A_188, %dma_start3A_189] : memref<65536x128xf32, #tpu.memory_space<hbm>> -> memref<65536x128xf32, #tpu.memory_space<hbm>>
      tpu.enqueue_indirect_dma source(%dma_start3A_190 : memref<65536x128xf32, #tpu.memory_space<hbm>>) target(%arg12 : memref<128x128xf32, #tpu.memory_space<vmem>>) offsets(%dma_start3A_187 : memref<128xi32, #tpu.memory_space<vmem>>) semaphore(%arg13 : memref<!tpu.dma_semaphore, #tpu.memory_space<semaphore_mem>>)
      %dma_wait3A = arith.constant 0 : i32
      %dma_wait3A_191 = tpu.memref_slice %arg10[%scan3A_184, %dma_wait3A] : memref<16x128xi32, #tpu.memory_space<vmem>> -> memref<1x128xi32, #tpu.memory_space<vmem>>
      %dma_wait3A_192 = tpu.memref_squeeze %dma_wait3A_191 : memref<1x128xi32, #tpu.memory_space<vmem>> -> memref<128xi32, #tpu.memory_space<vmem>>
      %dma_wait3A_193 = arith.constant 0 : i32
      %dma_wait3A_194 = arith.constant 0 : i32
      %dma_wait3A_195 = tpu.memref_slice %arg4[%dma_wait3A_193, %dma_wait3A_194] : memref<65536x128xf32, #tpu.memory_space<hbm>> -> memref<65536x128xf32, #tpu.memory_space<hbm>>
      tpu.wait_indirect_dma semaphore(%arg13 : memref<!tpu.dma_semaphore, #tpu.memory_space<semaphore_mem>>) src(%dma_wait3A_195 : memref<65536x128xf32, #tpu.memory_space<hbm>>) dst(%arg12 : memref<128x128xf32, #tpu.memory_space<vmem>>)
      %mul3A_196 = arith.constant 2048 : i32
      %mul3A_197 = arith.muli %add3A_139, %mul3A_196 : i32
      %mul3A_198 = arith.constant 128 : i32
      %mul3A_199 = arith.muli %scan3A_184, %mul3A_198 : i32
      %add3A_200 = arith.addi %mul3A_197, %mul3A_199 : i32
      "tpu.region"() ({
        %run_scoped3A = tpu.sem_alloc : memref<!tpu.dma_semaphore, #tpu.memory_space<semaphore_mem>>
        %dma_start3A_202 = arith.constant 0 : i32
        %dma_start3A_203 = tpu.memref_slice %arg5[%add3A_200, %dma_start3A_202] : memref<262144x128xf32, #tpu.memory_space<hbm>> -> memref<128x128xf32, #tpu.memory_space<hbm>>
        %dma_start3A_204 = arith.constant 0 : i32
        %dma_start3A_205 = tpu.memref_slice %arg5[%add3A_200, %dma_start3A_204] : memref<262144x128xf32, #tpu.memory_space<hbm>> -> memref<128x128xf32, #tpu.memory_space<hbm>>
        tpu.enqueue_dma source(%arg12 : memref<128x128xf32, #tpu.memory_space<vmem>>) target(%dma_start3A_205 : memref<128x128xf32, #tpu.memory_space<hbm>>) target_semaphore(%run_scoped3A : memref<!tpu.dma_semaphore, #tpu.memory_space<semaphore_mem>>)
        %dma_wait3A_206 = arith.constant 0 : i32
        %dma_wait3A_207 = tpu.memref_slice %arg5[%add3A_200, %dma_wait3A_206] : memref<262144x128xf32, #tpu.memory_space<hbm>> -> memref<128x128xf32, #tpu.memory_space<hbm>>
        %dma_wait3A_208 = arith.constant 0 : i32
        %dma_wait3A_209 = tpu.memref_slice %arg5[%add3A_200, %dma_wait3A_208] : memref<262144x128xf32, #tpu.memory_space<hbm>> -> memref<128x128xf32, #tpu.memory_space<hbm>>
        tpu.wait_dma2 semaphore(%run_scoped3A : memref<!tpu.dma_semaphore, #tpu.memory_space<semaphore_mem>>) src(%arg12 : memref<128x128xf32, #tpu.memory_space<vmem>>) dst(%dma_wait3A_209 : memref<128x128xf32, #tpu.memory_space<hbm>>)
        tpu.yield
      }) : () -> ()
      %scan3A_201 = arith.constant 0 : i32
      scf.yield %scan3A_201 : i32
    }
    %scan3A_183 = arith.constant 16 : i32
    return
  }
}

#map = affine_map<(d0, d1) -> (0)>
#map1 = affine_map<(d0, d1) -> (0, 0)>
module attributes {stable_mosaic.version = 14 : i64} {
  func.func @body(%arg0: i32, %arg1: i32, %arg2: memref<262144xi32, #tpu.memory_space<hbm>>, %arg3: memref<262144x128xf32, #tpu.memory_space<hbm>>, %arg4: memref<262144x128xf32, #tpu.memory_space<hbm>>, %arg5: memref<2048xi32, #tpu.memory_space<vmem>>, %arg6: memref<128x128xf32, #tpu.memory_space<vmem>>, %arg7: memref<!tpu.dma_semaphore, #tpu.memory_space<semaphore_mem>>) attributes {dimension_semantics = [#tpu.dimension_semantics<core_parallel>, #tpu.dimension_semantics<subcore_parallel>], iteration_bounds = array<i64: 2, 16>, scalar_prefetch = 0 : i64, scratch_operands = 3 : i64, tpu.core_type = #tpu.core_type<sc_vector_subcore>, window_params = [{transform_indices = #map}, {transform_indices = #map1}, {transform_indices = #map1}]} {
    %mul3A = arith.constant 2 : i32
    %mul3A_0 = arith.muli %arg1, %mul3A : i32
    %add3A = arith.addi %mul3A_0, %arg0 : i32
    %mul3A_1 = arith.constant 4 : i32
    %mul3A_2 = arith.muli %add3A, %mul3A_1 : i32
    %add3A_3 = arith.constant 0 : i32
    %add3A_4 = arith.addi %mul3A_2, %add3A_3 : i32
    %mul3A_5 = arith.constant 2048 : i32
    %mul3A_6 = arith.muli %add3A_4, %mul3A_5 : i32
    "tpu.region"() ({
      %run_scoped3A = tpu.sem_alloc : memref<!tpu.dma_semaphore, #tpu.memory_space<semaphore_mem>>
      %dma_start3A = tpu.memref_slice %arg2[%mul3A_6] : memref<262144xi32, #tpu.memory_space<hbm>> -> memref<2048xi32, #tpu.memory_space<hbm>>
      %dma_start3A_52 = tpu.memref_slice %arg2[%mul3A_6] : memref<262144xi32, #tpu.memory_space<hbm>> -> memref<2048xi32, #tpu.memory_space<hbm>>
      tpu.enqueue_dma source(%dma_start3A_52 : memref<2048xi32, #tpu.memory_space<hbm>>) target(%arg5 : memref<2048xi32, #tpu.memory_space<vmem>>) target_semaphore(%run_scoped3A : memref<!tpu.dma_semaphore, #tpu.memory_space<semaphore_mem>>)
      %dma_wait3A = tpu.memref_slice %arg2[%mul3A_6] : memref<262144xi32, #tpu.memory_space<hbm>> -> memref<2048xi32, #tpu.memory_space<hbm>>
      %dma_wait3A_53 = tpu.memref_slice %arg2[%mul3A_6] : memref<262144xi32, #tpu.memory_space<hbm>> -> memref<2048xi32, #tpu.memory_space<hbm>>
      tpu.wait_dma2 semaphore(%run_scoped3A : memref<!tpu.dma_semaphore, #tpu.memory_space<semaphore_mem>>) src(%dma_wait3A_53 : memref<2048xi32, #tpu.memory_space<hbm>>) dst(%arg5 : memref<2048xi32, #tpu.memory_space<vmem>>)
      tpu.yield
    }) : () -> ()
    %scan3A = arith.constant 0 : i32
    %scan3A_7 = arith.constant 0 : i32
    %scan3A_8 = arith.constant 16 : i32
    %scan3A_9 = arith.addi %scan3A_7, %scan3A_8 : i32
    %scan3A_10 = arith.constant 1 : i32
    %scan3A_11 = scf.for %scan3A_52 = %scan3A_7 to %scan3A_9 step %scan3A_10 iter_args(%scan3A_53 = %scan3A) -> (i32)  : i32 {
      %mul3A_54 = arith.constant 128 : i32
      %mul3A_55 = arith.muli %scan3A_52, %mul3A_54 : i32
      %dma_start3A = tpu.memref_slice %arg5[%mul3A_55] : memref<2048xi32, #tpu.memory_space<vmem>> -> memref<128xi32, #tpu.memory_space<vmem>>
      %dma_start3A_56 = arith.constant 0 : i32
      %dma_start3A_57 = arith.constant 0 : i32
      %dma_start3A_58 = tpu.memref_slice %arg3[%dma_start3A_56, %dma_start3A_57] : memref<262144x128xf32, #tpu.memory_space<hbm>> -> memref<262144x128xf32, #tpu.memory_space<hbm>>
      tpu.enqueue_indirect_dma source(%dma_start3A_58 : memref<262144x128xf32, #tpu.memory_space<hbm>>) target(%arg6 : memref<128x128xf32, #tpu.memory_space<vmem>>) offsets(%dma_start3A : memref<128xi32, #tpu.memory_space<vmem>>) semaphore(%arg7 : memref<!tpu.dma_semaphore, #tpu.memory_space<semaphore_mem>>)
      %dma_wait3A = tpu.memref_slice %arg5[%mul3A_55] : memref<2048xi32, #tpu.memory_space<vmem>> -> memref<128xi32, #tpu.memory_space<vmem>>
      %dma_wait3A_59 = arith.constant 0 : i32
      %dma_wait3A_60 = arith.constant 0 : i32
      %dma_wait3A_61 = tpu.memref_slice %arg3[%dma_wait3A_59, %dma_wait3A_60] : memref<262144x128xf32, #tpu.memory_space<hbm>> -> memref<262144x128xf32, #tpu.memory_space<hbm>>
      tpu.wait_indirect_dma semaphore(%arg7 : memref<!tpu.dma_semaphore, #tpu.memory_space<semaphore_mem>>) src(%dma_wait3A_61 : memref<262144x128xf32, #tpu.memory_space<hbm>>) dst(%arg6 : memref<128x128xf32, #tpu.memory_space<vmem>>)
      %mul3A_62 = arith.constant 2048 : i32
      %mul3A_63 = arith.muli %add3A_4, %mul3A_62 : i32
      %mul3A_64 = arith.constant 128 : i32
      %mul3A_65 = arith.muli %scan3A_52, %mul3A_64 : i32
      %add3A_66 = arith.addi %mul3A_63, %mul3A_65 : i32
      "tpu.region"() ({
        %run_scoped3A = tpu.sem_alloc : memref<!tpu.dma_semaphore, #tpu.memory_space<semaphore_mem>>
        %dma_start3A_68 = arith.constant 0 : i32
        %dma_start3A_69 = tpu.memref_slice %arg4[%add3A_66, %dma_start3A_68] : memref<262144x128xf32, #tpu.memory_space<hbm>> -> memref<128x128xf32, #tpu.memory_space<hbm>>
        %dma_start3A_70 = arith.constant 0 : i32
        %dma_start3A_71 = tpu.memref_slice %arg4[%add3A_66, %dma_start3A_70] : memref<262144x128xf32, #tpu.memory_space<hbm>> -> memref<128x128xf32, #tpu.memory_space<hbm>>
        tpu.enqueue_dma source(%arg6 : memref<128x128xf32, #tpu.memory_space<vmem>>) target(%dma_start3A_71 : memref<128x128xf32, #tpu.memory_space<hbm>>) target_semaphore(%run_scoped3A : memref<!tpu.dma_semaphore, #tpu.memory_space<semaphore_mem>>)
        %dma_wait3A_72 = arith.constant 0 : i32
        %dma_wait3A_73 = tpu.memref_slice %arg4[%add3A_66, %dma_wait3A_72] : memref<262144x128xf32, #tpu.memory_space<hbm>> -> memref<128x128xf32, #tpu.memory_space<hbm>>
        %dma_wait3A_74 = arith.constant 0 : i32
        %dma_wait3A_75 = tpu.memref_slice %arg4[%add3A_66, %dma_wait3A_74] : memref<262144x128xf32, #tpu.memory_space<hbm>> -> memref<128x128xf32, #tpu.memory_space<hbm>>
        tpu.wait_dma2 semaphore(%run_scoped3A : memref<!tpu.dma_semaphore, #tpu.memory_space<semaphore_mem>>) src(%arg6 : memref<128x128xf32, #tpu.memory_space<vmem>>) dst(%dma_wait3A_75 : memref<128x128xf32, #tpu.memory_space<hbm>>)
        tpu.yield
      }) : () -> ()
      %scan3A_67 = arith.constant 0 : i32
      scf.yield %scan3A_67 : i32
    }
    %scan3A_12 = arith.constant 16 : i32
    %mul3A_13 = arith.constant 4 : i32
    %mul3A_14 = arith.muli %add3A, %mul3A_13 : i32
    %add3A_15 = arith.constant 1 : i32
    %add3A_16 = arith.addi %mul3A_14, %add3A_15 : i32
    %mul3A_17 = arith.constant 2048 : i32
    %mul3A_18 = arith.muli %add3A_16, %mul3A_17 : i32
    "tpu.region"() ({
      %run_scoped3A = tpu.sem_alloc : memref<!tpu.dma_semaphore, #tpu.memory_space<semaphore_mem>>
      %dma_start3A = tpu.memref_slice %arg2[%mul3A_18] : memref<262144xi32, #tpu.memory_space<hbm>> -> memref<2048xi32, #tpu.memory_space<hbm>>
      %dma_start3A_52 = tpu.memref_slice %arg2[%mul3A_18] : memref<262144xi32, #tpu.memory_space<hbm>> -> memref<2048xi32, #tpu.memory_space<hbm>>
      tpu.enqueue_dma source(%dma_start3A_52 : memref<2048xi32, #tpu.memory_space<hbm>>) target(%arg5 : memref<2048xi32, #tpu.memory_space<vmem>>) target_semaphore(%run_scoped3A : memref<!tpu.dma_semaphore, #tpu.memory_space<semaphore_mem>>)
      %dma_wait3A = tpu.memref_slice %arg2[%mul3A_18] : memref<262144xi32, #tpu.memory_space<hbm>> -> memref<2048xi32, #tpu.memory_space<hbm>>
      %dma_wait3A_53 = tpu.memref_slice %arg2[%mul3A_18] : memref<262144xi32, #tpu.memory_space<hbm>> -> memref<2048xi32, #tpu.memory_space<hbm>>
      tpu.wait_dma2 semaphore(%run_scoped3A : memref<!tpu.dma_semaphore, #tpu.memory_space<semaphore_mem>>) src(%dma_wait3A_53 : memref<2048xi32, #tpu.memory_space<hbm>>) dst(%arg5 : memref<2048xi32, #tpu.memory_space<vmem>>)
      tpu.yield
    }) : () -> ()
    %scan3A_19 = arith.constant 0 : i32
    %scan3A_20 = arith.constant 0 : i32
    %scan3A_21 = arith.constant 16 : i32
    %scan3A_22 = arith.addi %scan3A_20, %scan3A_21 : i32
    %scan3A_23 = arith.constant 1 : i32
    %scan3A_24 = scf.for %scan3A_52 = %scan3A_20 to %scan3A_22 step %scan3A_23 iter_args(%scan3A_53 = %scan3A_19) -> (i32)  : i32 {
      %mul3A_54 = arith.constant 128 : i32
      %mul3A_55 = arith.muli %scan3A_52, %mul3A_54 : i32
      %dma_start3A = tpu.memref_slice %arg5[%mul3A_55] : memref<2048xi32, #tpu.memory_space<vmem>> -> memref<128xi32, #tpu.memory_space<vmem>>
      %dma_start3A_56 = arith.constant 0 : i32
      %dma_start3A_57 = arith.constant 0 : i32
      %dma_start3A_58 = tpu.memref_slice %arg3[%dma_start3A_56, %dma_start3A_57] : memref<262144x128xf32, #tpu.memory_space<hbm>> -> memref<262144x128xf32, #tpu.memory_space<hbm>>
      tpu.enqueue_indirect_dma source(%dma_start3A_58 : memref<262144x128xf32, #tpu.memory_space<hbm>>) target(%arg6 : memref<128x128xf32, #tpu.memory_space<vmem>>) offsets(%dma_start3A : memref<128xi32, #tpu.memory_space<vmem>>) semaphore(%arg7 : memref<!tpu.dma_semaphore, #tpu.memory_space<semaphore_mem>>)
      %dma_wait3A = tpu.memref_slice %arg5[%mul3A_55] : memref<2048xi32, #tpu.memory_space<vmem>> -> memref<128xi32, #tpu.memory_space<vmem>>
      %dma_wait3A_59 = arith.constant 0 : i32
      %dma_wait3A_60 = arith.constant 0 : i32
      %dma_wait3A_61 = tpu.memref_slice %arg3[%dma_wait3A_59, %dma_wait3A_60] : memref<262144x128xf32, #tpu.memory_space<hbm>> -> memref<262144x128xf32, #tpu.memory_space<hbm>>
      tpu.wait_indirect_dma semaphore(%arg7 : memref<!tpu.dma_semaphore, #tpu.memory_space<semaphore_mem>>) src(%dma_wait3A_61 : memref<262144x128xf32, #tpu.memory_space<hbm>>) dst(%arg6 : memref<128x128xf32, #tpu.memory_space<vmem>>)
      %mul3A_62 = arith.constant 2048 : i32
      %mul3A_63 = arith.muli %add3A_16, %mul3A_62 : i32
      %mul3A_64 = arith.constant 128 : i32
      %mul3A_65 = arith.muli %scan3A_52, %mul3A_64 : i32
      %add3A_66 = arith.addi %mul3A_63, %mul3A_65 : i32
      "tpu.region"() ({
        %run_scoped3A = tpu.sem_alloc : memref<!tpu.dma_semaphore, #tpu.memory_space<semaphore_mem>>
        %dma_start3A_68 = arith.constant 0 : i32
        %dma_start3A_69 = tpu.memref_slice %arg4[%add3A_66, %dma_start3A_68] : memref<262144x128xf32, #tpu.memory_space<hbm>> -> memref<128x128xf32, #tpu.memory_space<hbm>>
        %dma_start3A_70 = arith.constant 0 : i32
        %dma_start3A_71 = tpu.memref_slice %arg4[%add3A_66, %dma_start3A_70] : memref<262144x128xf32, #tpu.memory_space<hbm>> -> memref<128x128xf32, #tpu.memory_space<hbm>>
        tpu.enqueue_dma source(%arg6 : memref<128x128xf32, #tpu.memory_space<vmem>>) target(%dma_start3A_71 : memref<128x128xf32, #tpu.memory_space<hbm>>) target_semaphore(%run_scoped3A : memref<!tpu.dma_semaphore, #tpu.memory_space<semaphore_mem>>)
        %dma_wait3A_72 = arith.constant 0 : i32
        %dma_wait3A_73 = tpu.memref_slice %arg4[%add3A_66, %dma_wait3A_72] : memref<262144x128xf32, #tpu.memory_space<hbm>> -> memref<128x128xf32, #tpu.memory_space<hbm>>
        %dma_wait3A_74 = arith.constant 0 : i32
        %dma_wait3A_75 = tpu.memref_slice %arg4[%add3A_66, %dma_wait3A_74] : memref<262144x128xf32, #tpu.memory_space<hbm>> -> memref<128x128xf32, #tpu.memory_space<hbm>>
        tpu.wait_dma2 semaphore(%run_scoped3A : memref<!tpu.dma_semaphore, #tpu.memory_space<semaphore_mem>>) src(%arg6 : memref<128x128xf32, #tpu.memory_space<vmem>>) dst(%dma_wait3A_75 : memref<128x128xf32, #tpu.memory_space<hbm>>)
        tpu.yield
      }) : () -> ()
      %scan3A_67 = arith.constant 0 : i32
      scf.yield %scan3A_67 : i32
    }
    %scan3A_25 = arith.constant 16 : i32
    %mul3A_26 = arith.constant 4 : i32
    %mul3A_27 = arith.muli %add3A, %mul3A_26 : i32
    %add3A_28 = arith.constant 2 : i32
    %add3A_29 = arith.addi %mul3A_27, %add3A_28 : i32
    %mul3A_30 = arith.constant 2048 : i32
    %mul3A_31 = arith.muli %add3A_29, %mul3A_30 : i32
    "tpu.region"() ({
      %run_scoped3A = tpu.sem_alloc : memref<!tpu.dma_semaphore, #tpu.memory_space<semaphore_mem>>
      %dma_start3A = tpu.memref_slice %arg2[%mul3A_31] : memref<262144xi32, #tpu.memory_space<hbm>> -> memref<2048xi32, #tpu.memory_space<hbm>>
      %dma_start3A_52 = tpu.memref_slice %arg2[%mul3A_31] : memref<262144xi32, #tpu.memory_space<hbm>> -> memref<2048xi32, #tpu.memory_space<hbm>>
      tpu.enqueue_dma source(%dma_start3A_52 : memref<2048xi32, #tpu.memory_space<hbm>>) target(%arg5 : memref<2048xi32, #tpu.memory_space<vmem>>) target_semaphore(%run_scoped3A : memref<!tpu.dma_semaphore, #tpu.memory_space<semaphore_mem>>)
      %dma_wait3A = tpu.memref_slice %arg2[%mul3A_31] : memref<262144xi32, #tpu.memory_space<hbm>> -> memref<2048xi32, #tpu.memory_space<hbm>>
      %dma_wait3A_53 = tpu.memref_slice %arg2[%mul3A_31] : memref<262144xi32, #tpu.memory_space<hbm>> -> memref<2048xi32, #tpu.memory_space<hbm>>
      tpu.wait_dma2 semaphore(%run_scoped3A : memref<!tpu.dma_semaphore, #tpu.memory_space<semaphore_mem>>) src(%dma_wait3A_53 : memref<2048xi32, #tpu.memory_space<hbm>>) dst(%arg5 : memref<2048xi32, #tpu.memory_space<vmem>>)
      tpu.yield
    }) : () -> ()
    %scan3A_32 = arith.constant 0 : i32
    %scan3A_33 = arith.constant 0 : i32
    %scan3A_34 = arith.constant 16 : i32
    %scan3A_35 = arith.addi %scan3A_33, %scan3A_34 : i32
    %scan3A_36 = arith.constant 1 : i32
    %scan3A_37 = scf.for %scan3A_52 = %scan3A_33 to %scan3A_35 step %scan3A_36 iter_args(%scan3A_53 = %scan3A_32) -> (i32)  : i32 {
      %mul3A_54 = arith.constant 128 : i32
      %mul3A_55 = arith.muli %scan3A_52, %mul3A_54 : i32
      %dma_start3A = tpu.memref_slice %arg5[%mul3A_55] : memref<2048xi32, #tpu.memory_space<vmem>> -> memref<128xi32, #tpu.memory_space<vmem>>
      %dma_start3A_56 = arith.constant 0 : i32
      %dma_start3A_57 = arith.constant 0 : i32
      %dma_start3A_58 = tpu.memref_slice %arg3[%dma_start3A_56, %dma_start3A_57] : memref<262144x128xf32, #tpu.memory_space<hbm>> -> memref<262144x128xf32, #tpu.memory_space<hbm>>
      tpu.enqueue_indirect_dma source(%dma_start3A_58 : memref<262144x128xf32, #tpu.memory_space<hbm>>) target(%arg6 : memref<128x128xf32, #tpu.memory_space<vmem>>) offsets(%dma_start3A : memref<128xi32, #tpu.memory_space<vmem>>) semaphore(%arg7 : memref<!tpu.dma_semaphore, #tpu.memory_space<semaphore_mem>>)
      %dma_wait3A = tpu.memref_slice %arg5[%mul3A_55] : memref<2048xi32, #tpu.memory_space<vmem>> -> memref<128xi32, #tpu.memory_space<vmem>>
      %dma_wait3A_59 = arith.constant 0 : i32
      %dma_wait3A_60 = arith.constant 0 : i32
      %dma_wait3A_61 = tpu.memref_slice %arg3[%dma_wait3A_59, %dma_wait3A_60] : memref<262144x128xf32, #tpu.memory_space<hbm>> -> memref<262144x128xf32, #tpu.memory_space<hbm>>
      tpu.wait_indirect_dma semaphore(%arg7 : memref<!tpu.dma_semaphore, #tpu.memory_space<semaphore_mem>>) src(%dma_wait3A_61 : memref<262144x128xf32, #tpu.memory_space<hbm>>) dst(%arg6 : memref<128x128xf32, #tpu.memory_space<vmem>>)
      %mul3A_62 = arith.constant 2048 : i32
      %mul3A_63 = arith.muli %add3A_29, %mul3A_62 : i32
      %mul3A_64 = arith.constant 128 : i32
      %mul3A_65 = arith.muli %scan3A_52, %mul3A_64 : i32
      %add3A_66 = arith.addi %mul3A_63, %mul3A_65 : i32
      "tpu.region"() ({
        %run_scoped3A = tpu.sem_alloc : memref<!tpu.dma_semaphore, #tpu.memory_space<semaphore_mem>>
        %dma_start3A_68 = arith.constant 0 : i32
        %dma_start3A_69 = tpu.memref_slice %arg4[%add3A_66, %dma_start3A_68] : memref<262144x128xf32, #tpu.memory_space<hbm>> -> memref<128x128xf32, #tpu.memory_space<hbm>>
        %dma_start3A_70 = arith.constant 0 : i32
        %dma_start3A_71 = tpu.memref_slice %arg4[%add3A_66, %dma_start3A_70] : memref<262144x128xf32, #tpu.memory_space<hbm>> -> memref<128x128xf32, #tpu.memory_space<hbm>>
        tpu.enqueue_dma source(%arg6 : memref<128x128xf32, #tpu.memory_space<vmem>>) target(%dma_start3A_71 : memref<128x128xf32, #tpu.memory_space<hbm>>) target_semaphore(%run_scoped3A : memref<!tpu.dma_semaphore, #tpu.memory_space<semaphore_mem>>)
        %dma_wait3A_72 = arith.constant 0 : i32
        %dma_wait3A_73 = tpu.memref_slice %arg4[%add3A_66, %dma_wait3A_72] : memref<262144x128xf32, #tpu.memory_space<hbm>> -> memref<128x128xf32, #tpu.memory_space<hbm>>
        %dma_wait3A_74 = arith.constant 0 : i32
        %dma_wait3A_75 = tpu.memref_slice %arg4[%add3A_66, %dma_wait3A_74] : memref<262144x128xf32, #tpu.memory_space<hbm>> -> memref<128x128xf32, #tpu.memory_space<hbm>>
        tpu.wait_dma2 semaphore(%run_scoped3A : memref<!tpu.dma_semaphore, #tpu.memory_space<semaphore_mem>>) src(%arg6 : memref<128x128xf32, #tpu.memory_space<vmem>>) dst(%dma_wait3A_75 : memref<128x128xf32, #tpu.memory_space<hbm>>)
        tpu.yield
      }) : () -> ()
      %scan3A_67 = arith.constant 0 : i32
      scf.yield %scan3A_67 : i32
    }
    %scan3A_38 = arith.constant 16 : i32
    %mul3A_39 = arith.constant 4 : i32
    %mul3A_40 = arith.muli %add3A, %mul3A_39 : i32
    %add3A_41 = arith.constant 3 : i32
    %add3A_42 = arith.addi %mul3A_40, %add3A_41 : i32
    %mul3A_43 = arith.constant 2048 : i32
    %mul3A_44 = arith.muli %add3A_42, %mul3A_43 : i32
    "tpu.region"() ({
      %run_scoped3A = tpu.sem_alloc : memref<!tpu.dma_semaphore, #tpu.memory_space<semaphore_mem>>
      %dma_start3A = tpu.memref_slice %arg2[%mul3A_44] : memref<262144xi32, #tpu.memory_space<hbm>> -> memref<2048xi32, #tpu.memory_space<hbm>>
      %dma_start3A_52 = tpu.memref_slice %arg2[%mul3A_44] : memref<262144xi32, #tpu.memory_space<hbm>> -> memref<2048xi32, #tpu.memory_space<hbm>>
      tpu.enqueue_dma source(%dma_start3A_52 : memref<2048xi32, #tpu.memory_space<hbm>>) target(%arg5 : memref<2048xi32, #tpu.memory_space<vmem>>) target_semaphore(%run_scoped3A : memref<!tpu.dma_semaphore, #tpu.memory_space<semaphore_mem>>)
      %dma_wait3A = tpu.memref_slice %arg2[%mul3A_44] : memref<262144xi32, #tpu.memory_space<hbm>> -> memref<2048xi32, #tpu.memory_space<hbm>>
      %dma_wait3A_53 = tpu.memref_slice %arg2[%mul3A_44] : memref<262144xi32, #tpu.memory_space<hbm>> -> memref<2048xi32, #tpu.memory_space<hbm>>
      tpu.wait_dma2 semaphore(%run_scoped3A : memref<!tpu.dma_semaphore, #tpu.memory_space<semaphore_mem>>) src(%dma_wait3A_53 : memref<2048xi32, #tpu.memory_space<hbm>>) dst(%arg5 : memref<2048xi32, #tpu.memory_space<vmem>>)
      tpu.yield
    }) : () -> ()
    %scan3A_45 = arith.constant 0 : i32
    %scan3A_46 = arith.constant 0 : i32
    %scan3A_47 = arith.constant 16 : i32
    %scan3A_48 = arith.addi %scan3A_46, %scan3A_47 : i32
    %scan3A_49 = arith.constant 1 : i32
    %scan3A_50 = scf.for %scan3A_52 = %scan3A_46 to %scan3A_48 step %scan3A_49 iter_args(%scan3A_53 = %scan3A_45) -> (i32)  : i32 {
      %mul3A_54 = arith.constant 128 : i32
      %mul3A_55 = arith.muli %scan3A_52, %mul3A_54 : i32
      %dma_start3A = tpu.memref_slice %arg5[%mul3A_55] : memref<2048xi32, #tpu.memory_space<vmem>> -> memref<128xi32, #tpu.memory_space<vmem>>
      %dma_start3A_56 = arith.constant 0 : i32
      %dma_start3A_57 = arith.constant 0 : i32
      %dma_start3A_58 = tpu.memref_slice %arg3[%dma_start3A_56, %dma_start3A_57] : memref<262144x128xf32, #tpu.memory_space<hbm>> -> memref<262144x128xf32, #tpu.memory_space<hbm>>
      tpu.enqueue_indirect_dma source(%dma_start3A_58 : memref<262144x128xf32, #tpu.memory_space<hbm>>) target(%arg6 : memref<128x128xf32, #tpu.memory_space<vmem>>) offsets(%dma_start3A : memref<128xi32, #tpu.memory_space<vmem>>) semaphore(%arg7 : memref<!tpu.dma_semaphore, #tpu.memory_space<semaphore_mem>>)
      %dma_wait3A = tpu.memref_slice %arg5[%mul3A_55] : memref<2048xi32, #tpu.memory_space<vmem>> -> memref<128xi32, #tpu.memory_space<vmem>>
      %dma_wait3A_59 = arith.constant 0 : i32
      %dma_wait3A_60 = arith.constant 0 : i32
      %dma_wait3A_61 = tpu.memref_slice %arg3[%dma_wait3A_59, %dma_wait3A_60] : memref<262144x128xf32, #tpu.memory_space<hbm>> -> memref<262144x128xf32, #tpu.memory_space<hbm>>
      tpu.wait_indirect_dma semaphore(%arg7 : memref<!tpu.dma_semaphore, #tpu.memory_space<semaphore_mem>>) src(%dma_wait3A_61 : memref<262144x128xf32, #tpu.memory_space<hbm>>) dst(%arg6 : memref<128x128xf32, #tpu.memory_space<vmem>>)
      %mul3A_62 = arith.constant 2048 : i32
      %mul3A_63 = arith.muli %add3A_42, %mul3A_62 : i32
      %mul3A_64 = arith.constant 128 : i32
      %mul3A_65 = arith.muli %scan3A_52, %mul3A_64 : i32
      %add3A_66 = arith.addi %mul3A_63, %mul3A_65 : i32
      "tpu.region"() ({
        %run_scoped3A = tpu.sem_alloc : memref<!tpu.dma_semaphore, #tpu.memory_space<semaphore_mem>>
        %dma_start3A_68 = arith.constant 0 : i32
        %dma_start3A_69 = tpu.memref_slice %arg4[%add3A_66, %dma_start3A_68] : memref<262144x128xf32, #tpu.memory_space<hbm>> -> memref<128x128xf32, #tpu.memory_space<hbm>>
        %dma_start3A_70 = arith.constant 0 : i32
        %dma_start3A_71 = tpu.memref_slice %arg4[%add3A_66, %dma_start3A_70] : memref<262144x128xf32, #tpu.memory_space<hbm>> -> memref<128x128xf32, #tpu.memory_space<hbm>>
        tpu.enqueue_dma source(%arg6 : memref<128x128xf32, #tpu.memory_space<vmem>>) target(%dma_start3A_71 : memref<128x128xf32, #tpu.memory_space<hbm>>) target_semaphore(%run_scoped3A : memref<!tpu.dma_semaphore, #tpu.memory_space<semaphore_mem>>)
        %dma_wait3A_72 = arith.constant 0 : i32
        %dma_wait3A_73 = tpu.memref_slice %arg4[%add3A_66, %dma_wait3A_72] : memref<262144x128xf32, #tpu.memory_space<hbm>> -> memref<128x128xf32, #tpu.memory_space<hbm>>
        %dma_wait3A_74 = arith.constant 0 : i32
        %dma_wait3A_75 = tpu.memref_slice %arg4[%add3A_66, %dma_wait3A_74] : memref<262144x128xf32, #tpu.memory_space<hbm>> -> memref<128x128xf32, #tpu.memory_space<hbm>>
        tpu.wait_dma2 semaphore(%run_scoped3A : memref<!tpu.dma_semaphore, #tpu.memory_space<semaphore_mem>>) src(%arg6 : memref<128x128xf32, #tpu.memory_space<vmem>>) dst(%dma_wait3A_75 : memref<128x128xf32, #tpu.memory_space<hbm>>)
        tpu.yield
      }) : () -> ()
      %scan3A_67 = arith.constant 0 : i32
      scf.yield %scan3A_67 : i32
    }
    %scan3A_51 = arith.constant 16 : i32
    return
  }
}

module attributes {stable_mosaic.version = 14 : i64} {
  func.func @_matmul_body(%arg0: i32, %arg1: i32, %arg2: memref<512x1024xf32, #tpu.memory_space<vmem>>, %arg3: memref<1024x512xf32, #tpu.memory_space<vmem>>, %arg4: memref<1x512xf32, #tpu.memory_space<vmem>>, %arg5: memref<512x512xf32, #tpu.memory_space<vmem>>) attributes {dimension_semantics = [#tpu.dimension_semantics<arbitrary>, #tpu.dimension_semantics<arbitrary>], iteration_bounds = array<i64: 8, 4>, scalar_prefetch = 0 : i64, scratch_operands = 0 : i64, tpu.core_type = #tpu.core_type<tc>, window_params = [{transform_indices = @transform_0, window_bounds = array<i64: 512, 1024>}, {transform_indices = @transform_1, window_bounds = array<i64: 1024, 512>}, {transform_indices = @transform_2, window_bounds = array<i64: 1, 512>}, {transform_indices = @transform_3, window_bounds = array<i64: 512, 512>}]} {
    %get3A = arith.constant 0 : index
    %get3A_0 = arith.constant 0 : index
    %get3A_1 = vector.load %arg2[%get3A, %get3A_0] : memref<512x1024xf32, #tpu.memory_space<vmem>>, vector<512x1024xf32>
    %get3A_2 = arith.constant 0 : index
    %get3A_3 = arith.constant 0 : index
    %get3A_4 = vector.load %arg3[%get3A_2, %get3A_3] : memref<1024x512xf32, #tpu.memory_space<vmem>>, vector<1024x512xf32>
    %dot_general3A = arith.constant dense<0.000000e+00> : vector<512x512xf32>
    %dot_general3A_5 = tpu.matmul %get3A_1, %get3A_4, %dot_general3A {dimension_numbers = #tpu.dot_dimension_numbers<[1], [0], [0], [1], [0, 0, 1, 1], [], []>, transpose_lhs_hint = false} : vector<512x1024xf32>, vector<1024x512xf32>, vector<512x512xf32> -> vector<512x512xf32>
    %get3A_6 = arith.constant 0 : index
    %get3A_7 = arith.constant 0 : index
    %get3A_8 = vector.load %arg4[%get3A_6, %get3A_7] : memref<1x512xf32, #tpu.memory_space<vmem>>, vector<1x512xf32>
    %add3A = vector.broadcast %get3A_8 : vector<1x512xf32> to vector<512x512xf32>
    %add3A_9 = arith.addf %dot_general3A_5, %add3A : vector<512x512xf32>
    %swap3A = arith.constant 0 : index
    %swap3A_10 = arith.constant 0 : index
    %swap3A_11 = vector.load %arg5[%swap3A, %swap3A_10] : memref<512x512xf32, #tpu.memory_space<vmem>>, vector<512x512xf32>
    tpu.vector_store %arg5[%swap3A, %swap3A_10], %add3A_9 {strides = array<i32>} : memref<512x512xf32, #tpu.memory_space<vmem>>, vector<512x512xf32>,
    return
  }
  func.func @transform_0(%arg0: i32, %arg1: i32) -> (i32, i32) {
    %c0_i32 = arith.constant 0 : i32
    %c0_i32_0 = arith.constant 0 : i32
    return %arg0, %c0_i32 : i32, i32
  }
  func.func @transform_1(%arg0: i32, %arg1: i32) -> (i32, i32) {
    %c0_i32 = arith.constant 0 : i32
    %c0_i32_0 = arith.constant 0 : i32
    return %c0_i32, %arg1 : i32, i32
  }
  func.func @transform_2(%arg0: i32, %arg1: i32) -> (i32, i32) {
    %c0_i32 = arith.constant 0 : i32
    %c0_i32_0 = arith.constant 0 : i32
    return %c0_i32, %arg1 : i32, i32
  }
  func.func @transform_3(%arg0: i32, %arg1: i32) -> (i32, i32) {
    %c0_i32 = arith.constant 0 : i32
    return %arg0, %arg1 : i32, i32
  }
}

module attributes {stable_mosaic.version = 14 : i64} {
  func.func @_hash_body(%arg0: i32, %arg1: memref<1x2048x64xf32, #tpu.memory_space<vmem>>, %arg2: memref<1x64x128xf32, #tpu.memory_space<vmem>>, %arg3: memref<1x2048x4xi32, #tpu.memory_space<vmem>>) attributes {dimension_semantics = [#tpu.dimension_semantics<arbitrary>], iteration_bounds = array<i64: 32>, scalar_prefetch = 0 : i64, scratch_operands = 0 : i64, tpu.core_type = #tpu.core_type<tc>, window_params = [{transform_indices = @transform_0, window_bounds = array<i64: 1, 2048, 64>}, {transform_indices = @transform_1, window_bounds = array<i64: 1, 64, 128>}, {transform_indices = @transform_2, window_bounds = array<i64: 1, 2048, 4>}]} {
    %get3A = arith.constant 0 : index
    %get3A_0 = arith.constant 0 : index
    %get3A_1 = arith.constant 0 : index
    %get3A_2 = vector.load %arg1[%get3A, %get3A_0, %get3A_1] : memref<1x2048x64xf32, #tpu.memory_space<vmem>>, vector<1x2048x64xf32>
    %get3A_3 = vector.shape_cast %get3A_2 : vector<1x2048x64xf32> to vector<2048x64xf32>
    %get3A_4 = arith.constant 0 : index
    %get3A_5 = arith.constant 0 : index
    %get3A_6 = arith.constant 0 : index
    %get3A_7 = vector.load %arg2[%get3A_4, %get3A_5, %get3A_6] : memref<1x64x128xf32, #tpu.memory_space<vmem>>, vector<1x64x128xf32>
    %get3A_8 = vector.shape_cast %get3A_7 : vector<1x64x128xf32> to vector<64x128xf32>
    %dot_general3A = arith.constant dense<0.000000e+00> : vector<2048x128xf32>
    %dot_general3A_9 = tpu.matmul %get3A_3, %get3A_8, %dot_general3A {dimension_numbers = #tpu.dot_dimension_numbers<[1], [0], [0], [1], [0, 0, 1, 1], [], []>, transpose_lhs_hint = false} : vector<2048x64xf32>, vector<64x128xf32>, vector<2048x128xf32> -> vector<2048x128xf32>
    %iota3A = tpu.iota {dimensions = array<i32: 1>} : vector<2048x64xi32>
    %slice3A = vector.extract_strided_slice %dot_general3A_9 {offsets = [0, 0], sizes = [2048, 32], strides = [1, 1]} : vector<2048x128xf32> to vector<2048x32xf32>
    %neg3A = arith.constant 0.000000e+00 : f32
    %neg3A_10 = vector.broadcast %neg3A : f32 to vector<2048x32xf32>
    %neg3A_11 = arith.subf %neg3A_10, %slice3A : vector<2048x32xf32>
    %concatenate3A = tpu.concatenate %neg3A_11, %slice3A in 1 : vector<2048x32xf32>, vector<2048x32xf32> -> vector<2048x64xf32>
    %reduce_max3A = arith.constant dense<0xFF800000> : vector<2048xf32>
    %reduce_max3A_12 = vector.multi_reduction <maximumf>, %concatenate3A, %reduce_max3A [1] : vector<2048x64xf32> to vector<2048xf32>
    %broadcast_in_dim3A = vector.shape_cast %reduce_max3A_12 : vector<2048xf32> to vector<2048x1xf32>
    %eq3A = vector.broadcast %broadcast_in_dim3A : vector<2048x1xf32> to vector<2048x64xf32>
    %eq3A_13 = arith.cmpf oeq, %concatenate3A, %eq3A : vector<2048x64xf32>
    %jit3A = arith.constant 64 : i32
    %broadcast_in_dim3A_14 = vector.broadcast %jit3A : i32 to vector<2048x64xi32>
    %select_n3A = arith.select %eq3A_13, %iota3A, %broadcast_in_dim3A_14 : vector<2048x64xi1>, vector<2048x64xi32>
    %reduce_min3A = arith.constant dense<2147483647> : vector<2048xi32>
    %reduce_min3A_15 = vector.multi_reduction <minsi>, %select_n3A, %reduce_min3A [1] : vector<2048x64xi32> to vector<2048xi32>
    %broadcast_in_dim3A_16 = vector.shape_cast %reduce_min3A_15 : vector<2048xi32> to vector<2048x1xi32>
    %slice3A_17 = vector.extract_strided_slice %dot_general3A_9 {offsets = [0, 32], sizes = [2048, 32], strides = [1, 1]} : vector<2048x128xf32> to vector<2048x32xf32>
    %neg3A_18 = arith.constant 0.000000e+00 : f32
    %neg3A_19 = vector.broadcast %neg3A_18 : f32 to vector<2048x32xf32>
    %neg3A_20 = arith.subf %neg3A_19, %slice3A_17 : vector<2048x32xf32>
    %concatenate3A_21 = tpu.concatenate %neg3A_20, %slice3A_17 in 1 : vector<2048x32xf32>, vector<2048x32xf32> -> vector<2048x64xf32>
    %reduce_max3A_22 = arith.constant dense<0xFF800000> : vector<2048xf32>
    %reduce_max3A_23 = vector.multi_reduction <maximumf>, %concatenate3A_21, %reduce_max3A_22 [1] : vector<2048x64xf32> to vector<2048xf32>
    %broadcast_in_dim3A_24 = vector.shape_cast %reduce_max3A_23 : vector<2048xf32> to vector<2048x1xf32>
    %eq3A_25 = vector.broadcast %broadcast_in_dim3A_24 : vector<2048x1xf32> to vector<2048x64xf32>
    %eq3A_26 = arith.cmpf oeq, %concatenate3A_21, %eq3A_25 : vector<2048x64xf32>
    %jit3A_27 = arith.constant 64 : i32
    %broadcast_in_dim3A_28 = vector.broadcast %jit3A_27 : i32 to vector<2048x64xi32>
    %select_n3A_29 = arith.select %eq3A_26, %iota3A, %broadcast_in_dim3A_28 : vector<2048x64xi1>, vector<2048x64xi32>
    %reduce_min3A_30 = arith.constant dense<2147483647> : vector<2048xi32>
    %reduce_min3A_31 = vector.multi_reduction <minsi>, %select_n3A_29, %reduce_min3A_30 [1] : vector<2048x64xi32> to vector<2048xi32>
    %broadcast_in_dim3A_32 = vector.shape_cast %reduce_min3A_31 : vector<2048xi32> to vector<2048x1xi32>
    %slice3A_33 = vector.extract_strided_slice %dot_general3A_9 {offsets = [0, 64], sizes = [2048, 32], strides = [1, 1]} : vector<2048x128xf32> to vector<2048x32xf32>
    %neg3A_34 = arith.constant 0.000000e+00 : f32
    %neg3A_35 = vector.broadcast %neg3A_34 : f32 to vector<2048x32xf32>
    %neg3A_36 = arith.subf %neg3A_35, %slice3A_33 : vector<2048x32xf32>
    %concatenate3A_37 = tpu.concatenate %neg3A_36, %slice3A_33 in 1 : vector<2048x32xf32>, vector<2048x32xf32> -> vector<2048x64xf32>
    %reduce_max3A_38 = arith.constant dense<0xFF800000> : vector<2048xf32>
    %reduce_max3A_39 = vector.multi_reduction <maximumf>, %concatenate3A_37, %reduce_max3A_38 [1] : vector<2048x64xf32> to vector<2048xf32>
    %broadcast_in_dim3A_40 = vector.shape_cast %reduce_max3A_39 : vector<2048xf32> to vector<2048x1xf32>
    %eq3A_41 = vector.broadcast %broadcast_in_dim3A_40 : vector<2048x1xf32> to vector<2048x64xf32>
    %eq3A_42 = arith.cmpf oeq, %concatenate3A_37, %eq3A_41 : vector<2048x64xf32>
    %jit3A_43 = arith.constant 64 : i32
    %broadcast_in_dim3A_44 = vector.broadcast %jit3A_43 : i32 to vector<2048x64xi32>
    %select_n3A_45 = arith.select %eq3A_42, %iota3A, %broadcast_in_dim3A_44 : vector<2048x64xi1>, vector<2048x64xi32>
    %reduce_min3A_46 = arith.constant dense<2147483647> : vector<2048xi32>
    %reduce_min3A_47 = vector.multi_reduction <minsi>, %select_n3A_45, %reduce_min3A_46 [1] : vector<2048x64xi32> to vector<2048xi32>
    %broadcast_in_dim3A_48 = vector.shape_cast %reduce_min3A_47 : vector<2048xi32> to vector<2048x1xi32>
    %slice3A_49 = vector.extract_strided_slice %dot_general3A_9 {offsets = [0, 96], sizes = [2048, 32], strides = [1, 1]} : vector<2048x128xf32> to vector<2048x32xf32>
    %neg3A_50 = arith.constant 0.000000e+00 : f32
    %neg3A_51 = vector.broadcast %neg3A_50 : f32 to vector<2048x32xf32>
    %neg3A_52 = arith.subf %neg3A_51, %slice3A_49 : vector<2048x32xf32>
    %concatenate3A_53 = tpu.concatenate %neg3A_52, %slice3A_49 in 1 : vector<2048x32xf32>, vector<2048x32xf32> -> vector<2048x64xf32>
    %reduce_max3A_54 = arith.constant dense<0xFF800000> : vector<2048xf32>
    %reduce_max3A_55 = vector.multi_reduction <maximumf>, %concatenate3A_53, %reduce_max3A_54 [1] : vector<2048x64xf32> to vector<2048xf32>
    %broadcast_in_dim3A_56 = vector.shape_cast %reduce_max3A_55 : vector<2048xf32> to vector<2048x1xf32>
    %eq3A_57 = vector.broadcast %broadcast_in_dim3A_56 : vector<2048x1xf32> to vector<2048x64xf32>
    %eq3A_58 = arith.cmpf oeq, %concatenate3A_53, %eq3A_57 : vector<2048x64xf32>
    %jit3A_59 = arith.constant 64 : i32
    %broadcast_in_dim3A_60 = vector.broadcast %jit3A_59 : i32 to vector<2048x64xi32>
    %select_n3A_61 = arith.select %eq3A_58, %iota3A, %broadcast_in_dim3A_60 : vector<2048x64xi1>, vector<2048x64xi32>
    %reduce_min3A_62 = arith.constant dense<2147483647> : vector<2048xi32>
    %reduce_min3A_63 = vector.multi_reduction <minsi>, %select_n3A_61, %reduce_min3A_62 [1] : vector<2048x64xi32> to vector<2048xi32>
    %broadcast_in_dim3A_64 = vector.shape_cast %reduce_min3A_63 : vector<2048xi32> to vector<2048x1xi32>
    %concatenate3A_65 = tpu.concatenate %broadcast_in_dim3A_16, %broadcast_in_dim3A_32, %broadcast_in_dim3A_48, %broadcast_in_dim3A_64 in 1 : vector<2048x1xi32>, vector<2048x1xi32>, vector<2048x1xi32>, vector<2048x1xi32> -> vector<2048x4xi32>
    %swap3A = arith.constant 0 : index
    %swap3A_66 = arith.constant 0 : index
    %swap3A_67 = arith.constant 0 : index
    %swap3A_68 = vector.load %arg3[%swap3A, %swap3A_66, %swap3A_67] : memref<1x2048x4xi32, #tpu.memory_space<vmem>>, vector<1x2048x4xi32>
    %swap3A_69 = vector.shape_cast %swap3A_68 : vector<1x2048x4xi32> to vector<2048x4xi32>
    %swap3A_70 = vector.shape_cast %concatenate3A_65 : vector<2048x4xi32> to vector<1x2048x4xi32>
    tpu.vector_store %arg3[%swap3A, %swap3A_66, %swap3A_67], %swap3A_70 {strides = array<i32>} : memref<1x2048x4xi32, #tpu.memory_space<vmem>>, vector<1x2048x4xi32>,
    return
  }
  func.func @transform_0(%arg0: i32) -> (i32, i32, i32) {
    %c0_i32 = arith.constant 0 : i32
    %c0_i32_0 = arith.constant 0 : i32
    %c0_i32_1 = arith.constant 0 : i32
    return %arg0, %c0_i32, %c0_i32_0 : i32, i32, i32
  }
  func.func @transform_1(%arg0: i32) -> (i32, i32, i32) {
    %jit3A = arith.constant 16 : i32
    %eq3A = arith.constant 0 : i32
    %eq3A_0 = arith.cmpi eq, %jit3A, %eq3A : i32
    %jit3A_1 = arith.constant 1 : i32
    %select_n3A = arith.select %eq3A_0, %jit3A_1, %jit3A : i32
    %rem3A = arith.remsi %arg0, %select_n3A : i32
    %ne3A = arith.constant 0 : i32
    %ne3A_2 = arith.cmpi ne, %rem3A, %ne3A : i32
    %lt3A = arith.constant 0 : i32
    %lt3A_3 = arith.cmpi slt, %rem3A, %lt3A : i32
    %lt3A_4 = arith.constant 0 : i32
    %lt3A_5 = arith.cmpi slt, %select_n3A, %lt3A_4 : i32
    %ne3A_6 = arith.xori %lt3A_3, %lt3A_5 : i1
    %and3A = arith.andi %ne3A_6, %ne3A_2 : i1
    %add3A = arith.addi %rem3A, %select_n3A : i32
    %select_n3A_7 = arith.select %and3A, %add3A, %rem3A : i32
    %c0_i32 = arith.constant 0 : i32
    %c0_i32_8 = arith.constant 0 : i32
    %c0_i32_9 = arith.constant 0 : i32
    return %select_n3A_7, %c0_i32, %c0_i32_8 : i32, i32, i32
  }
  func.func @transform_2(%arg0: i32) -> (i32, i32, i32) {
    %c0_i32 = arith.constant 0 : i32
    %c0_i32_0 = arith.constant 0 : i32
    %c0_i32_1 = arith.constant 0 : i32
    return %arg0, %c0_i32, %c0_i32_0 : i32, i32, i32
  }
}

module attributes {stable_mosaic.version = 14 : i64} {
  func.func @_rank_body(%arg0: i32, %arg1: memref<1x16x128xi32, #tpu.memory_space<vmem>>, %arg2: memref<1x16x128xi32, #tpu.memory_space<vmem>>, %arg3: memref<1x16x128xi32, #tpu.memory_space<vmem>>) attributes {dimension_semantics = [#tpu.dimension_semantics<arbitrary>], iteration_bounds = array<i64: 128>, scalar_prefetch = 0 : i64, scratch_operands = 0 : i64, tpu.core_type = #tpu.core_type<tc>, window_params = [{transform_indices = @transform_0, window_bounds = array<i64: 1, 16, 128>}, {transform_indices = @transform_1, window_bounds = array<i64: 1, 16, 128>}, {transform_indices = @transform_2, window_bounds = array<i64: 1, 16, 128>}]} {
    %get3A = arith.constant 0 : index
    %get3A_0 = arith.constant 0 : index
    %get3A_1 = arith.constant 0 : index
    %get3A_2 = vector.load %arg1[%get3A, %get3A_0, %get3A_1] : memref<1x16x128xi32, #tpu.memory_space<vmem>>, vector<1x16x128xi32>
    %get3A_3 = vector.shape_cast %get3A_2 : vector<1x16x128xi32> to vector<16x128xi32>
    %iota3A = tpu.iota {dimensions = array<i32: 0>} : vector<128x128xi32>
    %iota3A_4 = tpu.iota {dimensions = array<i32: 1>} : vector<128x128xi32>
    %lt3A = arith.cmpi slt, %iota3A, %iota3A_4 : vector<128x128xi32>
    %convert_element_type3A = arith.extui %lt3A : vector<128x128xi1> to vector<128x128xi32>
    %convert_element_type3A_5 = arith.sitofp %convert_element_type3A : vector<128x128xi32> to vector<128x128xf32>
    %iota3A_6 = tpu.iota {dimensions = array<i32: 0>} : vector<16x16xi32>
    %iota3A_7 = tpu.iota {dimensions = array<i32: 1>} : vector<16x16xi32>
    %gt3A = arith.cmpi sgt, %iota3A_6, %iota3A_7 : vector<16x16xi32>
    %convert_element_type3A_8 = arith.extui %gt3A : vector<16x16xi1> to vector<16x16xi32>
    %convert_element_type3A_9 = arith.sitofp %convert_element_type3A_8 : vector<16x16xi32> to vector<16x16xf32>
    %broadcast_in_dim3A = arith.constant 0.000000e+00 : f32
    %broadcast_in_dim3A_10 = vector.broadcast %broadcast_in_dim3A : f32 to vector<16x128xf32>
    %eq3A = arith.constant 0 : i32
    %eq3A_11 = vector.broadcast %eq3A : i32 to vector<16x128xi32>
    %eq3A_12 = arith.cmpi eq, %get3A_3, %eq3A_11 : vector<16x128xi32>
    %convert_element_type3A_13 = arith.extui %eq3A_12 : vector<16x128xi1> to vector<16x128xi32>
    %convert_element_type3A_14 = arith.sitofp %convert_element_type3A_13 : vector<16x128xi32> to vector<16x128xf32>
    %dot_general3A = arith.constant dense<0.000000e+00> : vector<16x128xf32>
    %dot_general3A_15 = tpu.matmul %convert_element_type3A_14, %convert_element_type3A_5, %dot_general3A {dimension_numbers = #tpu.dot_dimension_numbers<[1], [0], [0], [1], [0, 0, 1, 1], [], []>, transpose_lhs_hint = false} : vector<16x128xf32>, vector<128x128xf32>, vector<16x128xf32> -> vector<16x128xf32>
    %reduce_sum3A = arith.constant dense<0.000000e+00> : vector<16xf32>
    %reduce_sum3A_16 = vector.multi_reduction <add>, %convert_element_type3A_14, %reduce_sum3A [1] : vector<16x128xf32> to vector<16xf32>
    %broadcast_in_dim3A_17 = vector.shape_cast %reduce_sum3A_16 : vector<16xf32> to vector<16x1xf32>
    %broadcast_in_dim3A_18 = vector.shape_cast %broadcast_in_dim3A_17 : vector<16x1xf32> to vector<16x1xf32>
    %broadcast_in_dim3A_19 = vector.broadcast %broadcast_in_dim3A_18 : vector<16x1xf32> to vector<16x128xf32>
    %dot_general3A_20 = arith.constant dense<0.000000e+00> : vector<16x128xf32>
    %dot_general3A_21 = tpu.matmul %convert_element_type3A_9, %broadcast_in_dim3A_19, %dot_general3A_20 {dimension_numbers = #tpu.dot_dimension_numbers<[1], [0], [0], [1], [0, 0, 1, 1], [], []>, transpose_lhs_hint = false} : vector<16x16xf32>, vector<16x128xf32>, vector<16x128xf32> -> vector<16x128xf32>
    %reduce_sum3A_22 = vector.shape_cast %convert_element_type3A_14 : vector<16x128xf32> to vector<1x16x128xf32>
    %reduce_sum3A_23 = arith.constant dense<0.000000e+00> : vector<1xf32>
    %reduce_sum3A_24 = vector.multi_reduction <add>, %reduce_sum3A_22, %reduce_sum3A_23 [1, 2] : vector<1x16x128xf32> to vector<1xf32>
    %reduce_sum3A_25 = vector.shape_cast %reduce_sum3A_24 : vector<1xf32> to vector<1x1x1xf32>
    %reduce_sum3A_26 = vector.extract %reduce_sum3A_25[0, 0, 0] : f32 from vector<1x1x1xf32>
    %add3A = arith.constant 0.000000e+00 : f32
    %add3A_27 = vector.broadcast %add3A : f32 to vector<16x128xf32>
    %add3A_28 = arith.addf %add3A_27, %dot_general3A_21 : vector<16x128xf32>
    %add3A_29 = arith.addf %add3A_28, %dot_general3A_15 : vector<16x128xf32>
    %mul3A = arith.mulf %convert_element_type3A_14, %add3A_29 : vector<16x128xf32>
    %add3A_30 = arith.addf %broadcast_in_dim3A_10, %mul3A : vector<16x128xf32>
    %add3A_31 = arith.constant 0.000000e+00 : f32
    %add3A_32 = arith.addf %add3A_31, %reduce_sum3A_26 : f32
    %eq3A_33 = arith.constant 1 : i32
    %eq3A_34 = vector.broadcast %eq3A_33 : i32 to vector<16x128xi32>
    %eq3A_35 = arith.cmpi eq, %get3A_3, %eq3A_34 : vector<16x128xi32>
    %convert_element_type3A_36 = arith.extui %eq3A_35 : vector<16x128xi1> to vector<16x128xi32>
    %convert_element_type3A_37 = arith.sitofp %convert_element_type3A_36 : vector<16x128xi32> to vector<16x128xf32>
    %dot_general3A_38 = arith.constant dense<0.000000e+00> : vector<16x128xf32>
    %dot_general3A_39 = tpu.matmul %convert_element_type3A_37, %convert_element_type3A_5, %dot_general3A_38 {dimension_numbers = #tpu.dot_dimension_numbers<[1], [0], [0], [1], [0, 0, 1, 1], [], []>, transpose_lhs_hint = false} : vector<16x128xf32>, vector<128x128xf32>, vector<16x128xf32> -> vector<16x128xf32>
    %reduce_sum3A_40 = arith.constant dense<0.000000e+00> : vector<16xf32>
    %reduce_sum3A_41 = vector.multi_reduction <add>, %convert_element_type3A_37, %reduce_sum3A_40 [1] : vector<16x128xf32> to vector<16xf32>
    %broadcast_in_dim3A_42 = vector.shape_cast %reduce_sum3A_41 : vector<16xf32> to vector<16x1xf32>
    %broadcast_in_dim3A_43 = vector.shape_cast %broadcast_in_dim3A_42 : vector<16x1xf32> to vector<16x1xf32>
    %broadcast_in_dim3A_44 = vector.broadcast %broadcast_in_dim3A_43 : vector<16x1xf32> to vector<16x128xf32>
    %dot_general3A_45 = arith.constant dense<0.000000e+00> : vector<16x128xf32>
    %dot_general3A_46 = tpu.matmul %convert_element_type3A_9, %broadcast_in_dim3A_44, %dot_general3A_45 {dimension_numbers = #tpu.dot_dimension_numbers<[1], [0], [0], [1], [0, 0, 1, 1], [], []>, transpose_lhs_hint = false} : vector<16x16xf32>, vector<16x128xf32>, vector<16x128xf32> -> vector<16x128xf32>
    %reduce_sum3A_47 = vector.shape_cast %convert_element_type3A_37 : vector<16x128xf32> to vector<1x16x128xf32>
    %reduce_sum3A_48 = arith.constant dense<0.000000e+00> : vector<1xf32>
    %reduce_sum3A_49 = vector.multi_reduction <add>, %reduce_sum3A_47, %reduce_sum3A_48 [1, 2] : vector<1x16x128xf32> to vector<1xf32>
    %reduce_sum3A_50 = vector.shape_cast %reduce_sum3A_49 : vector<1xf32> to vector<1x1x1xf32>
    %reduce_sum3A_51 = vector.extract %reduce_sum3A_50[0, 0, 0] : f32 from vector<1x1x1xf32>
    %add3A_52 = vector.broadcast %add3A_32 : f32 to vector<16x128xf32>
    %add3A_53 = arith.addf %add3A_52, %dot_general3A_46 : vector<16x128xf32>
    %add3A_54 = arith.addf %add3A_53, %dot_general3A_39 : vector<16x128xf32>
    %mul3A_55 = arith.mulf %convert_element_type3A_37, %add3A_54 : vector<16x128xf32>
    %add3A_56 = arith.addf %add3A_30, %mul3A_55 : vector<16x128xf32>
    %add3A_57 = arith.addf %add3A_32, %reduce_sum3A_51 : f32
    %eq3A_58 = arith.constant 2 : i32
    %eq3A_59 = vector.broadcast %eq3A_58 : i32 to vector<16x128xi32>
    %eq3A_60 = arith.cmpi eq, %get3A_3, %eq3A_59 : vector<16x128xi32>
    %convert_element_type3A_61 = arith.extui %eq3A_60 : vector<16x128xi1> to vector<16x128xi32>
    %convert_element_type3A_62 = arith.sitofp %convert_element_type3A_61 : vector<16x128xi32> to vector<16x128xf32>
    %dot_general3A_63 = arith.constant dense<0.000000e+00> : vector<16x128xf32>
    %dot_general3A_64 = tpu.matmul %convert_element_type3A_62, %convert_element_type3A_5, %dot_general3A_63 {dimension_numbers = #tpu.dot_dimension_numbers<[1], [0], [0], [1], [0, 0, 1, 1], [], []>, transpose_lhs_hint = false} : vector<16x128xf32>, vector<128x128xf32>, vector<16x128xf32> -> vector<16x128xf32>
    %reduce_sum3A_65 = arith.constant dense<0.000000e+00> : vector<16xf32>
    %reduce_sum3A_66 = vector.multi_reduction <add>, %convert_element_type3A_62, %reduce_sum3A_65 [1] : vector<16x128xf32> to vector<16xf32>
    %broadcast_in_dim3A_67 = vector.shape_cast %reduce_sum3A_66 : vector<16xf32> to vector<16x1xf32>
    %broadcast_in_dim3A_68 = vector.shape_cast %broadcast_in_dim3A_67 : vector<16x1xf32> to vector<16x1xf32>
    %broadcast_in_dim3A_69 = vector.broadcast %broadcast_in_dim3A_68 : vector<16x1xf32> to vector<16x128xf32>
    %dot_general3A_70 = arith.constant dense<0.000000e+00> : vector<16x128xf32>
    %dot_general3A_71 = tpu.matmul %convert_element_type3A_9, %broadcast_in_dim3A_69, %dot_general3A_70 {dimension_numbers = #tpu.dot_dimension_numbers<[1], [0], [0], [1], [0, 0, 1, 1], [], []>, transpose_lhs_hint = false} : vector<16x16xf32>, vector<16x128xf32>, vector<16x128xf32> -> vector<16x128xf32>
    %reduce_sum3A_72 = vector.shape_cast %convert_element_type3A_62 : vector<16x128xf32> to vector<1x16x128xf32>
    %reduce_sum3A_73 = arith.constant dense<0.000000e+00> : vector<1xf32>
    %reduce_sum3A_74 = vector.multi_reduction <add>, %reduce_sum3A_72, %reduce_sum3A_73 [1, 2] : vector<1x16x128xf32> to vector<1xf32>
    %reduce_sum3A_75 = vector.shape_cast %reduce_sum3A_74 : vector<1xf32> to vector<1x1x1xf32>
    %reduce_sum3A_76 = vector.extract %reduce_sum3A_75[0, 0, 0] : f32 from vector<1x1x1xf32>
    %add3A_77 = vector.broadcast %add3A_57 : f32 to vector<16x128xf32>
    %add3A_78 = arith.addf %add3A_77, %dot_general3A_71 : vector<16x128xf32>
    %add3A_79 = arith.addf %add3A_78, %dot_general3A_64 : vector<16x128xf32>
    %mul3A_80 = arith.mulf %convert_element_type3A_62, %add3A_79 : vector<16x128xf32>
    %add3A_81 = arith.addf %add3A_56, %mul3A_80 : vector<16x128xf32>
    %add3A_82 = arith.addf %add3A_57, %reduce_sum3A_76 : f32
    %eq3A_83 = arith.constant 3 : i32
    %eq3A_84 = vector.broadcast %eq3A_83 : i32 to vector<16x128xi32>
    %eq3A_85 = arith.cmpi eq, %get3A_3, %eq3A_84 : vector<16x128xi32>
    %convert_element_type3A_86 = arith.extui %eq3A_85 : vector<16x128xi1> to vector<16x128xi32>
    %convert_element_type3A_87 = arith.sitofp %convert_element_type3A_86 : vector<16x128xi32> to vector<16x128xf32>
    %dot_general3A_88 = arith.constant dense<0.000000e+00> : vector<16x128xf32>
    %dot_general3A_89 = tpu.matmul %convert_element_type3A_87, %convert_element_type3A_5, %dot_general3A_88 {dimension_numbers = #tpu.dot_dimension_numbers<[1], [0], [0], [1], [0, 0, 1, 1], [], []>, transpose_lhs_hint = false} : vector<16x128xf32>, vector<128x128xf32>, vector<16x128xf32> -> vector<16x128xf32>
    %reduce_sum3A_90 = arith.constant dense<0.000000e+00> : vector<16xf32>
    %reduce_sum3A_91 = vector.multi_reduction <add>, %convert_element_type3A_87, %reduce_sum3A_90 [1] : vector<16x128xf32> to vector<16xf32>
    %broadcast_in_dim3A_92 = vector.shape_cast %reduce_sum3A_91 : vector<16xf32> to vector<16x1xf32>
    %broadcast_in_dim3A_93 = vector.shape_cast %broadcast_in_dim3A_92 : vector<16x1xf32> to vector<16x1xf32>
    %broadcast_in_dim3A_94 = vector.broadcast %broadcast_in_dim3A_93 : vector<16x1xf32> to vector<16x128xf32>
    %dot_general3A_95 = arith.constant dense<0.000000e+00> : vector<16x128xf32>
    %dot_general3A_96 = tpu.matmul %convert_element_type3A_9, %broadcast_in_dim3A_94, %dot_general3A_95 {dimension_numbers = #tpu.dot_dimension_numbers<[1], [0], [0], [1], [0, 0, 1, 1], [], []>, transpose_lhs_hint = false} : vector<16x16xf32>, vector<16x128xf32>, vector<16x128xf32> -> vector<16x128xf32>
    %reduce_sum3A_97 = vector.shape_cast %convert_element_type3A_87 : vector<16x128xf32> to vector<1x16x128xf32>
    %reduce_sum3A_98 = arith.constant dense<0.000000e+00> : vector<1xf32>
    %reduce_sum3A_99 = vector.multi_reduction <add>, %reduce_sum3A_97, %reduce_sum3A_98 [1, 2] : vector<1x16x128xf32> to vector<1xf32>
    %reduce_sum3A_100 = vector.shape_cast %reduce_sum3A_99 : vector<1xf32> to vector<1x1x1xf32>
    %reduce_sum3A_101 = vector.extract %reduce_sum3A_100[0, 0, 0] : f32 from vector<1x1x1xf32>
    %add3A_102 = vector.broadcast %add3A_82 : f32 to vector<16x128xf32>
    %add3A_103 = arith.addf %add3A_102, %dot_general3A_96 : vector<16x128xf32>
    %add3A_104 = arith.addf %add3A_103, %dot_general3A_89 : vector<16x128xf32>
    %mul3A_105 = arith.mulf %convert_element_type3A_87, %add3A_104 : vector<16x128xf32>
    %add3A_106 = arith.addf %add3A_81, %mul3A_105 : vector<16x128xf32>
    %add3A_107 = arith.addf %add3A_82, %reduce_sum3A_101 : f32
    %eq3A_108 = arith.constant 4 : i32
    %eq3A_109 = vector.broadcast %eq3A_108 : i32 to vector<16x128xi32>
    %eq3A_110 = arith.cmpi eq, %get3A_3, %eq3A_109 : vector<16x128xi32>
    %convert_element_type3A_111 = arith.extui %eq3A_110 : vector<16x128xi1> to vector<16x128xi32>
    %convert_element_type3A_112 = arith.sitofp %convert_element_type3A_111 : vector<16x128xi32> to vector<16x128xf32>
    %dot_general3A_113 = arith.constant dense<0.000000e+00> : vector<16x128xf32>
    %dot_general3A_114 = tpu.matmul %convert_element_type3A_112, %convert_element_type3A_5, %dot_general3A_113 {dimension_numbers = #tpu.dot_dimension_numbers<[1], [0], [0], [1], [0, 0, 1, 1], [], []>, transpose_lhs_hint = false} : vector<16x128xf32>, vector<128x128xf32>, vector<16x128xf32> -> vector<16x128xf32>
    %reduce_sum3A_115 = arith.constant dense<0.000000e+00> : vector<16xf32>
    %reduce_sum3A_116 = vector.multi_reduction <add>, %convert_element_type3A_112, %reduce_sum3A_115 [1] : vector<16x128xf32> to vector<16xf32>
    %broadcast_in_dim3A_117 = vector.shape_cast %reduce_sum3A_116 : vector<16xf32> to vector<16x1xf32>
    %broadcast_in_dim3A_118 = vector.shape_cast %broadcast_in_dim3A_117 : vector<16x1xf32> to vector<16x1xf32>
    %broadcast_in_dim3A_119 = vector.broadcast %broadcast_in_dim3A_118 : vector<16x1xf32> to vector<16x128xf32>
    %dot_general3A_120 = arith.constant dense<0.000000e+00> : vector<16x128xf32>
    %dot_general3A_121 = tpu.matmul %convert_element_type3A_9, %broadcast_in_dim3A_119, %dot_general3A_120 {dimension_numbers = #tpu.dot_dimension_numbers<[1], [0], [0], [1], [0, 0, 1, 1], [], []>, transpose_lhs_hint = false} : vector<16x16xf32>, vector<16x128xf32>, vector<16x128xf32> -> vector<16x128xf32>
    %reduce_sum3A_122 = vector.shape_cast %convert_element_type3A_112 : vector<16x128xf32> to vector<1x16x128xf32>
    %reduce_sum3A_123 = arith.constant dense<0.000000e+00> : vector<1xf32>
    %reduce_sum3A_124 = vector.multi_reduction <add>, %reduce_sum3A_122, %reduce_sum3A_123 [1, 2] : vector<1x16x128xf32> to vector<1xf32>
    %reduce_sum3A_125 = vector.shape_cast %reduce_sum3A_124 : vector<1xf32> to vector<1x1x1xf32>
    %reduce_sum3A_126 = vector.extract %reduce_sum3A_125[0, 0, 0] : f32 from vector<1x1x1xf32>
    %add3A_127 = vector.broadcast %add3A_107 : f32 to vector<16x128xf32>
    %add3A_128 = arith.addf %add3A_127, %dot_general3A_121 : vector<16x128xf32>
    %add3A_129 = arith.addf %add3A_128, %dot_general3A_114 : vector<16x128xf32>
    %mul3A_130 = arith.mulf %convert_element_type3A_112, %add3A_129 : vector<16x128xf32>
    %add3A_131 = arith.addf %add3A_106, %mul3A_130 : vector<16x128xf32>
    %add3A_132 = arith.addf %add3A_107, %reduce_sum3A_126 : f32
    %eq3A_133 = arith.constant 5 : i32
    %eq3A_134 = vector.broadcast %eq3A_133 : i32 to vector<16x128xi32>
    %eq3A_135 = arith.cmpi eq, %get3A_3, %eq3A_134 : vector<16x128xi32>
    %convert_element_type3A_136 = arith.extui %eq3A_135 : vector<16x128xi1> to vector<16x128xi32>
    %convert_element_type3A_137 = arith.sitofp %convert_element_type3A_136 : vector<16x128xi32> to vector<16x128xf32>
    %dot_general3A_138 = arith.constant dense<0.000000e+00> : vector<16x128xf32>
    %dot_general3A_139 = tpu.matmul %convert_element_type3A_137, %convert_element_type3A_5, %dot_general3A_138 {dimension_numbers = #tpu.dot_dimension_numbers<[1], [0], [0], [1], [0, 0, 1, 1], [], []>, transpose_lhs_hint = false} : vector<16x128xf32>, vector<128x128xf32>, vector<16x128xf32> -> vector<16x128xf32>
    %reduce_sum3A_140 = arith.constant dense<0.000000e+00> : vector<16xf32>
    %reduce_sum3A_141 = vector.multi_reduction <add>, %convert_element_type3A_137, %reduce_sum3A_140 [1] : vector<16x128xf32> to vector<16xf32>
    %broadcast_in_dim3A_142 = vector.shape_cast %reduce_sum3A_141 : vector<16xf32> to vector<16x1xf32>
    %broadcast_in_dim3A_143 = vector.shape_cast %broadcast_in_dim3A_142 : vector<16x1xf32> to vector<16x1xf32>
    %broadcast_in_dim3A_144 = vector.broadcast %broadcast_in_dim3A_143 : vector<16x1xf32> to vector<16x128xf32>
    %dot_general3A_145 = arith.constant dense<0.000000e+00> : vector<16x128xf32>
    %dot_general3A_146 = tpu.matmul %convert_element_type3A_9, %broadcast_in_dim3A_144, %dot_general3A_145 {dimension_numbers = #tpu.dot_dimension_numbers<[1], [0], [0], [1], [0, 0, 1, 1], [], []>, transpose_lhs_hint = false} : vector<16x16xf32>, vector<16x128xf32>, vector<16x128xf32> -> vector<16x128xf32>
    %reduce_sum3A_147 = vector.shape_cast %convert_element_type3A_137 : vector<16x128xf32> to vector<1x16x128xf32>
    %reduce_sum3A_148 = arith.constant dense<0.000000e+00> : vector<1xf32>
    %reduce_sum3A_149 = vector.multi_reduction <add>, %reduce_sum3A_147, %reduce_sum3A_148 [1, 2] : vector<1x16x128xf32> to vector<1xf32>
    %reduce_sum3A_150 = vector.shape_cast %reduce_sum3A_149 : vector<1xf32> to vector<1x1x1xf32>
    %reduce_sum3A_151 = vector.extract %reduce_sum3A_150[0, 0, 0] : f32 from vector<1x1x1xf32>
    %add3A_152 = vector.broadcast %add3A_132 : f32 to vector<16x128xf32>
    %add3A_153 = arith.addf %add3A_152, %dot_general3A_146 : vector<16x128xf32>
    %add3A_154 = arith.addf %add3A_153, %dot_general3A_139 : vector<16x128xf32>
    %mul3A_155 = arith.mulf %convert_element_type3A_137, %add3A_154 : vector<16x128xf32>
    %add3A_156 = arith.addf %add3A_131, %mul3A_155 : vector<16x128xf32>
    %add3A_157 = arith.addf %add3A_132, %reduce_sum3A_151 : f32
    %eq3A_158 = arith.constant 6 : i32
    %eq3A_159 = vector.broadcast %eq3A_158 : i32 to vector<16x128xi32>
    %eq3A_160 = arith.cmpi eq, %get3A_3, %eq3A_159 : vector<16x128xi32>
    %convert_element_type3A_161 = arith.extui %eq3A_160 : vector<16x128xi1> to vector<16x128xi32>
    %convert_element_type3A_162 = arith.sitofp %convert_element_type3A_161 : vector<16x128xi32> to vector<16x128xf32>
    %dot_general3A_163 = arith.constant dense<0.000000e+00> : vector<16x128xf32>
    %dot_general3A_164 = tpu.matmul %convert_element_type3A_162, %convert_element_type3A_5, %dot_general3A_163 {dimension_numbers = #tpu.dot_dimension_numbers<[1], [0], [0], [1], [0, 0, 1, 1], [], []>, transpose_lhs_hint = false} : vector<16x128xf32>, vector<128x128xf32>, vector<16x128xf32> -> vector<16x128xf32>
    %reduce_sum3A_165 = arith.constant dense<0.000000e+00> : vector<16xf32>
    %reduce_sum3A_166 = vector.multi_reduction <add>, %convert_element_type3A_162, %reduce_sum3A_165 [1] : vector<16x128xf32> to vector<16xf32>
    %broadcast_in_dim3A_167 = vector.shape_cast %reduce_sum3A_166 : vector<16xf32> to vector<16x1xf32>
    %broadcast_in_dim3A_168 = vector.shape_cast %broadcast_in_dim3A_167 : vector<16x1xf32> to vector<16x1xf32>
    %broadcast_in_dim3A_169 = vector.broadcast %broadcast_in_dim3A_168 : vector<16x1xf32> to vector<16x128xf32>
    %dot_general3A_170 = arith.constant dense<0.000000e+00> : vector<16x128xf32>
    %dot_general3A_171 = tpu.matmul %convert_element_type3A_9, %broadcast_in_dim3A_169, %dot_general3A_170 {dimension_numbers = #tpu.dot_dimension_numbers<[1], [0], [0], [1], [0, 0, 1, 1], [], []>, transpose_lhs_hint = false} : vector<16x16xf32>, vector<16x128xf32>, vector<16x128xf32> -> vector<16x128xf32>
    %reduce_sum3A_172 = vector.shape_cast %convert_element_type3A_162 : vector<16x128xf32> to vector<1x16x128xf32>
    %reduce_sum3A_173 = arith.constant dense<0.000000e+00> : vector<1xf32>
    %reduce_sum3A_174 = vector.multi_reduction <add>, %reduce_sum3A_172, %reduce_sum3A_173 [1, 2] : vector<1x16x128xf32> to vector<1xf32>
    %reduce_sum3A_175 = vector.shape_cast %reduce_sum3A_174 : vector<1xf32> to vector<1x1x1xf32>
    %reduce_sum3A_176 = vector.extract %reduce_sum3A_175[0, 0, 0] : f32 from vector<1x1x1xf32>
    %add3A_177 = vector.broadcast %add3A_157 : f32 to vector<16x128xf32>
    %add3A_178 = arith.addf %add3A_177, %dot_general3A_171 : vector<16x128xf32>
    %add3A_179 = arith.addf %add3A_178, %dot_general3A_164 : vector<16x128xf32>
    %mul3A_180 = arith.mulf %convert_element_type3A_162, %add3A_179 : vector<16x128xf32>
    %add3A_181 = arith.addf %add3A_156, %mul3A_180 : vector<16x128xf32>
    %add3A_182 = arith.addf %add3A_157, %reduce_sum3A_176 : f32
    %eq3A_183 = arith.constant 7 : i32
    %eq3A_184 = vector.broadcast %eq3A_183 : i32 to vector<16x128xi32>
    %eq3A_185 = arith.cmpi eq, %get3A_3, %eq3A_184 : vector<16x128xi32>
    %convert_element_type3A_186 = arith.extui %eq3A_185 : vector<16x128xi1> to vector<16x128xi32>
    %convert_element_type3A_187 = arith.sitofp %convert_element_type3A_186 : vector<16x128xi32> to vector<16x128xf32>
    %dot_general3A_188 = arith.constant dense<0.000000e+00> : vector<16x128xf32>
    %dot_general3A_189 = tpu.matmul %convert_element_type3A_187, %convert_element_type3A_5, %dot_general3A_188 {dimension_numbers = #tpu.dot_dimension_numbers<[1], [0], [0], [1], [0, 0, 1, 1], [], []>, transpose_lhs_hint = false} : vector<16x128xf32>, vector<128x128xf32>, vector<16x128xf32> -> vector<16x128xf32>
    %reduce_sum3A_190 = arith.constant dense<0.000000e+00> : vector<16xf32>
    %reduce_sum3A_191 = vector.multi_reduction <add>, %convert_element_type3A_187, %reduce_sum3A_190 [1] : vector<16x128xf32> to vector<16xf32>
    %broadcast_in_dim3A_192 = vector.shape_cast %reduce_sum3A_191 : vector<16xf32> to vector<16x1xf32>
    %broadcast_in_dim3A_193 = vector.shape_cast %broadcast_in_dim3A_192 : vector<16x1xf32> to vector<16x1xf32>
    %broadcast_in_dim3A_194 = vector.broadcast %broadcast_in_dim3A_193 : vector<16x1xf32> to vector<16x128xf32>
    %dot_general3A_195 = arith.constant dense<0.000000e+00> : vector<16x128xf32>
    %dot_general3A_196 = tpu.matmul %convert_element_type3A_9, %broadcast_in_dim3A_194, %dot_general3A_195 {dimension_numbers = #tpu.dot_dimension_numbers<[1], [0], [0], [1], [0, 0, 1, 1], [], []>, transpose_lhs_hint = false} : vector<16x16xf32>, vector<16x128xf32>, vector<16x128xf32> -> vector<16x128xf32>
    %reduce_sum3A_197 = vector.shape_cast %convert_element_type3A_187 : vector<16x128xf32> to vector<1x16x128xf32>
    %reduce_sum3A_198 = arith.constant dense<0.000000e+00> : vector<1xf32>
    %reduce_sum3A_199 = vector.multi_reduction <add>, %reduce_sum3A_197, %reduce_sum3A_198 [1, 2] : vector<1x16x128xf32> to vector<1xf32>
    %reduce_sum3A_200 = vector.shape_cast %reduce_sum3A_199 : vector<1xf32> to vector<1x1x1xf32>
    %reduce_sum3A_201 = vector.extract %reduce_sum3A_200[0, 0, 0] : f32 from vector<1x1x1xf32>
    %add3A_202 = vector.broadcast %add3A_182 : f32 to vector<16x128xf32>
    %add3A_203 = arith.addf %add3A_202, %dot_general3A_196 : vector<16x128xf32>
    %add3A_204 = arith.addf %add3A_203, %dot_general3A_189 : vector<16x128xf32>
    %mul3A_205 = arith.mulf %convert_element_type3A_187, %add3A_204 : vector<16x128xf32>
    %add3A_206 = arith.addf %add3A_181, %mul3A_205 : vector<16x128xf32>
    %add3A_207 = arith.addf %add3A_182, %reduce_sum3A_201 : f32
    %eq3A_208 = arith.constant 8 : i32
    %eq3A_209 = vector.broadcast %eq3A_208 : i32 to vector<16x128xi32>
    %eq3A_210 = arith.cmpi eq, %get3A_3, %eq3A_209 : vector<16x128xi32>
    %convert_element_type3A_211 = arith.extui %eq3A_210 : vector<16x128xi1> to vector<16x128xi32>
    %convert_element_type3A_212 = arith.sitofp %convert_element_type3A_211 : vector<16x128xi32> to vector<16x128xf32>
    %dot_general3A_213 = arith.constant dense<0.000000e+00> : vector<16x128xf32>
    %dot_general3A_214 = tpu.matmul %convert_element_type3A_212, %convert_element_type3A_5, %dot_general3A_213 {dimension_numbers = #tpu.dot_dimension_numbers<[1], [0], [0], [1], [0, 0, 1, 1], [], []>, transpose_lhs_hint = false} : vector<16x128xf32>, vector<128x128xf32>, vector<16x128xf32> -> vector<16x128xf32>
    %reduce_sum3A_215 = arith.constant dense<0.000000e+00> : vector<16xf32>
    %reduce_sum3A_216 = vector.multi_reduction <add>, %convert_element_type3A_212, %reduce_sum3A_215 [1] : vector<16x128xf32> to vector<16xf32>
    %broadcast_in_dim3A_217 = vector.shape_cast %reduce_sum3A_216 : vector<16xf32> to vector<16x1xf32>
    %broadcast_in_dim3A_218 = vector.shape_cast %broadcast_in_dim3A_217 : vector<16x1xf32> to vector<16x1xf32>
    %broadcast_in_dim3A_219 = vector.broadcast %broadcast_in_dim3A_218 : vector<16x1xf32> to vector<16x128xf32>
    %dot_general3A_220 = arith.constant dense<0.000000e+00> : vector<16x128xf32>
    %dot_general3A_221 = tpu.matmul %convert_element_type3A_9, %broadcast_in_dim3A_219, %dot_general3A_220 {dimension_numbers = #tpu.dot_dimension_numbers<[1], [0], [0], [1], [0, 0, 1, 1], [], []>, transpose_lhs_hint = false} : vector<16x16xf32>, vector<16x128xf32>, vector<16x128xf32> -> vector<16x128xf32>
    %reduce_sum3A_222 = vector.shape_cast %convert_element_type3A_212 : vector<16x128xf32> to vector<1x16x128xf32>
    %reduce_sum3A_223 = arith.constant dense<0.000000e+00> : vector<1xf32>
    %reduce_sum3A_224 = vector.multi_reduction <add>, %reduce_sum3A_222, %reduce_sum3A_223 [1, 2] : vector<1x16x128xf32> to vector<1xf32>
    %reduce_sum3A_225 = vector.shape_cast %reduce_sum3A_224 : vector<1xf32> to vector<1x1x1xf32>
    %reduce_sum3A_226 = vector.extract %reduce_sum3A_225[0, 0, 0] : f32 from vector<1x1x1xf32>
    %add3A_227 = vector.broadcast %add3A_207 : f32 to vector<16x128xf32>
    %add3A_228 = arith.addf %add3A_227, %dot_general3A_221 : vector<16x128xf32>
    %add3A_229 = arith.addf %add3A_228, %dot_general3A_214 : vector<16x128xf32>
    %mul3A_230 = arith.mulf %convert_element_type3A_212, %add3A_229 : vector<16x128xf32>
    %add3A_231 = arith.addf %add3A_206, %mul3A_230 : vector<16x128xf32>
    %add3A_232 = arith.addf %add3A_207, %reduce_sum3A_226 : f32
    %eq3A_233 = arith.constant 9 : i32
    %eq3A_234 = vector.broadcast %eq3A_233 : i32 to vector<16x128xi32>
    %eq3A_235 = arith.cmpi eq, %get3A_3, %eq3A_234 : vector<16x128xi32>
    %convert_element_type3A_236 = arith.extui %eq3A_235 : vector<16x128xi1> to vector<16x128xi32>
    %convert_element_type3A_237 = arith.sitofp %convert_element_type3A_236 : vector<16x128xi32> to vector<16x128xf32>
    %dot_general3A_238 = arith.constant dense<0.000000e+00> : vector<16x128xf32>
    %dot_general3A_239 = tpu.matmul %convert_element_type3A_237, %convert_element_type3A_5, %dot_general3A_238 {dimension_numbers = #tpu.dot_dimension_numbers<[1], [0], [0], [1], [0, 0, 1, 1], [], []>, transpose_lhs_hint = false} : vector<16x128xf32>, vector<128x128xf32>, vector<16x128xf32> -> vector<16x128xf32>
    %reduce_sum3A_240 = arith.constant dense<0.000000e+00> : vector<16xf32>
    %reduce_sum3A_241 = vector.multi_reduction <add>, %convert_element_type3A_237, %reduce_sum3A_240 [1] : vector<16x128xf32> to vector<16xf32>
    %broadcast_in_dim3A_242 = vector.shape_cast %reduce_sum3A_241 : vector<16xf32> to vector<16x1xf32>
    %broadcast_in_dim3A_243 = vector.shape_cast %broadcast_in_dim3A_242 : vector<16x1xf32> to vector<16x1xf32>
    %broadcast_in_dim3A_244 = vector.broadcast %broadcast_in_dim3A_243 : vector<16x1xf32> to vector<16x128xf32>
    %dot_general3A_245 = arith.constant dense<0.000000e+00> : vector<16x128xf32>
    %dot_general3A_246 = tpu.matmul %convert_element_type3A_9, %broadcast_in_dim3A_244, %dot_general3A_245 {dimension_numbers = #tpu.dot_dimension_numbers<[1], [0], [0], [1], [0, 0, 1, 1], [], []>, transpose_lhs_hint = false} : vector<16x16xf32>, vector<16x128xf32>, vector<16x128xf32> -> vector<16x128xf32>
    %reduce_sum3A_247 = vector.shape_cast %convert_element_type3A_237 : vector<16x128xf32> to vector<1x16x128xf32>
    %reduce_sum3A_248 = arith.constant dense<0.000000e+00> : vector<1xf32>
    %reduce_sum3A_249 = vector.multi_reduction <add>, %reduce_sum3A_247, %reduce_sum3A_248 [1, 2] : vector<1x16x128xf32> to vector<1xf32>
    %reduce_sum3A_250 = vector.shape_cast %reduce_sum3A_249 : vector<1xf32> to vector<1x1x1xf32>
    %reduce_sum3A_251 = vector.extract %reduce_sum3A_250[0, 0, 0] : f32 from vector<1x1x1xf32>
    %add3A_252 = vector.broadcast %add3A_232 : f32 to vector<16x128xf32>
    %add3A_253 = arith.addf %add3A_252, %dot_general3A_246 : vector<16x128xf32>
    %add3A_254 = arith.addf %add3A_253, %dot_general3A_239 : vector<16x128xf32>
    %mul3A_255 = arith.mulf %convert_element_type3A_237, %add3A_254 : vector<16x128xf32>
    %add3A_256 = arith.addf %add3A_231, %mul3A_255 : vector<16x128xf32>
    %add3A_257 = arith.addf %add3A_232, %reduce_sum3A_251 : f32
    %eq3A_258 = arith.constant 10 : i32
    %eq3A_259 = vector.broadcast %eq3A_258 : i32 to vector<16x128xi32>
    %eq3A_260 = arith.cmpi eq, %get3A_3, %eq3A_259 : vector<16x128xi32>
    %convert_element_type3A_261 = arith.extui %eq3A_260 : vector<16x128xi1> to vector<16x128xi32>
    %convert_element_type3A_262 = arith.sitofp %convert_element_type3A_261 : vector<16x128xi32> to vector<16x128xf32>
    %dot_general3A_263 = arith.constant dense<0.000000e+00> : vector<16x128xf32>
    %dot_general3A_264 = tpu.matmul %convert_element_type3A_262, %convert_element_type3A_5, %dot_general3A_263 {dimension_numbers = #tpu.dot_dimension_numbers<[1], [0], [0], [1], [0, 0, 1, 1], [], []>, transpose_lhs_hint = false} : vector<16x128xf32>, vector<128x128xf32>, vector<16x128xf32> -> vector<16x128xf32>
    %reduce_sum3A_265 = arith.constant dense<0.000000e+00> : vector<16xf32>
    %reduce_sum3A_266 = vector.multi_reduction <add>, %convert_element_type3A_262, %reduce_sum3A_265 [1] : vector<16x128xf32> to vector<16xf32>
    %broadcast_in_dim3A_267 = vector.shape_cast %reduce_sum3A_266 : vector<16xf32> to vector<16x1xf32>
    %broadcast_in_dim3A_268 = vector.shape_cast %broadcast_in_dim3A_267 : vector<16x1xf32> to vector<16x1xf32>
    %broadcast_in_dim3A_269 = vector.broadcast %broadcast_in_dim3A_268 : vector<16x1xf32> to vector<16x128xf32>
    %dot_general3A_270 = arith.constant dense<0.000000e+00> : vector<16x128xf32>
    %dot_general3A_271 = tpu.matmul %convert_element_type3A_9, %broadcast_in_dim3A_269, %dot_general3A_270 {dimension_numbers = #tpu.dot_dimension_numbers<[1], [0], [0], [1], [0, 0, 1, 1], [], []>, transpose_lhs_hint = false} : vector<16x16xf32>, vector<16x128xf32>, vector<16x128xf32> -> vector<16x128xf32>
    %reduce_sum3A_272 = vector.shape_cast %convert_element_type3A_262 : vector<16x128xf32> to vector<1x16x128xf32>
    %reduce_sum3A_273 = arith.constant dense<0.000000e+00> : vector<1xf32>
    %reduce_sum3A_274 = vector.multi_reduction <add>, %reduce_sum3A_272, %reduce_sum3A_273 [1, 2] : vector<1x16x128xf32> to vector<1xf32>
    %reduce_sum3A_275 = vector.shape_cast %reduce_sum3A_274 : vector<1xf32> to vector<1x1x1xf32>
    %reduce_sum3A_276 = vector.extract %reduce_sum3A_275[0, 0, 0] : f32 from vector<1x1x1xf32>
    %add3A_277 = vector.broadcast %add3A_257 : f32 to vector<16x128xf32>
    %add3A_278 = arith.addf %add3A_277, %dot_general3A_271 : vector<16x128xf32>
    %add3A_279 = arith.addf %add3A_278, %dot_general3A_264 : vector<16x128xf32>
    %mul3A_280 = arith.mulf %convert_element_type3A_262, %add3A_279 : vector<16x128xf32>
    %add3A_281 = arith.addf %add3A_256, %mul3A_280 : vector<16x128xf32>
    %add3A_282 = arith.addf %add3A_257, %reduce_sum3A_276 : f32
    %eq3A_283 = arith.constant 11 : i32
    %eq3A_284 = vector.broadcast %eq3A_283 : i32 to vector<16x128xi32>
    %eq3A_285 = arith.cmpi eq, %get3A_3, %eq3A_284 : vector<16x128xi32>
    %convert_element_type3A_286 = arith.extui %eq3A_285 : vector<16x128xi1> to vector<16x128xi32>
    %convert_element_type3A_287 = arith.sitofp %convert_element_type3A_286 : vector<16x128xi32> to vector<16x128xf32>
    %dot_general3A_288 = arith.constant dense<0.000000e+00> : vector<16x128xf32>
    %dot_general3A_289 = tpu.matmul %convert_element_type3A_287, %convert_element_type3A_5, %dot_general3A_288 {dimension_numbers = #tpu.dot_dimension_numbers<[1], [0], [0], [1], [0, 0, 1, 1], [], []>, transpose_lhs_hint = false} : vector<16x128xf32>, vector<128x128xf32>, vector<16x128xf32> -> vector<16x128xf32>
    %reduce_sum3A_290 = arith.constant dense<0.000000e+00> : vector<16xf32>
    %reduce_sum3A_291 = vector.multi_reduction <add>, %convert_element_type3A_287, %reduce_sum3A_290 [1] : vector<16x128xf32> to vector<16xf32>
    %broadcast_in_dim3A_292 = vector.shape_cast %reduce_sum3A_291 : vector<16xf32> to vector<16x1xf32>
    %broadcast_in_dim3A_293 = vector.shape_cast %broadcast_in_dim3A_292 : vector<16x1xf32> to vector<16x1xf32>
    %broadcast_in_dim3A_294 = vector.broadcast %broadcast_in_dim3A_293 : vector<16x1xf32> to vector<16x128xf32>
    %dot_general3A_295 = arith.constant dense<0.000000e+00> : vector<16x128xf32>
    %dot_general3A_296 = tpu.matmul %convert_element_type3A_9, %broadcast_in_dim3A_294, %dot_general3A_295 {dimension_numbers = #tpu.dot_dimension_numbers<[1], [0], [0], [1], [0, 0, 1, 1], [], []>, transpose_lhs_hint = false} : vector<16x16xf32>, vector<16x128xf32>, vector<16x128xf32> -> vector<16x128xf32>
    %reduce_sum3A_297 = vector.shape_cast %convert_element_type3A_287 : vector<16x128xf32> to vector<1x16x128xf32>
    %reduce_sum3A_298 = arith.constant dense<0.000000e+00> : vector<1xf32>
    %reduce_sum3A_299 = vector.multi_reduction <add>, %reduce_sum3A_297, %reduce_sum3A_298 [1, 2] : vector<1x16x128xf32> to vector<1xf32>
    %reduce_sum3A_300 = vector.shape_cast %reduce_sum3A_299 : vector<1xf32> to vector<1x1x1xf32>
    %reduce_sum3A_301 = vector.extract %reduce_sum3A_300[0, 0, 0] : f32 from vector<1x1x1xf32>
    %add3A_302 = vector.broadcast %add3A_282 : f32 to vector<16x128xf32>
    %add3A_303 = arith.addf %add3A_302, %dot_general3A_296 : vector<16x128xf32>
    %add3A_304 = arith.addf %add3A_303, %dot_general3A_289 : vector<16x128xf32>
    %mul3A_305 = arith.mulf %convert_element_type3A_287, %add3A_304 : vector<16x128xf32>
    %add3A_306 = arith.addf %add3A_281, %mul3A_305 : vector<16x128xf32>
    %add3A_307 = arith.addf %add3A_282, %reduce_sum3A_301 : f32
    %eq3A_308 = arith.constant 12 : i32
    %eq3A_309 = vector.broadcast %eq3A_308 : i32 to vector<16x128xi32>
    %eq3A_310 = arith.cmpi eq, %get3A_3, %eq3A_309 : vector<16x128xi32>
    %convert_element_type3A_311 = arith.extui %eq3A_310 : vector<16x128xi1> to vector<16x128xi32>
    %convert_element_type3A_312 = arith.sitofp %convert_element_type3A_311 : vector<16x128xi32> to vector<16x128xf32>
    %dot_general3A_313 = arith.constant dense<0.000000e+00> : vector<16x128xf32>
    %dot_general3A_314 = tpu.matmul %convert_element_type3A_312, %convert_element_type3A_5, %dot_general3A_313 {dimension_numbers = #tpu.dot_dimension_numbers<[1], [0], [0], [1], [0, 0, 1, 1], [], []>, transpose_lhs_hint = false} : vector<16x128xf32>, vector<128x128xf32>, vector<16x128xf32> -> vector<16x128xf32>
    %reduce_sum3A_315 = arith.constant dense<0.000000e+00> : vector<16xf32>
    %reduce_sum3A_316 = vector.multi_reduction <add>, %convert_element_type3A_312, %reduce_sum3A_315 [1] : vector<16x128xf32> to vector<16xf32>
    %broadcast_in_dim3A_317 = vector.shape_cast %reduce_sum3A_316 : vector<16xf32> to vector<16x1xf32>
    %broadcast_in_dim3A_318 = vector.shape_cast %broadcast_in_dim3A_317 : vector<16x1xf32> to vector<16x1xf32>
    %broadcast_in_dim3A_319 = vector.broadcast %broadcast_in_dim3A_318 : vector<16x1xf32> to vector<16x128xf32>
    %dot_general3A_320 = arith.constant dense<0.000000e+00> : vector<16x128xf32>
    %dot_general3A_321 = tpu.matmul %convert_element_type3A_9, %broadcast_in_dim3A_319, %dot_general3A_320 {dimension_numbers = #tpu.dot_dimension_numbers<[1], [0], [0], [1], [0, 0, 1, 1], [], []>, transpose_lhs_hint = false} : vector<16x16xf32>, vector<16x128xf32>, vector<16x128xf32> -> vector<16x128xf32>
    %reduce_sum3A_322 = vector.shape_cast %convert_element_type3A_312 : vector<16x128xf32> to vector<1x16x128xf32>
    %reduce_sum3A_323 = arith.constant dense<0.000000e+00> : vector<1xf32>
    %reduce_sum3A_324 = vector.multi_reduction <add>, %reduce_sum3A_322, %reduce_sum3A_323 [1, 2] : vector<1x16x128xf32> to vector<1xf32>
    %reduce_sum3A_325 = vector.shape_cast %reduce_sum3A_324 : vector<1xf32> to vector<1x1x1xf32>
    %reduce_sum3A_326 = vector.extract %reduce_sum3A_325[0, 0, 0] : f32 from vector<1x1x1xf32>
    %add3A_327 = vector.broadcast %add3A_307 : f32 to vector<16x128xf32>
    %add3A_328 = arith.addf %add3A_327, %dot_general3A_321 : vector<16x128xf32>
    %add3A_329 = arith.addf %add3A_328, %dot_general3A_314 : vector<16x128xf32>
    %mul3A_330 = arith.mulf %convert_element_type3A_312, %add3A_329 : vector<16x128xf32>
    %add3A_331 = arith.addf %add3A_306, %mul3A_330 : vector<16x128xf32>
    %add3A_332 = arith.addf %add3A_307, %reduce_sum3A_326 : f32
    %eq3A_333 = arith.constant 13 : i32
    %eq3A_334 = vector.broadcast %eq3A_333 : i32 to vector<16x128xi32>
    %eq3A_335 = arith.cmpi eq, %get3A_3, %eq3A_334 : vector<16x128xi32>
    %convert_element_type3A_336 = arith.extui %eq3A_335 : vector<16x128xi1> to vector<16x128xi32>
    %convert_element_type3A_337 = arith.sitofp %convert_element_type3A_336 : vector<16x128xi32> to vector<16x128xf32>
    %dot_general3A_338 = arith.constant dense<0.000000e+00> : vector<16x128xf32>
    %dot_general3A_339 = tpu.matmul %convert_element_type3A_337, %convert_element_type3A_5, %dot_general3A_338 {dimension_numbers = #tpu.dot_dimension_numbers<[1], [0], [0], [1], [0, 0, 1, 1], [], []>, transpose_lhs_hint = false} : vector<16x128xf32>, vector<128x128xf32>, vector<16x128xf32> -> vector<16x128xf32>
    %reduce_sum3A_340 = arith.constant dense<0.000000e+00> : vector<16xf32>
    %reduce_sum3A_341 = vector.multi_reduction <add>, %convert_element_type3A_337, %reduce_sum3A_340 [1] : vector<16x128xf32> to vector<16xf32>
    %broadcast_in_dim3A_342 = vector.shape_cast %reduce_sum3A_341 : vector<16xf32> to vector<16x1xf32>
    %broadcast_in_dim3A_343 = vector.shape_cast %broadcast_in_dim3A_342 : vector<16x1xf32> to vector<16x1xf32>
    %broadcast_in_dim3A_344 = vector.broadcast %broadcast_in_dim3A_343 : vector<16x1xf32> to vector<16x128xf32>
    %dot_general3A_345 = arith.constant dense<0.000000e+00> : vector<16x128xf32>
    %dot_general3A_346 = tpu.matmul %convert_element_type3A_9, %broadcast_in_dim3A_344, %dot_general3A_345 {dimension_numbers = #tpu.dot_dimension_numbers<[1], [0], [0], [1], [0, 0, 1, 1], [], []>, transpose_lhs_hint = false} : vector<16x16xf32>, vector<16x128xf32>, vector<16x128xf32> -> vector<16x128xf32>
    %reduce_sum3A_347 = vector.shape_cast %convert_element_type3A_337 : vector<16x128xf32> to vector<1x16x128xf32>
    %reduce_sum3A_348 = arith.constant dense<0.000000e+00> : vector<1xf32>
    %reduce_sum3A_349 = vector.multi_reduction <add>, %reduce_sum3A_347, %reduce_sum3A_348 [1, 2] : vector<1x16x128xf32> to vector<1xf32>
    %reduce_sum3A_350 = vector.shape_cast %reduce_sum3A_349 : vector<1xf32> to vector<1x1x1xf32>
    %reduce_sum3A_351 = vector.extract %reduce_sum3A_350[0, 0, 0] : f32 from vector<1x1x1xf32>
    %add3A_352 = vector.broadcast %add3A_332 : f32 to vector<16x128xf32>
    %add3A_353 = arith.addf %add3A_352, %dot_general3A_346 : vector<16x128xf32>
    %add3A_354 = arith.addf %add3A_353, %dot_general3A_339 : vector<16x128xf32>
    %mul3A_355 = arith.mulf %convert_element_type3A_337, %add3A_354 : vector<16x128xf32>
    %add3A_356 = arith.addf %add3A_331, %mul3A_355 : vector<16x128xf32>
    %add3A_357 = arith.addf %add3A_332, %reduce_sum3A_351 : f32
    %eq3A_358 = arith.constant 14 : i32
    %eq3A_359 = vector.broadcast %eq3A_358 : i32 to vector<16x128xi32>
    %eq3A_360 = arith.cmpi eq, %get3A_3, %eq3A_359 : vector<16x128xi32>
    %convert_element_type3A_361 = arith.extui %eq3A_360 : vector<16x128xi1> to vector<16x128xi32>
    %convert_element_type3A_362 = arith.sitofp %convert_element_type3A_361 : vector<16x128xi32> to vector<16x128xf32>
    %dot_general3A_363 = arith.constant dense<0.000000e+00> : vector<16x128xf32>
    %dot_general3A_364 = tpu.matmul %convert_element_type3A_362, %convert_element_type3A_5, %dot_general3A_363 {dimension_numbers = #tpu.dot_dimension_numbers<[1], [0], [0], [1], [0, 0, 1, 1], [], []>, transpose_lhs_hint = false} : vector<16x128xf32>, vector<128x128xf32>, vector<16x128xf32> -> vector<16x128xf32>
    %reduce_sum3A_365 = arith.constant dense<0.000000e+00> : vector<16xf32>
    %reduce_sum3A_366 = vector.multi_reduction <add>, %convert_element_type3A_362, %reduce_sum3A_365 [1] : vector<16x128xf32> to vector<16xf32>
    %broadcast_in_dim3A_367 = vector.shape_cast %reduce_sum3A_366 : vector<16xf32> to vector<16x1xf32>
    %broadcast_in_dim3A_368 = vector.shape_cast %broadcast_in_dim3A_367 : vector<16x1xf32> to vector<16x1xf32>
    %broadcast_in_dim3A_369 = vector.broadcast %broadcast_in_dim3A_368 : vector<16x1xf32> to vector<16x128xf32>
    %dot_general3A_370 = arith.constant dense<0.000000e+00> : vector<16x128xf32>
    %dot_general3A_371 = tpu.matmul %convert_element_type3A_9, %broadcast_in_dim3A_369, %dot_general3A_370 {dimension_numbers = #tpu.dot_dimension_numbers<[1], [0], [0], [1], [0, 0, 1, 1], [], []>, transpose_lhs_hint = false} : vector<16x16xf32>, vector<16x128xf32>, vector<16x128xf32> -> vector<16x128xf32>
    %reduce_sum3A_372 = vector.shape_cast %convert_element_type3A_362 : vector<16x128xf32> to vector<1x16x128xf32>
    %reduce_sum3A_373 = arith.constant dense<0.000000e+00> : vector<1xf32>
    %reduce_sum3A_374 = vector.multi_reduction <add>, %reduce_sum3A_372, %reduce_sum3A_373 [1, 2] : vector<1x16x128xf32> to vector<1xf32>
    %reduce_sum3A_375 = vector.shape_cast %reduce_sum3A_374 : vector<1xf32> to vector<1x1x1xf32>
    %reduce_sum3A_376 = vector.extract %reduce_sum3A_375[0, 0, 0] : f32 from vector<1x1x1xf32>
    %add3A_377 = vector.broadcast %add3A_357 : f32 to vector<16x128xf32>
    %add3A_378 = arith.addf %add3A_377, %dot_general3A_371 : vector<16x128xf32>
    %add3A_379 = arith.addf %add3A_378, %dot_general3A_364 : vector<16x128xf32>
    %mul3A_380 = arith.mulf %convert_element_type3A_362, %add3A_379 : vector<16x128xf32>
    %add3A_381 = arith.addf %add3A_356, %mul3A_380 : vector<16x128xf32>
    %add3A_382 = arith.addf %add3A_357, %reduce_sum3A_376 : f32
    %eq3A_383 = arith.constant 15 : i32
    %eq3A_384 = vector.broadcast %eq3A_383 : i32 to vector<16x128xi32>
    %eq3A_385 = arith.cmpi eq, %get3A_3, %eq3A_384 : vector<16x128xi32>
    %convert_element_type3A_386 = arith.extui %eq3A_385 : vector<16x128xi1> to vector<16x128xi32>
    %convert_element_type3A_387 = arith.sitofp %convert_element_type3A_386 : vector<16x128xi32> to vector<16x128xf32>
    %dot_general3A_388 = arith.constant dense<0.000000e+00> : vector<16x128xf32>
    %dot_general3A_389 = tpu.matmul %convert_element_type3A_387, %convert_element_type3A_5, %dot_general3A_388 {dimension_numbers = #tpu.dot_dimension_numbers<[1], [0], [0], [1], [0, 0, 1, 1], [], []>, transpose_lhs_hint = false} : vector<16x128xf32>, vector<128x128xf32>, vector<16x128xf32> -> vector<16x128xf32>
    %reduce_sum3A_390 = arith.constant dense<0.000000e+00> : vector<16xf32>
    %reduce_sum3A_391 = vector.multi_reduction <add>, %convert_element_type3A_387, %reduce_sum3A_390 [1] : vector<16x128xf32> to vector<16xf32>
    %broadcast_in_dim3A_392 = vector.shape_cast %reduce_sum3A_391 : vector<16xf32> to vector<16x1xf32>
    %broadcast_in_dim3A_393 = vector.shape_cast %broadcast_in_dim3A_392 : vector<16x1xf32> to vector<16x1xf32>
    %broadcast_in_dim3A_394 = vector.broadcast %broadcast_in_dim3A_393 : vector<16x1xf32> to vector<16x128xf32>
    %dot_general3A_395 = arith.constant dense<0.000000e+00> : vector<16x128xf32>
    %dot_general3A_396 = tpu.matmul %convert_element_type3A_9, %broadcast_in_dim3A_394, %dot_general3A_395 {dimension_numbers = #tpu.dot_dimension_numbers<[1], [0], [0], [1], [0, 0, 1, 1], [], []>, transpose_lhs_hint = false} : vector<16x16xf32>, vector<16x128xf32>, vector<16x128xf32> -> vector<16x128xf32>
    %reduce_sum3A_397 = vector.shape_cast %convert_element_type3A_387 : vector<16x128xf32> to vector<1x16x128xf32>
    %reduce_sum3A_398 = arith.constant dense<0.000000e+00> : vector<1xf32>
    %reduce_sum3A_399 = vector.multi_reduction <add>, %reduce_sum3A_397, %reduce_sum3A_398 [1, 2] : vector<1x16x128xf32> to vector<1xf32>
    %reduce_sum3A_400 = vector.shape_cast %reduce_sum3A_399 : vector<1xf32> to vector<1x1x1xf32>
    %reduce_sum3A_401 = vector.extract %reduce_sum3A_400[0, 0, 0] : f32 from vector<1x1x1xf32>
    %add3A_402 = vector.broadcast %add3A_382 : f32 to vector<16x128xf32>
    %add3A_403 = arith.addf %add3A_402, %dot_general3A_396 : vector<16x128xf32>
    %add3A_404 = arith.addf %add3A_403, %dot_general3A_389 : vector<16x128xf32>
    %mul3A_405 = arith.mulf %convert_element_type3A_387, %add3A_404 : vector<16x128xf32>
    %add3A_406 = arith.addf %add3A_381, %mul3A_405 : vector<16x128xf32>
    %add3A_407 = arith.addf %add3A_382, %reduce_sum3A_401 : f32
    %eq3A_408 = arith.constant 16 : i32
    %eq3A_409 = vector.broadcast %eq3A_408 : i32 to vector<16x128xi32>
    %eq3A_410 = arith.cmpi eq, %get3A_3, %eq3A_409 : vector<16x128xi32>
    %convert_element_type3A_411 = arith.extui %eq3A_410 : vector<16x128xi1> to vector<16x128xi32>
    %convert_element_type3A_412 = arith.sitofp %convert_element_type3A_411 : vector<16x128xi32> to vector<16x128xf32>
    %dot_general3A_413 = arith.constant dense<0.000000e+00> : vector<16x128xf32>
    %dot_general3A_414 = tpu.matmul %convert_element_type3A_412, %convert_element_type3A_5, %dot_general3A_413 {dimension_numbers = #tpu.dot_dimension_numbers<[1], [0], [0], [1], [0, 0, 1, 1], [], []>, transpose_lhs_hint = false} : vector<16x128xf32>, vector<128x128xf32>, vector<16x128xf32> -> vector<16x128xf32>
    %reduce_sum3A_415 = arith.constant dense<0.000000e+00> : vector<16xf32>
    %reduce_sum3A_416 = vector.multi_reduction <add>, %convert_element_type3A_412, %reduce_sum3A_415 [1] : vector<16x128xf32> to vector<16xf32>
    %broadcast_in_dim3A_417 = vector.shape_cast %reduce_sum3A_416 : vector<16xf32> to vector<16x1xf32>
    %broadcast_in_dim3A_418 = vector.shape_cast %broadcast_in_dim3A_417 : vector<16x1xf32> to vector<16x1xf32>
    %broadcast_in_dim3A_419 = vector.broadcast %broadcast_in_dim3A_418 : vector<16x1xf32> to vector<16x128xf32>
    %dot_general3A_420 = arith.constant dense<0.000000e+00> : vector<16x128xf32>
    %dot_general3A_421 = tpu.matmul %convert_element_type3A_9, %broadcast_in_dim3A_419, %dot_general3A_420 {dimension_numbers = #tpu.dot_dimension_numbers<[1], [0], [0], [1], [0, 0, 1, 1], [], []>, transpose_lhs_hint = false} : vector<16x16xf32>, vector<16x128xf32>, vector<16x128xf32> -> vector<16x128xf32>
    %reduce_sum3A_422 = vector.shape_cast %convert_element_type3A_412 : vector<16x128xf32> to vector<1x16x128xf32>
    %reduce_sum3A_423 = arith.constant dense<0.000000e+00> : vector<1xf32>
    %reduce_sum3A_424 = vector.multi_reduction <add>, %reduce_sum3A_422, %reduce_sum3A_423 [1, 2] : vector<1x16x128xf32> to vector<1xf32>
    %reduce_sum3A_425 = vector.shape_cast %reduce_sum3A_424 : vector<1xf32> to vector<1x1x1xf32>
    %reduce_sum3A_426 = vector.extract %reduce_sum3A_425[0, 0, 0] : f32 from vector<1x1x1xf32>
    %add3A_427 = vector.broadcast %add3A_407 : f32 to vector<16x128xf32>
    %add3A_428 = arith.addf %add3A_427, %dot_general3A_421 : vector<16x128xf32>
    %add3A_429 = arith.addf %add3A_428, %dot_general3A_414 : vector<16x128xf32>
    %mul3A_430 = arith.mulf %convert_element_type3A_412, %add3A_429 : vector<16x128xf32>
    %add3A_431 = arith.addf %add3A_406, %mul3A_430 : vector<16x128xf32>
    %add3A_432 = arith.addf %add3A_407, %reduce_sum3A_426 : f32
    %eq3A_433 = arith.constant 17 : i32
    %eq3A_434 = vector.broadcast %eq3A_433 : i32 to vector<16x128xi32>
    %eq3A_435 = arith.cmpi eq, %get3A_3, %eq3A_434 : vector<16x128xi32>
    %convert_element_type3A_436 = arith.extui %eq3A_435 : vector<16x128xi1> to vector<16x128xi32>
    %convert_element_type3A_437 = arith.sitofp %convert_element_type3A_436 : vector<16x128xi32> to vector<16x128xf32>
    %dot_general3A_438 = arith.constant dense<0.000000e+00> : vector<16x128xf32>
    %dot_general3A_439 = tpu.matmul %convert_element_type3A_437, %convert_element_type3A_5, %dot_general3A_438 {dimension_numbers = #tpu.dot_dimension_numbers<[1], [0], [0], [1], [0, 0, 1, 1], [], []>, transpose_lhs_hint = false} : vector<16x128xf32>, vector<128x128xf32>, vector<16x128xf32> -> vector<16x128xf32>
    %reduce_sum3A_440 = arith.constant dense<0.000000e+00> : vector<16xf32>
    %reduce_sum3A_441 = vector.multi_reduction <add>, %convert_element_type3A_437, %reduce_sum3A_440 [1] : vector<16x128xf32> to vector<16xf32>
    %broadcast_in_dim3A_442 = vector.shape_cast %reduce_sum3A_441 : vector<16xf32> to vector<16x1xf32>
    %broadcast_in_dim3A_443 = vector.shape_cast %broadcast_in_dim3A_442 : vector<16x1xf32> to vector<16x1xf32>
    %broadcast_in_dim3A_444 = vector.broadcast %broadcast_in_dim3A_443 : vector<16x1xf32> to vector<16x128xf32>
    %dot_general3A_445 = arith.constant dense<0.000000e+00> : vector<16x128xf32>
    %dot_general3A_446 = tpu.matmul %convert_element_type3A_9, %broadcast_in_dim3A_444, %dot_general3A_445 {dimension_numbers = #tpu.dot_dimension_numbers<[1], [0], [0], [1], [0, 0, 1, 1], [], []>, transpose_lhs_hint = false} : vector<16x16xf32>, vector<16x128xf32>, vector<16x128xf32> -> vector<16x128xf32>
    %reduce_sum3A_447 = vector.shape_cast %convert_element_type3A_437 : vector<16x128xf32> to vector<1x16x128xf32>
    %reduce_sum3A_448 = arith.constant dense<0.000000e+00> : vector<1xf32>
    %reduce_sum3A_449 = vector.multi_reduction <add>, %reduce_sum3A_447, %reduce_sum3A_448 [1, 2] : vector<1x16x128xf32> to vector<1xf32>
    %reduce_sum3A_450 = vector.shape_cast %reduce_sum3A_449 : vector<1xf32> to vector<1x1x1xf32>
    %reduce_sum3A_451 = vector.extract %reduce_sum3A_450[0, 0, 0] : f32 from vector<1x1x1xf32>
    %add3A_452 = vector.broadcast %add3A_432 : f32 to vector<16x128xf32>
    %add3A_453 = arith.addf %add3A_452, %dot_general3A_446 : vector<16x128xf32>
    %add3A_454 = arith.addf %add3A_453, %dot_general3A_439 : vector<16x128xf32>
    %mul3A_455 = arith.mulf %convert_element_type3A_437, %add3A_454 : vector<16x128xf32>
    %add3A_456 = arith.addf %add3A_431, %mul3A_455 : vector<16x128xf32>
    %add3A_457 = arith.addf %add3A_432, %reduce_sum3A_451 : f32
    %eq3A_458 = arith.constant 18 : i32
    %eq3A_459 = vector.broadcast %eq3A_458 : i32 to vector<16x128xi32>
    %eq3A_460 = arith.cmpi eq, %get3A_3, %eq3A_459 : vector<16x128xi32>
    %convert_element_type3A_461 = arith.extui %eq3A_460 : vector<16x128xi1> to vector<16x128xi32>
    %convert_element_type3A_462 = arith.sitofp %convert_element_type3A_461 : vector<16x128xi32> to vector<16x128xf32>
    %dot_general3A_463 = arith.constant dense<0.000000e+00> : vector<16x128xf32>
    %dot_general3A_464 = tpu.matmul %convert_element_type3A_462, %convert_element_type3A_5, %dot_general3A_463 {dimension_numbers = #tpu.dot_dimension_numbers<[1], [0], [0], [1], [0, 0, 1, 1], [], []>, transpose_lhs_hint = false} : vector<16x128xf32>, vector<128x128xf32>, vector<16x128xf32> -> vector<16x128xf32>
    %reduce_sum3A_465 = arith.constant dense<0.000000e+00> : vector<16xf32>
    %reduce_sum3A_466 = vector.multi_reduction <add>, %convert_element_type3A_462, %reduce_sum3A_465 [1] : vector<16x128xf32> to vector<16xf32>
    %broadcast_in_dim3A_467 = vector.shape_cast %reduce_sum3A_466 : vector<16xf32> to vector<16x1xf32>
    %broadcast_in_dim3A_468 = vector.shape_cast %broadcast_in_dim3A_467 : vector<16x1xf32> to vector<16x1xf32>
    %broadcast_in_dim3A_469 = vector.broadcast %broadcast_in_dim3A_468 : vector<16x1xf32> to vector<16x128xf32>
    %dot_general3A_470 = arith.constant dense<0.000000e+00> : vector<16x128xf32>
    %dot_general3A_471 = tpu.matmul %convert_element_type3A_9, %broadcast_in_dim3A_469, %dot_general3A_470 {dimension_numbers = #tpu.dot_dimension_numbers<[1], [0], [0], [1], [0, 0, 1, 1], [], []>, transpose_lhs_hint = false} : vector<16x16xf32>, vector<16x128xf32>, vector<16x128xf32> -> vector<16x128xf32>
    %reduce_sum3A_472 = vector.shape_cast %convert_element_type3A_462 : vector<16x128xf32> to vector<1x16x128xf32>
    %reduce_sum3A_473 = arith.constant dense<0.000000e+00> : vector<1xf32>
    %reduce_sum3A_474 = vector.multi_reduction <add>, %reduce_sum3A_472, %reduce_sum3A_473 [1, 2] : vector<1x16x128xf32> to vector<1xf32>
    %reduce_sum3A_475 = vector.shape_cast %reduce_sum3A_474 : vector<1xf32> to vector<1x1x1xf32>
    %reduce_sum3A_476 = vector.extract %reduce_sum3A_475[0, 0, 0] : f32 from vector<1x1x1xf32>
    %add3A_477 = vector.broadcast %add3A_457 : f32 to vector<16x128xf32>
    %add3A_478 = arith.addf %add3A_477, %dot_general3A_471 : vector<16x128xf32>
    %add3A_479 = arith.addf %add3A_478, %dot_general3A_464 : vector<16x128xf32>
    %mul3A_480 = arith.mulf %convert_element_type3A_462, %add3A_479 : vector<16x128xf32>
    %add3A_481 = arith.addf %add3A_456, %mul3A_480 : vector<16x128xf32>
    %add3A_482 = arith.addf %add3A_457, %reduce_sum3A_476 : f32
    %eq3A_483 = arith.constant 19 : i32
    %eq3A_484 = vector.broadcast %eq3A_483 : i32 to vector<16x128xi32>
    %eq3A_485 = arith.cmpi eq, %get3A_3, %eq3A_484 : vector<16x128xi32>
    %convert_element_type3A_486 = arith.extui %eq3A_485 : vector<16x128xi1> to vector<16x128xi32>
    %convert_element_type3A_487 = arith.sitofp %convert_element_type3A_486 : vector<16x128xi32> to vector<16x128xf32>
    %dot_general3A_488 = arith.constant dense<0.000000e+00> : vector<16x128xf32>
    %dot_general3A_489 = tpu.matmul %convert_element_type3A_487, %convert_element_type3A_5, %dot_general3A_488 {dimension_numbers = #tpu.dot_dimension_numbers<[1], [0], [0], [1], [0, 0, 1, 1], [], []>, transpose_lhs_hint = false} : vector<16x128xf32>, vector<128x128xf32>, vector<16x128xf32> -> vector<16x128xf32>
    %reduce_sum3A_490 = arith.constant dense<0.000000e+00> : vector<16xf32>
    %reduce_sum3A_491 = vector.multi_reduction <add>, %convert_element_type3A_487, %reduce_sum3A_490 [1] : vector<16x128xf32> to vector<16xf32>
    %broadcast_in_dim3A_492 = vector.shape_cast %reduce_sum3A_491 : vector<16xf32> to vector<16x1xf32>
    %broadcast_in_dim3A_493 = vector.shape_cast %broadcast_in_dim3A_492 : vector<16x1xf32> to vector<16x1xf32>
    %broadcast_in_dim3A_494 = vector.broadcast %broadcast_in_dim3A_493 : vector<16x1xf32> to vector<16x128xf32>
    %dot_general3A_495 = arith.constant dense<0.000000e+00> : vector<16x128xf32>
    %dot_general3A_496 = tpu.matmul %convert_element_type3A_9, %broadcast_in_dim3A_494, %dot_general3A_495 {dimension_numbers = #tpu.dot_dimension_numbers<[1], [0], [0], [1], [0, 0, 1, 1], [], []>, transpose_lhs_hint = false} : vector<16x16xf32>, vector<16x128xf32>, vector<16x128xf32> -> vector<16x128xf32>
    %reduce_sum3A_497 = vector.shape_cast %convert_element_type3A_487 : vector<16x128xf32> to vector<1x16x128xf32>
    %reduce_sum3A_498 = arith.constant dense<0.000000e+00> : vector<1xf32>
    %reduce_sum3A_499 = vector.multi_reduction <add>, %reduce_sum3A_497, %reduce_sum3A_498 [1, 2] : vector<1x16x128xf32> to vector<1xf32>
    %reduce_sum3A_500 = vector.shape_cast %reduce_sum3A_499 : vector<1xf32> to vector<1x1x1xf32>
    %reduce_sum3A_501 = vector.extract %reduce_sum3A_500[0, 0, 0] : f32 from vector<1x1x1xf32>
    %add3A_502 = vector.broadcast %add3A_482 : f32 to vector<16x128xf32>
    %add3A_503 = arith.addf %add3A_502, %dot_general3A_496 : vector<16x128xf32>
    %add3A_504 = arith.addf %add3A_503, %dot_general3A_489 : vector<16x128xf32>
    %mul3A_505 = arith.mulf %convert_element_type3A_487, %add3A_504 : vector<16x128xf32>
    %add3A_506 = arith.addf %add3A_481, %mul3A_505 : vector<16x128xf32>
    %add3A_507 = arith.addf %add3A_482, %reduce_sum3A_501 : f32
    %eq3A_508 = arith.constant 20 : i32
    %eq3A_509 = vector.broadcast %eq3A_508 : i32 to vector<16x128xi32>
    %eq3A_510 = arith.cmpi eq, %get3A_3, %eq3A_509 : vector<16x128xi32>
    %convert_element_type3A_511 = arith.extui %eq3A_510 : vector<16x128xi1> to vector<16x128xi32>
    %convert_element_type3A_512 = arith.sitofp %convert_element_type3A_511 : vector<16x128xi32> to vector<16x128xf32>
    %dot_general3A_513 = arith.constant dense<0.000000e+00> : vector<16x128xf32>
    %dot_general3A_514 = tpu.matmul %convert_element_type3A_512, %convert_element_type3A_5, %dot_general3A_513 {dimension_numbers = #tpu.dot_dimension_numbers<[1], [0], [0], [1], [0, 0, 1, 1], [], []>, transpose_lhs_hint = false} : vector<16x128xf32>, vector<128x128xf32>, vector<16x128xf32> -> vector<16x128xf32>
    %reduce_sum3A_515 = arith.constant dense<0.000000e+00> : vector<16xf32>
    %reduce_sum3A_516 = vector.multi_reduction <add>, %convert_element_type3A_512, %reduce_sum3A_515 [1] : vector<16x128xf32> to vector<16xf32>
    %broadcast_in_dim3A_517 = vector.shape_cast %reduce_sum3A_516 : vector<16xf32> to vector<16x1xf32>
    %broadcast_in_dim3A_518 = vector.shape_cast %broadcast_in_dim3A_517 : vector<16x1xf32> to vector<16x1xf32>
    %broadcast_in_dim3A_519 = vector.broadcast %broadcast_in_dim3A_518 : vector<16x1xf32> to vector<16x128xf32>
    %dot_general3A_520 = arith.constant dense<0.000000e+00> : vector<16x128xf32>
    %dot_general3A_521 = tpu.matmul %convert_element_type3A_9, %broadcast_in_dim3A_519, %dot_general3A_520 {dimension_numbers = #tpu.dot_dimension_numbers<[1], [0], [0], [1], [0, 0, 1, 1], [], []>, transpose_lhs_hint = false} : vector<16x16xf32>, vector<16x128xf32>, vector<16x128xf32> -> vector<16x128xf32>
    %reduce_sum3A_522 = vector.shape_cast %convert_element_type3A_512 : vector<16x128xf32> to vector<1x16x128xf32>
    %reduce_sum3A_523 = arith.constant dense<0.000000e+00> : vector<1xf32>
    %reduce_sum3A_524 = vector.multi_reduction <add>, %reduce_sum3A_522, %reduce_sum3A_523 [1, 2] : vector<1x16x128xf32> to vector<1xf32>
    %reduce_sum3A_525 = vector.shape_cast %reduce_sum3A_524 : vector<1xf32> to vector<1x1x1xf32>
    %reduce_sum3A_526 = vector.extract %reduce_sum3A_525[0, 0, 0] : f32 from vector<1x1x1xf32>
    %add3A_527 = vector.broadcast %add3A_507 : f32 to vector<16x128xf32>
    %add3A_528 = arith.addf %add3A_527, %dot_general3A_521 : vector<16x128xf32>
    %add3A_529 = arith.addf %add3A_528, %dot_general3A_514 : vector<16x128xf32>
    %mul3A_530 = arith.mulf %convert_element_type3A_512, %add3A_529 : vector<16x128xf32>
    %add3A_531 = arith.addf %add3A_506, %mul3A_530 : vector<16x128xf32>
    %add3A_532 = arith.addf %add3A_507, %reduce_sum3A_526 : f32
    %eq3A_533 = arith.constant 21 : i32
    %eq3A_534 = vector.broadcast %eq3A_533 : i32 to vector<16x128xi32>
    %eq3A_535 = arith.cmpi eq, %get3A_3, %eq3A_534 : vector<16x128xi32>
    %convert_element_type3A_536 = arith.extui %eq3A_535 : vector<16x128xi1> to vector<16x128xi32>
    %convert_element_type3A_537 = arith.sitofp %convert_element_type3A_536 : vector<16x128xi32> to vector<16x128xf32>
    %dot_general3A_538 = arith.constant dense<0.000000e+00> : vector<16x128xf32>
    %dot_general3A_539 = tpu.matmul %convert_element_type3A_537, %convert_element_type3A_5, %dot_general3A_538 {dimension_numbers = #tpu.dot_dimension_numbers<[1], [0], [0], [1], [0, 0, 1, 1], [], []>, transpose_lhs_hint = false} : vector<16x128xf32>, vector<128x128xf32>, vector<16x128xf32> -> vector<16x128xf32>
    %reduce_sum3A_540 = arith.constant dense<0.000000e+00> : vector<16xf32>
    %reduce_sum3A_541 = vector.multi_reduction <add>, %convert_element_type3A_537, %reduce_sum3A_540 [1] : vector<16x128xf32> to vector<16xf32>
    %broadcast_in_dim3A_542 = vector.shape_cast %reduce_sum3A_541 : vector<16xf32> to vector<16x1xf32>
    %broadcast_in_dim3A_543 = vector.shape_cast %broadcast_in_dim3A_542 : vector<16x1xf32> to vector<16x1xf32>
    %broadcast_in_dim3A_544 = vector.broadcast %broadcast_in_dim3A_543 : vector<16x1xf32> to vector<16x128xf32>
    %dot_general3A_545 = arith.constant dense<0.000000e+00> : vector<16x128xf32>
    %dot_general3A_546 = tpu.matmul %convert_element_type3A_9, %broadcast_in_dim3A_544, %dot_general3A_545 {dimension_numbers = #tpu.dot_dimension_numbers<[1], [0], [0], [1], [0, 0, 1, 1], [], []>, transpose_lhs_hint = false} : vector<16x16xf32>, vector<16x128xf32>, vector<16x128xf32> -> vector<16x128xf32>
    %reduce_sum3A_547 = vector.shape_cast %convert_element_type3A_537 : vector<16x128xf32> to vector<1x16x128xf32>
    %reduce_sum3A_548 = arith.constant dense<0.000000e+00> : vector<1xf32>
    %reduce_sum3A_549 = vector.multi_reduction <add>, %reduce_sum3A_547, %reduce_sum3A_548 [1, 2] : vector<1x16x128xf32> to vector<1xf32>
    %reduce_sum3A_550 = vector.shape_cast %reduce_sum3A_549 : vector<1xf32> to vector<1x1x1xf32>
    %reduce_sum3A_551 = vector.extract %reduce_sum3A_550[0, 0, 0] : f32 from vector<1x1x1xf32>
    %add3A_552 = vector.broadcast %add3A_532 : f32 to vector<16x128xf32>
    %add3A_553 = arith.addf %add3A_552, %dot_general3A_546 : vector<16x128xf32>
    %add3A_554 = arith.addf %add3A_553, %dot_general3A_539 : vector<16x128xf32>
    %mul3A_555 = arith.mulf %convert_element_type3A_537, %add3A_554 : vector<16x128xf32>
    %add3A_556 = arith.addf %add3A_531, %mul3A_555 : vector<16x128xf32>
    %add3A_557 = arith.addf %add3A_532, %reduce_sum3A_551 : f32
    %eq3A_558 = arith.constant 22 : i32
    %eq3A_559 = vector.broadcast %eq3A_558 : i32 to vector<16x128xi32>
    %eq3A_560 = arith.cmpi eq, %get3A_3, %eq3A_559 : vector<16x128xi32>
    %convert_element_type3A_561 = arith.extui %eq3A_560 : vector<16x128xi1> to vector<16x128xi32>
    %convert_element_type3A_562 = arith.sitofp %convert_element_type3A_561 : vector<16x128xi32> to vector<16x128xf32>
    %dot_general3A_563 = arith.constant dense<0.000000e+00> : vector<16x128xf32>
    %dot_general3A_564 = tpu.matmul %convert_element_type3A_562, %convert_element_type3A_5, %dot_general3A_563 {dimension_numbers = #tpu.dot_dimension_numbers<[1], [0], [0], [1], [0, 0, 1, 1], [], []>, transpose_lhs_hint = false} : vector<16x128xf32>, vector<128x128xf32>, vector<16x128xf32> -> vector<16x128xf32>
    %reduce_sum3A_565 = arith.constant dense<0.000000e+00> : vector<16xf32>
    %reduce_sum3A_566 = vector.multi_reduction <add>, %convert_element_type3A_562, %reduce_sum3A_565 [1] : vector<16x128xf32> to vector<16xf32>
    %broadcast_in_dim3A_567 = vector.shape_cast %reduce_sum3A_566 : vector<16xf32> to vector<16x1xf32>
    %broadcast_in_dim3A_568 = vector.shape_cast %broadcast_in_dim3A_567 : vector<16x1xf32> to vector<16x1xf32>
    %broadcast_in_dim3A_569 = vector.broadcast %broadcast_in_dim3A_568 : vector<16x1xf32> to vector<16x128xf32>
    %dot_general3A_570 = arith.constant dense<0.000000e+00> : vector<16x128xf32>
    %dot_general3A_571 = tpu.matmul %convert_element_type3A_9, %broadcast_in_dim3A_569, %dot_general3A_570 {dimension_numbers = #tpu.dot_dimension_numbers<[1], [0], [0], [1], [0, 0, 1, 1], [], []>, transpose_lhs_hint = false} : vector<16x16xf32>, vector<16x128xf32>, vector<16x128xf32> -> vector<16x128xf32>
    %reduce_sum3A_572 = vector.shape_cast %convert_element_type3A_562 : vector<16x128xf32> to vector<1x16x128xf32>
    %reduce_sum3A_573 = arith.constant dense<0.000000e+00> : vector<1xf32>
    %reduce_sum3A_574 = vector.multi_reduction <add>, %reduce_sum3A_572, %reduce_sum3A_573 [1, 2] : vector<1x16x128xf32> to vector<1xf32>
    %reduce_sum3A_575 = vector.shape_cast %reduce_sum3A_574 : vector<1xf32> to vector<1x1x1xf32>
    %reduce_sum3A_576 = vector.extract %reduce_sum3A_575[0, 0, 0] : f32 from vector<1x1x1xf32>
    %add3A_577 = vector.broadcast %add3A_557 : f32 to vector<16x128xf32>
    %add3A_578 = arith.addf %add3A_577, %dot_general3A_571 : vector<16x128xf32>
    %add3A_579 = arith.addf %add3A_578, %dot_general3A_564 : vector<16x128xf32>
    %mul3A_580 = arith.mulf %convert_element_type3A_562, %add3A_579 : vector<16x128xf32>
    %add3A_581 = arith.addf %add3A_556, %mul3A_580 : vector<16x128xf32>
    %add3A_582 = arith.addf %add3A_557, %reduce_sum3A_576 : f32
    %eq3A_583 = arith.constant 23 : i32
    %eq3A_584 = vector.broadcast %eq3A_583 : i32 to vector<16x128xi32>
    %eq3A_585 = arith.cmpi eq, %get3A_3, %eq3A_584 : vector<16x128xi32>
    %convert_element_type3A_586 = arith.extui %eq3A_585 : vector<16x128xi1> to vector<16x128xi32>
    %convert_element_type3A_587 = arith.sitofp %convert_element_type3A_586 : vector<16x128xi32> to vector<16x128xf32>
    %dot_general3A_588 = arith.constant dense<0.000000e+00> : vector<16x128xf32>
    %dot_general3A_589 = tpu.matmul %convert_element_type3A_587, %convert_element_type3A_5, %dot_general3A_588 {dimension_numbers = #tpu.dot_dimension_numbers<[1], [0], [0], [1], [0, 0, 1, 1], [], []>, transpose_lhs_hint = false} : vector<16x128xf32>, vector<128x128xf32>, vector<16x128xf32> -> vector<16x128xf32>
    %reduce_sum3A_590 = arith.constant dense<0.000000e+00> : vector<16xf32>
    %reduce_sum3A_591 = vector.multi_reduction <add>, %convert_element_type3A_587, %reduce_sum3A_590 [1] : vector<16x128xf32> to vector<16xf32>
    %broadcast_in_dim3A_592 = vector.shape_cast %reduce_sum3A_591 : vector<16xf32> to vector<16x1xf32>
    %broadcast_in_dim3A_593 = vector.shape_cast %broadcast_in_dim3A_592 : vector<16x1xf32> to vector<16x1xf32>
    %broadcast_in_dim3A_594 = vector.broadcast %broadcast_in_dim3A_593 : vector<16x1xf32> to vector<16x128xf32>
    %dot_general3A_595 = arith.constant dense<0.000000e+00> : vector<16x128xf32>
    %dot_general3A_596 = tpu.matmul %convert_element_type3A_9, %broadcast_in_dim3A_594, %dot_general3A_595 {dimension_numbers = #tpu.dot_dimension_numbers<[1], [0], [0], [1], [0, 0, 1, 1], [], []>, transpose_lhs_hint = false} : vector<16x16xf32>, vector<16x128xf32>, vector<16x128xf32> -> vector<16x128xf32>
    %reduce_sum3A_597 = vector.shape_cast %convert_element_type3A_587 : vector<16x128xf32> to vector<1x16x128xf32>
    %reduce_sum3A_598 = arith.constant dense<0.000000e+00> : vector<1xf32>
    %reduce_sum3A_599 = vector.multi_reduction <add>, %reduce_sum3A_597, %reduce_sum3A_598 [1, 2] : vector<1x16x128xf32> to vector<1xf32>
    %reduce_sum3A_600 = vector.shape_cast %reduce_sum3A_599 : vector<1xf32> to vector<1x1x1xf32>
    %reduce_sum3A_601 = vector.extract %reduce_sum3A_600[0, 0, 0] : f32 from vector<1x1x1xf32>
    %add3A_602 = vector.broadcast %add3A_582 : f32 to vector<16x128xf32>
    %add3A_603 = arith.addf %add3A_602, %dot_general3A_596 : vector<16x128xf32>
    %add3A_604 = arith.addf %add3A_603, %dot_general3A_589 : vector<16x128xf32>
    %mul3A_605 = arith.mulf %convert_element_type3A_587, %add3A_604 : vector<16x128xf32>
    %add3A_606 = arith.addf %add3A_581, %mul3A_605 : vector<16x128xf32>
    %add3A_607 = arith.addf %add3A_582, %reduce_sum3A_601 : f32
    %eq3A_608 = arith.constant 24 : i32
    %eq3A_609 = vector.broadcast %eq3A_608 : i32 to vector<16x128xi32>
    %eq3A_610 = arith.cmpi eq, %get3A_3, %eq3A_609 : vector<16x128xi32>
    %convert_element_type3A_611 = arith.extui %eq3A_610 : vector<16x128xi1> to vector<16x128xi32>
    %convert_element_type3A_612 = arith.sitofp %convert_element_type3A_611 : vector<16x128xi32> to vector<16x128xf32>
    %dot_general3A_613 = arith.constant dense<0.000000e+00> : vector<16x128xf32>
    %dot_general3A_614 = tpu.matmul %convert_element_type3A_612, %convert_element_type3A_5, %dot_general3A_613 {dimension_numbers = #tpu.dot_dimension_numbers<[1], [0], [0], [1], [0, 0, 1, 1], [], []>, transpose_lhs_hint = false} : vector<16x128xf32>, vector<128x128xf32>, vector<16x128xf32> -> vector<16x128xf32>
    %reduce_sum3A_615 = arith.constant dense<0.000000e+00> : vector<16xf32>
    %reduce_sum3A_616 = vector.multi_reduction <add>, %convert_element_type3A_612, %reduce_sum3A_615 [1] : vector<16x128xf32> to vector<16xf32>
    %broadcast_in_dim3A_617 = vector.shape_cast %reduce_sum3A_616 : vector<16xf32> to vector<16x1xf32>
    %broadcast_in_dim3A_618 = vector.shape_cast %broadcast_in_dim3A_617 : vector<16x1xf32> to vector<16x1xf32>
    %broadcast_in_dim3A_619 = vector.broadcast %broadcast_in_dim3A_618 : vector<16x1xf32> to vector<16x128xf32>
    %dot_general3A_620 = arith.constant dense<0.000000e+00> : vector<16x128xf32>
    %dot_general3A_621 = tpu.matmul %convert_element_type3A_9, %broadcast_in_dim3A_619, %dot_general3A_620 {dimension_numbers = #tpu.dot_dimension_numbers<[1], [0], [0], [1], [0, 0, 1, 1], [], []>, transpose_lhs_hint = false} : vector<16x16xf32>, vector<16x128xf32>, vector<16x128xf32> -> vector<16x128xf32>
    %reduce_sum3A_622 = vector.shape_cast %convert_element_type3A_612 : vector<16x128xf32> to vector<1x16x128xf32>
    %reduce_sum3A_623 = arith.constant dense<0.000000e+00> : vector<1xf32>
    %reduce_sum3A_624 = vector.multi_reduction <add>, %reduce_sum3A_622, %reduce_sum3A_623 [1, 2] : vector<1x16x128xf32> to vector<1xf32>
    %reduce_sum3A_625 = vector.shape_cast %reduce_sum3A_624 : vector<1xf32> to vector<1x1x1xf32>
    %reduce_sum3A_626 = vector.extract %reduce_sum3A_625[0, 0, 0] : f32 from vector<1x1x1xf32>
    %add3A_627 = vector.broadcast %add3A_607 : f32 to vector<16x128xf32>
    %add3A_628 = arith.addf %add3A_627, %dot_general3A_621 : vector<16x128xf32>
    %add3A_629 = arith.addf %add3A_628, %dot_general3A_614 : vector<16x128xf32>
    %mul3A_630 = arith.mulf %convert_element_type3A_612, %add3A_629 : vector<16x128xf32>
    %add3A_631 = arith.addf %add3A_606, %mul3A_630 : vector<16x128xf32>
    %add3A_632 = arith.addf %add3A_607, %reduce_sum3A_626 : f32
    %eq3A_633 = arith.constant 25 : i32
    %eq3A_634 = vector.broadcast %eq3A_633 : i32 to vector<16x128xi32>
    %eq3A_635 = arith.cmpi eq, %get3A_3, %eq3A_634 : vector<16x128xi32>
    %convert_element_type3A_636 = arith.extui %eq3A_635 : vector<16x128xi1> to vector<16x128xi32>
    %convert_element_type3A_637 = arith.sitofp %convert_element_type3A_636 : vector<16x128xi32> to vector<16x128xf32>
    %dot_general3A_638 = arith.constant dense<0.000000e+00> : vector<16x128xf32>
    %dot_general3A_639 = tpu.matmul %convert_element_type3A_637, %convert_element_type3A_5, %dot_general3A_638 {dimension_numbers = #tpu.dot_dimension_numbers<[1], [0], [0], [1], [0, 0, 1, 1], [], []>, transpose_lhs_hint = false} : vector<16x128xf32>, vector<128x128xf32>, vector<16x128xf32> -> vector<16x128xf32>
    %reduce_sum3A_640 = arith.constant dense<0.000000e+00> : vector<16xf32>
    %reduce_sum3A_641 = vector.multi_reduction <add>, %convert_element_type3A_637, %reduce_sum3A_640 [1] : vector<16x128xf32> to vector<16xf32>
    %broadcast_in_dim3A_642 = vector.shape_cast %reduce_sum3A_641 : vector<16xf32> to vector<16x1xf32>
    %broadcast_in_dim3A_643 = vector.shape_cast %broadcast_in_dim3A_642 : vector<16x1xf32> to vector<16x1xf32>
    %broadcast_in_dim3A_644 = vector.broadcast %broadcast_in_dim3A_643 : vector<16x1xf32> to vector<16x128xf32>
    %dot_general3A_645 = arith.constant dense<0.000000e+00> : vector<16x128xf32>
    %dot_general3A_646 = tpu.matmul %convert_element_type3A_9, %broadcast_in_dim3A_644, %dot_general3A_645 {dimension_numbers = #tpu.dot_dimension_numbers<[1], [0], [0], [1], [0, 0, 1, 1], [], []>, transpose_lhs_hint = false} : vector<16x16xf32>, vector<16x128xf32>, vector<16x128xf32> -> vector<16x128xf32>
    %reduce_sum3A_647 = vector.shape_cast %convert_element_type3A_637 : vector<16x128xf32> to vector<1x16x128xf32>
    %reduce_sum3A_648 = arith.constant dense<0.000000e+00> : vector<1xf32>
    %reduce_sum3A_649 = vector.multi_reduction <add>, %reduce_sum3A_647, %reduce_sum3A_648 [1, 2] : vector<1x16x128xf32> to vector<1xf32>
    %reduce_sum3A_650 = vector.shape_cast %reduce_sum3A_649 : vector<1xf32> to vector<1x1x1xf32>
    %reduce_sum3A_651 = vector.extract %reduce_sum3A_650[0, 0, 0] : f32 from vector<1x1x1xf32>
    %add3A_652 = vector.broadcast %add3A_632 : f32 to vector<16x128xf32>
    %add3A_653 = arith.addf %add3A_652, %dot_general3A_646 : vector<16x128xf32>
    %add3A_654 = arith.addf %add3A_653, %dot_general3A_639 : vector<16x128xf32>
    %mul3A_655 = arith.mulf %convert_element_type3A_637, %add3A_654 : vector<16x128xf32>
    %add3A_656 = arith.addf %add3A_631, %mul3A_655 : vector<16x128xf32>
    %add3A_657 = arith.addf %add3A_632, %reduce_sum3A_651 : f32
    %eq3A_658 = arith.constant 26 : i32
    %eq3A_659 = vector.broadcast %eq3A_658 : i32 to vector<16x128xi32>
    %eq3A_660 = arith.cmpi eq, %get3A_3, %eq3A_659 : vector<16x128xi32>
    %convert_element_type3A_661 = arith.extui %eq3A_660 : vector<16x128xi1> to vector<16x128xi32>
    %convert_element_type3A_662 = arith.sitofp %convert_element_type3A_661 : vector<16x128xi32> to vector<16x128xf32>
    %dot_general3A_663 = arith.constant dense<0.000000e+00> : vector<16x128xf32>
    %dot_general3A_664 = tpu.matmul %convert_element_type3A_662, %convert_element_type3A_5, %dot_general3A_663 {dimension_numbers = #tpu.dot_dimension_numbers<[1], [0], [0], [1], [0, 0, 1, 1], [], []>, transpose_lhs_hint = false} : vector<16x128xf32>, vector<128x128xf32>, vector<16x128xf32> -> vector<16x128xf32>
    %reduce_sum3A_665 = arith.constant dense<0.000000e+00> : vector<16xf32>
    %reduce_sum3A_666 = vector.multi_reduction <add>, %convert_element_type3A_662, %reduce_sum3A_665 [1] : vector<16x128xf32> to vector<16xf32>
    %broadcast_in_dim3A_667 = vector.shape_cast %reduce_sum3A_666 : vector<16xf32> to vector<16x1xf32>
    %broadcast_in_dim3A_668 = vector.shape_cast %broadcast_in_dim3A_667 : vector<16x1xf32> to vector<16x1xf32>
    %broadcast_in_dim3A_669 = vector.broadcast %broadcast_in_dim3A_668 : vector<16x1xf32> to vector<16x128xf32>
    %dot_general3A_670 = arith.constant dense<0.000000e+00> : vector<16x128xf32>
    %dot_general3A_671 = tpu.matmul %convert_element_type3A_9, %broadcast_in_dim3A_669, %dot_general3A_670 {dimension_numbers = #tpu.dot_dimension_numbers<[1], [0], [0], [1], [0, 0, 1, 1], [], []>, transpose_lhs_hint = false} : vector<16x16xf32>, vector<16x128xf32>, vector<16x128xf32> -> vector<16x128xf32>
    %reduce_sum3A_672 = vector.shape_cast %convert_element_type3A_662 : vector<16x128xf32> to vector<1x16x128xf32>
    %reduce_sum3A_673 = arith.constant dense<0.000000e+00> : vector<1xf32>
    %reduce_sum3A_674 = vector.multi_reduction <add>, %reduce_sum3A_672, %reduce_sum3A_673 [1, 2] : vector<1x16x128xf32> to vector<1xf32>
    %reduce_sum3A_675 = vector.shape_cast %reduce_sum3A_674 : vector<1xf32> to vector<1x1x1xf32>
    %reduce_sum3A_676 = vector.extract %reduce_sum3A_675[0, 0, 0] : f32 from vector<1x1x1xf32>
    %add3A_677 = vector.broadcast %add3A_657 : f32 to vector<16x128xf32>
    %add3A_678 = arith.addf %add3A_677, %dot_general3A_671 : vector<16x128xf32>
    %add3A_679 = arith.addf %add3A_678, %dot_general3A_664 : vector<16x128xf32>
    %mul3A_680 = arith.mulf %convert_element_type3A_662, %add3A_679 : vector<16x128xf32>
    %add3A_681 = arith.addf %add3A_656, %mul3A_680 : vector<16x128xf32>
    %add3A_682 = arith.addf %add3A_657, %reduce_sum3A_676 : f32
    %eq3A_683 = arith.constant 27 : i32
    %eq3A_684 = vector.broadcast %eq3A_683 : i32 to vector<16x128xi32>
    %eq3A_685 = arith.cmpi eq, %get3A_3, %eq3A_684 : vector<16x128xi32>
    %convert_element_type3A_686 = arith.extui %eq3A_685 : vector<16x128xi1> to vector<16x128xi32>
    %convert_element_type3A_687 = arith.sitofp %convert_element_type3A_686 : vector<16x128xi32> to vector<16x128xf32>
    %dot_general3A_688 = arith.constant dense<0.000000e+00> : vector<16x128xf32>
    %dot_general3A_689 = tpu.matmul %convert_element_type3A_687, %convert_element_type3A_5, %dot_general3A_688 {dimension_numbers = #tpu.dot_dimension_numbers<[1], [0], [0], [1], [0, 0, 1, 1], [], []>, transpose_lhs_hint = false} : vector<16x128xf32>, vector<128x128xf32>, vector<16x128xf32> -> vector<16x128xf32>
    %reduce_sum3A_690 = arith.constant dense<0.000000e+00> : vector<16xf32>
    %reduce_sum3A_691 = vector.multi_reduction <add>, %convert_element_type3A_687, %reduce_sum3A_690 [1] : vector<16x128xf32> to vector<16xf32>
    %broadcast_in_dim3A_692 = vector.shape_cast %reduce_sum3A_691 : vector<16xf32> to vector<16x1xf32>
    %broadcast_in_dim3A_693 = vector.shape_cast %broadcast_in_dim3A_692 : vector<16x1xf32> to vector<16x1xf32>
    %broadcast_in_dim3A_694 = vector.broadcast %broadcast_in_dim3A_693 : vector<16x1xf32> to vector<16x128xf32>
    %dot_general3A_695 = arith.constant dense<0.000000e+00> : vector<16x128xf32>
    %dot_general3A_696 = tpu.matmul %convert_element_type3A_9, %broadcast_in_dim3A_694, %dot_general3A_695 {dimension_numbers = #tpu.dot_dimension_numbers<[1], [0], [0], [1], [0, 0, 1, 1], [], []>, transpose_lhs_hint = false} : vector<16x16xf32>, vector<16x128xf32>, vector<16x128xf32> -> vector<16x128xf32>
    %reduce_sum3A_697 = vector.shape_cast %convert_element_type3A_687 : vector<16x128xf32> to vector<1x16x128xf32>
    %reduce_sum3A_698 = arith.constant dense<0.000000e+00> : vector<1xf32>
    %reduce_sum3A_699 = vector.multi_reduction <add>, %reduce_sum3A_697, %reduce_sum3A_698 [1, 2] : vector<1x16x128xf32> to vector<1xf32>
    %reduce_sum3A_700 = vector.shape_cast %reduce_sum3A_699 : vector<1xf32> to vector<1x1x1xf32>
    %reduce_sum3A_701 = vector.extract %reduce_sum3A_700[0, 0, 0] : f32 from vector<1x1x1xf32>
    %add3A_702 = vector.broadcast %add3A_682 : f32 to vector<16x128xf32>
    %add3A_703 = arith.addf %add3A_702, %dot_general3A_696 : vector<16x128xf32>
    %add3A_704 = arith.addf %add3A_703, %dot_general3A_689 : vector<16x128xf32>
    %mul3A_705 = arith.mulf %convert_element_type3A_687, %add3A_704 : vector<16x128xf32>
    %add3A_706 = arith.addf %add3A_681, %mul3A_705 : vector<16x128xf32>
    %add3A_707 = arith.addf %add3A_682, %reduce_sum3A_701 : f32
    %eq3A_708 = arith.constant 28 : i32
    %eq3A_709 = vector.broadcast %eq3A_708 : i32 to vector<16x128xi32>
    %eq3A_710 = arith.cmpi eq, %get3A_3, %eq3A_709 : vector<16x128xi32>
    %convert_element_type3A_711 = arith.extui %eq3A_710 : vector<16x128xi1> to vector<16x128xi32>
    %convert_element_type3A_712 = arith.sitofp %convert_element_type3A_711 : vector<16x128xi32> to vector<16x128xf32>
    %dot_general3A_713 = arith.constant dense<0.000000e+00> : vector<16x128xf32>
    %dot_general3A_714 = tpu.matmul %convert_element_type3A_712, %convert_element_type3A_5, %dot_general3A_713 {dimension_numbers = #tpu.dot_dimension_numbers<[1], [0], [0], [1], [0, 0, 1, 1], [], []>, transpose_lhs_hint = false} : vector<16x128xf32>, vector<128x128xf32>, vector<16x128xf32> -> vector<16x128xf32>
    %reduce_sum3A_715 = arith.constant dense<0.000000e+00> : vector<16xf32>
    %reduce_sum3A_716 = vector.multi_reduction <add>, %convert_element_type3A_712, %reduce_sum3A_715 [1] : vector<16x128xf32> to vector<16xf32>
    %broadcast_in_dim3A_717 = vector.shape_cast %reduce_sum3A_716 : vector<16xf32> to vector<16x1xf32>
    %broadcast_in_dim3A_718 = vector.shape_cast %broadcast_in_dim3A_717 : vector<16x1xf32> to vector<16x1xf32>
    %broadcast_in_dim3A_719 = vector.broadcast %broadcast_in_dim3A_718 : vector<16x1xf32> to vector<16x128xf32>
    %dot_general3A_720 = arith.constant dense<0.000000e+00> : vector<16x128xf32>
    %dot_general3A_721 = tpu.matmul %convert_element_type3A_9, %broadcast_in_dim3A_719, %dot_general3A_720 {dimension_numbers = #tpu.dot_dimension_numbers<[1], [0], [0], [1], [0, 0, 1, 1], [], []>, transpose_lhs_hint = false} : vector<16x16xf32>, vector<16x128xf32>, vector<16x128xf32> -> vector<16x128xf32>
    %reduce_sum3A_722 = vector.shape_cast %convert_element_type3A_712 : vector<16x128xf32> to vector<1x16x128xf32>
    %reduce_sum3A_723 = arith.constant dense<0.000000e+00> : vector<1xf32>
    %reduce_sum3A_724 = vector.multi_reduction <add>, %reduce_sum3A_722, %reduce_sum3A_723 [1, 2] : vector<1x16x128xf32> to vector<1xf32>
    %reduce_sum3A_725 = vector.shape_cast %reduce_sum3A_724 : vector<1xf32> to vector<1x1x1xf32>
    %reduce_sum3A_726 = vector.extract %reduce_sum3A_725[0, 0, 0] : f32 from vector<1x1x1xf32>
    %add3A_727 = vector.broadcast %add3A_707 : f32 to vector<16x128xf32>
    %add3A_728 = arith.addf %add3A_727, %dot_general3A_721 : vector<16x128xf32>
    %add3A_729 = arith.addf %add3A_728, %dot_general3A_714 : vector<16x128xf32>
    %mul3A_730 = arith.mulf %convert_element_type3A_712, %add3A_729 : vector<16x128xf32>
    %add3A_731 = arith.addf %add3A_706, %mul3A_730 : vector<16x128xf32>
    %add3A_732 = arith.addf %add3A_707, %reduce_sum3A_726 : f32
    %eq3A_733 = arith.constant 29 : i32
    %eq3A_734 = vector.broadcast %eq3A_733 : i32 to vector<16x128xi32>
    %eq3A_735 = arith.cmpi eq, %get3A_3, %eq3A_734 : vector<16x128xi32>
    %convert_element_type3A_736 = arith.extui %eq3A_735 : vector<16x128xi1> to vector<16x128xi32>
    %convert_element_type3A_737 = arith.sitofp %convert_element_type3A_736 : vector<16x128xi32> to vector<16x128xf32>
    %dot_general3A_738 = arith.constant dense<0.000000e+00> : vector<16x128xf32>
    %dot_general3A_739 = tpu.matmul %convert_element_type3A_737, %convert_element_type3A_5, %dot_general3A_738 {dimension_numbers = #tpu.dot_dimension_numbers<[1], [0], [0], [1], [0, 0, 1, 1], [], []>, transpose_lhs_hint = false} : vector<16x128xf32>, vector<128x128xf32>, vector<16x128xf32> -> vector<16x128xf32>
    %reduce_sum3A_740 = arith.constant dense<0.000000e+00> : vector<16xf32>
    %reduce_sum3A_741 = vector.multi_reduction <add>, %convert_element_type3A_737, %reduce_sum3A_740 [1] : vector<16x128xf32> to vector<16xf32>
    %broadcast_in_dim3A_742 = vector.shape_cast %reduce_sum3A_741 : vector<16xf32> to vector<16x1xf32>
    %broadcast_in_dim3A_743 = vector.shape_cast %broadcast_in_dim3A_742 : vector<16x1xf32> to vector<16x1xf32>
    %broadcast_in_dim3A_744 = vector.broadcast %broadcast_in_dim3A_743 : vector<16x1xf32> to vector<16x128xf32>
    %dot_general3A_745 = arith.constant dense<0.000000e+00> : vector<16x128xf32>
    %dot_general3A_746 = tpu.matmul %convert_element_type3A_9, %broadcast_in_dim3A_744, %dot_general3A_745 {dimension_numbers = #tpu.dot_dimension_numbers<[1], [0], [0], [1], [0, 0, 1, 1], [], []>, transpose_lhs_hint = false} : vector<16x16xf32>, vector<16x128xf32>, vector<16x128xf32> -> vector<16x128xf32>
    %reduce_sum3A_747 = vector.shape_cast %convert_element_type3A_737 : vector<16x128xf32> to vector<1x16x128xf32>
    %reduce_sum3A_748 = arith.constant dense<0.000000e+00> : vector<1xf32>
    %reduce_sum3A_749 = vector.multi_reduction <add>, %reduce_sum3A_747, %reduce_sum3A_748 [1, 2] : vector<1x16x128xf32> to vector<1xf32>
    %reduce_sum3A_750 = vector.shape_cast %reduce_sum3A_749 : vector<1xf32> to vector<1x1x1xf32>
    %reduce_sum3A_751 = vector.extract %reduce_sum3A_750[0, 0, 0] : f32 from vector<1x1x1xf32>
    %add3A_752 = vector.broadcast %add3A_732 : f32 to vector<16x128xf32>
    %add3A_753 = arith.addf %add3A_752, %dot_general3A_746 : vector<16x128xf32>
    %add3A_754 = arith.addf %add3A_753, %dot_general3A_739 : vector<16x128xf32>
    %mul3A_755 = arith.mulf %convert_element_type3A_737, %add3A_754 : vector<16x128xf32>
    %add3A_756 = arith.addf %add3A_731, %mul3A_755 : vector<16x128xf32>
    %add3A_757 = arith.addf %add3A_732, %reduce_sum3A_751 : f32
    %eq3A_758 = arith.constant 30 : i32
    %eq3A_759 = vector.broadcast %eq3A_758 : i32 to vector<16x128xi32>
    %eq3A_760 = arith.cmpi eq, %get3A_3, %eq3A_759 : vector<16x128xi32>
    %convert_element_type3A_761 = arith.extui %eq3A_760 : vector<16x128xi1> to vector<16x128xi32>
    %convert_element_type3A_762 = arith.sitofp %convert_element_type3A_761 : vector<16x128xi32> to vector<16x128xf32>
    %dot_general3A_763 = arith.constant dense<0.000000e+00> : vector<16x128xf32>
    %dot_general3A_764 = tpu.matmul %convert_element_type3A_762, %convert_element_type3A_5, %dot_general3A_763 {dimension_numbers = #tpu.dot_dimension_numbers<[1], [0], [0], [1], [0, 0, 1, 1], [], []>, transpose_lhs_hint = false} : vector<16x128xf32>, vector<128x128xf32>, vector<16x128xf32> -> vector<16x128xf32>
    %reduce_sum3A_765 = arith.constant dense<0.000000e+00> : vector<16xf32>
    %reduce_sum3A_766 = vector.multi_reduction <add>, %convert_element_type3A_762, %reduce_sum3A_765 [1] : vector<16x128xf32> to vector<16xf32>
    %broadcast_in_dim3A_767 = vector.shape_cast %reduce_sum3A_766 : vector<16xf32> to vector<16x1xf32>
    %broadcast_in_dim3A_768 = vector.shape_cast %broadcast_in_dim3A_767 : vector<16x1xf32> to vector<16x1xf32>
    %broadcast_in_dim3A_769 = vector.broadcast %broadcast_in_dim3A_768 : vector<16x1xf32> to vector<16x128xf32>
    %dot_general3A_770 = arith.constant dense<0.000000e+00> : vector<16x128xf32>
    %dot_general3A_771 = tpu.matmul %convert_element_type3A_9, %broadcast_in_dim3A_769, %dot_general3A_770 {dimension_numbers = #tpu.dot_dimension_numbers<[1], [0], [0], [1], [0, 0, 1, 1], [], []>, transpose_lhs_hint = false} : vector<16x16xf32>, vector<16x128xf32>, vector<16x128xf32> -> vector<16x128xf32>
    %reduce_sum3A_772 = vector.shape_cast %convert_element_type3A_762 : vector<16x128xf32> to vector<1x16x128xf32>
    %reduce_sum3A_773 = arith.constant dense<0.000000e+00> : vector<1xf32>
    %reduce_sum3A_774 = vector.multi_reduction <add>, %reduce_sum3A_772, %reduce_sum3A_773 [1, 2] : vector<1x16x128xf32> to vector<1xf32>
    %reduce_sum3A_775 = vector.shape_cast %reduce_sum3A_774 : vector<1xf32> to vector<1x1x1xf32>
    %reduce_sum3A_776 = vector.extract %reduce_sum3A_775[0, 0, 0] : f32 from vector<1x1x1xf32>
    %add3A_777 = vector.broadcast %add3A_757 : f32 to vector<16x128xf32>
    %add3A_778 = arith.addf %add3A_777, %dot_general3A_771 : vector<16x128xf32>
    %add3A_779 = arith.addf %add3A_778, %dot_general3A_764 : vector<16x128xf32>
    %mul3A_780 = arith.mulf %convert_element_type3A_762, %add3A_779 : vector<16x128xf32>
    %add3A_781 = arith.addf %add3A_756, %mul3A_780 : vector<16x128xf32>
    %add3A_782 = arith.addf %add3A_757, %reduce_sum3A_776 : f32
    %eq3A_783 = arith.constant 31 : i32
    %eq3A_784 = vector.broadcast %eq3A_783 : i32 to vector<16x128xi32>
    %eq3A_785 = arith.cmpi eq, %get3A_3, %eq3A_784 : vector<16x128xi32>
    %convert_element_type3A_786 = arith.extui %eq3A_785 : vector<16x128xi1> to vector<16x128xi32>
    %convert_element_type3A_787 = arith.sitofp %convert_element_type3A_786 : vector<16x128xi32> to vector<16x128xf32>
    %dot_general3A_788 = arith.constant dense<0.000000e+00> : vector<16x128xf32>
    %dot_general3A_789 = tpu.matmul %convert_element_type3A_787, %convert_element_type3A_5, %dot_general3A_788 {dimension_numbers = #tpu.dot_dimension_numbers<[1], [0], [0], [1], [0, 0, 1, 1], [], []>, transpose_lhs_hint = false} : vector<16x128xf32>, vector<128x128xf32>, vector<16x128xf32> -> vector<16x128xf32>
    %reduce_sum3A_790 = arith.constant dense<0.000000e+00> : vector<16xf32>
    %reduce_sum3A_791 = vector.multi_reduction <add>, %convert_element_type3A_787, %reduce_sum3A_790 [1] : vector<16x128xf32> to vector<16xf32>
    %broadcast_in_dim3A_792 = vector.shape_cast %reduce_sum3A_791 : vector<16xf32> to vector<16x1xf32>
    %broadcast_in_dim3A_793 = vector.shape_cast %broadcast_in_dim3A_792 : vector<16x1xf32> to vector<16x1xf32>
    %broadcast_in_dim3A_794 = vector.broadcast %broadcast_in_dim3A_793 : vector<16x1xf32> to vector<16x128xf32>
    %dot_general3A_795 = arith.constant dense<0.000000e+00> : vector<16x128xf32>
    %dot_general3A_796 = tpu.matmul %convert_element_type3A_9, %broadcast_in_dim3A_794, %dot_general3A_795 {dimension_numbers = #tpu.dot_dimension_numbers<[1], [0], [0], [1], [0, 0, 1, 1], [], []>, transpose_lhs_hint = false} : vector<16x16xf32>, vector<16x128xf32>, vector<16x128xf32> -> vector<16x128xf32>
    %reduce_sum3A_797 = vector.shape_cast %convert_element_type3A_787 : vector<16x128xf32> to vector<1x16x128xf32>
    %reduce_sum3A_798 = arith.constant dense<0.000000e+00> : vector<1xf32>
    %reduce_sum3A_799 = vector.multi_reduction <add>, %reduce_sum3A_797, %reduce_sum3A_798 [1, 2] : vector<1x16x128xf32> to vector<1xf32>
    %reduce_sum3A_800 = vector.shape_cast %reduce_sum3A_799 : vector<1xf32> to vector<1x1x1xf32>
    %reduce_sum3A_801 = vector.extract %reduce_sum3A_800[0, 0, 0] : f32 from vector<1x1x1xf32>
    %add3A_802 = vector.broadcast %add3A_782 : f32 to vector<16x128xf32>
    %add3A_803 = arith.addf %add3A_802, %dot_general3A_796 : vector<16x128xf32>
    %add3A_804 = arith.addf %add3A_803, %dot_general3A_789 : vector<16x128xf32>
    %mul3A_805 = arith.mulf %convert_element_type3A_787, %add3A_804 : vector<16x128xf32>
    %add3A_806 = arith.addf %add3A_781, %mul3A_805 : vector<16x128xf32>
    %add3A_807 = arith.addf %add3A_782, %reduce_sum3A_801 : f32
    %eq3A_808 = arith.constant 32 : i32
    %eq3A_809 = vector.broadcast %eq3A_808 : i32 to vector<16x128xi32>
    %eq3A_810 = arith.cmpi eq, %get3A_3, %eq3A_809 : vector<16x128xi32>
    %convert_element_type3A_811 = arith.extui %eq3A_810 : vector<16x128xi1> to vector<16x128xi32>
    %convert_element_type3A_812 = arith.sitofp %convert_element_type3A_811 : vector<16x128xi32> to vector<16x128xf32>
    %dot_general3A_813 = arith.constant dense<0.000000e+00> : vector<16x128xf32>
    %dot_general3A_814 = tpu.matmul %convert_element_type3A_812, %convert_element_type3A_5, %dot_general3A_813 {dimension_numbers = #tpu.dot_dimension_numbers<[1], [0], [0], [1], [0, 0, 1, 1], [], []>, transpose_lhs_hint = false} : vector<16x128xf32>, vector<128x128xf32>, vector<16x128xf32> -> vector<16x128xf32>
    %reduce_sum3A_815 = arith.constant dense<0.000000e+00> : vector<16xf32>
    %reduce_sum3A_816 = vector.multi_reduction <add>, %convert_element_type3A_812, %reduce_sum3A_815 [1] : vector<16x128xf32> to vector<16xf32>
    %broadcast_in_dim3A_817 = vector.shape_cast %reduce_sum3A_816 : vector<16xf32> to vector<16x1xf32>
    %broadcast_in_dim3A_818 = vector.shape_cast %broadcast_in_dim3A_817 : vector<16x1xf32> to vector<16x1xf32>
    %broadcast_in_dim3A_819 = vector.broadcast %broadcast_in_dim3A_818 : vector<16x1xf32> to vector<16x128xf32>
    %dot_general3A_820 = arith.constant dense<0.000000e+00> : vector<16x128xf32>
    %dot_general3A_821 = tpu.matmul %convert_element_type3A_9, %broadcast_in_dim3A_819, %dot_general3A_820 {dimension_numbers = #tpu.dot_dimension_numbers<[1], [0], [0], [1], [0, 0, 1, 1], [], []>, transpose_lhs_hint = false} : vector<16x16xf32>, vector<16x128xf32>, vector<16x128xf32> -> vector<16x128xf32>
    %reduce_sum3A_822 = vector.shape_cast %convert_element_type3A_812 : vector<16x128xf32> to vector<1x16x128xf32>
    %reduce_sum3A_823 = arith.constant dense<0.000000e+00> : vector<1xf32>
    %reduce_sum3A_824 = vector.multi_reduction <add>, %reduce_sum3A_822, %reduce_sum3A_823 [1, 2] : vector<1x16x128xf32> to vector<1xf32>
    %reduce_sum3A_825 = vector.shape_cast %reduce_sum3A_824 : vector<1xf32> to vector<1x1x1xf32>
    %reduce_sum3A_826 = vector.extract %reduce_sum3A_825[0, 0, 0] : f32 from vector<1x1x1xf32>
    %add3A_827 = vector.broadcast %add3A_807 : f32 to vector<16x128xf32>
    %add3A_828 = arith.addf %add3A_827, %dot_general3A_821 : vector<16x128xf32>
    %add3A_829 = arith.addf %add3A_828, %dot_general3A_814 : vector<16x128xf32>
    %mul3A_830 = arith.mulf %convert_element_type3A_812, %add3A_829 : vector<16x128xf32>
    %add3A_831 = arith.addf %add3A_806, %mul3A_830 : vector<16x128xf32>
    %add3A_832 = arith.addf %add3A_807, %reduce_sum3A_826 : f32
    %eq3A_833 = arith.constant 33 : i32
    %eq3A_834 = vector.broadcast %eq3A_833 : i32 to vector<16x128xi32>
    %eq3A_835 = arith.cmpi eq, %get3A_3, %eq3A_834 : vector<16x128xi32>
    %convert_element_type3A_836 = arith.extui %eq3A_835 : vector<16x128xi1> to vector<16x128xi32>
    %convert_element_type3A_837 = arith.sitofp %convert_element_type3A_836 : vector<16x128xi32> to vector<16x128xf32>
    %dot_general3A_838 = arith.constant dense<0.000000e+00> : vector<16x128xf32>
    %dot_general3A_839 = tpu.matmul %convert_element_type3A_837, %convert_element_type3A_5, %dot_general3A_838 {dimension_numbers = #tpu.dot_dimension_numbers<[1], [0], [0], [1], [0, 0, 1, 1], [], []>, transpose_lhs_hint = false} : vector<16x128xf32>, vector<128x128xf32>, vector<16x128xf32> -> vector<16x128xf32>
    %reduce_sum3A_840 = arith.constant dense<0.000000e+00> : vector<16xf32>
    %reduce_sum3A_841 = vector.multi_reduction <add>, %convert_element_type3A_837, %reduce_sum3A_840 [1] : vector<16x128xf32> to vector<16xf32>
    %broadcast_in_dim3A_842 = vector.shape_cast %reduce_sum3A_841 : vector<16xf32> to vector<16x1xf32>
    %broadcast_in_dim3A_843 = vector.shape_cast %broadcast_in_dim3A_842 : vector<16x1xf32> to vector<16x1xf32>
    %broadcast_in_dim3A_844 = vector.broadcast %broadcast_in_dim3A_843 : vector<16x1xf32> to vector<16x128xf32>
    %dot_general3A_845 = arith.constant dense<0.000000e+00> : vector<16x128xf32>
    %dot_general3A_846 = tpu.matmul %convert_element_type3A_9, %broadcast_in_dim3A_844, %dot_general3A_845 {dimension_numbers = #tpu.dot_dimension_numbers<[1], [0], [0], [1], [0, 0, 1, 1], [], []>, transpose_lhs_hint = false} : vector<16x16xf32>, vector<16x128xf32>, vector<16x128xf32> -> vector<16x128xf32>
    %reduce_sum3A_847 = vector.shape_cast %convert_element_type3A_837 : vector<16x128xf32> to vector<1x16x128xf32>
    %reduce_sum3A_848 = arith.constant dense<0.000000e+00> : vector<1xf32>
    %reduce_sum3A_849 = vector.multi_reduction <add>, %reduce_sum3A_847, %reduce_sum3A_848 [1, 2] : vector<1x16x128xf32> to vector<1xf32>
    %reduce_sum3A_850 = vector.shape_cast %reduce_sum3A_849 : vector<1xf32> to vector<1x1x1xf32>
    %reduce_sum3A_851 = vector.extract %reduce_sum3A_850[0, 0, 0] : f32 from vector<1x1x1xf32>
    %add3A_852 = vector.broadcast %add3A_832 : f32 to vector<16x128xf32>
    %add3A_853 = arith.addf %add3A_852, %dot_general3A_846 : vector<16x128xf32>
    %add3A_854 = arith.addf %add3A_853, %dot_general3A_839 : vector<16x128xf32>
    %mul3A_855 = arith.mulf %convert_element_type3A_837, %add3A_854 : vector<16x128xf32>
    %add3A_856 = arith.addf %add3A_831, %mul3A_855 : vector<16x128xf32>
    %add3A_857 = arith.addf %add3A_832, %reduce_sum3A_851 : f32
    %eq3A_858 = arith.constant 34 : i32
    %eq3A_859 = vector.broadcast %eq3A_858 : i32 to vector<16x128xi32>
    %eq3A_860 = arith.cmpi eq, %get3A_3, %eq3A_859 : vector<16x128xi32>
    %convert_element_type3A_861 = arith.extui %eq3A_860 : vector<16x128xi1> to vector<16x128xi32>
    %convert_element_type3A_862 = arith.sitofp %convert_element_type3A_861 : vector<16x128xi32> to vector<16x128xf32>
    %dot_general3A_863 = arith.constant dense<0.000000e+00> : vector<16x128xf32>
    %dot_general3A_864 = tpu.matmul %convert_element_type3A_862, %convert_element_type3A_5, %dot_general3A_863 {dimension_numbers = #tpu.dot_dimension_numbers<[1], [0], [0], [1], [0, 0, 1, 1], [], []>, transpose_lhs_hint = false} : vector<16x128xf32>, vector<128x128xf32>, vector<16x128xf32> -> vector<16x128xf32>
    %reduce_sum3A_865 = arith.constant dense<0.000000e+00> : vector<16xf32>
    %reduce_sum3A_866 = vector.multi_reduction <add>, %convert_element_type3A_862, %reduce_sum3A_865 [1] : vector<16x128xf32> to vector<16xf32>
    %broadcast_in_dim3A_867 = vector.shape_cast %reduce_sum3A_866 : vector<16xf32> to vector<16x1xf32>
    %broadcast_in_dim3A_868 = vector.shape_cast %broadcast_in_dim3A_867 : vector<16x1xf32> to vector<16x1xf32>
    %broadcast_in_dim3A_869 = vector.broadcast %broadcast_in_dim3A_868 : vector<16x1xf32> to vector<16x128xf32>
    %dot_general3A_870 = arith.constant dense<0.000000e+00> : vector<16x128xf32>
    %dot_general3A_871 = tpu.matmul %convert_element_type3A_9, %broadcast_in_dim3A_869, %dot_general3A_870 {dimension_numbers = #tpu.dot_dimension_numbers<[1], [0], [0], [1], [0, 0, 1, 1], [], []>, transpose_lhs_hint = false} : vector<16x16xf32>, vector<16x128xf32>, vector<16x128xf32> -> vector<16x128xf32>
    %reduce_sum3A_872 = vector.shape_cast %convert_element_type3A_862 : vector<16x128xf32> to vector<1x16x128xf32>
    %reduce_sum3A_873 = arith.constant dense<0.000000e+00> : vector<1xf32>
    %reduce_sum3A_874 = vector.multi_reduction <add>, %reduce_sum3A_872, %reduce_sum3A_873 [1, 2] : vector<1x16x128xf32> to vector<1xf32>
    %reduce_sum3A_875 = vector.shape_cast %reduce_sum3A_874 : vector<1xf32> to vector<1x1x1xf32>
    %reduce_sum3A_876 = vector.extract %reduce_sum3A_875[0, 0, 0] : f32 from vector<1x1x1xf32>
    %add3A_877 = vector.broadcast %add3A_857 : f32 to vector<16x128xf32>
    %add3A_878 = arith.addf %add3A_877, %dot_general3A_871 : vector<16x128xf32>
    %add3A_879 = arith.addf %add3A_878, %dot_general3A_864 : vector<16x128xf32>
    %mul3A_880 = arith.mulf %convert_element_type3A_862, %add3A_879 : vector<16x128xf32>
    %add3A_881 = arith.addf %add3A_856, %mul3A_880 : vector<16x128xf32>
    %add3A_882 = arith.addf %add3A_857, %reduce_sum3A_876 : f32
    %eq3A_883 = arith.constant 35 : i32
    %eq3A_884 = vector.broadcast %eq3A_883 : i32 to vector<16x128xi32>
    %eq3A_885 = arith.cmpi eq, %get3A_3, %eq3A_884 : vector<16x128xi32>
    %convert_element_type3A_886 = arith.extui %eq3A_885 : vector<16x128xi1> to vector<16x128xi32>
    %convert_element_type3A_887 = arith.sitofp %convert_element_type3A_886 : vector<16x128xi32> to vector<16x128xf32>
    %dot_general3A_888 = arith.constant dense<0.000000e+00> : vector<16x128xf32>
    %dot_general3A_889 = tpu.matmul %convert_element_type3A_887, %convert_element_type3A_5, %dot_general3A_888 {dimension_numbers = #tpu.dot_dimension_numbers<[1], [0], [0], [1], [0, 0, 1, 1], [], []>, transpose_lhs_hint = false} : vector<16x128xf32>, vector<128x128xf32>, vector<16x128xf32> -> vector<16x128xf32>
    %reduce_sum3A_890 = arith.constant dense<0.000000e+00> : vector<16xf32>
    %reduce_sum3A_891 = vector.multi_reduction <add>, %convert_element_type3A_887, %reduce_sum3A_890 [1] : vector<16x128xf32> to vector<16xf32>
    %broadcast_in_dim3A_892 = vector.shape_cast %reduce_sum3A_891 : vector<16xf32> to vector<16x1xf32>
    %broadcast_in_dim3A_893 = vector.shape_cast %broadcast_in_dim3A_892 : vector<16x1xf32> to vector<16x1xf32>
    %broadcast_in_dim3A_894 = vector.broadcast %broadcast_in_dim3A_893 : vector<16x1xf32> to vector<16x128xf32>
    %dot_general3A_895 = arith.constant dense<0.000000e+00> : vector<16x128xf32>
    %dot_general3A_896 = tpu.matmul %convert_element_type3A_9, %broadcast_in_dim3A_894, %dot_general3A_895 {dimension_numbers = #tpu.dot_dimension_numbers<[1], [0], [0], [1], [0, 0, 1, 1], [], []>, transpose_lhs_hint = false} : vector<16x16xf32>, vector<16x128xf32>, vector<16x128xf32> -> vector<16x128xf32>
    %reduce_sum3A_897 = vector.shape_cast %convert_element_type3A_887 : vector<16x128xf32> to vector<1x16x128xf32>
    %reduce_sum3A_898 = arith.constant dense<0.000000e+00> : vector<1xf32>
    %reduce_sum3A_899 = vector.multi_reduction <add>, %reduce_sum3A_897, %reduce_sum3A_898 [1, 2] : vector<1x16x128xf32> to vector<1xf32>
    %reduce_sum3A_900 = vector.shape_cast %reduce_sum3A_899 : vector<1xf32> to vector<1x1x1xf32>
    %reduce_sum3A_901 = vector.extract %reduce_sum3A_900[0, 0, 0] : f32 from vector<1x1x1xf32>
    %add3A_902 = vector.broadcast %add3A_882 : f32 to vector<16x128xf32>
    %add3A_903 = arith.addf %add3A_902, %dot_general3A_896 : vector<16x128xf32>
    %add3A_904 = arith.addf %add3A_903, %dot_general3A_889 : vector<16x128xf32>
    %mul3A_905 = arith.mulf %convert_element_type3A_887, %add3A_904 : vector<16x128xf32>
    %add3A_906 = arith.addf %add3A_881, %mul3A_905 : vector<16x128xf32>
    %add3A_907 = arith.addf %add3A_882, %reduce_sum3A_901 : f32
    %eq3A_908 = arith.constant 36 : i32
    %eq3A_909 = vector.broadcast %eq3A_908 : i32 to vector<16x128xi32>
    %eq3A_910 = arith.cmpi eq, %get3A_3, %eq3A_909 : vector<16x128xi32>
    %convert_element_type3A_911 = arith.extui %eq3A_910 : vector<16x128xi1> to vector<16x128xi32>
    %convert_element_type3A_912 = arith.sitofp %convert_element_type3A_911 : vector<16x128xi32> to vector<16x128xf32>
    %dot_general3A_913 = arith.constant dense<0.000000e+00> : vector<16x128xf32>
    %dot_general3A_914 = tpu.matmul %convert_element_type3A_912, %convert_element_type3A_5, %dot_general3A_913 {dimension_numbers = #tpu.dot_dimension_numbers<[1], [0], [0], [1], [0, 0, 1, 1], [], []>, transpose_lhs_hint = false} : vector<16x128xf32>, vector<128x128xf32>, vector<16x128xf32> -> vector<16x128xf32>
    %reduce_sum3A_915 = arith.constant dense<0.000000e+00> : vector<16xf32>
    %reduce_sum3A_916 = vector.multi_reduction <add>, %convert_element_type3A_912, %reduce_sum3A_915 [1] : vector<16x128xf32> to vector<16xf32>
    %broadcast_in_dim3A_917 = vector.shape_cast %reduce_sum3A_916 : vector<16xf32> to vector<16x1xf32>
    %broadcast_in_dim3A_918 = vector.shape_cast %broadcast_in_dim3A_917 : vector<16x1xf32> to vector<16x1xf32>
    %broadcast_in_dim3A_919 = vector.broadcast %broadcast_in_dim3A_918 : vector<16x1xf32> to vector<16x128xf32>
    %dot_general3A_920 = arith.constant dense<0.000000e+00> : vector<16x128xf32>
    %dot_general3A_921 = tpu.matmul %convert_element_type3A_9, %broadcast_in_dim3A_919, %dot_general3A_920 {dimension_numbers = #tpu.dot_dimension_numbers<[1], [0], [0], [1], [0, 0, 1, 1], [], []>, transpose_lhs_hint = false} : vector<16x16xf32>, vector<16x128xf32>, vector<16x128xf32> -> vector<16x128xf32>
    %reduce_sum3A_922 = vector.shape_cast %convert_element_type3A_912 : vector<16x128xf32> to vector<1x16x128xf32>
    %reduce_sum3A_923 = arith.constant dense<0.000000e+00> : vector<1xf32>
    %reduce_sum3A_924 = vector.multi_reduction <add>, %reduce_sum3A_922, %reduce_sum3A_923 [1, 2] : vector<1x16x128xf32> to vector<1xf32>
    %reduce_sum3A_925 = vector.shape_cast %reduce_sum3A_924 : vector<1xf32> to vector<1x1x1xf32>
    %reduce_sum3A_926 = vector.extract %reduce_sum3A_925[0, 0, 0] : f32 from vector<1x1x1xf32>
    %add3A_927 = vector.broadcast %add3A_907 : f32 to vector<16x128xf32>
    %add3A_928 = arith.addf %add3A_927, %dot_general3A_921 : vector<16x128xf32>
    %add3A_929 = arith.addf %add3A_928, %dot_general3A_914 : vector<16x128xf32>
    %mul3A_930 = arith.mulf %convert_element_type3A_912, %add3A_929 : vector<16x128xf32>
    %add3A_931 = arith.addf %add3A_906, %mul3A_930 : vector<16x128xf32>
    %add3A_932 = arith.addf %add3A_907, %reduce_sum3A_926 : f32
    %eq3A_933 = arith.constant 37 : i32
    %eq3A_934 = vector.broadcast %eq3A_933 : i32 to vector<16x128xi32>
    %eq3A_935 = arith.cmpi eq, %get3A_3, %eq3A_934 : vector<16x128xi32>
    %convert_element_type3A_936 = arith.extui %eq3A_935 : vector<16x128xi1> to vector<16x128xi32>
    %convert_element_type3A_937 = arith.sitofp %convert_element_type3A_936 : vector<16x128xi32> to vector<16x128xf32>
    %dot_general3A_938 = arith.constant dense<0.000000e+00> : vector<16x128xf32>
    %dot_general3A_939 = tpu.matmul %convert_element_type3A_937, %convert_element_type3A_5, %dot_general3A_938 {dimension_numbers = #tpu.dot_dimension_numbers<[1], [0], [0], [1], [0, 0, 1, 1], [], []>, transpose_lhs_hint = false} : vector<16x128xf32>, vector<128x128xf32>, vector<16x128xf32> -> vector<16x128xf32>
    %reduce_sum3A_940 = arith.constant dense<0.000000e+00> : vector<16xf32>
    %reduce_sum3A_941 = vector.multi_reduction <add>, %convert_element_type3A_937, %reduce_sum3A_940 [1] : vector<16x128xf32> to vector<16xf32>
    %broadcast_in_dim3A_942 = vector.shape_cast %reduce_sum3A_941 : vector<16xf32> to vector<16x1xf32>
    %broadcast_in_dim3A_943 = vector.shape_cast %broadcast_in_dim3A_942 : vector<16x1xf32> to vector<16x1xf32>
    %broadcast_in_dim3A_944 = vector.broadcast %broadcast_in_dim3A_943 : vector<16x1xf32> to vector<16x128xf32>
    %dot_general3A_945 = arith.constant dense<0.000000e+00> : vector<16x128xf32>
    %dot_general3A_946 = tpu.matmul %convert_element_type3A_9, %broadcast_in_dim3A_944, %dot_general3A_945 {dimension_numbers = #tpu.dot_dimension_numbers<[1], [0], [0], [1], [0, 0, 1, 1], [], []>, transpose_lhs_hint = false} : vector<16x16xf32>, vector<16x128xf32>, vector<16x128xf32> -> vector<16x128xf32>
    %reduce_sum3A_947 = vector.shape_cast %convert_element_type3A_937 : vector<16x128xf32> to vector<1x16x128xf32>
    %reduce_sum3A_948 = arith.constant dense<0.000000e+00> : vector<1xf32>
    %reduce_sum3A_949 = vector.multi_reduction <add>, %reduce_sum3A_947, %reduce_sum3A_948 [1, 2] : vector<1x16x128xf32> to vector<1xf32>
    %reduce_sum3A_950 = vector.shape_cast %reduce_sum3A_949 : vector<1xf32> to vector<1x1x1xf32>
    %reduce_sum3A_951 = vector.extract %reduce_sum3A_950[0, 0, 0] : f32 from vector<1x1x1xf32>
    %add3A_952 = vector.broadcast %add3A_932 : f32 to vector<16x128xf32>
    %add3A_953 = arith.addf %add3A_952, %dot_general3A_946 : vector<16x128xf32>
    %add3A_954 = arith.addf %add3A_953, %dot_general3A_939 : vector<16x128xf32>
    %mul3A_955 = arith.mulf %convert_element_type3A_937, %add3A_954 : vector<16x128xf32>
    %add3A_956 = arith.addf %add3A_931, %mul3A_955 : vector<16x128xf32>
    %add3A_957 = arith.addf %add3A_932, %reduce_sum3A_951 : f32
    %eq3A_958 = arith.constant 38 : i32
    %eq3A_959 = vector.broadcast %eq3A_958 : i32 to vector<16x128xi32>
    %eq3A_960 = arith.cmpi eq, %get3A_3, %eq3A_959 : vector<16x128xi32>
    %convert_element_type3A_961 = arith.extui %eq3A_960 : vector<16x128xi1> to vector<16x128xi32>
    %convert_element_type3A_962 = arith.sitofp %convert_element_type3A_961 : vector<16x128xi32> to vector<16x128xf32>
    %dot_general3A_963 = arith.constant dense<0.000000e+00> : vector<16x128xf32>
    %dot_general3A_964 = tpu.matmul %convert_element_type3A_962, %convert_element_type3A_5, %dot_general3A_963 {dimension_numbers = #tpu.dot_dimension_numbers<[1], [0], [0], [1], [0, 0, 1, 1], [], []>, transpose_lhs_hint = false} : vector<16x128xf32>, vector<128x128xf32>, vector<16x128xf32> -> vector<16x128xf32>
    %reduce_sum3A_965 = arith.constant dense<0.000000e+00> : vector<16xf32>
    %reduce_sum3A_966 = vector.multi_reduction <add>, %convert_element_type3A_962, %reduce_sum3A_965 [1] : vector<16x128xf32> to vector<16xf32>
    %broadcast_in_dim3A_967 = vector.shape_cast %reduce_sum3A_966 : vector<16xf32> to vector<16x1xf32>
    %broadcast_in_dim3A_968 = vector.shape_cast %broadcast_in_dim3A_967 : vector<16x1xf32> to vector<16x1xf32>
    %broadcast_in_dim3A_969 = vector.broadcast %broadcast_in_dim3A_968 : vector<16x1xf32> to vector<16x128xf32>
    %dot_general3A_970 = arith.constant dense<0.000000e+00> : vector<16x128xf32>
    %dot_general3A_971 = tpu.matmul %convert_element_type3A_9, %broadcast_in_dim3A_969, %dot_general3A_970 {dimension_numbers = #tpu.dot_dimension_numbers<[1], [0], [0], [1], [0, 0, 1, 1], [], []>, transpose_lhs_hint = false} : vector<16x16xf32>, vector<16x128xf32>, vector<16x128xf32> -> vector<16x128xf32>
    %reduce_sum3A_972 = vector.shape_cast %convert_element_type3A_962 : vector<16x128xf32> to vector<1x16x128xf32>
    %reduce_sum3A_973 = arith.constant dense<0.000000e+00> : vector<1xf32>
    %reduce_sum3A_974 = vector.multi_reduction <add>, %reduce_sum3A_972, %reduce_sum3A_973 [1, 2] : vector<1x16x128xf32> to vector<1xf32>
    %reduce_sum3A_975 = vector.shape_cast %reduce_sum3A_974 : vector<1xf32> to vector<1x1x1xf32>
    %reduce_sum3A_976 = vector.extract %reduce_sum3A_975[0, 0, 0] : f32 from vector<1x1x1xf32>
    %add3A_977 = vector.broadcast %add3A_957 : f32 to vector<16x128xf32>
    %add3A_978 = arith.addf %add3A_977, %dot_general3A_971 : vector<16x128xf32>
    %add3A_979 = arith.addf %add3A_978, %dot_general3A_964 : vector<16x128xf32>
    %mul3A_980 = arith.mulf %convert_element_type3A_962, %add3A_979 : vector<16x128xf32>
    %add3A_981 = arith.addf %add3A_956, %mul3A_980 : vector<16x128xf32>
    %add3A_982 = arith.addf %add3A_957, %reduce_sum3A_976 : f32
    %eq3A_983 = arith.constant 39 : i32
    %eq3A_984 = vector.broadcast %eq3A_983 : i32 to vector<16x128xi32>
    %eq3A_985 = arith.cmpi eq, %get3A_3, %eq3A_984 : vector<16x128xi32>
    %convert_element_type3A_986 = arith.extui %eq3A_985 : vector<16x128xi1> to vector<16x128xi32>
    %convert_element_type3A_987 = arith.sitofp %convert_element_type3A_986 : vector<16x128xi32> to vector<16x128xf32>
    %dot_general3A_988 = arith.constant dense<0.000000e+00> : vector<16x128xf32>
    %dot_general3A_989 = tpu.matmul %convert_element_type3A_987, %convert_element_type3A_5, %dot_general3A_988 {dimension_numbers = #tpu.dot_dimension_numbers<[1], [0], [0], [1], [0, 0, 1, 1], [], []>, transpose_lhs_hint = false} : vector<16x128xf32>, vector<128x128xf32>, vector<16x128xf32> -> vector<16x128xf32>
    %reduce_sum3A_990 = arith.constant dense<0.000000e+00> : vector<16xf32>
    %reduce_sum3A_991 = vector.multi_reduction <add>, %convert_element_type3A_987, %reduce_sum3A_990 [1] : vector<16x128xf32> to vector<16xf32>
    %broadcast_in_dim3A_992 = vector.shape_cast %reduce_sum3A_991 : vector<16xf32> to vector<16x1xf32>
    %broadcast_in_dim3A_993 = vector.shape_cast %broadcast_in_dim3A_992 : vector<16x1xf32> to vector<16x1xf32>
    %broadcast_in_dim3A_994 = vector.broadcast %broadcast_in_dim3A_993 : vector<16x1xf32> to vector<16x128xf32>
    %dot_general3A_995 = arith.constant dense<0.000000e+00> : vector<16x128xf32>
    %dot_general3A_996 = tpu.matmul %convert_element_type3A_9, %broadcast_in_dim3A_994, %dot_general3A_995 {dimension_numbers = #tpu.dot_dimension_numbers<[1], [0], [0], [1], [0, 0, 1, 1], [], []>, transpose_lhs_hint = false} : vector<16x16xf32>, vector<16x128xf32>, vector<16x128xf32> -> vector<16x128xf32>
    %reduce_sum3A_997 = vector.shape_cast %convert_element_type3A_987 : vector<16x128xf32> to vector<1x16x128xf32>
    %reduce_sum3A_998 = arith.constant dense<0.000000e+00> : vector<1xf32>
    %reduce_sum3A_999 = vector.multi_reduction <add>, %reduce_sum3A_997, %reduce_sum3A_998 [1, 2] : vector<1x16x128xf32> to vector<1xf32>
    %reduce_sum3A_1000 = vector.shape_cast %reduce_sum3A_999 : vector<1xf32> to vector<1x1x1xf32>
    %reduce_sum3A_1001 = vector.extract %reduce_sum3A_1000[0, 0, 0] : f32 from vector<1x1x1xf32>
    %add3A_1002 = vector.broadcast %add3A_982 : f32 to vector<16x128xf32>
    %add3A_1003 = arith.addf %add3A_1002, %dot_general3A_996 : vector<16x128xf32>
    %add3A_1004 = arith.addf %add3A_1003, %dot_general3A_989 : vector<16x128xf32>
    %mul3A_1005 = arith.mulf %convert_element_type3A_987, %add3A_1004 : vector<16x128xf32>
    %add3A_1006 = arith.addf %add3A_981, %mul3A_1005 : vector<16x128xf32>
    %add3A_1007 = arith.addf %add3A_982, %reduce_sum3A_1001 : f32
    %eq3A_1008 = arith.constant 40 : i32
    %eq3A_1009 = vector.broadcast %eq3A_1008 : i32 to vector<16x128xi32>
    %eq3A_1010 = arith.cmpi eq, %get3A_3, %eq3A_1009 : vector<16x128xi32>
    %convert_element_type3A_1011 = arith.extui %eq3A_1010 : vector<16x128xi1> to vector<16x128xi32>
    %convert_element_type3A_1012 = arith.sitofp %convert_element_type3A_1011 : vector<16x128xi32> to vector<16x128xf32>
    %dot_general3A_1013 = arith.constant dense<0.000000e+00> : vector<16x128xf32>
    %dot_general3A_1014 = tpu.matmul %convert_element_type3A_1012, %convert_element_type3A_5, %dot_general3A_1013 {dimension_numbers = #tpu.dot_dimension_numbers<[1], [0], [0], [1], [0, 0, 1, 1], [], []>, transpose_lhs_hint = false} : vector<16x128xf32>, vector<128x128xf32>, vector<16x128xf32> -> vector<16x128xf32>
    %reduce_sum3A_1015 = arith.constant dense<0.000000e+00> : vector<16xf32>
    %reduce_sum3A_1016 = vector.multi_reduction <add>, %convert_element_type3A_1012, %reduce_sum3A_1015 [1] : vector<16x128xf32> to vector<16xf32>
    %broadcast_in_dim3A_1017 = vector.shape_cast %reduce_sum3A_1016 : vector<16xf32> to vector<16x1xf32>
    %broadcast_in_dim3A_1018 = vector.shape_cast %broadcast_in_dim3A_1017 : vector<16x1xf32> to vector<16x1xf32>
    %broadcast_in_dim3A_1019 = vector.broadcast %broadcast_in_dim3A_1018 : vector<16x1xf32> to vector<16x128xf32>
    %dot_general3A_1020 = arith.constant dense<0.000000e+00> : vector<16x128xf32>
    %dot_general3A_1021 = tpu.matmul %convert_element_type3A_9, %broadcast_in_dim3A_1019, %dot_general3A_1020 {dimension_numbers = #tpu.dot_dimension_numbers<[1], [0], [0], [1], [0, 0, 1, 1], [], []>, transpose_lhs_hint = false} : vector<16x16xf32>, vector<16x128xf32>, vector<16x128xf32> -> vector<16x128xf32>
    %reduce_sum3A_1022 = vector.shape_cast %convert_element_type3A_1012 : vector<16x128xf32> to vector<1x16x128xf32>
    %reduce_sum3A_1023 = arith.constant dense<0.000000e+00> : vector<1xf32>
    %reduce_sum3A_1024 = vector.multi_reduction <add>, %reduce_sum3A_1022, %reduce_sum3A_1023 [1, 2] : vector<1x16x128xf32> to vector<1xf32>
    %reduce_sum3A_1025 = vector.shape_cast %reduce_sum3A_1024 : vector<1xf32> to vector<1x1x1xf32>
    %reduce_sum3A_1026 = vector.extract %reduce_sum3A_1025[0, 0, 0] : f32 from vector<1x1x1xf32>
    %add3A_1027 = vector.broadcast %add3A_1007 : f32 to vector<16x128xf32>
    %add3A_1028 = arith.addf %add3A_1027, %dot_general3A_1021 : vector<16x128xf32>
    %add3A_1029 = arith.addf %add3A_1028, %dot_general3A_1014 : vector<16x128xf32>
    %mul3A_1030 = arith.mulf %convert_element_type3A_1012, %add3A_1029 : vector<16x128xf32>
    %add3A_1031 = arith.addf %add3A_1006, %mul3A_1030 : vector<16x128xf32>
    %add3A_1032 = arith.addf %add3A_1007, %reduce_sum3A_1026 : f32
    %eq3A_1033 = arith.constant 41 : i32
    %eq3A_1034 = vector.broadcast %eq3A_1033 : i32 to vector<16x128xi32>
    %eq3A_1035 = arith.cmpi eq, %get3A_3, %eq3A_1034 : vector<16x128xi32>
    %convert_element_type3A_1036 = arith.extui %eq3A_1035 : vector<16x128xi1> to vector<16x128xi32>
    %convert_element_type3A_1037 = arith.sitofp %convert_element_type3A_1036 : vector<16x128xi32> to vector<16x128xf32>
    %dot_general3A_1038 = arith.constant dense<0.000000e+00> : vector<16x128xf32>
    %dot_general3A_1039 = tpu.matmul %convert_element_type3A_1037, %convert_element_type3A_5, %dot_general3A_1038 {dimension_numbers = #tpu.dot_dimension_numbers<[1], [0], [0], [1], [0, 0, 1, 1], [], []>, transpose_lhs_hint = false} : vector<16x128xf32>, vector<128x128xf32>, vector<16x128xf32> -> vector<16x128xf32>
    %reduce_sum3A_1040 = arith.constant dense<0.000000e+00> : vector<16xf32>
    %reduce_sum3A_1041 = vector.multi_reduction <add>, %convert_element_type3A_1037, %reduce_sum3A_1040 [1] : vector<16x128xf32> to vector<16xf32>
    %broadcast_in_dim3A_1042 = vector.shape_cast %reduce_sum3A_1041 : vector<16xf32> to vector<16x1xf32>
    %broadcast_in_dim3A_1043 = vector.shape_cast %broadcast_in_dim3A_1042 : vector<16x1xf32> to vector<16x1xf32>
    %broadcast_in_dim3A_1044 = vector.broadcast %broadcast_in_dim3A_1043 : vector<16x1xf32> to vector<16x128xf32>
    %dot_general3A_1045 = arith.constant dense<0.000000e+00> : vector<16x128xf32>
    %dot_general3A_1046 = tpu.matmul %convert_element_type3A_9, %broadcast_in_dim3A_1044, %dot_general3A_1045 {dimension_numbers = #tpu.dot_dimension_numbers<[1], [0], [0], [1], [0, 0, 1, 1], [], []>, transpose_lhs_hint = false} : vector<16x16xf32>, vector<16x128xf32>, vector<16x128xf32> -> vector<16x128xf32>
    %reduce_sum3A_1047 = vector.shape_cast %convert_element_type3A_1037 : vector<16x128xf32> to vector<1x16x128xf32>
    %reduce_sum3A_1048 = arith.constant dense<0.000000e+00> : vector<1xf32>
    %reduce_sum3A_1049 = vector.multi_reduction <add>, %reduce_sum3A_1047, %reduce_sum3A_1048 [1, 2] : vector<1x16x128xf32> to vector<1xf32>
    %reduce_sum3A_1050 = vector.shape_cast %reduce_sum3A_1049 : vector<1xf32> to vector<1x1x1xf32>
    %reduce_sum3A_1051 = vector.extract %reduce_sum3A_1050[0, 0, 0] : f32 from vector<1x1x1xf32>
    %add3A_1052 = vector.broadcast %add3A_1032 : f32 to vector<16x128xf32>
    %add3A_1053 = arith.addf %add3A_1052, %dot_general3A_1046 : vector<16x128xf32>
    %add3A_1054 = arith.addf %add3A_1053, %dot_general3A_1039 : vector<16x128xf32>
    %mul3A_1055 = arith.mulf %convert_element_type3A_1037, %add3A_1054 : vector<16x128xf32>
    %add3A_1056 = arith.addf %add3A_1031, %mul3A_1055 : vector<16x128xf32>
    %add3A_1057 = arith.addf %add3A_1032, %reduce_sum3A_1051 : f32
    %eq3A_1058 = arith.constant 42 : i32
    %eq3A_1059 = vector.broadcast %eq3A_1058 : i32 to vector<16x128xi32>
    %eq3A_1060 = arith.cmpi eq, %get3A_3, %eq3A_1059 : vector<16x128xi32>
    %convert_element_type3A_1061 = arith.extui %eq3A_1060 : vector<16x128xi1> to vector<16x128xi32>
    %convert_element_type3A_1062 = arith.sitofp %convert_element_type3A_1061 : vector<16x128xi32> to vector<16x128xf32>
    %dot_general3A_1063 = arith.constant dense<0.000000e+00> : vector<16x128xf32>
    %dot_general3A_1064 = tpu.matmul %convert_element_type3A_1062, %convert_element_type3A_5, %dot_general3A_1063 {dimension_numbers = #tpu.dot_dimension_numbers<[1], [0], [0], [1], [0, 0, 1, 1], [], []>, transpose_lhs_hint = false} : vector<16x128xf32>, vector<128x128xf32>, vector<16x128xf32> -> vector<16x128xf32>
    %reduce_sum3A_1065 = arith.constant dense<0.000000e+00> : vector<16xf32>
    %reduce_sum3A_1066 = vector.multi_reduction <add>, %convert_element_type3A_1062, %reduce_sum3A_1065 [1] : vector<16x128xf32> to vector<16xf32>
    %broadcast_in_dim3A_1067 = vector.shape_cast %reduce_sum3A_1066 : vector<16xf32> to vector<16x1xf32>
    %broadcast_in_dim3A_1068 = vector.shape_cast %broadcast_in_dim3A_1067 : vector<16x1xf32> to vector<16x1xf32>
    %broadcast_in_dim3A_1069 = vector.broadcast %broadcast_in_dim3A_1068 : vector<16x1xf32> to vector<16x128xf32>
    %dot_general3A_1070 = arith.constant dense<0.000000e+00> : vector<16x128xf32>
    %dot_general3A_1071 = tpu.matmul %convert_element_type3A_9, %broadcast_in_dim3A_1069, %dot_general3A_1070 {dimension_numbers = #tpu.dot_dimension_numbers<[1], [0], [0], [1], [0, 0, 1, 1], [], []>, transpose_lhs_hint = false} : vector<16x16xf32>, vector<16x128xf32>, vector<16x128xf32> -> vector<16x128xf32>
    %reduce_sum3A_1072 = vector.shape_cast %convert_element_type3A_1062 : vector<16x128xf32> to vector<1x16x128xf32>
    %reduce_sum3A_1073 = arith.constant dense<0.000000e+00> : vector<1xf32>
    %reduce_sum3A_1074 = vector.multi_reduction <add>, %reduce_sum3A_1072, %reduce_sum3A_1073 [1, 2] : vector<1x16x128xf32> to vector<1xf32>
    %reduce_sum3A_1075 = vector.shape_cast %reduce_sum3A_1074 : vector<1xf32> to vector<1x1x1xf32>
    %reduce_sum3A_1076 = vector.extract %reduce_sum3A_1075[0, 0, 0] : f32 from vector<1x1x1xf32>
    %add3A_1077 = vector.broadcast %add3A_1057 : f32 to vector<16x128xf32>
    %add3A_1078 = arith.addf %add3A_1077, %dot_general3A_1071 : vector<16x128xf32>
    %add3A_1079 = arith.addf %add3A_1078, %dot_general3A_1064 : vector<16x128xf32>
    %mul3A_1080 = arith.mulf %convert_element_type3A_1062, %add3A_1079 : vector<16x128xf32>
    %add3A_1081 = arith.addf %add3A_1056, %mul3A_1080 : vector<16x128xf32>
    %add3A_1082 = arith.addf %add3A_1057, %reduce_sum3A_1076 : f32
    %eq3A_1083 = arith.constant 43 : i32
    %eq3A_1084 = vector.broadcast %eq3A_1083 : i32 to vector<16x128xi32>
    %eq3A_1085 = arith.cmpi eq, %get3A_3, %eq3A_1084 : vector<16x128xi32>
    %convert_element_type3A_1086 = arith.extui %eq3A_1085 : vector<16x128xi1> to vector<16x128xi32>
    %convert_element_type3A_1087 = arith.sitofp %convert_element_type3A_1086 : vector<16x128xi32> to vector<16x128xf32>
    %dot_general3A_1088 = arith.constant dense<0.000000e+00> : vector<16x128xf32>
    %dot_general3A_1089 = tpu.matmul %convert_element_type3A_1087, %convert_element_type3A_5, %dot_general3A_1088 {dimension_numbers = #tpu.dot_dimension_numbers<[1], [0], [0], [1], [0, 0, 1, 1], [], []>, transpose_lhs_hint = false} : vector<16x128xf32>, vector<128x128xf32>, vector<16x128xf32> -> vector<16x128xf32>
    %reduce_sum3A_1090 = arith.constant dense<0.000000e+00> : vector<16xf32>
    %reduce_sum3A_1091 = vector.multi_reduction <add>, %convert_element_type3A_1087, %reduce_sum3A_1090 [1] : vector<16x128xf32> to vector<16xf32>
    %broadcast_in_dim3A_1092 = vector.shape_cast %reduce_sum3A_1091 : vector<16xf32> to vector<16x1xf32>
    %broadcast_in_dim3A_1093 = vector.shape_cast %broadcast_in_dim3A_1092 : vector<16x1xf32> to vector<16x1xf32>
    %broadcast_in_dim3A_1094 = vector.broadcast %broadcast_in_dim3A_1093 : vector<16x1xf32> to vector<16x128xf32>
    %dot_general3A_1095 = arith.constant dense<0.000000e+00> : vector<16x128xf32>
    %dot_general3A_1096 = tpu.matmul %convert_element_type3A_9, %broadcast_in_dim3A_1094, %dot_general3A_1095 {dimension_numbers = #tpu.dot_dimension_numbers<[1], [0], [0], [1], [0, 0, 1, 1], [], []>, transpose_lhs_hint = false} : vector<16x16xf32>, vector<16x128xf32>, vector<16x128xf32> -> vector<16x128xf32>
    %reduce_sum3A_1097 = vector.shape_cast %convert_element_type3A_1087 : vector<16x128xf32> to vector<1x16x128xf32>
    %reduce_sum3A_1098 = arith.constant dense<0.000000e+00> : vector<1xf32>
    %reduce_sum3A_1099 = vector.multi_reduction <add>, %reduce_sum3A_1097, %reduce_sum3A_1098 [1, 2] : vector<1x16x128xf32> to vector<1xf32>
    %reduce_sum3A_1100 = vector.shape_cast %reduce_sum3A_1099 : vector<1xf32> to vector<1x1x1xf32>
    %reduce_sum3A_1101 = vector.extract %reduce_sum3A_1100[0, 0, 0] : f32 from vector<1x1x1xf32>
    %add3A_1102 = vector.broadcast %add3A_1082 : f32 to vector<16x128xf32>
    %add3A_1103 = arith.addf %add3A_1102, %dot_general3A_1096 : vector<16x128xf32>
    %add3A_1104 = arith.addf %add3A_1103, %dot_general3A_1089 : vector<16x128xf32>
    %mul3A_1105 = arith.mulf %convert_element_type3A_1087, %add3A_1104 : vector<16x128xf32>
    %add3A_1106 = arith.addf %add3A_1081, %mul3A_1105 : vector<16x128xf32>
    %add3A_1107 = arith.addf %add3A_1082, %reduce_sum3A_1101 : f32
    %eq3A_1108 = arith.constant 44 : i32
    %eq3A_1109 = vector.broadcast %eq3A_1108 : i32 to vector<16x128xi32>
    %eq3A_1110 = arith.cmpi eq, %get3A_3, %eq3A_1109 : vector<16x128xi32>
    %convert_element_type3A_1111 = arith.extui %eq3A_1110 : vector<16x128xi1> to vector<16x128xi32>
    %convert_element_type3A_1112 = arith.sitofp %convert_element_type3A_1111 : vector<16x128xi32> to vector<16x128xf32>
    %dot_general3A_1113 = arith.constant dense<0.000000e+00> : vector<16x128xf32>
    %dot_general3A_1114 = tpu.matmul %convert_element_type3A_1112, %convert_element_type3A_5, %dot_general3A_1113 {dimension_numbers = #tpu.dot_dimension_numbers<[1], [0], [0], [1], [0, 0, 1, 1], [], []>, transpose_lhs_hint = false} : vector<16x128xf32>, vector<128x128xf32>, vector<16x128xf32> -> vector<16x128xf32>
    %reduce_sum3A_1115 = arith.constant dense<0.000000e+00> : vector<16xf32>
    %reduce_sum3A_1116 = vector.multi_reduction <add>, %convert_element_type3A_1112, %reduce_sum3A_1115 [1] : vector<16x128xf32> to vector<16xf32>
    %broadcast_in_dim3A_1117 = vector.shape_cast %reduce_sum3A_1116 : vector<16xf32> to vector<16x1xf32>
    %broadcast_in_dim3A_1118 = vector.shape_cast %broadcast_in_dim3A_1117 : vector<16x1xf32> to vector<16x1xf32>
    %broadcast_in_dim3A_1119 = vector.broadcast %broadcast_in_dim3A_1118 : vector<16x1xf32> to vector<16x128xf32>
    %dot_general3A_1120 = arith.constant dense<0.000000e+00> : vector<16x128xf32>
    %dot_general3A_1121 = tpu.matmul %convert_element_type3A_9, %broadcast_in_dim3A_1119, %dot_general3A_1120 {dimension_numbers = #tpu.dot_dimension_numbers<[1], [0], [0], [1], [0, 0, 1, 1], [], []>, transpose_lhs_hint = false} : vector<16x16xf32>, vector<16x128xf32>, vector<16x128xf32> -> vector<16x128xf32>
    %reduce_sum3A_1122 = vector.shape_cast %convert_element_type3A_1112 : vector<16x128xf32> to vector<1x16x128xf32>
    %reduce_sum3A_1123 = arith.constant dense<0.000000e+00> : vector<1xf32>
    %reduce_sum3A_1124 = vector.multi_reduction <add>, %reduce_sum3A_1122, %reduce_sum3A_1123 [1, 2] : vector<1x16x128xf32> to vector<1xf32>
    %reduce_sum3A_1125 = vector.shape_cast %reduce_sum3A_1124 : vector<1xf32> to vector<1x1x1xf32>
    %reduce_sum3A_1126 = vector.extract %reduce_sum3A_1125[0, 0, 0] : f32 from vector<1x1x1xf32>
    %add3A_1127 = vector.broadcast %add3A_1107 : f32 to vector<16x128xf32>
    %add3A_1128 = arith.addf %add3A_1127, %dot_general3A_1121 : vector<16x128xf32>
    %add3A_1129 = arith.addf %add3A_1128, %dot_general3A_1114 : vector<16x128xf32>
    %mul3A_1130 = arith.mulf %convert_element_type3A_1112, %add3A_1129 : vector<16x128xf32>
    %add3A_1131 = arith.addf %add3A_1106, %mul3A_1130 : vector<16x128xf32>
    %add3A_1132 = arith.addf %add3A_1107, %reduce_sum3A_1126 : f32
    %eq3A_1133 = arith.constant 45 : i32
    %eq3A_1134 = vector.broadcast %eq3A_1133 : i32 to vector<16x128xi32>
    %eq3A_1135 = arith.cmpi eq, %get3A_3, %eq3A_1134 : vector<16x128xi32>
    %convert_element_type3A_1136 = arith.extui %eq3A_1135 : vector<16x128xi1> to vector<16x128xi32>
    %convert_element_type3A_1137 = arith.sitofp %convert_element_type3A_1136 : vector<16x128xi32> to vector<16x128xf32>
    %dot_general3A_1138 = arith.constant dense<0.000000e+00> : vector<16x128xf32>
    %dot_general3A_1139 = tpu.matmul %convert_element_type3A_1137, %convert_element_type3A_5, %dot_general3A_1138 {dimension_numbers = #tpu.dot_dimension_numbers<[1], [0], [0], [1], [0, 0, 1, 1], [], []>, transpose_lhs_hint = false} : vector<16x128xf32>, vector<128x128xf32>, vector<16x128xf32> -> vector<16x128xf32>
    %reduce_sum3A_1140 = arith.constant dense<0.000000e+00> : vector<16xf32>
    %reduce_sum3A_1141 = vector.multi_reduction <add>, %convert_element_type3A_1137, %reduce_sum3A_1140 [1] : vector<16x128xf32> to vector<16xf32>
    %broadcast_in_dim3A_1142 = vector.shape_cast %reduce_sum3A_1141 : vector<16xf32> to vector<16x1xf32>
    %broadcast_in_dim3A_1143 = vector.shape_cast %broadcast_in_dim3A_1142 : vector<16x1xf32> to vector<16x1xf32>
    %broadcast_in_dim3A_1144 = vector.broadcast %broadcast_in_dim3A_1143 : vector<16x1xf32> to vector<16x128xf32>
    %dot_general3A_1145 = arith.constant dense<0.000000e+00> : vector<16x128xf32>
    %dot_general3A_1146 = tpu.matmul %convert_element_type3A_9, %broadcast_in_dim3A_1144, %dot_general3A_1145 {dimension_numbers = #tpu.dot_dimension_numbers<[1], [0], [0], [1], [0, 0, 1, 1], [], []>, transpose_lhs_hint = false} : vector<16x16xf32>, vector<16x128xf32>, vector<16x128xf32> -> vector<16x128xf32>
    %reduce_sum3A_1147 = vector.shape_cast %convert_element_type3A_1137 : vector<16x128xf32> to vector<1x16x128xf32>
    %reduce_sum3A_1148 = arith.constant dense<0.000000e+00> : vector<1xf32>
    %reduce_sum3A_1149 = vector.multi_reduction <add>, %reduce_sum3A_1147, %reduce_sum3A_1148 [1, 2] : vector<1x16x128xf32> to vector<1xf32>
    %reduce_sum3A_1150 = vector.shape_cast %reduce_sum3A_1149 : vector<1xf32> to vector<1x1x1xf32>
    %reduce_sum3A_1151 = vector.extract %reduce_sum3A_1150[0, 0, 0] : f32 from vector<1x1x1xf32>
    %add3A_1152 = vector.broadcast %add3A_1132 : f32 to vector<16x128xf32>
    %add3A_1153 = arith.addf %add3A_1152, %dot_general3A_1146 : vector<16x128xf32>
    %add3A_1154 = arith.addf %add3A_1153, %dot_general3A_1139 : vector<16x128xf32>
    %mul3A_1155 = arith.mulf %convert_element_type3A_1137, %add3A_1154 : vector<16x128xf32>
    %add3A_1156 = arith.addf %add3A_1131, %mul3A_1155 : vector<16x128xf32>
    %add3A_1157 = arith.addf %add3A_1132, %reduce_sum3A_1151 : f32
    %eq3A_1158 = arith.constant 46 : i32
    %eq3A_1159 = vector.broadcast %eq3A_1158 : i32 to vector<16x128xi32>
    %eq3A_1160 = arith.cmpi eq, %get3A_3, %eq3A_1159 : vector<16x128xi32>
    %convert_element_type3A_1161 = arith.extui %eq3A_1160 : vector<16x128xi1> to vector<16x128xi32>
    %convert_element_type3A_1162 = arith.sitofp %convert_element_type3A_1161 : vector<16x128xi32> to vector<16x128xf32>
    %dot_general3A_1163 = arith.constant dense<0.000000e+00> : vector<16x128xf32>
    %dot_general3A_1164 = tpu.matmul %convert_element_type3A_1162, %convert_element_type3A_5, %dot_general3A_1163 {dimension_numbers = #tpu.dot_dimension_numbers<[1], [0], [0], [1], [0, 0, 1, 1], [], []>, transpose_lhs_hint = false} : vector<16x128xf32>, vector<128x128xf32>, vector<16x128xf32> -> vector<16x128xf32>
    %reduce_sum3A_1165 = arith.constant dense<0.000000e+00> : vector<16xf32>
    %reduce_sum3A_1166 = vector.multi_reduction <add>, %convert_element_type3A_1162, %reduce_sum3A_1165 [1] : vector<16x128xf32> to vector<16xf32>
    %broadcast_in_dim3A_1167 = vector.shape_cast %reduce_sum3A_1166 : vector<16xf32> to vector<16x1xf32>
    %broadcast_in_dim3A_1168 = vector.shape_cast %broadcast_in_dim3A_1167 : vector<16x1xf32> to vector<16x1xf32>
    %broadcast_in_dim3A_1169 = vector.broadcast %broadcast_in_dim3A_1168 : vector<16x1xf32> to vector<16x128xf32>
    %dot_general3A_1170 = arith.constant dense<0.000000e+00> : vector<16x128xf32>
    %dot_general3A_1171 = tpu.matmul %convert_element_type3A_9, %broadcast_in_dim3A_1169, %dot_general3A_1170 {dimension_numbers = #tpu.dot_dimension_numbers<[1], [0], [0], [1], [0, 0, 1, 1], [], []>, transpose_lhs_hint = false} : vector<16x16xf32>, vector<16x128xf32>, vector<16x128xf32> -> vector<16x128xf32>
    %reduce_sum3A_1172 = vector.shape_cast %convert_element_type3A_1162 : vector<16x128xf32> to vector<1x16x128xf32>
    %reduce_sum3A_1173 = arith.constant dense<0.000000e+00> : vector<1xf32>
    %reduce_sum3A_1174 = vector.multi_reduction <add>, %reduce_sum3A_1172, %reduce_sum3A_1173 [1, 2] : vector<1x16x128xf32> to vector<1xf32>
    %reduce_sum3A_1175 = vector.shape_cast %reduce_sum3A_1174 : vector<1xf32> to vector<1x1x1xf32>
    %reduce_sum3A_1176 = vector.extract %reduce_sum3A_1175[0, 0, 0] : f32 from vector<1x1x1xf32>
    %add3A_1177 = vector.broadcast %add3A_1157 : f32 to vector<16x128xf32>
    %add3A_1178 = arith.addf %add3A_1177, %dot_general3A_1171 : vector<16x128xf32>
    %add3A_1179 = arith.addf %add3A_1178, %dot_general3A_1164 : vector<16x128xf32>
    %mul3A_1180 = arith.mulf %convert_element_type3A_1162, %add3A_1179 : vector<16x128xf32>
    %add3A_1181 = arith.addf %add3A_1156, %mul3A_1180 : vector<16x128xf32>
    %add3A_1182 = arith.addf %add3A_1157, %reduce_sum3A_1176 : f32
    %eq3A_1183 = arith.constant 47 : i32
    %eq3A_1184 = vector.broadcast %eq3A_1183 : i32 to vector<16x128xi32>
    %eq3A_1185 = arith.cmpi eq, %get3A_3, %eq3A_1184 : vector<16x128xi32>
    %convert_element_type3A_1186 = arith.extui %eq3A_1185 : vector<16x128xi1> to vector<16x128xi32>
    %convert_element_type3A_1187 = arith.sitofp %convert_element_type3A_1186 : vector<16x128xi32> to vector<16x128xf32>
    %dot_general3A_1188 = arith.constant dense<0.000000e+00> : vector<16x128xf32>
    %dot_general3A_1189 = tpu.matmul %convert_element_type3A_1187, %convert_element_type3A_5, %dot_general3A_1188 {dimension_numbers = #tpu.dot_dimension_numbers<[1], [0], [0], [1], [0, 0, 1, 1], [], []>, transpose_lhs_hint = false} : vector<16x128xf32>, vector<128x128xf32>, vector<16x128xf32> -> vector<16x128xf32>
    %reduce_sum3A_1190 = arith.constant dense<0.000000e+00> : vector<16xf32>
    %reduce_sum3A_1191 = vector.multi_reduction <add>, %convert_element_type3A_1187, %reduce_sum3A_1190 [1] : vector<16x128xf32> to vector<16xf32>
    %broadcast_in_dim3A_1192 = vector.shape_cast %reduce_sum3A_1191 : vector<16xf32> to vector<16x1xf32>
    %broadcast_in_dim3A_1193 = vector.shape_cast %broadcast_in_dim3A_1192 : vector<16x1xf32> to vector<16x1xf32>
    %broadcast_in_dim3A_1194 = vector.broadcast %broadcast_in_dim3A_1193 : vector<16x1xf32> to vector<16x128xf32>
    %dot_general3A_1195 = arith.constant dense<0.000000e+00> : vector<16x128xf32>
    %dot_general3A_1196 = tpu.matmul %convert_element_type3A_9, %broadcast_in_dim3A_1194, %dot_general3A_1195 {dimension_numbers = #tpu.dot_dimension_numbers<[1], [0], [0], [1], [0, 0, 1, 1], [], []>, transpose_lhs_hint = false} : vector<16x16xf32>, vector<16x128xf32>, vector<16x128xf32> -> vector<16x128xf32>
    %reduce_sum3A_1197 = vector.shape_cast %convert_element_type3A_1187 : vector<16x128xf32> to vector<1x16x128xf32>
    %reduce_sum3A_1198 = arith.constant dense<0.000000e+00> : vector<1xf32>
    %reduce_sum3A_1199 = vector.multi_reduction <add>, %reduce_sum3A_1197, %reduce_sum3A_1198 [1, 2] : vector<1x16x128xf32> to vector<1xf32>
    %reduce_sum3A_1200 = vector.shape_cast %reduce_sum3A_1199 : vector<1xf32> to vector<1x1x1xf32>
    %reduce_sum3A_1201 = vector.extract %reduce_sum3A_1200[0, 0, 0] : f32 from vector<1x1x1xf32>
    %add3A_1202 = vector.broadcast %add3A_1182 : f32 to vector<16x128xf32>
    %add3A_1203 = arith.addf %add3A_1202, %dot_general3A_1196 : vector<16x128xf32>
    %add3A_1204 = arith.addf %add3A_1203, %dot_general3A_1189 : vector<16x128xf32>
    %mul3A_1205 = arith.mulf %convert_element_type3A_1187, %add3A_1204 : vector<16x128xf32>
    %add3A_1206 = arith.addf %add3A_1181, %mul3A_1205 : vector<16x128xf32>
    %add3A_1207 = arith.addf %add3A_1182, %reduce_sum3A_1201 : f32
    %eq3A_1208 = arith.constant 48 : i32
    %eq3A_1209 = vector.broadcast %eq3A_1208 : i32 to vector<16x128xi32>
    %eq3A_1210 = arith.cmpi eq, %get3A_3, %eq3A_1209 : vector<16x128xi32>
    %convert_element_type3A_1211 = arith.extui %eq3A_1210 : vector<16x128xi1> to vector<16x128xi32>
    %convert_element_type3A_1212 = arith.sitofp %convert_element_type3A_1211 : vector<16x128xi32> to vector<16x128xf32>
    %dot_general3A_1213 = arith.constant dense<0.000000e+00> : vector<16x128xf32>
    %dot_general3A_1214 = tpu.matmul %convert_element_type3A_1212, %convert_element_type3A_5, %dot_general3A_1213 {dimension_numbers = #tpu.dot_dimension_numbers<[1], [0], [0], [1], [0, 0, 1, 1], [], []>, transpose_lhs_hint = false} : vector<16x128xf32>, vector<128x128xf32>, vector<16x128xf32> -> vector<16x128xf32>
    %reduce_sum3A_1215 = arith.constant dense<0.000000e+00> : vector<16xf32>
    %reduce_sum3A_1216 = vector.multi_reduction <add>, %convert_element_type3A_1212, %reduce_sum3A_1215 [1] : vector<16x128xf32> to vector<16xf32>
    %broadcast_in_dim3A_1217 = vector.shape_cast %reduce_sum3A_1216 : vector<16xf32> to vector<16x1xf32>
    %broadcast_in_dim3A_1218 = vector.shape_cast %broadcast_in_dim3A_1217 : vector<16x1xf32> to vector<16x1xf32>
    %broadcast_in_dim3A_1219 = vector.broadcast %broadcast_in_dim3A_1218 : vector<16x1xf32> to vector<16x128xf32>
    %dot_general3A_1220 = arith.constant dense<0.000000e+00> : vector<16x128xf32>
    %dot_general3A_1221 = tpu.matmul %convert_element_type3A_9, %broadcast_in_dim3A_1219, %dot_general3A_1220 {dimension_numbers = #tpu.dot_dimension_numbers<[1], [0], [0], [1], [0, 0, 1, 1], [], []>, transpose_lhs_hint = false} : vector<16x16xf32>, vector<16x128xf32>, vector<16x128xf32> -> vector<16x128xf32>
    %reduce_sum3A_1222 = vector.shape_cast %convert_element_type3A_1212 : vector<16x128xf32> to vector<1x16x128xf32>
    %reduce_sum3A_1223 = arith.constant dense<0.000000e+00> : vector<1xf32>
    %reduce_sum3A_1224 = vector.multi_reduction <add>, %reduce_sum3A_1222, %reduce_sum3A_1223 [1, 2] : vector<1x16x128xf32> to vector<1xf32>
    %reduce_sum3A_1225 = vector.shape_cast %reduce_sum3A_1224 : vector<1xf32> to vector<1x1x1xf32>
    %reduce_sum3A_1226 = vector.extract %reduce_sum3A_1225[0, 0, 0] : f32 from vector<1x1x1xf32>
    %add3A_1227 = vector.broadcast %add3A_1207 : f32 to vector<16x128xf32>
    %add3A_1228 = arith.addf %add3A_1227, %dot_general3A_1221 : vector<16x128xf32>
    %add3A_1229 = arith.addf %add3A_1228, %dot_general3A_1214 : vector<16x128xf32>
    %mul3A_1230 = arith.mulf %convert_element_type3A_1212, %add3A_1229 : vector<16x128xf32>
    %add3A_1231 = arith.addf %add3A_1206, %mul3A_1230 : vector<16x128xf32>
    %add3A_1232 = arith.addf %add3A_1207, %reduce_sum3A_1226 : f32
    %eq3A_1233 = arith.constant 49 : i32
    %eq3A_1234 = vector.broadcast %eq3A_1233 : i32 to vector<16x128xi32>
    %eq3A_1235 = arith.cmpi eq, %get3A_3, %eq3A_1234 : vector<16x128xi32>
    %convert_element_type3A_1236 = arith.extui %eq3A_1235 : vector<16x128xi1> to vector<16x128xi32>
    %convert_element_type3A_1237 = arith.sitofp %convert_element_type3A_1236 : vector<16x128xi32> to vector<16x128xf32>
    %dot_general3A_1238 = arith.constant dense<0.000000e+00> : vector<16x128xf32>
    %dot_general3A_1239 = tpu.matmul %convert_element_type3A_1237, %convert_element_type3A_5, %dot_general3A_1238 {dimension_numbers = #tpu.dot_dimension_numbers<[1], [0], [0], [1], [0, 0, 1, 1], [], []>, transpose_lhs_hint = false} : vector<16x128xf32>, vector<128x128xf32>, vector<16x128xf32> -> vector<16x128xf32>
    %reduce_sum3A_1240 = arith.constant dense<0.000000e+00> : vector<16xf32>
    %reduce_sum3A_1241 = vector.multi_reduction <add>, %convert_element_type3A_1237, %reduce_sum3A_1240 [1] : vector<16x128xf32> to vector<16xf32>
    %broadcast_in_dim3A_1242 = vector.shape_cast %reduce_sum3A_1241 : vector<16xf32> to vector<16x1xf32>
    %broadcast_in_dim3A_1243 = vector.shape_cast %broadcast_in_dim3A_1242 : vector<16x1xf32> to vector<16x1xf32>
    %broadcast_in_dim3A_1244 = vector.broadcast %broadcast_in_dim3A_1243 : vector<16x1xf32> to vector<16x128xf32>
    %dot_general3A_1245 = arith.constant dense<0.000000e+00> : vector<16x128xf32>
    %dot_general3A_1246 = tpu.matmul %convert_element_type3A_9, %broadcast_in_dim3A_1244, %dot_general3A_1245 {dimension_numbers = #tpu.dot_dimension_numbers<[1], [0], [0], [1], [0, 0, 1, 1], [], []>, transpose_lhs_hint = false} : vector<16x16xf32>, vector<16x128xf32>, vector<16x128xf32> -> vector<16x128xf32>
    %reduce_sum3A_1247 = vector.shape_cast %convert_element_type3A_1237 : vector<16x128xf32> to vector<1x16x128xf32>
    %reduce_sum3A_1248 = arith.constant dense<0.000000e+00> : vector<1xf32>
    %reduce_sum3A_1249 = vector.multi_reduction <add>, %reduce_sum3A_1247, %reduce_sum3A_1248 [1, 2] : vector<1x16x128xf32> to vector<1xf32>
    %reduce_sum3A_1250 = vector.shape_cast %reduce_sum3A_1249 : vector<1xf32> to vector<1x1x1xf32>
    %reduce_sum3A_1251 = vector.extract %reduce_sum3A_1250[0, 0, 0] : f32 from vector<1x1x1xf32>
    %add3A_1252 = vector.broadcast %add3A_1232 : f32 to vector<16x128xf32>
    %add3A_1253 = arith.addf %add3A_1252, %dot_general3A_1246 : vector<16x128xf32>
    %add3A_1254 = arith.addf %add3A_1253, %dot_general3A_1239 : vector<16x128xf32>
    %mul3A_1255 = arith.mulf %convert_element_type3A_1237, %add3A_1254 : vector<16x128xf32>
    %add3A_1256 = arith.addf %add3A_1231, %mul3A_1255 : vector<16x128xf32>
    %add3A_1257 = arith.addf %add3A_1232, %reduce_sum3A_1251 : f32
    %eq3A_1258 = arith.constant 50 : i32
    %eq3A_1259 = vector.broadcast %eq3A_1258 : i32 to vector<16x128xi32>
    %eq3A_1260 = arith.cmpi eq, %get3A_3, %eq3A_1259 : vector<16x128xi32>
    %convert_element_type3A_1261 = arith.extui %eq3A_1260 : vector<16x128xi1> to vector<16x128xi32>
    %convert_element_type3A_1262 = arith.sitofp %convert_element_type3A_1261 : vector<16x128xi32> to vector<16x128xf32>
    %dot_general3A_1263 = arith.constant dense<0.000000e+00> : vector<16x128xf32>
    %dot_general3A_1264 = tpu.matmul %convert_element_type3A_1262, %convert_element_type3A_5, %dot_general3A_1263 {dimension_numbers = #tpu.dot_dimension_numbers<[1], [0], [0], [1], [0, 0, 1, 1], [], []>, transpose_lhs_hint = false} : vector<16x128xf32>, vector<128x128xf32>, vector<16x128xf32> -> vector<16x128xf32>
    %reduce_sum3A_1265 = arith.constant dense<0.000000e+00> : vector<16xf32>
    %reduce_sum3A_1266 = vector.multi_reduction <add>, %convert_element_type3A_1262, %reduce_sum3A_1265 [1] : vector<16x128xf32> to vector<16xf32>
    %broadcast_in_dim3A_1267 = vector.shape_cast %reduce_sum3A_1266 : vector<16xf32> to vector<16x1xf32>
    %broadcast_in_dim3A_1268 = vector.shape_cast %broadcast_in_dim3A_1267 : vector<16x1xf32> to vector<16x1xf32>
    %broadcast_in_dim3A_1269 = vector.broadcast %broadcast_in_dim3A_1268 : vector<16x1xf32> to vector<16x128xf32>
    %dot_general3A_1270 = arith.constant dense<0.000000e+00> : vector<16x128xf32>
    %dot_general3A_1271 = tpu.matmul %convert_element_type3A_9, %broadcast_in_dim3A_1269, %dot_general3A_1270 {dimension_numbers = #tpu.dot_dimension_numbers<[1], [0], [0], [1], [0, 0, 1, 1], [], []>, transpose_lhs_hint = false} : vector<16x16xf32>, vector<16x128xf32>, vector<16x128xf32> -> vector<16x128xf32>
    %reduce_sum3A_1272 = vector.shape_cast %convert_element_type3A_1262 : vector<16x128xf32> to vector<1x16x128xf32>
    %reduce_sum3A_1273 = arith.constant dense<0.000000e+00> : vector<1xf32>
    %reduce_sum3A_1274 = vector.multi_reduction <add>, %reduce_sum3A_1272, %reduce_sum3A_1273 [1, 2] : vector<1x16x128xf32> to vector<1xf32>
    %reduce_sum3A_1275 = vector.shape_cast %reduce_sum3A_1274 : vector<1xf32> to vector<1x1x1xf32>
    %reduce_sum3A_1276 = vector.extract %reduce_sum3A_1275[0, 0, 0] : f32 from vector<1x1x1xf32>
    %add3A_1277 = vector.broadcast %add3A_1257 : f32 to vector<16x128xf32>
    %add3A_1278 = arith.addf %add3A_1277, %dot_general3A_1271 : vector<16x128xf32>
    %add3A_1279 = arith.addf %add3A_1278, %dot_general3A_1264 : vector<16x128xf32>
    %mul3A_1280 = arith.mulf %convert_element_type3A_1262, %add3A_1279 : vector<16x128xf32>
    %add3A_1281 = arith.addf %add3A_1256, %mul3A_1280 : vector<16x128xf32>
    %add3A_1282 = arith.addf %add3A_1257, %reduce_sum3A_1276 : f32
    %eq3A_1283 = arith.constant 51 : i32
    %eq3A_1284 = vector.broadcast %eq3A_1283 : i32 to vector<16x128xi32>
    %eq3A_1285 = arith.cmpi eq, %get3A_3, %eq3A_1284 : vector<16x128xi32>
    %convert_element_type3A_1286 = arith.extui %eq3A_1285 : vector<16x128xi1> to vector<16x128xi32>
    %convert_element_type3A_1287 = arith.sitofp %convert_element_type3A_1286 : vector<16x128xi32> to vector<16x128xf32>
    %dot_general3A_1288 = arith.constant dense<0.000000e+00> : vector<16x128xf32>
    %dot_general3A_1289 = tpu.matmul %convert_element_type3A_1287, %convert_element_type3A_5, %dot_general3A_1288 {dimension_numbers = #tpu.dot_dimension_numbers<[1], [0], [0], [1], [0, 0, 1, 1], [], []>, transpose_lhs_hint = false} : vector<16x128xf32>, vector<128x128xf32>, vector<16x128xf32> -> vector<16x128xf32>
    %reduce_sum3A_1290 = arith.constant dense<0.000000e+00> : vector<16xf32>
    %reduce_sum3A_1291 = vector.multi_reduction <add>, %convert_element_type3A_1287, %reduce_sum3A_1290 [1] : vector<16x128xf32> to vector<16xf32>
    %broadcast_in_dim3A_1292 = vector.shape_cast %reduce_sum3A_1291 : vector<16xf32> to vector<16x1xf32>
    %broadcast_in_dim3A_1293 = vector.shape_cast %broadcast_in_dim3A_1292 : vector<16x1xf32> to vector<16x1xf32>
    %broadcast_in_dim3A_1294 = vector.broadcast %broadcast_in_dim3A_1293 : vector<16x1xf32> to vector<16x128xf32>
    %dot_general3A_1295 = arith.constant dense<0.000000e+00> : vector<16x128xf32>
    %dot_general3A_1296 = tpu.matmul %convert_element_type3A_9, %broadcast_in_dim3A_1294, %dot_general3A_1295 {dimension_numbers = #tpu.dot_dimension_numbers<[1], [0], [0], [1], [0, 0, 1, 1], [], []>, transpose_lhs_hint = false} : vector<16x16xf32>, vector<16x128xf32>, vector<16x128xf32> -> vector<16x128xf32>
    %reduce_sum3A_1297 = vector.shape_cast %convert_element_type3A_1287 : vector<16x128xf32> to vector<1x16x128xf32>
    %reduce_sum3A_1298 = arith.constant dense<0.000000e+00> : vector<1xf32>
    %reduce_sum3A_1299 = vector.multi_reduction <add>, %reduce_sum3A_1297, %reduce_sum3A_1298 [1, 2] : vector<1x16x128xf32> to vector<1xf32>
    %reduce_sum3A_1300 = vector.shape_cast %reduce_sum3A_1299 : vector<1xf32> to vector<1x1x1xf32>
    %reduce_sum3A_1301 = vector.extract %reduce_sum3A_1300[0, 0, 0] : f32 from vector<1x1x1xf32>
    %add3A_1302 = vector.broadcast %add3A_1282 : f32 to vector<16x128xf32>
    %add3A_1303 = arith.addf %add3A_1302, %dot_general3A_1296 : vector<16x128xf32>
    %add3A_1304 = arith.addf %add3A_1303, %dot_general3A_1289 : vector<16x128xf32>
    %mul3A_1305 = arith.mulf %convert_element_type3A_1287, %add3A_1304 : vector<16x128xf32>
    %add3A_1306 = arith.addf %add3A_1281, %mul3A_1305 : vector<16x128xf32>
    %add3A_1307 = arith.addf %add3A_1282, %reduce_sum3A_1301 : f32
    %eq3A_1308 = arith.constant 52 : i32
    %eq3A_1309 = vector.broadcast %eq3A_1308 : i32 to vector<16x128xi32>
    %eq3A_1310 = arith.cmpi eq, %get3A_3, %eq3A_1309 : vector<16x128xi32>
    %convert_element_type3A_1311 = arith.extui %eq3A_1310 : vector<16x128xi1> to vector<16x128xi32>
    %convert_element_type3A_1312 = arith.sitofp %convert_element_type3A_1311 : vector<16x128xi32> to vector<16x128xf32>
    %dot_general3A_1313 = arith.constant dense<0.000000e+00> : vector<16x128xf32>
    %dot_general3A_1314 = tpu.matmul %convert_element_type3A_1312, %convert_element_type3A_5, %dot_general3A_1313 {dimension_numbers = #tpu.dot_dimension_numbers<[1], [0], [0], [1], [0, 0, 1, 1], [], []>, transpose_lhs_hint = false} : vector<16x128xf32>, vector<128x128xf32>, vector<16x128xf32> -> vector<16x128xf32>
    %reduce_sum3A_1315 = arith.constant dense<0.000000e+00> : vector<16xf32>
    %reduce_sum3A_1316 = vector.multi_reduction <add>, %convert_element_type3A_1312, %reduce_sum3A_1315 [1] : vector<16x128xf32> to vector<16xf32>
    %broadcast_in_dim3A_1317 = vector.shape_cast %reduce_sum3A_1316 : vector<16xf32> to vector<16x1xf32>
    %broadcast_in_dim3A_1318 = vector.shape_cast %broadcast_in_dim3A_1317 : vector<16x1xf32> to vector<16x1xf32>
    %broadcast_in_dim3A_1319 = vector.broadcast %broadcast_in_dim3A_1318 : vector<16x1xf32> to vector<16x128xf32>
    %dot_general3A_1320 = arith.constant dense<0.000000e+00> : vector<16x128xf32>
    %dot_general3A_1321 = tpu.matmul %convert_element_type3A_9, %broadcast_in_dim3A_1319, %dot_general3A_1320 {dimension_numbers = #tpu.dot_dimension_numbers<[1], [0], [0], [1], [0, 0, 1, 1], [], []>, transpose_lhs_hint = false} : vector<16x16xf32>, vector<16x128xf32>, vector<16x128xf32> -> vector<16x128xf32>
    %reduce_sum3A_1322 = vector.shape_cast %convert_element_type3A_1312 : vector<16x128xf32> to vector<1x16x128xf32>
    %reduce_sum3A_1323 = arith.constant dense<0.000000e+00> : vector<1xf32>
    %reduce_sum3A_1324 = vector.multi_reduction <add>, %reduce_sum3A_1322, %reduce_sum3A_1323 [1, 2] : vector<1x16x128xf32> to vector<1xf32>
    %reduce_sum3A_1325 = vector.shape_cast %reduce_sum3A_1324 : vector<1xf32> to vector<1x1x1xf32>
    %reduce_sum3A_1326 = vector.extract %reduce_sum3A_1325[0, 0, 0] : f32 from vector<1x1x1xf32>
    %add3A_1327 = vector.broadcast %add3A_1307 : f32 to vector<16x128xf32>
    %add3A_1328 = arith.addf %add3A_1327, %dot_general3A_1321 : vector<16x128xf32>
    %add3A_1329 = arith.addf %add3A_1328, %dot_general3A_1314 : vector<16x128xf32>
    %mul3A_1330 = arith.mulf %convert_element_type3A_1312, %add3A_1329 : vector<16x128xf32>
    %add3A_1331 = arith.addf %add3A_1306, %mul3A_1330 : vector<16x128xf32>
    %add3A_1332 = arith.addf %add3A_1307, %reduce_sum3A_1326 : f32
    %eq3A_1333 = arith.constant 53 : i32
    %eq3A_1334 = vector.broadcast %eq3A_1333 : i32 to vector<16x128xi32>
    %eq3A_1335 = arith.cmpi eq, %get3A_3, %eq3A_1334 : vector<16x128xi32>
    %convert_element_type3A_1336 = arith.extui %eq3A_1335 : vector<16x128xi1> to vector<16x128xi32>
    %convert_element_type3A_1337 = arith.sitofp %convert_element_type3A_1336 : vector<16x128xi32> to vector<16x128xf32>
    %dot_general3A_1338 = arith.constant dense<0.000000e+00> : vector<16x128xf32>
    %dot_general3A_1339 = tpu.matmul %convert_element_type3A_1337, %convert_element_type3A_5, %dot_general3A_1338 {dimension_numbers = #tpu.dot_dimension_numbers<[1], [0], [0], [1], [0, 0, 1, 1], [], []>, transpose_lhs_hint = false} : vector<16x128xf32>, vector<128x128xf32>, vector<16x128xf32> -> vector<16x128xf32>
    %reduce_sum3A_1340 = arith.constant dense<0.000000e+00> : vector<16xf32>
    %reduce_sum3A_1341 = vector.multi_reduction <add>, %convert_element_type3A_1337, %reduce_sum3A_1340 [1] : vector<16x128xf32> to vector<16xf32>
    %broadcast_in_dim3A_1342 = vector.shape_cast %reduce_sum3A_1341 : vector<16xf32> to vector<16x1xf32>
    %broadcast_in_dim3A_1343 = vector.shape_cast %broadcast_in_dim3A_1342 : vector<16x1xf32> to vector<16x1xf32>
    %broadcast_in_dim3A_1344 = vector.broadcast %broadcast_in_dim3A_1343 : vector<16x1xf32> to vector<16x128xf32>
    %dot_general3A_1345 = arith.constant dense<0.000000e+00> : vector<16x128xf32>
    %dot_general3A_1346 = tpu.matmul %convert_element_type3A_9, %broadcast_in_dim3A_1344, %dot_general3A_1345 {dimension_numbers = #tpu.dot_dimension_numbers<[1], [0], [0], [1], [0, 0, 1, 1], [], []>, transpose_lhs_hint = false} : vector<16x16xf32>, vector<16x128xf32>, vector<16x128xf32> -> vector<16x128xf32>
    %reduce_sum3A_1347 = vector.shape_cast %convert_element_type3A_1337 : vector<16x128xf32> to vector<1x16x128xf32>
    %reduce_sum3A_1348 = arith.constant dense<0.000000e+00> : vector<1xf32>
    %reduce_sum3A_1349 = vector.multi_reduction <add>, %reduce_sum3A_1347, %reduce_sum3A_1348 [1, 2] : vector<1x16x128xf32> to vector<1xf32>
    %reduce_sum3A_1350 = vector.shape_cast %reduce_sum3A_1349 : vector<1xf32> to vector<1x1x1xf32>
    %reduce_sum3A_1351 = vector.extract %reduce_sum3A_1350[0, 0, 0] : f32 from vector<1x1x1xf32>
    %add3A_1352 = vector.broadcast %add3A_1332 : f32 to vector<16x128xf32>
    %add3A_1353 = arith.addf %add3A_1352, %dot_general3A_1346 : vector<16x128xf32>
    %add3A_1354 = arith.addf %add3A_1353, %dot_general3A_1339 : vector<16x128xf32>
    %mul3A_1355 = arith.mulf %convert_element_type3A_1337, %add3A_1354 : vector<16x128xf32>
    %add3A_1356 = arith.addf %add3A_1331, %mul3A_1355 : vector<16x128xf32>
    %add3A_1357 = arith.addf %add3A_1332, %reduce_sum3A_1351 : f32
    %eq3A_1358 = arith.constant 54 : i32
    %eq3A_1359 = vector.broadcast %eq3A_1358 : i32 to vector<16x128xi32>
    %eq3A_1360 = arith.cmpi eq, %get3A_3, %eq3A_1359 : vector<16x128xi32>
    %convert_element_type3A_1361 = arith.extui %eq3A_1360 : vector<16x128xi1> to vector<16x128xi32>
    %convert_element_type3A_1362 = arith.sitofp %convert_element_type3A_1361 : vector<16x128xi32> to vector<16x128xf32>
    %dot_general3A_1363 = arith.constant dense<0.000000e+00> : vector<16x128xf32>
    %dot_general3A_1364 = tpu.matmul %convert_element_type3A_1362, %convert_element_type3A_5, %dot_general3A_1363 {dimension_numbers = #tpu.dot_dimension_numbers<[1], [0], [0], [1], [0, 0, 1, 1], [], []>, transpose_lhs_hint = false} : vector<16x128xf32>, vector<128x128xf32>, vector<16x128xf32> -> vector<16x128xf32>
    %reduce_sum3A_1365 = arith.constant dense<0.000000e+00> : vector<16xf32>
    %reduce_sum3A_1366 = vector.multi_reduction <add>, %convert_element_type3A_1362, %reduce_sum3A_1365 [1] : vector<16x128xf32> to vector<16xf32>
    %broadcast_in_dim3A_1367 = vector.shape_cast %reduce_sum3A_1366 : vector<16xf32> to vector<16x1xf32>
    %broadcast_in_dim3A_1368 = vector.shape_cast %broadcast_in_dim3A_1367 : vector<16x1xf32> to vector<16x1xf32>
    %broadcast_in_dim3A_1369 = vector.broadcast %broadcast_in_dim3A_1368 : vector<16x1xf32> to vector<16x128xf32>
    %dot_general3A_1370 = arith.constant dense<0.000000e+00> : vector<16x128xf32>
    %dot_general3A_1371 = tpu.matmul %convert_element_type3A_9, %broadcast_in_dim3A_1369, %dot_general3A_1370 {dimension_numbers = #tpu.dot_dimension_numbers<[1], [0], [0], [1], [0, 0, 1, 1], [], []>, transpose_lhs_hint = false} : vector<16x16xf32>, vector<16x128xf32>, vector<16x128xf32> -> vector<16x128xf32>
    %reduce_sum3A_1372 = vector.shape_cast %convert_element_type3A_1362 : vector<16x128xf32> to vector<1x16x128xf32>
    %reduce_sum3A_1373 = arith.constant dense<0.000000e+00> : vector<1xf32>
    %reduce_sum3A_1374 = vector.multi_reduction <add>, %reduce_sum3A_1372, %reduce_sum3A_1373 [1, 2] : vector<1x16x128xf32> to vector<1xf32>
    %reduce_sum3A_1375 = vector.shape_cast %reduce_sum3A_1374 : vector<1xf32> to vector<1x1x1xf32>
    %reduce_sum3A_1376 = vector.extract %reduce_sum3A_1375[0, 0, 0] : f32 from vector<1x1x1xf32>
    %add3A_1377 = vector.broadcast %add3A_1357 : f32 to vector<16x128xf32>
    %add3A_1378 = arith.addf %add3A_1377, %dot_general3A_1371 : vector<16x128xf32>
    %add3A_1379 = arith.addf %add3A_1378, %dot_general3A_1364 : vector<16x128xf32>
    %mul3A_1380 = arith.mulf %convert_element_type3A_1362, %add3A_1379 : vector<16x128xf32>
    %add3A_1381 = arith.addf %add3A_1356, %mul3A_1380 : vector<16x128xf32>
    %add3A_1382 = arith.addf %add3A_1357, %reduce_sum3A_1376 : f32
    %eq3A_1383 = arith.constant 55 : i32
    %eq3A_1384 = vector.broadcast %eq3A_1383 : i32 to vector<16x128xi32>
    %eq3A_1385 = arith.cmpi eq, %get3A_3, %eq3A_1384 : vector<16x128xi32>
    %convert_element_type3A_1386 = arith.extui %eq3A_1385 : vector<16x128xi1> to vector<16x128xi32>
    %convert_element_type3A_1387 = arith.sitofp %convert_element_type3A_1386 : vector<16x128xi32> to vector<16x128xf32>
    %dot_general3A_1388 = arith.constant dense<0.000000e+00> : vector<16x128xf32>
    %dot_general3A_1389 = tpu.matmul %convert_element_type3A_1387, %convert_element_type3A_5, %dot_general3A_1388 {dimension_numbers = #tpu.dot_dimension_numbers<[1], [0], [0], [1], [0, 0, 1, 1], [], []>, transpose_lhs_hint = false} : vector<16x128xf32>, vector<128x128xf32>, vector<16x128xf32> -> vector<16x128xf32>
    %reduce_sum3A_1390 = arith.constant dense<0.000000e+00> : vector<16xf32>
    %reduce_sum3A_1391 = vector.multi_reduction <add>, %convert_element_type3A_1387, %reduce_sum3A_1390 [1] : vector<16x128xf32> to vector<16xf32>
    %broadcast_in_dim3A_1392 = vector.shape_cast %reduce_sum3A_1391 : vector<16xf32> to vector<16x1xf32>
    %broadcast_in_dim3A_1393 = vector.shape_cast %broadcast_in_dim3A_1392 : vector<16x1xf32> to vector<16x1xf32>
    %broadcast_in_dim3A_1394 = vector.broadcast %broadcast_in_dim3A_1393 : vector<16x1xf32> to vector<16x128xf32>
    %dot_general3A_1395 = arith.constant dense<0.000000e+00> : vector<16x128xf32>
    %dot_general3A_1396 = tpu.matmul %convert_element_type3A_9, %broadcast_in_dim3A_1394, %dot_general3A_1395 {dimension_numbers = #tpu.dot_dimension_numbers<[1], [0], [0], [1], [0, 0, 1, 1], [], []>, transpose_lhs_hint = false} : vector<16x16xf32>, vector<16x128xf32>, vector<16x128xf32> -> vector<16x128xf32>
    %reduce_sum3A_1397 = vector.shape_cast %convert_element_type3A_1387 : vector<16x128xf32> to vector<1x16x128xf32>
    %reduce_sum3A_1398 = arith.constant dense<0.000000e+00> : vector<1xf32>
    %reduce_sum3A_1399 = vector.multi_reduction <add>, %reduce_sum3A_1397, %reduce_sum3A_1398 [1, 2] : vector<1x16x128xf32> to vector<1xf32>
    %reduce_sum3A_1400 = vector.shape_cast %reduce_sum3A_1399 : vector<1xf32> to vector<1x1x1xf32>
    %reduce_sum3A_1401 = vector.extract %reduce_sum3A_1400[0, 0, 0] : f32 from vector<1x1x1xf32>
    %add3A_1402 = vector.broadcast %add3A_1382 : f32 to vector<16x128xf32>
    %add3A_1403 = arith.addf %add3A_1402, %dot_general3A_1396 : vector<16x128xf32>
    %add3A_1404 = arith.addf %add3A_1403, %dot_general3A_1389 : vector<16x128xf32>
    %mul3A_1405 = arith.mulf %convert_element_type3A_1387, %add3A_1404 : vector<16x128xf32>
    %add3A_1406 = arith.addf %add3A_1381, %mul3A_1405 : vector<16x128xf32>
    %add3A_1407 = arith.addf %add3A_1382, %reduce_sum3A_1401 : f32
    %eq3A_1408 = arith.constant 56 : i32
    %eq3A_1409 = vector.broadcast %eq3A_1408 : i32 to vector<16x128xi32>
    %eq3A_1410 = arith.cmpi eq, %get3A_3, %eq3A_1409 : vector<16x128xi32>
    %convert_element_type3A_1411 = arith.extui %eq3A_1410 : vector<16x128xi1> to vector<16x128xi32>
    %convert_element_type3A_1412 = arith.sitofp %convert_element_type3A_1411 : vector<16x128xi32> to vector<16x128xf32>
    %dot_general3A_1413 = arith.constant dense<0.000000e+00> : vector<16x128xf32>
    %dot_general3A_1414 = tpu.matmul %convert_element_type3A_1412, %convert_element_type3A_5, %dot_general3A_1413 {dimension_numbers = #tpu.dot_dimension_numbers<[1], [0], [0], [1], [0, 0, 1, 1], [], []>, transpose_lhs_hint = false} : vector<16x128xf32>, vector<128x128xf32>, vector<16x128xf32> -> vector<16x128xf32>
    %reduce_sum3A_1415 = arith.constant dense<0.000000e+00> : vector<16xf32>
    %reduce_sum3A_1416 = vector.multi_reduction <add>, %convert_element_type3A_1412, %reduce_sum3A_1415 [1] : vector<16x128xf32> to vector<16xf32>
    %broadcast_in_dim3A_1417 = vector.shape_cast %reduce_sum3A_1416 : vector<16xf32> to vector<16x1xf32>
    %broadcast_in_dim3A_1418 = vector.shape_cast %broadcast_in_dim3A_1417 : vector<16x1xf32> to vector<16x1xf32>
    %broadcast_in_dim3A_1419 = vector.broadcast %broadcast_in_dim3A_1418 : vector<16x1xf32> to vector<16x128xf32>
    %dot_general3A_1420 = arith.constant dense<0.000000e+00> : vector<16x128xf32>
    %dot_general3A_1421 = tpu.matmul %convert_element_type3A_9, %broadcast_in_dim3A_1419, %dot_general3A_1420 {dimension_numbers = #tpu.dot_dimension_numbers<[1], [0], [0], [1], [0, 0, 1, 1], [], []>, transpose_lhs_hint = false} : vector<16x16xf32>, vector<16x128xf32>, vector<16x128xf32> -> vector<16x128xf32>
    %reduce_sum3A_1422 = vector.shape_cast %convert_element_type3A_1412 : vector<16x128xf32> to vector<1x16x128xf32>
    %reduce_sum3A_1423 = arith.constant dense<0.000000e+00> : vector<1xf32>
    %reduce_sum3A_1424 = vector.multi_reduction <add>, %reduce_sum3A_1422, %reduce_sum3A_1423 [1, 2] : vector<1x16x128xf32> to vector<1xf32>
    %reduce_sum3A_1425 = vector.shape_cast %reduce_sum3A_1424 : vector<1xf32> to vector<1x1x1xf32>
    %reduce_sum3A_1426 = vector.extract %reduce_sum3A_1425[0, 0, 0] : f32 from vector<1x1x1xf32>
    %add3A_1427 = vector.broadcast %add3A_1407 : f32 to vector<16x128xf32>
    %add3A_1428 = arith.addf %add3A_1427, %dot_general3A_1421 : vector<16x128xf32>
    %add3A_1429 = arith.addf %add3A_1428, %dot_general3A_1414 : vector<16x128xf32>
    %mul3A_1430 = arith.mulf %convert_element_type3A_1412, %add3A_1429 : vector<16x128xf32>
    %add3A_1431 = arith.addf %add3A_1406, %mul3A_1430 : vector<16x128xf32>
    %add3A_1432 = arith.addf %add3A_1407, %reduce_sum3A_1426 : f32
    %eq3A_1433 = arith.constant 57 : i32
    %eq3A_1434 = vector.broadcast %eq3A_1433 : i32 to vector<16x128xi32>
    %eq3A_1435 = arith.cmpi eq, %get3A_3, %eq3A_1434 : vector<16x128xi32>
    %convert_element_type3A_1436 = arith.extui %eq3A_1435 : vector<16x128xi1> to vector<16x128xi32>
    %convert_element_type3A_1437 = arith.sitofp %convert_element_type3A_1436 : vector<16x128xi32> to vector<16x128xf32>
    %dot_general3A_1438 = arith.constant dense<0.000000e+00> : vector<16x128xf32>
    %dot_general3A_1439 = tpu.matmul %convert_element_type3A_1437, %convert_element_type3A_5, %dot_general3A_1438 {dimension_numbers = #tpu.dot_dimension_numbers<[1], [0], [0], [1], [0, 0, 1, 1], [], []>, transpose_lhs_hint = false} : vector<16x128xf32>, vector<128x128xf32>, vector<16x128xf32> -> vector<16x128xf32>
    %reduce_sum3A_1440 = arith.constant dense<0.000000e+00> : vector<16xf32>
    %reduce_sum3A_1441 = vector.multi_reduction <add>, %convert_element_type3A_1437, %reduce_sum3A_1440 [1] : vector<16x128xf32> to vector<16xf32>
    %broadcast_in_dim3A_1442 = vector.shape_cast %reduce_sum3A_1441 : vector<16xf32> to vector<16x1xf32>
    %broadcast_in_dim3A_1443 = vector.shape_cast %broadcast_in_dim3A_1442 : vector<16x1xf32> to vector<16x1xf32>
    %broadcast_in_dim3A_1444 = vector.broadcast %broadcast_in_dim3A_1443 : vector<16x1xf32> to vector<16x128xf32>
    %dot_general3A_1445 = arith.constant dense<0.000000e+00> : vector<16x128xf32>
    %dot_general3A_1446 = tpu.matmul %convert_element_type3A_9, %broadcast_in_dim3A_1444, %dot_general3A_1445 {dimension_numbers = #tpu.dot_dimension_numbers<[1], [0], [0], [1], [0, 0, 1, 1], [], []>, transpose_lhs_hint = false} : vector<16x16xf32>, vector<16x128xf32>, vector<16x128xf32> -> vector<16x128xf32>
    %reduce_sum3A_1447 = vector.shape_cast %convert_element_type3A_1437 : vector<16x128xf32> to vector<1x16x128xf32>
    %reduce_sum3A_1448 = arith.constant dense<0.000000e+00> : vector<1xf32>
    %reduce_sum3A_1449 = vector.multi_reduction <add>, %reduce_sum3A_1447, %reduce_sum3A_1448 [1, 2] : vector<1x16x128xf32> to vector<1xf32>
    %reduce_sum3A_1450 = vector.shape_cast %reduce_sum3A_1449 : vector<1xf32> to vector<1x1x1xf32>
    %reduce_sum3A_1451 = vector.extract %reduce_sum3A_1450[0, 0, 0] : f32 from vector<1x1x1xf32>
    %add3A_1452 = vector.broadcast %add3A_1432 : f32 to vector<16x128xf32>
    %add3A_1453 = arith.addf %add3A_1452, %dot_general3A_1446 : vector<16x128xf32>
    %add3A_1454 = arith.addf %add3A_1453, %dot_general3A_1439 : vector<16x128xf32>
    %mul3A_1455 = arith.mulf %convert_element_type3A_1437, %add3A_1454 : vector<16x128xf32>
    %add3A_1456 = arith.addf %add3A_1431, %mul3A_1455 : vector<16x128xf32>
    %add3A_1457 = arith.addf %add3A_1432, %reduce_sum3A_1451 : f32
    %eq3A_1458 = arith.constant 58 : i32
    %eq3A_1459 = vector.broadcast %eq3A_1458 : i32 to vector<16x128xi32>
    %eq3A_1460 = arith.cmpi eq, %get3A_3, %eq3A_1459 : vector<16x128xi32>
    %convert_element_type3A_1461 = arith.extui %eq3A_1460 : vector<16x128xi1> to vector<16x128xi32>
    %convert_element_type3A_1462 = arith.sitofp %convert_element_type3A_1461 : vector<16x128xi32> to vector<16x128xf32>
    %dot_general3A_1463 = arith.constant dense<0.000000e+00> : vector<16x128xf32>
    %dot_general3A_1464 = tpu.matmul %convert_element_type3A_1462, %convert_element_type3A_5, %dot_general3A_1463 {dimension_numbers = #tpu.dot_dimension_numbers<[1], [0], [0], [1], [0, 0, 1, 1], [], []>, transpose_lhs_hint = false} : vector<16x128xf32>, vector<128x128xf32>, vector<16x128xf32> -> vector<16x128xf32>
    %reduce_sum3A_1465 = arith.constant dense<0.000000e+00> : vector<16xf32>
    %reduce_sum3A_1466 = vector.multi_reduction <add>, %convert_element_type3A_1462, %reduce_sum3A_1465 [1] : vector<16x128xf32> to vector<16xf32>
    %broadcast_in_dim3A_1467 = vector.shape_cast %reduce_sum3A_1466 : vector<16xf32> to vector<16x1xf32>
    %broadcast_in_dim3A_1468 = vector.shape_cast %broadcast_in_dim3A_1467 : vector<16x1xf32> to vector<16x1xf32>
    %broadcast_in_dim3A_1469 = vector.broadcast %broadcast_in_dim3A_1468 : vector<16x1xf32> to vector<16x128xf32>
    %dot_general3A_1470 = arith.constant dense<0.000000e+00> : vector<16x128xf32>
    %dot_general3A_1471 = tpu.matmul %convert_element_type3A_9, %broadcast_in_dim3A_1469, %dot_general3A_1470 {dimension_numbers = #tpu.dot_dimension_numbers<[1], [0], [0], [1], [0, 0, 1, 1], [], []>, transpose_lhs_hint = false} : vector<16x16xf32>, vector<16x128xf32>, vector<16x128xf32> -> vector<16x128xf32>
    %reduce_sum3A_1472 = vector.shape_cast %convert_element_type3A_1462 : vector<16x128xf32> to vector<1x16x128xf32>
    %reduce_sum3A_1473 = arith.constant dense<0.000000e+00> : vector<1xf32>
    %reduce_sum3A_1474 = vector.multi_reduction <add>, %reduce_sum3A_1472, %reduce_sum3A_1473 [1, 2] : vector<1x16x128xf32> to vector<1xf32>
    %reduce_sum3A_1475 = vector.shape_cast %reduce_sum3A_1474 : vector<1xf32> to vector<1x1x1xf32>
    %reduce_sum3A_1476 = vector.extract %reduce_sum3A_1475[0, 0, 0] : f32 from vector<1x1x1xf32>
    %add3A_1477 = vector.broadcast %add3A_1457 : f32 to vector<16x128xf32>
    %add3A_1478 = arith.addf %add3A_1477, %dot_general3A_1471 : vector<16x128xf32>
    %add3A_1479 = arith.addf %add3A_1478, %dot_general3A_1464 : vector<16x128xf32>
    %mul3A_1480 = arith.mulf %convert_element_type3A_1462, %add3A_1479 : vector<16x128xf32>
    %add3A_1481 = arith.addf %add3A_1456, %mul3A_1480 : vector<16x128xf32>
    %add3A_1482 = arith.addf %add3A_1457, %reduce_sum3A_1476 : f32
    %eq3A_1483 = arith.constant 59 : i32
    %eq3A_1484 = vector.broadcast %eq3A_1483 : i32 to vector<16x128xi32>
    %eq3A_1485 = arith.cmpi eq, %get3A_3, %eq3A_1484 : vector<16x128xi32>
    %convert_element_type3A_1486 = arith.extui %eq3A_1485 : vector<16x128xi1> to vector<16x128xi32>
    %convert_element_type3A_1487 = arith.sitofp %convert_element_type3A_1486 : vector<16x128xi32> to vector<16x128xf32>
    %dot_general3A_1488 = arith.constant dense<0.000000e+00> : vector<16x128xf32>
    %dot_general3A_1489 = tpu.matmul %convert_element_type3A_1487, %convert_element_type3A_5, %dot_general3A_1488 {dimension_numbers = #tpu.dot_dimension_numbers<[1], [0], [0], [1], [0, 0, 1, 1], [], []>, transpose_lhs_hint = false} : vector<16x128xf32>, vector<128x128xf32>, vector<16x128xf32> -> vector<16x128xf32>
    %reduce_sum3A_1490 = arith.constant dense<0.000000e+00> : vector<16xf32>
    %reduce_sum3A_1491 = vector.multi_reduction <add>, %convert_element_type3A_1487, %reduce_sum3A_1490 [1] : vector<16x128xf32> to vector<16xf32>
    %broadcast_in_dim3A_1492 = vector.shape_cast %reduce_sum3A_1491 : vector<16xf32> to vector<16x1xf32>
    %broadcast_in_dim3A_1493 = vector.shape_cast %broadcast_in_dim3A_1492 : vector<16x1xf32> to vector<16x1xf32>
    %broadcast_in_dim3A_1494 = vector.broadcast %broadcast_in_dim3A_1493 : vector<16x1xf32> to vector<16x128xf32>
    %dot_general3A_1495 = arith.constant dense<0.000000e+00> : vector<16x128xf32>
    %dot_general3A_1496 = tpu.matmul %convert_element_type3A_9, %broadcast_in_dim3A_1494, %dot_general3A_1495 {dimension_numbers = #tpu.dot_dimension_numbers<[1], [0], [0], [1], [0, 0, 1, 1], [], []>, transpose_lhs_hint = false} : vector<16x16xf32>, vector<16x128xf32>, vector<16x128xf32> -> vector<16x128xf32>
    %reduce_sum3A_1497 = vector.shape_cast %convert_element_type3A_1487 : vector<16x128xf32> to vector<1x16x128xf32>
    %reduce_sum3A_1498 = arith.constant dense<0.000000e+00> : vector<1xf32>
    %reduce_sum3A_1499 = vector.multi_reduction <add>, %reduce_sum3A_1497, %reduce_sum3A_1498 [1, 2] : vector<1x16x128xf32> to vector<1xf32>
    %reduce_sum3A_1500 = vector.shape_cast %reduce_sum3A_1499 : vector<1xf32> to vector<1x1x1xf32>
    %reduce_sum3A_1501 = vector.extract %reduce_sum3A_1500[0, 0, 0] : f32 from vector<1x1x1xf32>
    %add3A_1502 = vector.broadcast %add3A_1482 : f32 to vector<16x128xf32>
    %add3A_1503 = arith.addf %add3A_1502, %dot_general3A_1496 : vector<16x128xf32>
    %add3A_1504 = arith.addf %add3A_1503, %dot_general3A_1489 : vector<16x128xf32>
    %mul3A_1505 = arith.mulf %convert_element_type3A_1487, %add3A_1504 : vector<16x128xf32>
    %add3A_1506 = arith.addf %add3A_1481, %mul3A_1505 : vector<16x128xf32>
    %add3A_1507 = arith.addf %add3A_1482, %reduce_sum3A_1501 : f32
    %eq3A_1508 = arith.constant 60 : i32
    %eq3A_1509 = vector.broadcast %eq3A_1508 : i32 to vector<16x128xi32>
    %eq3A_1510 = arith.cmpi eq, %get3A_3, %eq3A_1509 : vector<16x128xi32>
    %convert_element_type3A_1511 = arith.extui %eq3A_1510 : vector<16x128xi1> to vector<16x128xi32>
    %convert_element_type3A_1512 = arith.sitofp %convert_element_type3A_1511 : vector<16x128xi32> to vector<16x128xf32>
    %dot_general3A_1513 = arith.constant dense<0.000000e+00> : vector<16x128xf32>
    %dot_general3A_1514 = tpu.matmul %convert_element_type3A_1512, %convert_element_type3A_5, %dot_general3A_1513 {dimension_numbers = #tpu.dot_dimension_numbers<[1], [0], [0], [1], [0, 0, 1, 1], [], []>, transpose_lhs_hint = false} : vector<16x128xf32>, vector<128x128xf32>, vector<16x128xf32> -> vector<16x128xf32>
    %reduce_sum3A_1515 = arith.constant dense<0.000000e+00> : vector<16xf32>
    %reduce_sum3A_1516 = vector.multi_reduction <add>, %convert_element_type3A_1512, %reduce_sum3A_1515 [1] : vector<16x128xf32> to vector<16xf32>
    %broadcast_in_dim3A_1517 = vector.shape_cast %reduce_sum3A_1516 : vector<16xf32> to vector<16x1xf32>
    %broadcast_in_dim3A_1518 = vector.shape_cast %broadcast_in_dim3A_1517 : vector<16x1xf32> to vector<16x1xf32>
    %broadcast_in_dim3A_1519 = vector.broadcast %broadcast_in_dim3A_1518 : vector<16x1xf32> to vector<16x128xf32>
    %dot_general3A_1520 = arith.constant dense<0.000000e+00> : vector<16x128xf32>
    %dot_general3A_1521 = tpu.matmul %convert_element_type3A_9, %broadcast_in_dim3A_1519, %dot_general3A_1520 {dimension_numbers = #tpu.dot_dimension_numbers<[1], [0], [0], [1], [0, 0, 1, 1], [], []>, transpose_lhs_hint = false} : vector<16x16xf32>, vector<16x128xf32>, vector<16x128xf32> -> vector<16x128xf32>
    %reduce_sum3A_1522 = vector.shape_cast %convert_element_type3A_1512 : vector<16x128xf32> to vector<1x16x128xf32>
    %reduce_sum3A_1523 = arith.constant dense<0.000000e+00> : vector<1xf32>
    %reduce_sum3A_1524 = vector.multi_reduction <add>, %reduce_sum3A_1522, %reduce_sum3A_1523 [1, 2] : vector<1x16x128xf32> to vector<1xf32>
    %reduce_sum3A_1525 = vector.shape_cast %reduce_sum3A_1524 : vector<1xf32> to vector<1x1x1xf32>
    %reduce_sum3A_1526 = vector.extract %reduce_sum3A_1525[0, 0, 0] : f32 from vector<1x1x1xf32>
    %add3A_1527 = vector.broadcast %add3A_1507 : f32 to vector<16x128xf32>
    %add3A_1528 = arith.addf %add3A_1527, %dot_general3A_1521 : vector<16x128xf32>
    %add3A_1529 = arith.addf %add3A_1528, %dot_general3A_1514 : vector<16x128xf32>
    %mul3A_1530 = arith.mulf %convert_element_type3A_1512, %add3A_1529 : vector<16x128xf32>
    %add3A_1531 = arith.addf %add3A_1506, %mul3A_1530 : vector<16x128xf32>
    %add3A_1532 = arith.addf %add3A_1507, %reduce_sum3A_1526 : f32
    %eq3A_1533 = arith.constant 61 : i32
    %eq3A_1534 = vector.broadcast %eq3A_1533 : i32 to vector<16x128xi32>
    %eq3A_1535 = arith.cmpi eq, %get3A_3, %eq3A_1534 : vector<16x128xi32>
    %convert_element_type3A_1536 = arith.extui %eq3A_1535 : vector<16x128xi1> to vector<16x128xi32>
    %convert_element_type3A_1537 = arith.sitofp %convert_element_type3A_1536 : vector<16x128xi32> to vector<16x128xf32>
    %dot_general3A_1538 = arith.constant dense<0.000000e+00> : vector<16x128xf32>
    %dot_general3A_1539 = tpu.matmul %convert_element_type3A_1537, %convert_element_type3A_5, %dot_general3A_1538 {dimension_numbers = #tpu.dot_dimension_numbers<[1], [0], [0], [1], [0, 0, 1, 1], [], []>, transpose_lhs_hint = false} : vector<16x128xf32>, vector<128x128xf32>, vector<16x128xf32> -> vector<16x128xf32>
    %reduce_sum3A_1540 = arith.constant dense<0.000000e+00> : vector<16xf32>
    %reduce_sum3A_1541 = vector.multi_reduction <add>, %convert_element_type3A_1537, %reduce_sum3A_1540 [1] : vector<16x128xf32> to vector<16xf32>
    %broadcast_in_dim3A_1542 = vector.shape_cast %reduce_sum3A_1541 : vector<16xf32> to vector<16x1xf32>
    %broadcast_in_dim3A_1543 = vector.shape_cast %broadcast_in_dim3A_1542 : vector<16x1xf32> to vector<16x1xf32>
    %broadcast_in_dim3A_1544 = vector.broadcast %broadcast_in_dim3A_1543 : vector<16x1xf32> to vector<16x128xf32>
    %dot_general3A_1545 = arith.constant dense<0.000000e+00> : vector<16x128xf32>
    %dot_general3A_1546 = tpu.matmul %convert_element_type3A_9, %broadcast_in_dim3A_1544, %dot_general3A_1545 {dimension_numbers = #tpu.dot_dimension_numbers<[1], [0], [0], [1], [0, 0, 1, 1], [], []>, transpose_lhs_hint = false} : vector<16x16xf32>, vector<16x128xf32>, vector<16x128xf32> -> vector<16x128xf32>
    %reduce_sum3A_1547 = vector.shape_cast %convert_element_type3A_1537 : vector<16x128xf32> to vector<1x16x128xf32>
    %reduce_sum3A_1548 = arith.constant dense<0.000000e+00> : vector<1xf32>
    %reduce_sum3A_1549 = vector.multi_reduction <add>, %reduce_sum3A_1547, %reduce_sum3A_1548 [1, 2] : vector<1x16x128xf32> to vector<1xf32>
    %reduce_sum3A_1550 = vector.shape_cast %reduce_sum3A_1549 : vector<1xf32> to vector<1x1x1xf32>
    %reduce_sum3A_1551 = vector.extract %reduce_sum3A_1550[0, 0, 0] : f32 from vector<1x1x1xf32>
    %add3A_1552 = vector.broadcast %add3A_1532 : f32 to vector<16x128xf32>
    %add3A_1553 = arith.addf %add3A_1552, %dot_general3A_1546 : vector<16x128xf32>
    %add3A_1554 = arith.addf %add3A_1553, %dot_general3A_1539 : vector<16x128xf32>
    %mul3A_1555 = arith.mulf %convert_element_type3A_1537, %add3A_1554 : vector<16x128xf32>
    %add3A_1556 = arith.addf %add3A_1531, %mul3A_1555 : vector<16x128xf32>
    %add3A_1557 = arith.addf %add3A_1532, %reduce_sum3A_1551 : f32
    %eq3A_1558 = arith.constant 62 : i32
    %eq3A_1559 = vector.broadcast %eq3A_1558 : i32 to vector<16x128xi32>
    %eq3A_1560 = arith.cmpi eq, %get3A_3, %eq3A_1559 : vector<16x128xi32>
    %convert_element_type3A_1561 = arith.extui %eq3A_1560 : vector<16x128xi1> to vector<16x128xi32>
    %convert_element_type3A_1562 = arith.sitofp %convert_element_type3A_1561 : vector<16x128xi32> to vector<16x128xf32>
    %dot_general3A_1563 = arith.constant dense<0.000000e+00> : vector<16x128xf32>
    %dot_general3A_1564 = tpu.matmul %convert_element_type3A_1562, %convert_element_type3A_5, %dot_general3A_1563 {dimension_numbers = #tpu.dot_dimension_numbers<[1], [0], [0], [1], [0, 0, 1, 1], [], []>, transpose_lhs_hint = false} : vector<16x128xf32>, vector<128x128xf32>, vector<16x128xf32> -> vector<16x128xf32>
    %reduce_sum3A_1565 = arith.constant dense<0.000000e+00> : vector<16xf32>
    %reduce_sum3A_1566 = vector.multi_reduction <add>, %convert_element_type3A_1562, %reduce_sum3A_1565 [1] : vector<16x128xf32> to vector<16xf32>
    %broadcast_in_dim3A_1567 = vector.shape_cast %reduce_sum3A_1566 : vector<16xf32> to vector<16x1xf32>
    %broadcast_in_dim3A_1568 = vector.shape_cast %broadcast_in_dim3A_1567 : vector<16x1xf32> to vector<16x1xf32>
    %broadcast_in_dim3A_1569 = vector.broadcast %broadcast_in_dim3A_1568 : vector<16x1xf32> to vector<16x128xf32>
    %dot_general3A_1570 = arith.constant dense<0.000000e+00> : vector<16x128xf32>
    %dot_general3A_1571 = tpu.matmul %convert_element_type3A_9, %broadcast_in_dim3A_1569, %dot_general3A_1570 {dimension_numbers = #tpu.dot_dimension_numbers<[1], [0], [0], [1], [0, 0, 1, 1], [], []>, transpose_lhs_hint = false} : vector<16x16xf32>, vector<16x128xf32>, vector<16x128xf32> -> vector<16x128xf32>
    %reduce_sum3A_1572 = vector.shape_cast %convert_element_type3A_1562 : vector<16x128xf32> to vector<1x16x128xf32>
    %reduce_sum3A_1573 = arith.constant dense<0.000000e+00> : vector<1xf32>
    %reduce_sum3A_1574 = vector.multi_reduction <add>, %reduce_sum3A_1572, %reduce_sum3A_1573 [1, 2] : vector<1x16x128xf32> to vector<1xf32>
    %reduce_sum3A_1575 = vector.shape_cast %reduce_sum3A_1574 : vector<1xf32> to vector<1x1x1xf32>
    %reduce_sum3A_1576 = vector.extract %reduce_sum3A_1575[0, 0, 0] : f32 from vector<1x1x1xf32>
    %add3A_1577 = vector.broadcast %add3A_1557 : f32 to vector<16x128xf32>
    %add3A_1578 = arith.addf %add3A_1577, %dot_general3A_1571 : vector<16x128xf32>
    %add3A_1579 = arith.addf %add3A_1578, %dot_general3A_1564 : vector<16x128xf32>
    %mul3A_1580 = arith.mulf %convert_element_type3A_1562, %add3A_1579 : vector<16x128xf32>
    %add3A_1581 = arith.addf %add3A_1556, %mul3A_1580 : vector<16x128xf32>
    %add3A_1582 = arith.addf %add3A_1557, %reduce_sum3A_1576 : f32
    %eq3A_1583 = arith.constant 63 : i32
    %eq3A_1584 = vector.broadcast %eq3A_1583 : i32 to vector<16x128xi32>
    %eq3A_1585 = arith.cmpi eq, %get3A_3, %eq3A_1584 : vector<16x128xi32>
    %convert_element_type3A_1586 = arith.extui %eq3A_1585 : vector<16x128xi1> to vector<16x128xi32>
    %convert_element_type3A_1587 = arith.sitofp %convert_element_type3A_1586 : vector<16x128xi32> to vector<16x128xf32>
    %dot_general3A_1588 = arith.constant dense<0.000000e+00> : vector<16x128xf32>
    %dot_general3A_1589 = tpu.matmul %convert_element_type3A_1587, %convert_element_type3A_5, %dot_general3A_1588 {dimension_numbers = #tpu.dot_dimension_numbers<[1], [0], [0], [1], [0, 0, 1, 1], [], []>, transpose_lhs_hint = false} : vector<16x128xf32>, vector<128x128xf32>, vector<16x128xf32> -> vector<16x128xf32>
    %reduce_sum3A_1590 = arith.constant dense<0.000000e+00> : vector<16xf32>
    %reduce_sum3A_1591 = vector.multi_reduction <add>, %convert_element_type3A_1587, %reduce_sum3A_1590 [1] : vector<16x128xf32> to vector<16xf32>
    %broadcast_in_dim3A_1592 = vector.shape_cast %reduce_sum3A_1591 : vector<16xf32> to vector<16x1xf32>
    %broadcast_in_dim3A_1593 = vector.shape_cast %broadcast_in_dim3A_1592 : vector<16x1xf32> to vector<16x1xf32>
    %broadcast_in_dim3A_1594 = vector.broadcast %broadcast_in_dim3A_1593 : vector<16x1xf32> to vector<16x128xf32>
    %dot_general3A_1595 = arith.constant dense<0.000000e+00> : vector<16x128xf32>
    %dot_general3A_1596 = tpu.matmul %convert_element_type3A_9, %broadcast_in_dim3A_1594, %dot_general3A_1595 {dimension_numbers = #tpu.dot_dimension_numbers<[1], [0], [0], [1], [0, 0, 1, 1], [], []>, transpose_lhs_hint = false} : vector<16x16xf32>, vector<16x128xf32>, vector<16x128xf32> -> vector<16x128xf32>
    %add3A_1597 = vector.broadcast %add3A_1582 : f32 to vector<16x128xf32>
    %add3A_1598 = arith.addf %add3A_1597, %dot_general3A_1596 : vector<16x128xf32>
    %add3A_1599 = arith.addf %add3A_1598, %dot_general3A_1589 : vector<16x128xf32>
    %mul3A_1600 = arith.mulf %convert_element_type3A_1587, %add3A_1599 : vector<16x128xf32>
    %add3A_1601 = arith.addf %add3A_1581, %mul3A_1600 : vector<16x128xf32>
    %convert_element_type3A_1602 = arith.fptosi %add3A_1601 : vector<16x128xf32> to vector<16x128xi32>
    %swap3A = arith.constant 0 : index
    %swap3A_1603 = arith.constant 0 : index
    %swap3A_1604 = arith.constant 0 : index
    %swap3A_1605 = vector.load %arg2[%swap3A, %swap3A_1603, %swap3A_1604] : memref<1x16x128xi32, #tpu.memory_space<vmem>>, vector<1x16x128xi32>
    %swap3A_1606 = vector.shape_cast %swap3A_1605 : vector<1x16x128xi32> to vector<16x128xi32>
    %swap3A_1607 = vector.shape_cast %convert_element_type3A_1602 : vector<16x128xi32> to vector<1x16x128xi32>
    tpu.vector_store %arg2[%swap3A, %swap3A_1603, %swap3A_1604], %swap3A_1607 {strides = array<i32>} : memref<1x16x128xi32, #tpu.memory_space<vmem>>, vector<1x16x128xi32>,
    %mul3A_1608 = arith.constant 2048 : i32
    %mul3A_1609 = arith.muli %arg0, %mul3A_1608 : i32
    %add3A_1610 = vector.broadcast %mul3A_1609 : i32 to vector<16x128xi32>
    %add3A_1611 = arith.addi %convert_element_type3A_1602, %add3A_1610 : vector<16x128xi32>
    %swap3A_1612 = arith.constant 0 : index
    %swap3A_1613 = arith.constant 0 : index
    %swap3A_1614 = arith.constant 0 : index
    %swap3A_1615 = vector.load %arg3[%swap3A_1612, %swap3A_1613, %swap3A_1614] : memref<1x16x128xi32, #tpu.memory_space<vmem>>, vector<1x16x128xi32>
    %swap3A_1616 = vector.shape_cast %swap3A_1615 : vector<1x16x128xi32> to vector<16x128xi32>
    %swap3A_1617 = vector.shape_cast %add3A_1611 : vector<16x128xi32> to vector<1x16x128xi32>
    tpu.vector_store %arg3[%swap3A_1612, %swap3A_1613, %swap3A_1614], %swap3A_1617 {strides = array<i32>} : memref<1x16x128xi32, #tpu.memory_space<vmem>>, vector<1x16x128xi32>,
    return
  }
  func.func @transform_0(%arg0: i32) -> (i32, i32, i32) {
    %c0_i32 = arith.constant 0 : i32
    %c0_i32_0 = arith.constant 0 : i32
    %c0_i32_1 = arith.constant 0 : i32
    return %arg0, %c0_i32, %c0_i32_0 : i32, i32, i32
  }
  func.func @transform_1(%arg0: i32) -> (i32, i32, i32) {
    %c0_i32 = arith.constant 0 : i32
    %c0_i32_0 = arith.constant 0 : i32
    %c0_i32_1 = arith.constant 0 : i32
    return %arg0, %c0_i32, %c0_i32_0 : i32, i32, i32
  }
  func.func @transform_2(%arg0: i32) -> (i32, i32, i32) {
    %c0_i32 = arith.constant 0 : i32
    %c0_i32_0 = arith.constant 0 : i32
    %c0_i32_1 = arith.constant 0 : i32
    return %arg0, %c0_i32, %c0_i32_0 : i32, i32, i32
  }
}

module attributes {stable_mosaic.version = 14 : i64} {
  func.func @_attn_body(%arg0: i32, %arg1: memref<1x2048x128xf32, #tpu.memory_space<vmem>>, %arg2: memref<1x2048x8xi32, #tpu.memory_space<vmem>>, %arg3: memref<1x8x2048xi32, #tpu.memory_space<vmem>>, %arg4: memref<1x2048x128xf32, #tpu.memory_space<vmem>>) attributes {dimension_semantics = [#tpu.dimension_semantics<arbitrary>], iteration_bounds = array<i64: 128>, scalar_prefetch = 0 : i64, scratch_operands = 0 : i64, tpu.core_type = #tpu.core_type<tc>, window_params = [{transform_indices = @transform_0, window_bounds = array<i64: 1, 2048, 128>}, {transform_indices = @transform_1, window_bounds = array<i64: 1, 2048, 8>}, {transform_indices = @transform_2, window_bounds = array<i64: 1, 8, 2048>}, {transform_indices = @transform_3, window_bounds = array<i64: 1, 2048, 128>}]} {
    %get3A = arith.constant 0 : index
    %get3A_0 = arith.constant 0 : index
    %get3A_1 = arith.constant 0 : index
    %get3A_2 = vector.load %arg1[%get3A, %get3A_0, %get3A_1] : memref<1x2048x128xf32, #tpu.memory_space<vmem>>, vector<1x2048x128xf32>
    %get3A_3 = vector.shape_cast %get3A_2 : vector<1x2048x128xf32> to vector<2048x128xf32>
    %slice3A = vector.extract_strided_slice %get3A_3 {offsets = [0, 0], sizes = [2048, 64], strides = [1, 1]} : vector<2048x128xf32> to vector<2048x64xf32>
    %slice3A_4 = vector.extract_strided_slice %get3A_3 {offsets = [0, 64], sizes = [2048, 64], strides = [1, 1]} : vector<2048x128xf32> to vector<2048x64xf32>
    %get3A_5 = arith.constant 0 : index
    %get3A_6 = arith.constant 0 : index
    %get3A_7 = arith.constant 0 : index
    %get3A_8 = vector.load %arg2[%get3A_5, %get3A_6, %get3A_7] : memref<1x2048x8xi32, #tpu.memory_space<vmem>>, vector<1x2048x8xi32>
    %get3A_9 = vector.shape_cast %get3A_8 : vector<1x2048x8xi32> to vector<2048x8xi32>
    %get3A_10 = arith.constant 0 : index
    %get3A_11 = arith.constant 0 : index
    %get3A_12 = arith.constant 0 : index
    %get3A_13 = vector.load %arg3[%get3A_10, %get3A_11, %get3A_12] : memref<1x8x2048xi32, #tpu.memory_space<vmem>>, vector<1x8x2048xi32>
    %get3A_14 = vector.shape_cast %get3A_13 : vector<1x8x2048xi32> to vector<8x2048xi32>
    %jit3A = arith.constant 4 : i32
    %eq3A = arith.constant 0 : i32
    %eq3A_15 = arith.cmpi eq, %jit3A, %eq3A : i32
    %jit3A_16 = arith.constant 1 : i32
    %select_n3A = arith.select %eq3A_15, %jit3A_16, %jit3A : i32
    %rem3A = arith.remsi %arg0, %select_n3A : i32
    %ne3A = arith.constant 0 : i32
    %ne3A_17 = arith.cmpi ne, %rem3A, %ne3A : i32
    %lt3A = arith.constant 0 : i32
    %lt3A_18 = arith.cmpi slt, %rem3A, %lt3A : i32
    %lt3A_19 = arith.constant 0 : i32
    %lt3A_20 = arith.cmpi slt, %select_n3A, %lt3A_19 : i32
    %ne3A_21 = arith.xori %lt3A_18, %lt3A_20 : i1
    %and3A = arith.andi %ne3A_21, %ne3A_17 : i1
    %add3A = arith.addi %rem3A, %select_n3A : i32
    %select_n3A_22 = arith.select %and3A, %add3A, %rem3A : i32
    %mul3A = arith.constant 6 : i32
    %mul3A_23 = arith.muli %select_n3A_22, %mul3A : i32
    %mul3A_24 = arith.mulf %slice3A, %slice3A : vector<2048x64xf32>
    %broadcast_in_dim3A = arith.constant 1.000000e+00 : f32
    %broadcast_in_dim3A_25 = vector.broadcast %broadcast_in_dim3A : f32 to vector<64x1xf32>
    %dot_general3A = arith.constant dense<0.000000e+00> : vector<2048x1xf32>
    %dot_general3A_26 = tpu.matmul %mul3A_24, %broadcast_in_dim3A_25, %dot_general3A {dimension_numbers = #tpu.dot_dimension_numbers<[1], [0], [0], [1], [0, 0, 1, 1], [], []>, transpose_lhs_hint = false} : vector<2048x64xf32>, vector<64x1xf32>, vector<2048x1xf32> -> vector<2048x1xf32>
    %max3A = arith.constant 1.000000e-24 : f32
    %max3A_27 = vector.broadcast %max3A : f32 to vector<2048x1xf32>
    %max3A_28 = arith.maximumf %dot_general3A_26, %max3A_27 : vector<2048x1xf32>
    %rsqrt3A = math.rsqrt %max3A_28 : vector<2048x1xf32>
    %mul3A_29 = arith.constant 1.250000e-01 : f32
    %mul3A_30 = vector.broadcast %mul3A_29 : f32 to vector<2048x1xf32>
    %mul3A_31 = arith.mulf %rsqrt3A, %mul3A_30 : vector<2048x1xf32>
    %mul3A_32 = vector.broadcast %mul3A_31 : vector<2048x1xf32> to vector<2048x64xf32>
    %mul3A_33 = arith.mulf %slice3A, %mul3A_32 : vector<2048x64xf32>
    %iota3A = tpu.iota {dimensions = array<i32: 0>} : vector<256x320xi32>
    %jit3A_34 = arith.constant 32 : i32
    %div3A = vector.broadcast %jit3A_34 : i32 to vector<256x320xi32>
    %div3A_35 = arith.divsi %iota3A, %div3A : vector<256x320xi32>
    %sign3A = arith.constant 0 : i32
    %sign3A_36 = vector.broadcast %sign3A : i32 to vector<256x320xi32>
    %sign3A_37 = arith.cmpi sgt, %iota3A, %sign3A_36 : vector<256x320xi32>
    %sign3A_38 = arith.extui %sign3A_37 : vector<256x320xi1> to vector<256x320xi32>
    %sign3A_39 = arith.constant 0 : i32
    %sign3A_40 = vector.broadcast %sign3A_39 : i32 to vector<256x320xi32>
    %sign3A_41 = arith.cmpi slt, %iota3A, %sign3A_40 : vector<256x320xi32>
    %sign3A_42 = arith.extui %sign3A_41 : vector<256x320xi1> to vector<256x320xi32>
    %sign3A_43 = arith.subi %sign3A_38, %sign3A_42 : vector<256x320xi32>
    %sign3A_44 = arith.constant 0 : i32
    %sign3A_45 = arith.cmpi sgt, %jit3A_34, %sign3A_44 : i32
    %sign3A_46 = arith.extui %sign3A_45 : i1 to i32
    %sign3A_47 = arith.constant 0 : i32
    %sign3A_48 = arith.cmpi slt, %jit3A_34, %sign3A_47 : i32
    %sign3A_49 = arith.extui %sign3A_48 : i1 to i32
    %sign3A_50 = arith.subi %sign3A_46, %sign3A_49 : i32
    %ne3A_51 = vector.broadcast %sign3A_50 : i32 to vector<256x320xi32>
    %ne3A_52 = arith.cmpi ne, %sign3A_43, %ne3A_51 : vector<256x320xi32>
    %rem3A_53 = vector.broadcast %jit3A_34 : i32 to vector<256x320xi32>
    %rem3A_54 = arith.remsi %iota3A, %rem3A_53 : vector<256x320xi32>
    %ne3A_55 = arith.constant 0 : i32
    %ne3A_56 = vector.broadcast %ne3A_55 : i32 to vector<256x320xi32>
    %ne3A_57 = arith.cmpi ne, %rem3A_54, %ne3A_56 : vector<256x320xi32>
    %and3A_58 = arith.andi %ne3A_52, %ne3A_57 : vector<256x320xi1>
    %sub3A = arith.constant 1 : i32
    %sub3A_59 = vector.broadcast %sub3A : i32 to vector<256x320xi32>
    %sub3A_60 = arith.subi %div3A_35, %sub3A_59 : vector<256x320xi32>
    %select_n3A_61 = arith.select %and3A_58, %sub3A_60, %div3A_35 : vector<256x320xi1>, vector<256x320xi32>
    %iota3A_62 = tpu.iota {dimensions = array<i32: 1>} : vector<256x320xi32>
    %jit3A_63 = arith.constant 32 : i32
    %div3A_64 = vector.broadcast %jit3A_63 : i32 to vector<256x320xi32>
    %div3A_65 = arith.divsi %iota3A_62, %div3A_64 : vector<256x320xi32>
    %sign3A_66 = arith.constant 0 : i32
    %sign3A_67 = vector.broadcast %sign3A_66 : i32 to vector<256x320xi32>
    %sign3A_68 = arith.cmpi sgt, %iota3A_62, %sign3A_67 : vector<256x320xi32>
    %sign3A_69 = arith.extui %sign3A_68 : vector<256x320xi1> to vector<256x320xi32>
    %sign3A_70 = arith.constant 0 : i32
    %sign3A_71 = vector.broadcast %sign3A_70 : i32 to vector<256x320xi32>
    %sign3A_72 = arith.cmpi slt, %iota3A_62, %sign3A_71 : vector<256x320xi32>
    %sign3A_73 = arith.extui %sign3A_72 : vector<256x320xi1> to vector<256x320xi32>
    %sign3A_74 = arith.subi %sign3A_69, %sign3A_73 : vector<256x320xi32>
    %sign3A_75 = arith.constant 0 : i32
    %sign3A_76 = arith.cmpi sgt, %jit3A_63, %sign3A_75 : i32
    %sign3A_77 = arith.extui %sign3A_76 : i1 to i32
    %sign3A_78 = arith.constant 0 : i32
    %sign3A_79 = arith.cmpi slt, %jit3A_63, %sign3A_78 : i32
    %sign3A_80 = arith.extui %sign3A_79 : i1 to i32
    %sign3A_81 = arith.subi %sign3A_77, %sign3A_80 : i32
    %ne3A_82 = vector.broadcast %sign3A_81 : i32 to vector<256x320xi32>
    %ne3A_83 = arith.cmpi ne, %sign3A_74, %ne3A_82 : vector<256x320xi32>
    %rem3A_84 = vector.broadcast %jit3A_63 : i32 to vector<256x320xi32>
    %rem3A_85 = arith.remsi %iota3A_62, %rem3A_84 : vector<256x320xi32>
    %ne3A_86 = arith.constant 0 : i32
    %ne3A_87 = vector.broadcast %ne3A_86 : i32 to vector<256x320xi32>
    %ne3A_88 = arith.cmpi ne, %rem3A_85, %ne3A_87 : vector<256x320xi32>
    %and3A_89 = arith.andi %ne3A_83, %ne3A_88 : vector<256x320xi1>
    %sub3A_90 = arith.constant 1 : i32
    %sub3A_91 = vector.broadcast %sub3A_90 : i32 to vector<256x320xi32>
    %sub3A_92 = arith.subi %div3A_65, %sub3A_91 : vector<256x320xi32>
    %select_n3A_93 = arith.select %and3A_89, %sub3A_92, %div3A_65 : vector<256x320xi1>, vector<256x320xi32>
    %sub3A_94 = arith.constant 1 : i32
    %sub3A_95 = vector.broadcast %sub3A_94 : i32 to vector<256x320xi32>
    %sub3A_96 = arith.subi %select_n3A_93, %sub3A_95 : vector<256x320xi32>
    %sub3A_97 = arith.subi %select_n3A_61, %sub3A_96 : vector<256x320xi32>
    %abs3A = math.absi %sub3A_97 : vector<256x320xi32>
    %gt3A = arith.constant 1 : i32
    %gt3A_98 = vector.broadcast %gt3A : i32 to vector<256x320xi32>
    %gt3A_99 = arith.cmpi sgt, %abs3A, %gt3A_98 : vector<256x320xi32>
    %slice3A_100 = vector.extract_strided_slice %slice3A {offsets = [0, 0], sizes = [256, 64], strides = [1, 1]} : vector<2048x64xf32> to vector<256x64xf32>
    %slice3A_101 = vector.extract_strided_slice %get3A_9 {offsets = [0, 0], sizes = [256, 8], strides = [1, 1]} : vector<2048x8xi32> to vector<256x8xi32>
    %slice3A_102 = vector.extract_strided_slice %mul3A_33 {offsets = [2016, 0], sizes = [32, 64], strides = [1, 1]} : vector<2048x64xf32> to vector<32x64xf32>
    %slice3A_103 = vector.extract_strided_slice %mul3A_33 {offsets = [0, 0], sizes = [288, 64], strides = [1, 1]} : vector<2048x64xf32> to vector<288x64xf32>
    %concatenate3A = tpu.concatenate %slice3A_102, %slice3A_103 in 0 : vector<32x64xf32>, vector<288x64xf32> -> vector<320x64xf32>
    %slice3A_104 = vector.extract_strided_slice %slice3A_4 {offsets = [2016, 0], sizes = [32, 64], strides = [1, 1]} : vector<2048x64xf32> to vector<32x64xf32>
    %slice3A_105 = vector.extract_strided_slice %slice3A_4 {offsets = [0, 0], sizes = [288, 64], strides = [1, 1]} : vector<2048x64xf32> to vector<288x64xf32>
    %concatenate3A_106 = tpu.concatenate %slice3A_104, %slice3A_105 in 0 : vector<32x64xf32>, vector<288x64xf32> -> vector<320x64xf32>
    %slice3A_107 = vector.extract_strided_slice %get3A_14 {offsets = [0, 2016], sizes = [8, 32], strides = [1, 1]} : vector<8x2048xi32> to vector<8x32xi32>
    %slice3A_108 = vector.extract_strided_slice %get3A_14 {offsets = [0, 0], sizes = [8, 288], strides = [1, 1]} : vector<8x2048xi32> to vector<8x288xi32>
    %concatenate3A_109 = tpu.concatenate %slice3A_107, %slice3A_108 in 1 : vector<8x32xi32>, vector<8x288xi32> -> vector<8x320xi32>
    %dot_general3A_110 = arith.constant dense<0.000000e+00> : vector<256x320xf32>
    %dot_general3A_111 = tpu.matmul %slice3A_100, %concatenate3A, %dot_general3A_110 {dimension_numbers = #tpu.dot_dimension_numbers<[1], [1], [0], [0], [0, 0, 1, 0], [], []>, transpose_lhs_hint = false} : vector<256x64xf32>, vector<320x64xf32>, vector<256x320xf32> -> vector<256x320xf32>
    %slice3A_112 = vector.extract_strided_slice %slice3A_101 {offsets = [0, 0], sizes = [256, 1], strides = [1, 1]} : vector<256x8xi32> to vector<256x1xi32>
    %slice3A_113 = vector.extract_strided_slice %concatenate3A_109 {offsets = [0, 0], sizes = [1, 320], strides = [1, 1]} : vector<8x320xi32> to vector<1x320xi32>
    %slice3A_114 = vector.extract_strided_slice %slice3A_101 {offsets = [0, 1], sizes = [256, 1], strides = [1, 1]} : vector<256x8xi32> to vector<256x1xi32>
    %slice3A_115 = vector.extract_strided_slice %concatenate3A_109 {offsets = [1, 0], sizes = [1, 320], strides = [1, 1]} : vector<8x320xi32> to vector<1x320xi32>
    %xor3A = vector.broadcast %slice3A_114 : vector<256x1xi32> to vector<256x320xi32>
    %xor3A_116 = vector.broadcast %slice3A_115 : vector<1x320xi32> to vector<256x320xi32>
    %xor3A_117 = arith.xori %xor3A, %xor3A_116 : vector<256x320xi32>
    %and3A_118 = arith.constant 63 : i32
    %and3A_119 = vector.broadcast %and3A_118 : i32 to vector<256x320xi32>
    %and3A_120 = arith.andi %xor3A_117, %and3A_119 : vector<256x320xi32>
    %eq3A_121 = arith.constant 0 : i32
    %eq3A_122 = vector.broadcast %eq3A_121 : i32 to vector<256x320xi32>
    %eq3A_123 = arith.cmpi eq, %and3A_120, %eq3A_122 : vector<256x320xi32>
    %convert_element_type3A = arith.extui %eq3A_123 : vector<256x320xi1> to vector<256x320xi32>
    %add3A_124 = arith.constant 0 : i32
    %add3A_125 = vector.broadcast %add3A_124 : i32 to vector<256x320xi32>
    %add3A_126 = arith.addi %add3A_125, %convert_element_type3A : vector<256x320xi32>
    %and3A_127 = arith.constant 4032 : i32
    %and3A_128 = vector.broadcast %and3A_127 : i32 to vector<256x320xi32>
    %and3A_129 = arith.andi %xor3A_117, %and3A_128 : vector<256x320xi32>
    %eq3A_130 = arith.constant 0 : i32
    %eq3A_131 = vector.broadcast %eq3A_130 : i32 to vector<256x320xi32>
    %eq3A_132 = arith.cmpi eq, %and3A_129, %eq3A_131 : vector<256x320xi32>
    %convert_element_type3A_133 = arith.extui %eq3A_132 : vector<256x320xi1> to vector<256x320xi32>
    %add3A_134 = arith.addi %add3A_126, %convert_element_type3A_133 : vector<256x320xi32>
    %and3A_135 = arith.constant 258048 : i32
    %and3A_136 = vector.broadcast %and3A_135 : i32 to vector<256x320xi32>
    %and3A_137 = arith.andi %xor3A_117, %and3A_136 : vector<256x320xi32>
    %eq3A_138 = arith.constant 0 : i32
    %eq3A_139 = vector.broadcast %eq3A_138 : i32 to vector<256x320xi32>
    %eq3A_140 = arith.cmpi eq, %and3A_137, %eq3A_139 : vector<256x320xi32>
    %convert_element_type3A_141 = arith.extui %eq3A_140 : vector<256x320xi1> to vector<256x320xi32>
    %add3A_142 = arith.addi %add3A_134, %convert_element_type3A_141 : vector<256x320xi32>
    %and3A_143 = arith.constant 16515072 : i32
    %and3A_144 = vector.broadcast %and3A_143 : i32 to vector<256x320xi32>
    %and3A_145 = arith.andi %xor3A_117, %and3A_144 : vector<256x320xi32>
    %eq3A_146 = arith.constant 0 : i32
    %eq3A_147 = vector.broadcast %eq3A_146 : i32 to vector<256x320xi32>
    %eq3A_148 = arith.cmpi eq, %and3A_145, %eq3A_147 : vector<256x320xi32>
    %convert_element_type3A_149 = arith.extui %eq3A_148 : vector<256x320xi1> to vector<256x320xi32>
    %add3A_150 = arith.addi %add3A_142, %convert_element_type3A_149 : vector<256x320xi32>
    %eq3A_151 = arith.constant 0 : i32
    %eq3A_152 = vector.broadcast %eq3A_151 : i32 to vector<256x320xi32>
    %eq3A_153 = arith.cmpi eq, %add3A_150, %eq3A_152 : vector<256x320xi32>
    %eq3A_154 = arith.constant 1 : i32
    %eq3A_155 = vector.broadcast %eq3A_154 : i32 to vector<256x320xi32>
    %eq3A_156 = arith.cmpi eq, %add3A_150, %eq3A_155 : vector<256x320xi32>
    %eq3A_157 = arith.constant 2 : i32
    %eq3A_158 = vector.broadcast %eq3A_157 : i32 to vector<256x320xi32>
    %eq3A_159 = arith.cmpi eq, %add3A_150, %eq3A_158 : vector<256x320xi32>
    %eq3A_160 = arith.constant 3 : i32
    %eq3A_161 = vector.broadcast %eq3A_160 : i32 to vector<256x320xi32>
    %eq3A_162 = arith.cmpi eq, %add3A_150, %eq3A_161 : vector<256x320xi32>
    %jit3A_163 = arith.constant 1.09861231 : f32
    %jit3A_164 = arith.constant 1.38629436 : f32
    %broadcast_in_dim3A_165 = vector.broadcast %jit3A_163 : f32 to vector<256x320xf32>
    %broadcast_in_dim3A_166 = vector.broadcast %jit3A_164 : f32 to vector<256x320xf32>
    %select_n3A_167 = arith.select %eq3A_162, %broadcast_in_dim3A_165, %broadcast_in_dim3A_166 : vector<256x320xi1>, vector<256x320xf32>
    %jit3A_168 = arith.constant 0.693147182 : f32
    %broadcast_in_dim3A_169 = vector.broadcast %jit3A_168 : f32 to vector<256x320xf32>
    %select_n3A_170 = arith.select %eq3A_159, %broadcast_in_dim3A_169, %select_n3A_167 : vector<256x320xi1>, vector<256x320xf32>
    %jit3A_171 = arith.constant 1.00000008E-9 : f32
    %broadcast_in_dim3A_172 = vector.broadcast %jit3A_171 : f32 to vector<256x320xf32>
    %select_n3A_173 = arith.select %eq3A_156, %broadcast_in_dim3A_172, %select_n3A_170 : vector<256x320xi1>, vector<256x320xf32>
    %jit3A_174 = arith.constant -20.7232666 : f32
    %broadcast_in_dim3A_175 = vector.broadcast %jit3A_174 : f32 to vector<256x320xf32>
    %select_n3A_176 = arith.select %eq3A_153, %broadcast_in_dim3A_175, %select_n3A_173 : vector<256x320xi1>, vector<256x320xf32>
    %shift_right_logical3A = vector.broadcast %mul3A_23 : i32 to vector<256x1xi32>
    %shift_right_logical3A_177 = arith.shrui %slice3A_114, %shift_right_logical3A : vector<256x1xi32>
    %and3A_178 = arith.constant 63 : i32
    %and3A_179 = vector.broadcast %and3A_178 : i32 to vector<256x1xi32>
    %and3A_180 = arith.andi %shift_right_logical3A_177, %and3A_179 : vector<256x1xi32>
    %shift_right_logical3A_181 = vector.broadcast %mul3A_23 : i32 to vector<1x320xi32>
    %shift_right_logical3A_182 = arith.shrui %slice3A_115, %shift_right_logical3A_181 : vector<1x320xi32>
    %and3A_183 = arith.constant 63 : i32
    %and3A_184 = vector.broadcast %and3A_183 : i32 to vector<1x320xi32>
    %and3A_185 = arith.andi %shift_right_logical3A_182, %and3A_184 : vector<1x320xi32>
    %ne3A_186 = vector.broadcast %and3A_180 : vector<256x1xi32> to vector<256x320xi32>
    %ne3A_187 = vector.broadcast %and3A_185 : vector<1x320xi32> to vector<256x320xi32>
    %ne3A_188 = arith.cmpi ne, %ne3A_186, %ne3A_187 : vector<256x320xi32>
    %or3A = arith.ori %ne3A_188, %gt3A_99 : vector<256x320xi1>
    %eq3A_189 = vector.broadcast %slice3A_112 : vector<256x1xi32> to vector<256x320xi32>
    %eq3A_190 = vector.broadcast %slice3A_113 : vector<1x320xi32> to vector<256x320xi32>
    %eq3A_191 = arith.cmpi eq, %eq3A_189, %eq3A_190 : vector<256x320xi32>
    %jit3A_192 = arith.constant -1.000000e+05 : f32
    %broadcast_in_dim3A_193 = vector.broadcast %jit3A_192 : f32 to vector<256x320xf32>
    %select_n3A_194 = arith.select %eq3A_191, %broadcast_in_dim3A_193, %dot_general3A_111 : vector<256x320xi1>, vector<256x320xf32>
    %jit3A_195 = arith.constant -3.40282347E+38 : f32
    %broadcast_in_dim3A_196 = vector.broadcast %jit3A_195 : f32 to vector<256x320xf32>
    %select_n3A_197 = arith.select %or3A, %broadcast_in_dim3A_196, %select_n3A_194 : vector<256x320xi1>, vector<256x320xf32>
    %sub3A_198 = arith.subf %select_n3A_197, %select_n3A_176 : vector<256x320xf32>
    %reduce_max3A = arith.constant dense<0xFF800000> : vector<256xf32>
    %reduce_max3A_199 = vector.multi_reduction <maximumf>, %sub3A_198, %reduce_max3A [1] : vector<256x320xf32> to vector<256xf32>
    %broadcast_in_dim3A_200 = vector.shape_cast %reduce_max3A_199 : vector<256xf32> to vector<256x1xf32>
    %sub3A_201 = vector.broadcast %broadcast_in_dim3A_200 : vector<256x1xf32> to vector<256x320xf32>
    %sub3A_202 = arith.subf %sub3A_198, %sub3A_201 : vector<256x320xf32>
    %exp3A = math.exp %sub3A_202 : vector<256x320xf32>
    %reduce_sum3A = arith.constant dense<0.000000e+00> : vector<256xf32>
    %reduce_sum3A_203 = vector.multi_reduction <add>, %exp3A, %reduce_sum3A [1] : vector<256x320xf32> to vector<256xf32>
    %broadcast_in_dim3A_204 = vector.shape_cast %reduce_sum3A_203 : vector<256xf32> to vector<256x1xf32>
    %log3A = math.log %broadcast_in_dim3A_204 : vector<256x1xf32>
    %add3A_205 = arith.addf %broadcast_in_dim3A_200, %log3A : vector<256x1xf32>
    %div3A_206 = arith.constant 1.000000e+00 : f32
    %div3A_207 = vector.broadcast %div3A_206 : f32 to vector<256x1xf32>
    %div3A_208 = arith.divf %div3A_207, %broadcast_in_dim3A_204 : vector<256x1xf32>
    %mul3A_209 = vector.broadcast %div3A_208 : vector<256x1xf32> to vector<256x320xf32>
    %mul3A_210 = arith.mulf %exp3A, %mul3A_209 : vector<256x320xf32>
    %dot_general3A_211 = arith.constant dense<0.000000e+00> : vector<256x64xf32>
    %dot_general3A_212 = tpu.matmul %mul3A_210, %concatenate3A_106, %dot_general3A_211 {dimension_numbers = #tpu.dot_dimension_numbers<[1], [0], [0], [1], [0, 0, 1, 1], [], []>, transpose_lhs_hint = false} : vector<256x320xf32>, vector<320x64xf32>, vector<256x64xf32> -> vector<256x64xf32>
    %swap3A = arith.constant 0 : index
    %swap3A_213 = arith.constant 0 : index
    %swap3A_214 = arith.constant 0 : index
    %swap3A_215 = vector.load %arg4[%swap3A, %swap3A_213, %swap3A_214] : memref<1x2048x128xf32, #tpu.memory_space<vmem>>, vector<1x256x64xf32>
    %swap3A_216 = vector.shape_cast %swap3A_215 : vector<1x256x64xf32> to vector<256x64xf32>
    %swap3A_217 = vector.shape_cast %dot_general3A_212 : vector<256x64xf32> to vector<1x256x64xf32>
    tpu.vector_store %arg4[%swap3A, %swap3A_213, %swap3A_214], %swap3A_217 {strides = array<i32>} : memref<1x2048x128xf32, #tpu.memory_space<vmem>>, vector<1x256x64xf32>,
    %broadcast_in_dim3A_218 = vector.shape_cast %add3A_205 : vector<256x1xf32> to vector<256x1xf32>
    %broadcast_in_dim3A_219 = vector.broadcast %broadcast_in_dim3A_218 : vector<256x1xf32> to vector<256x64xf32>
    %swap3A_220 = arith.constant 0 : index
    %swap3A_221 = arith.constant 0 : index
    %swap3A_222 = arith.constant 64 : index
    %swap3A_223 = vector.load %arg4[%swap3A_220, %swap3A_221, %swap3A_222] : memref<1x2048x128xf32, #tpu.memory_space<vmem>>, vector<1x256x64xf32>
    %swap3A_224 = vector.shape_cast %swap3A_223 : vector<1x256x64xf32> to vector<256x64xf32>
    %swap3A_225 = vector.shape_cast %broadcast_in_dim3A_219 : vector<256x64xf32> to vector<1x256x64xf32>
    tpu.vector_store %arg4[%swap3A_220, %swap3A_221, %swap3A_222], %swap3A_225 {strides = array<i32>} : memref<1x2048x128xf32, #tpu.memory_space<vmem>>, vector<1x256x64xf32>,
    %slice3A_226 = vector.extract_strided_slice %slice3A {offsets = [256, 0], sizes = [256, 64], strides = [1, 1]} : vector<2048x64xf32> to vector<256x64xf32>
    %slice3A_227 = vector.extract_strided_slice %get3A_9 {offsets = [256, 0], sizes = [256, 8], strides = [1, 1]} : vector<2048x8xi32> to vector<256x8xi32>
    %slice3A_228 = vector.extract_strided_slice %mul3A_33 {offsets = [224, 0], sizes = [320, 64], strides = [1, 1]} : vector<2048x64xf32> to vector<320x64xf32>
    %slice3A_229 = vector.extract_strided_slice %slice3A_4 {offsets = [224, 0], sizes = [320, 64], strides = [1, 1]} : vector<2048x64xf32> to vector<320x64xf32>
    %slice3A_230 = vector.extract_strided_slice %get3A_14 {offsets = [0, 224], sizes = [8, 320], strides = [1, 1]} : vector<8x2048xi32> to vector<8x320xi32>
    %dot_general3A_231 = arith.constant dense<0.000000e+00> : vector<256x320xf32>
    %dot_general3A_232 = tpu.matmul %slice3A_226, %slice3A_228, %dot_general3A_231 {dimension_numbers = #tpu.dot_dimension_numbers<[1], [1], [0], [0], [0, 0, 1, 0], [], []>, transpose_lhs_hint = false} : vector<256x64xf32>, vector<320x64xf32>, vector<256x320xf32> -> vector<256x320xf32>
    %slice3A_233 = vector.extract_strided_slice %slice3A_227 {offsets = [0, 0], sizes = [256, 1], strides = [1, 1]} : vector<256x8xi32> to vector<256x1xi32>
    %slice3A_234 = vector.extract_strided_slice %slice3A_230 {offsets = [0, 0], sizes = [1, 320], strides = [1, 1]} : vector<8x320xi32> to vector<1x320xi32>
    %slice3A_235 = vector.extract_strided_slice %slice3A_227 {offsets = [0, 1], sizes = [256, 1], strides = [1, 1]} : vector<256x8xi32> to vector<256x1xi32>
    %slice3A_236 = vector.extract_strided_slice %slice3A_230 {offsets = [1, 0], sizes = [1, 320], strides = [1, 1]} : vector<8x320xi32> to vector<1x320xi32>
    %xor3A_237 = vector.broadcast %slice3A_235 : vector<256x1xi32> to vector<256x320xi32>
    %xor3A_238 = vector.broadcast %slice3A_236 : vector<1x320xi32> to vector<256x320xi32>
    %xor3A_239 = arith.xori %xor3A_237, %xor3A_238 : vector<256x320xi32>
    %and3A_240 = arith.constant 63 : i32
    %and3A_241 = vector.broadcast %and3A_240 : i32 to vector<256x320xi32>
    %and3A_242 = arith.andi %xor3A_239, %and3A_241 : vector<256x320xi32>
    %eq3A_243 = arith.constant 0 : i32
    %eq3A_244 = vector.broadcast %eq3A_243 : i32 to vector<256x320xi32>
    %eq3A_245 = arith.cmpi eq, %and3A_242, %eq3A_244 : vector<256x320xi32>
    %convert_element_type3A_246 = arith.extui %eq3A_245 : vector<256x320xi1> to vector<256x320xi32>
    %add3A_247 = arith.constant 0 : i32
    %add3A_248 = vector.broadcast %add3A_247 : i32 to vector<256x320xi32>
    %add3A_249 = arith.addi %add3A_248, %convert_element_type3A_246 : vector<256x320xi32>
    %and3A_250 = arith.constant 4032 : i32
    %and3A_251 = vector.broadcast %and3A_250 : i32 to vector<256x320xi32>
    %and3A_252 = arith.andi %xor3A_239, %and3A_251 : vector<256x320xi32>
    %eq3A_253 = arith.constant 0 : i32
    %eq3A_254 = vector.broadcast %eq3A_253 : i32 to vector<256x320xi32>
    %eq3A_255 = arith.cmpi eq, %and3A_252, %eq3A_254 : vector<256x320xi32>
    %convert_element_type3A_256 = arith.extui %eq3A_255 : vector<256x320xi1> to vector<256x320xi32>
    %add3A_257 = arith.addi %add3A_249, %convert_element_type3A_256 : vector<256x320xi32>
    %and3A_258 = arith.constant 258048 : i32
    %and3A_259 = vector.broadcast %and3A_258 : i32 to vector<256x320xi32>
    %and3A_260 = arith.andi %xor3A_239, %and3A_259 : vector<256x320xi32>
    %eq3A_261 = arith.constant 0 : i32
    %eq3A_262 = vector.broadcast %eq3A_261 : i32 to vector<256x320xi32>
    %eq3A_263 = arith.cmpi eq, %and3A_260, %eq3A_262 : vector<256x320xi32>
    %convert_element_type3A_264 = arith.extui %eq3A_263 : vector<256x320xi1> to vector<256x320xi32>
    %add3A_265 = arith.addi %add3A_257, %convert_element_type3A_264 : vector<256x320xi32>
    %and3A_266 = arith.constant 16515072 : i32
    %and3A_267 = vector.broadcast %and3A_266 : i32 to vector<256x320xi32>
    %and3A_268 = arith.andi %xor3A_239, %and3A_267 : vector<256x320xi32>
    %eq3A_269 = arith.constant 0 : i32
    %eq3A_270 = vector.broadcast %eq3A_269 : i32 to vector<256x320xi32>
    %eq3A_271 = arith.cmpi eq, %and3A_268, %eq3A_270 : vector<256x320xi32>
    %convert_element_type3A_272 = arith.extui %eq3A_271 : vector<256x320xi1> to vector<256x320xi32>
    %add3A_273 = arith.addi %add3A_265, %convert_element_type3A_272 : vector<256x320xi32>
    %eq3A_274 = arith.constant 0 : i32
    %eq3A_275 = vector.broadcast %eq3A_274 : i32 to vector<256x320xi32>
    %eq3A_276 = arith.cmpi eq, %add3A_273, %eq3A_275 : vector<256x320xi32>
    %eq3A_277 = arith.constant 1 : i32
    %eq3A_278 = vector.broadcast %eq3A_277 : i32 to vector<256x320xi32>
    %eq3A_279 = arith.cmpi eq, %add3A_273, %eq3A_278 : vector<256x320xi32>
    %eq3A_280 = arith.constant 2 : i32
    %eq3A_281 = vector.broadcast %eq3A_280 : i32 to vector<256x320xi32>
    %eq3A_282 = arith.cmpi eq, %add3A_273, %eq3A_281 : vector<256x320xi32>
    %eq3A_283 = arith.constant 3 : i32
    %eq3A_284 = vector.broadcast %eq3A_283 : i32 to vector<256x320xi32>
    %eq3A_285 = arith.cmpi eq, %add3A_273, %eq3A_284 : vector<256x320xi32>
    %jit3A_286 = arith.constant 1.09861231 : f32
    %jit3A_287 = arith.constant 1.38629436 : f32
    %broadcast_in_dim3A_288 = vector.broadcast %jit3A_286 : f32 to vector<256x320xf32>
    %broadcast_in_dim3A_289 = vector.broadcast %jit3A_287 : f32 to vector<256x320xf32>
    %select_n3A_290 = arith.select %eq3A_285, %broadcast_in_dim3A_288, %broadcast_in_dim3A_289 : vector<256x320xi1>, vector<256x320xf32>
    %jit3A_291 = arith.constant 0.693147182 : f32
    %broadcast_in_dim3A_292 = vector.broadcast %jit3A_291 : f32 to vector<256x320xf32>
    %select_n3A_293 = arith.select %eq3A_282, %broadcast_in_dim3A_292, %select_n3A_290 : vector<256x320xi1>, vector<256x320xf32>
    %jit3A_294 = arith.constant 1.00000008E-9 : f32
    %broadcast_in_dim3A_295 = vector.broadcast %jit3A_294 : f32 to vector<256x320xf32>
    %select_n3A_296 = arith.select %eq3A_279, %broadcast_in_dim3A_295, %select_n3A_293 : vector<256x320xi1>, vector<256x320xf32>
    %jit3A_297 = arith.constant -20.7232666 : f32
    %broadcast_in_dim3A_298 = vector.broadcast %jit3A_297 : f32 to vector<256x320xf32>
    %select_n3A_299 = arith.select %eq3A_276, %broadcast_in_dim3A_298, %select_n3A_296 : vector<256x320xi1>, vector<256x320xf32>
    %shift_right_logical3A_300 = vector.broadcast %mul3A_23 : i32 to vector<256x1xi32>
    %shift_right_logical3A_301 = arith.shrui %slice3A_235, %shift_right_logical3A_300 : vector<256x1xi32>
    %and3A_302 = arith.constant 63 : i32
    %and3A_303 = vector.broadcast %and3A_302 : i32 to vector<256x1xi32>
    %and3A_304 = arith.andi %shift_right_logical3A_301, %and3A_303 : vector<256x1xi32>
    %shift_right_logical3A_305 = vector.broadcast %mul3A_23 : i32 to vector<1x320xi32>
    %shift_right_logical3A_306 = arith.shrui %slice3A_236, %shift_right_logical3A_305 : vector<1x320xi32>
    %and3A_307 = arith.constant 63 : i32
    %and3A_308 = vector.broadcast %and3A_307 : i32 to vector<1x320xi32>
    %and3A_309 = arith.andi %shift_right_logical3A_306, %and3A_308 : vector<1x320xi32>
    %ne3A_310 = vector.broadcast %and3A_304 : vector<256x1xi32> to vector<256x320xi32>
    %ne3A_311 = vector.broadcast %and3A_309 : vector<1x320xi32> to vector<256x320xi32>
    %ne3A_312 = arith.cmpi ne, %ne3A_310, %ne3A_311 : vector<256x320xi32>
    %or3A_313 = arith.ori %ne3A_312, %gt3A_99 : vector<256x320xi1>
    %eq3A_314 = vector.broadcast %slice3A_233 : vector<256x1xi32> to vector<256x320xi32>
    %eq3A_315 = vector.broadcast %slice3A_234 : vector<1x320xi32> to vector<256x320xi32>
    %eq3A_316 = arith.cmpi eq, %eq3A_314, %eq3A_315 : vector<256x320xi32>
    %jit3A_317 = arith.constant -1.000000e+05 : f32
    %broadcast_in_dim3A_318 = vector.broadcast %jit3A_317 : f32 to vector<256x320xf32>
    %select_n3A_319 = arith.select %eq3A_316, %broadcast_in_dim3A_318, %dot_general3A_232 : vector<256x320xi1>, vector<256x320xf32>
    %jit3A_320 = arith.constant -3.40282347E+38 : f32
    %broadcast_in_dim3A_321 = vector.broadcast %jit3A_320 : f32 to vector<256x320xf32>
    %select_n3A_322 = arith.select %or3A_313, %broadcast_in_dim3A_321, %select_n3A_319 : vector<256x320xi1>, vector<256x320xf32>
    %sub3A_323 = arith.subf %select_n3A_322, %select_n3A_299 : vector<256x320xf32>
    %reduce_max3A_324 = arith.constant dense<0xFF800000> : vector<256xf32>
    %reduce_max3A_325 = vector.multi_reduction <maximumf>, %sub3A_323, %reduce_max3A_324 [1] : vector<256x320xf32> to vector<256xf32>
    %broadcast_in_dim3A_326 = vector.shape_cast %reduce_max3A_325 : vector<256xf32> to vector<256x1xf32>
    %sub3A_327 = vector.broadcast %broadcast_in_dim3A_326 : vector<256x1xf32> to vector<256x320xf32>
    %sub3A_328 = arith.subf %sub3A_323, %sub3A_327 : vector<256x320xf32>
    %exp3A_329 = math.exp %sub3A_328 : vector<256x320xf32>
    %reduce_sum3A_330 = arith.constant dense<0.000000e+00> : vector<256xf32>
    %reduce_sum3A_331 = vector.multi_reduction <add>, %exp3A_329, %reduce_sum3A_330 [1] : vector<256x320xf32> to vector<256xf32>
    %broadcast_in_dim3A_332 = vector.shape_cast %reduce_sum3A_331 : vector<256xf32> to vector<256x1xf32>
    %log3A_333 = math.log %broadcast_in_dim3A_332 : vector<256x1xf32>
    %add3A_334 = arith.addf %broadcast_in_dim3A_326, %log3A_333 : vector<256x1xf32>
    %div3A_335 = arith.constant 1.000000e+00 : f32
    %div3A_336 = vector.broadcast %div3A_335 : f32 to vector<256x1xf32>
    %div3A_337 = arith.divf %div3A_336, %broadcast_in_dim3A_332 : vector<256x1xf32>
    %mul3A_338 = vector.broadcast %div3A_337 : vector<256x1xf32> to vector<256x320xf32>
    %mul3A_339 = arith.mulf %exp3A_329, %mul3A_338 : vector<256x320xf32>
    %dot_general3A_340 = arith.constant dense<0.000000e+00> : vector<256x64xf32>
    %dot_general3A_341 = tpu.matmul %mul3A_339, %slice3A_229, %dot_general3A_340 {dimension_numbers = #tpu.dot_dimension_numbers<[1], [0], [0], [1], [0, 0, 1, 1], [], []>, transpose_lhs_hint = false} : vector<256x320xf32>, vector<320x64xf32>, vector<256x64xf32> -> vector<256x64xf32>
    %swap3A_342 = arith.constant 0 : index
    %swap3A_343 = arith.constant 256 : index
    %swap3A_344 = arith.constant 0 : index
    %swap3A_345 = vector.load %arg4[%swap3A_342, %swap3A_343, %swap3A_344] : memref<1x2048x128xf32, #tpu.memory_space<vmem>>, vector<1x256x64xf32>
    %swap3A_346 = vector.shape_cast %swap3A_345 : vector<1x256x64xf32> to vector<256x64xf32>
    %swap3A_347 = vector.shape_cast %dot_general3A_341 : vector<256x64xf32> to vector<1x256x64xf32>
    tpu.vector_store %arg4[%swap3A_342, %swap3A_343, %swap3A_344], %swap3A_347 {strides = array<i32>} : memref<1x2048x128xf32, #tpu.memory_space<vmem>>, vector<1x256x64xf32>,
    %broadcast_in_dim3A_348 = vector.shape_cast %add3A_334 : vector<256x1xf32> to vector<256x1xf32>
    %broadcast_in_dim3A_349 = vector.broadcast %broadcast_in_dim3A_348 : vector<256x1xf32> to vector<256x64xf32>
    %swap3A_350 = arith.constant 0 : index
    %swap3A_351 = arith.constant 256 : index
    %swap3A_352 = arith.constant 64 : index
    %swap3A_353 = vector.load %arg4[%swap3A_350, %swap3A_351, %swap3A_352] : memref<1x2048x128xf32, #tpu.memory_space<vmem>>, vector<1x256x64xf32>
    %swap3A_354 = vector.shape_cast %swap3A_353 : vector<1x256x64xf32> to vector<256x64xf32>
    %swap3A_355 = vector.shape_cast %broadcast_in_dim3A_349 : vector<256x64xf32> to vector<1x256x64xf32>
    tpu.vector_store %arg4[%swap3A_350, %swap3A_351, %swap3A_352], %swap3A_355 {strides = array<i32>} : memref<1x2048x128xf32, #tpu.memory_space<vmem>>, vector<1x256x64xf32>,
    %slice3A_356 = vector.extract_strided_slice %slice3A {offsets = [512, 0], sizes = [256, 64], strides = [1, 1]} : vector<2048x64xf32> to vector<256x64xf32>
    %slice3A_357 = vector.extract_strided_slice %get3A_9 {offsets = [512, 0], sizes = [256, 8], strides = [1, 1]} : vector<2048x8xi32> to vector<256x8xi32>
    %slice3A_358 = vector.extract_strided_slice %mul3A_33 {offsets = [480, 0], sizes = [320, 64], strides = [1, 1]} : vector<2048x64xf32> to vector<320x64xf32>
    %slice3A_359 = vector.extract_strided_slice %slice3A_4 {offsets = [480, 0], sizes = [320, 64], strides = [1, 1]} : vector<2048x64xf32> to vector<320x64xf32>
    %slice3A_360 = vector.extract_strided_slice %get3A_14 {offsets = [0, 480], sizes = [8, 320], strides = [1, 1]} : vector<8x2048xi32> to vector<8x320xi32>
    %dot_general3A_361 = arith.constant dense<0.000000e+00> : vector<256x320xf32>
    %dot_general3A_362 = tpu.matmul %slice3A_356, %slice3A_358, %dot_general3A_361 {dimension_numbers = #tpu.dot_dimension_numbers<[1], [1], [0], [0], [0, 0, 1, 0], [], []>, transpose_lhs_hint = false} : vector<256x64xf32>, vector<320x64xf32>, vector<256x320xf32> -> vector<256x320xf32>
    %slice3A_363 = vector.extract_strided_slice %slice3A_357 {offsets = [0, 0], sizes = [256, 1], strides = [1, 1]} : vector<256x8xi32> to vector<256x1xi32>
    %slice3A_364 = vector.extract_strided_slice %slice3A_360 {offsets = [0, 0], sizes = [1, 320], strides = [1, 1]} : vector<8x320xi32> to vector<1x320xi32>
    %slice3A_365 = vector.extract_strided_slice %slice3A_357 {offsets = [0, 1], sizes = [256, 1], strides = [1, 1]} : vector<256x8xi32> to vector<256x1xi32>
    %slice3A_366 = vector.extract_strided_slice %slice3A_360 {offsets = [1, 0], sizes = [1, 320], strides = [1, 1]} : vector<8x320xi32> to vector<1x320xi32>
    %xor3A_367 = vector.broadcast %slice3A_365 : vector<256x1xi32> to vector<256x320xi32>
    %xor3A_368 = vector.broadcast %slice3A_366 : vector<1x320xi32> to vector<256x320xi32>
    %xor3A_369 = arith.xori %xor3A_367, %xor3A_368 : vector<256x320xi32>
    %and3A_370 = arith.constant 63 : i32
    %and3A_371 = vector.broadcast %and3A_370 : i32 to vector<256x320xi32>
    %and3A_372 = arith.andi %xor3A_369, %and3A_371 : vector<256x320xi32>
    %eq3A_373 = arith.constant 0 : i32
    %eq3A_374 = vector.broadcast %eq3A_373 : i32 to vector<256x320xi32>
    %eq3A_375 = arith.cmpi eq, %and3A_372, %eq3A_374 : vector<256x320xi32>
    %convert_element_type3A_376 = arith.extui %eq3A_375 : vector<256x320xi1> to vector<256x320xi32>
    %add3A_377 = arith.constant 0 : i32
    %add3A_378 = vector.broadcast %add3A_377 : i32 to vector<256x320xi32>
    %add3A_379 = arith.addi %add3A_378, %convert_element_type3A_376 : vector<256x320xi32>
    %and3A_380 = arith.constant 4032 : i32
    %and3A_381 = vector.broadcast %and3A_380 : i32 to vector<256x320xi32>
    %and3A_382 = arith.andi %xor3A_369, %and3A_381 : vector<256x320xi32>
    %eq3A_383 = arith.constant 0 : i32
    %eq3A_384 = vector.broadcast %eq3A_383 : i32 to vector<256x320xi32>
    %eq3A_385 = arith.cmpi eq, %and3A_382, %eq3A_384 : vector<256x320xi32>
    %convert_element_type3A_386 = arith.extui %eq3A_385 : vector<256x320xi1> to vector<256x320xi32>
    %add3A_387 = arith.addi %add3A_379, %convert_element_type3A_386 : vector<256x320xi32>
    %and3A_388 = arith.constant 258048 : i32
    %and3A_389 = vector.broadcast %and3A_388 : i32 to vector<256x320xi32>
    %and3A_390 = arith.andi %xor3A_369, %and3A_389 : vector<256x320xi32>
    %eq3A_391 = arith.constant 0 : i32
    %eq3A_392 = vector.broadcast %eq3A_391 : i32 to vector<256x320xi32>
    %eq3A_393 = arith.cmpi eq, %and3A_390, %eq3A_392 : vector<256x320xi32>
    %convert_element_type3A_394 = arith.extui %eq3A_393 : vector<256x320xi1> to vector<256x320xi32>
    %add3A_395 = arith.addi %add3A_387, %convert_element_type3A_394 : vector<256x320xi32>
    %and3A_396 = arith.constant 16515072 : i32
    %and3A_397 = vector.broadcast %and3A_396 : i32 to vector<256x320xi32>
    %and3A_398 = arith.andi %xor3A_369, %and3A_397 : vector<256x320xi32>
    %eq3A_399 = arith.constant 0 : i32
    %eq3A_400 = vector.broadcast %eq3A_399 : i32 to vector<256x320xi32>
    %eq3A_401 = arith.cmpi eq, %and3A_398, %eq3A_400 : vector<256x320xi32>
    %convert_element_type3A_402 = arith.extui %eq3A_401 : vector<256x320xi1> to vector<256x320xi32>
    %add3A_403 = arith.addi %add3A_395, %convert_element_type3A_402 : vector<256x320xi32>
    %eq3A_404 = arith.constant 0 : i32
    %eq3A_405 = vector.broadcast %eq3A_404 : i32 to vector<256x320xi32>
    %eq3A_406 = arith.cmpi eq, %add3A_403, %eq3A_405 : vector<256x320xi32>
    %eq3A_407 = arith.constant 1 : i32
    %eq3A_408 = vector.broadcast %eq3A_407 : i32 to vector<256x320xi32>
    %eq3A_409 = arith.cmpi eq, %add3A_403, %eq3A_408 : vector<256x320xi32>
    %eq3A_410 = arith.constant 2 : i32
    %eq3A_411 = vector.broadcast %eq3A_410 : i32 to vector<256x320xi32>
    %eq3A_412 = arith.cmpi eq, %add3A_403, %eq3A_411 : vector<256x320xi32>
    %eq3A_413 = arith.constant 3 : i32
    %eq3A_414 = vector.broadcast %eq3A_413 : i32 to vector<256x320xi32>
    %eq3A_415 = arith.cmpi eq, %add3A_403, %eq3A_414 : vector<256x320xi32>
    %jit3A_416 = arith.constant 1.09861231 : f32
    %jit3A_417 = arith.constant 1.38629436 : f32
    %broadcast_in_dim3A_418 = vector.broadcast %jit3A_416 : f32 to vector<256x320xf32>
    %broadcast_in_dim3A_419 = vector.broadcast %jit3A_417 : f32 to vector<256x320xf32>
    %select_n3A_420 = arith.select %eq3A_415, %broadcast_in_dim3A_418, %broadcast_in_dim3A_419 : vector<256x320xi1>, vector<256x320xf32>
    %jit3A_421 = arith.constant 0.693147182 : f32
    %broadcast_in_dim3A_422 = vector.broadcast %jit3A_421 : f32 to vector<256x320xf32>
    %select_n3A_423 = arith.select %eq3A_412, %broadcast_in_dim3A_422, %select_n3A_420 : vector<256x320xi1>, vector<256x320xf32>
    %jit3A_424 = arith.constant 1.00000008E-9 : f32
    %broadcast_in_dim3A_425 = vector.broadcast %jit3A_424 : f32 to vector<256x320xf32>
    %select_n3A_426 = arith.select %eq3A_409, %broadcast_in_dim3A_425, %select_n3A_423 : vector<256x320xi1>, vector<256x320xf32>
    %jit3A_427 = arith.constant -20.7232666 : f32
    %broadcast_in_dim3A_428 = vector.broadcast %jit3A_427 : f32 to vector<256x320xf32>
    %select_n3A_429 = arith.select %eq3A_406, %broadcast_in_dim3A_428, %select_n3A_426 : vector<256x320xi1>, vector<256x320xf32>
    %shift_right_logical3A_430 = vector.broadcast %mul3A_23 : i32 to vector<256x1xi32>
    %shift_right_logical3A_431 = arith.shrui %slice3A_365, %shift_right_logical3A_430 : vector<256x1xi32>
    %and3A_432 = arith.constant 63 : i32
    %and3A_433 = vector.broadcast %and3A_432 : i32 to vector<256x1xi32>
    %and3A_434 = arith.andi %shift_right_logical3A_431, %and3A_433 : vector<256x1xi32>
    %shift_right_logical3A_435 = vector.broadcast %mul3A_23 : i32 to vector<1x320xi32>
    %shift_right_logical3A_436 = arith.shrui %slice3A_366, %shift_right_logical3A_435 : vector<1x320xi32>
    %and3A_437 = arith.constant 63 : i32
    %and3A_438 = vector.broadcast %and3A_437 : i32 to vector<1x320xi32>
    %and3A_439 = arith.andi %shift_right_logical3A_436, %and3A_438 : vector<1x320xi32>
    %ne3A_440 = vector.broadcast %and3A_434 : vector<256x1xi32> to vector<256x320xi32>
    %ne3A_441 = vector.broadcast %and3A_439 : vector<1x320xi32> to vector<256x320xi32>
    %ne3A_442 = arith.cmpi ne, %ne3A_440, %ne3A_441 : vector<256x320xi32>
    %or3A_443 = arith.ori %ne3A_442, %gt3A_99 : vector<256x320xi1>
    %eq3A_444 = vector.broadcast %slice3A_363 : vector<256x1xi32> to vector<256x320xi32>
    %eq3A_445 = vector.broadcast %slice3A_364 : vector<1x320xi32> to vector<256x320xi32>
    %eq3A_446 = arith.cmpi eq, %eq3A_444, %eq3A_445 : vector<256x320xi32>
    %jit3A_447 = arith.constant -1.000000e+05 : f32
    %broadcast_in_dim3A_448 = vector.broadcast %jit3A_447 : f32 to vector<256x320xf32>
    %select_n3A_449 = arith.select %eq3A_446, %broadcast_in_dim3A_448, %dot_general3A_362 : vector<256x320xi1>, vector<256x320xf32>
    %jit3A_450 = arith.constant -3.40282347E+38 : f32
    %broadcast_in_dim3A_451 = vector.broadcast %jit3A_450 : f32 to vector<256x320xf32>
    %select_n3A_452 = arith.select %or3A_443, %broadcast_in_dim3A_451, %select_n3A_449 : vector<256x320xi1>, vector<256x320xf32>
    %sub3A_453 = arith.subf %select_n3A_452, %select_n3A_429 : vector<256x320xf32>
    %reduce_max3A_454 = arith.constant dense<0xFF800000> : vector<256xf32>
    %reduce_max3A_455 = vector.multi_reduction <maximumf>, %sub3A_453, %reduce_max3A_454 [1] : vector<256x320xf32> to vector<256xf32>
    %broadcast_in_dim3A_456 = vector.shape_cast %reduce_max3A_455 : vector<256xf32> to vector<256x1xf32>
    %sub3A_457 = vector.broadcast %broadcast_in_dim3A_456 : vector<256x1xf32> to vector<256x320xf32>
    %sub3A_458 = arith.subf %sub3A_453, %sub3A_457 : vector<256x320xf32>
    %exp3A_459 = math.exp %sub3A_458 : vector<256x320xf32>
    %reduce_sum3A_460 = arith.constant dense<0.000000e+00> : vector<256xf32>
    %reduce_sum3A_461 = vector.multi_reduction <add>, %exp3A_459, %reduce_sum3A_460 [1] : vector<256x320xf32> to vector<256xf32>
    %broadcast_in_dim3A_462 = vector.shape_cast %reduce_sum3A_461 : vector<256xf32> to vector<256x1xf32>
    %log3A_463 = math.log %broadcast_in_dim3A_462 : vector<256x1xf32>
    %add3A_464 = arith.addf %broadcast_in_dim3A_456, %log3A_463 : vector<256x1xf32>
    %div3A_465 = arith.constant 1.000000e+00 : f32
    %div3A_466 = vector.broadcast %div3A_465 : f32 to vector<256x1xf32>
    %div3A_467 = arith.divf %div3A_466, %broadcast_in_dim3A_462 : vector<256x1xf32>
    %mul3A_468 = vector.broadcast %div3A_467 : vector<256x1xf32> to vector<256x320xf32>
    %mul3A_469 = arith.mulf %exp3A_459, %mul3A_468 : vector<256x320xf32>
    %dot_general3A_470 = arith.constant dense<0.000000e+00> : vector<256x64xf32>
    %dot_general3A_471 = tpu.matmul %mul3A_469, %slice3A_359, %dot_general3A_470 {dimension_numbers = #tpu.dot_dimension_numbers<[1], [0], [0], [1], [0, 0, 1, 1], [], []>, transpose_lhs_hint = false} : vector<256x320xf32>, vector<320x64xf32>, vector<256x64xf32> -> vector<256x64xf32>
    %swap3A_472 = arith.constant 0 : index
    %swap3A_473 = arith.constant 512 : index
    %swap3A_474 = arith.constant 0 : index
    %swap3A_475 = vector.load %arg4[%swap3A_472, %swap3A_473, %swap3A_474] : memref<1x2048x128xf32, #tpu.memory_space<vmem>>, vector<1x256x64xf32>
    %swap3A_476 = vector.shape_cast %swap3A_475 : vector<1x256x64xf32> to vector<256x64xf32>
    %swap3A_477 = vector.shape_cast %dot_general3A_471 : vector<256x64xf32> to vector<1x256x64xf32>
    tpu.vector_store %arg4[%swap3A_472, %swap3A_473, %swap3A_474], %swap3A_477 {strides = array<i32>} : memref<1x2048x128xf32, #tpu.memory_space<vmem>>, vector<1x256x64xf32>,
    %broadcast_in_dim3A_478 = vector.shape_cast %add3A_464 : vector<256x1xf32> to vector<256x1xf32>
    %broadcast_in_dim3A_479 = vector.broadcast %broadcast_in_dim3A_478 : vector<256x1xf32> to vector<256x64xf32>
    %swap3A_480 = arith.constant 0 : index
    %swap3A_481 = arith.constant 512 : index
    %swap3A_482 = arith.constant 64 : index
    %swap3A_483 = vector.load %arg4[%swap3A_480, %swap3A_481, %swap3A_482] : memref<1x2048x128xf32, #tpu.memory_space<vmem>>, vector<1x256x64xf32>
    %swap3A_484 = vector.shape_cast %swap3A_483 : vector<1x256x64xf32> to vector<256x64xf32>
    %swap3A_485 = vector.shape_cast %broadcast_in_dim3A_479 : vector<256x64xf32> to vector<1x256x64xf32>
    tpu.vector_store %arg4[%swap3A_480, %swap3A_481, %swap3A_482], %swap3A_485 {strides = array<i32>} : memref<1x2048x128xf32, #tpu.memory_space<vmem>>, vector<1x256x64xf32>,
    %slice3A_486 = vector.extract_strided_slice %slice3A {offsets = [768, 0], sizes = [256, 64], strides = [1, 1]} : vector<2048x64xf32> to vector<256x64xf32>
    %slice3A_487 = vector.extract_strided_slice %get3A_9 {offsets = [768, 0], sizes = [256, 8], strides = [1, 1]} : vector<2048x8xi32> to vector<256x8xi32>
    %slice3A_488 = vector.extract_strided_slice %mul3A_33 {offsets = [736, 0], sizes = [320, 64], strides = [1, 1]} : vector<2048x64xf32> to vector<320x64xf32>
    %slice3A_489 = vector.extract_strided_slice %slice3A_4 {offsets = [736, 0], sizes = [320, 64], strides = [1, 1]} : vector<2048x64xf32> to vector<320x64xf32>
    %slice3A_490 = vector.extract_strided_slice %get3A_14 {offsets = [0, 736], sizes = [8, 320], strides = [1, 1]} : vector<8x2048xi32> to vector<8x320xi32>
    %dot_general3A_491 = arith.constant dense<0.000000e+00> : vector<256x320xf32>
    %dot_general3A_492 = tpu.matmul %slice3A_486, %slice3A_488, %dot_general3A_491 {dimension_numbers = #tpu.dot_dimension_numbers<[1], [1], [0], [0], [0, 0, 1, 0], [], []>, transpose_lhs_hint = false} : vector<256x64xf32>, vector<320x64xf32>, vector<256x320xf32> -> vector<256x320xf32>
    %slice3A_493 = vector.extract_strided_slice %slice3A_487 {offsets = [0, 0], sizes = [256, 1], strides = [1, 1]} : vector<256x8xi32> to vector<256x1xi32>
    %slice3A_494 = vector.extract_strided_slice %slice3A_490 {offsets = [0, 0], sizes = [1, 320], strides = [1, 1]} : vector<8x320xi32> to vector<1x320xi32>
    %slice3A_495 = vector.extract_strided_slice %slice3A_487 {offsets = [0, 1], sizes = [256, 1], strides = [1, 1]} : vector<256x8xi32> to vector<256x1xi32>
    %slice3A_496 = vector.extract_strided_slice %slice3A_490 {offsets = [1, 0], sizes = [1, 320], strides = [1, 1]} : vector<8x320xi32> to vector<1x320xi32>
    %xor3A_497 = vector.broadcast %slice3A_495 : vector<256x1xi32> to vector<256x320xi32>
    %xor3A_498 = vector.broadcast %slice3A_496 : vector<1x320xi32> to vector<256x320xi32>
    %xor3A_499 = arith.xori %xor3A_497, %xor3A_498 : vector<256x320xi32>
    %and3A_500 = arith.constant 63 : i32
    %and3A_501 = vector.broadcast %and3A_500 : i32 to vector<256x320xi32>
    %and3A_502 = arith.andi %xor3A_499, %and3A_501 : vector<256x320xi32>
    %eq3A_503 = arith.constant 0 : i32
    %eq3A_504 = vector.broadcast %eq3A_503 : i32 to vector<256x320xi32>
    %eq3A_505 = arith.cmpi eq, %and3A_502, %eq3A_504 : vector<256x320xi32>
    %convert_element_type3A_506 = arith.extui %eq3A_505 : vector<256x320xi1> to vector<256x320xi32>
    %add3A_507 = arith.constant 0 : i32
    %add3A_508 = vector.broadcast %add3A_507 : i32 to vector<256x320xi32>
    %add3A_509 = arith.addi %add3A_508, %convert_element_type3A_506 : vector<256x320xi32>
    %and3A_510 = arith.constant 4032 : i32
    %and3A_511 = vector.broadcast %and3A_510 : i32 to vector<256x320xi32>
    %and3A_512 = arith.andi %xor3A_499, %and3A_511 : vector<256x320xi32>
    %eq3A_513 = arith.constant 0 : i32
    %eq3A_514 = vector.broadcast %eq3A_513 : i32 to vector<256x320xi32>
    %eq3A_515 = arith.cmpi eq, %and3A_512, %eq3A_514 : vector<256x320xi32>
    %convert_element_type3A_516 = arith.extui %eq3A_515 : vector<256x320xi1> to vector<256x320xi32>
    %add3A_517 = arith.addi %add3A_509, %convert_element_type3A_516 : vector<256x320xi32>
    %and3A_518 = arith.constant 258048 : i32
    %and3A_519 = vector.broadcast %and3A_518 : i32 to vector<256x320xi32>
    %and3A_520 = arith.andi %xor3A_499, %and3A_519 : vector<256x320xi32>
    %eq3A_521 = arith.constant 0 : i32
    %eq3A_522 = vector.broadcast %eq3A_521 : i32 to vector<256x320xi32>
    %eq3A_523 = arith.cmpi eq, %and3A_520, %eq3A_522 : vector<256x320xi32>
    %convert_element_type3A_524 = arith.extui %eq3A_523 : vector<256x320xi1> to vector<256x320xi32>
    %add3A_525 = arith.addi %add3A_517, %convert_element_type3A_524 : vector<256x320xi32>
    %and3A_526 = arith.constant 16515072 : i32
    %and3A_527 = vector.broadcast %and3A_526 : i32 to vector<256x320xi32>
    %and3A_528 = arith.andi %xor3A_499, %and3A_527 : vector<256x320xi32>
    %eq3A_529 = arith.constant 0 : i32
    %eq3A_530 = vector.broadcast %eq3A_529 : i32 to vector<256x320xi32>
    %eq3A_531 = arith.cmpi eq, %and3A_528, %eq3A_530 : vector<256x320xi32>
    %convert_element_type3A_532 = arith.extui %eq3A_531 : vector<256x320xi1> to vector<256x320xi32>
    %add3A_533 = arith.addi %add3A_525, %convert_element_type3A_532 : vector<256x320xi32>
    %eq3A_534 = arith.constant 0 : i32
    %eq3A_535 = vector.broadcast %eq3A_534 : i32 to vector<256x320xi32>
    %eq3A_536 = arith.cmpi eq, %add3A_533, %eq3A_535 : vector<256x320xi32>
    %eq3A_537 = arith.constant 1 : i32
    %eq3A_538 = vector.broadcast %eq3A_537 : i32 to vector<256x320xi32>
    %eq3A_539 = arith.cmpi eq, %add3A_533, %eq3A_538 : vector<256x320xi32>
    %eq3A_540 = arith.constant 2 : i32
    %eq3A_541 = vector.broadcast %eq3A_540 : i32 to vector<256x320xi32>
    %eq3A_542 = arith.cmpi eq, %add3A_533, %eq3A_541 : vector<256x320xi32>
    %eq3A_543 = arith.constant 3 : i32
    %eq3A_544 = vector.broadcast %eq3A_543 : i32 to vector<256x320xi32>
    %eq3A_545 = arith.cmpi eq, %add3A_533, %eq3A_544 : vector<256x320xi32>
    %jit3A_546 = arith.constant 1.09861231 : f32
    %jit3A_547 = arith.constant 1.38629436 : f32
    %broadcast_in_dim3A_548 = vector.broadcast %jit3A_546 : f32 to vector<256x320xf32>
    %broadcast_in_dim3A_549 = vector.broadcast %jit3A_547 : f32 to vector<256x320xf32>
    %select_n3A_550 = arith.select %eq3A_545, %broadcast_in_dim3A_548, %broadcast_in_dim3A_549 : vector<256x320xi1>, vector<256x320xf32>
    %jit3A_551 = arith.constant 0.693147182 : f32
    %broadcast_in_dim3A_552 = vector.broadcast %jit3A_551 : f32 to vector<256x320xf32>
    %select_n3A_553 = arith.select %eq3A_542, %broadcast_in_dim3A_552, %select_n3A_550 : vector<256x320xi1>, vector<256x320xf32>
    %jit3A_554 = arith.constant 1.00000008E-9 : f32
    %broadcast_in_dim3A_555 = vector.broadcast %jit3A_554 : f32 to vector<256x320xf32>
    %select_n3A_556 = arith.select %eq3A_539, %broadcast_in_dim3A_555, %select_n3A_553 : vector<256x320xi1>, vector<256x320xf32>
    %jit3A_557 = arith.constant -20.7232666 : f32
    %broadcast_in_dim3A_558 = vector.broadcast %jit3A_557 : f32 to vector<256x320xf32>
    %select_n3A_559 = arith.select %eq3A_536, %broadcast_in_dim3A_558, %select_n3A_556 : vector<256x320xi1>, vector<256x320xf32>
    %shift_right_logical3A_560 = vector.broadcast %mul3A_23 : i32 to vector<256x1xi32>
    %shift_right_logical3A_561 = arith.shrui %slice3A_495, %shift_right_logical3A_560 : vector<256x1xi32>
    %and3A_562 = arith.constant 63 : i32
    %and3A_563 = vector.broadcast %and3A_562 : i32 to vector<256x1xi32>
    %and3A_564 = arith.andi %shift_right_logical3A_561, %and3A_563 : vector<256x1xi32>
    %shift_right_logical3A_565 = vector.broadcast %mul3A_23 : i32 to vector<1x320xi32>
    %shift_right_logical3A_566 = arith.shrui %slice3A_496, %shift_right_logical3A_565 : vector<1x320xi32>
    %and3A_567 = arith.constant 63 : i32
    %and3A_568 = vector.broadcast %and3A_567 : i32 to vector<1x320xi32>
    %and3A_569 = arith.andi %shift_right_logical3A_566, %and3A_568 : vector<1x320xi32>
    %ne3A_570 = vector.broadcast %and3A_564 : vector<256x1xi32> to vector<256x320xi32>
    %ne3A_571 = vector.broadcast %and3A_569 : vector<1x320xi32> to vector<256x320xi32>
    %ne3A_572 = arith.cmpi ne, %ne3A_570, %ne3A_571 : vector<256x320xi32>
    %or3A_573 = arith.ori %ne3A_572, %gt3A_99 : vector<256x320xi1>
    %eq3A_574 = vector.broadcast %slice3A_493 : vector<256x1xi32> to vector<256x320xi32>
    %eq3A_575 = vector.broadcast %slice3A_494 : vector<1x320xi32> to vector<256x320xi32>
    %eq3A_576 = arith.cmpi eq, %eq3A_574, %eq3A_575 : vector<256x320xi32>
    %jit3A_577 = arith.constant -1.000000e+05 : f32
    %broadcast_in_dim3A_578 = vector.broadcast %jit3A_577 : f32 to vector<256x320xf32>
    %select_n3A_579 = arith.select %eq3A_576, %broadcast_in_dim3A_578, %dot_general3A_492 : vector<256x320xi1>, vector<256x320xf32>
    %jit3A_580 = arith.constant -3.40282347E+38 : f32
    %broadcast_in_dim3A_581 = vector.broadcast %jit3A_580 : f32 to vector<256x320xf32>
    %select_n3A_582 = arith.select %or3A_573, %broadcast_in_dim3A_581, %select_n3A_579 : vector<256x320xi1>, vector<256x320xf32>
    %sub3A_583 = arith.subf %select_n3A_582, %select_n3A_559 : vector<256x320xf32>
    %reduce_max3A_584 = arith.constant dense<0xFF800000> : vector<256xf32>
    %reduce_max3A_585 = vector.multi_reduction <maximumf>, %sub3A_583, %reduce_max3A_584 [1] : vector<256x320xf32> to vector<256xf32>
    %broadcast_in_dim3A_586 = vector.shape_cast %reduce_max3A_585 : vector<256xf32> to vector<256x1xf32>
    %sub3A_587 = vector.broadcast %broadcast_in_dim3A_586 : vector<256x1xf32> to vector<256x320xf32>
    %sub3A_588 = arith.subf %sub3A_583, %sub3A_587 : vector<256x320xf32>
    %exp3A_589 = math.exp %sub3A_588 : vector<256x320xf32>
    %reduce_sum3A_590 = arith.constant dense<0.000000e+00> : vector<256xf32>
    %reduce_sum3A_591 = vector.multi_reduction <add>, %exp3A_589, %reduce_sum3A_590 [1] : vector<256x320xf32> to vector<256xf32>
    %broadcast_in_dim3A_592 = vector.shape_cast %reduce_sum3A_591 : vector<256xf32> to vector<256x1xf32>
    %log3A_593 = math.log %broadcast_in_dim3A_592 : vector<256x1xf32>
    %add3A_594 = arith.addf %broadcast_in_dim3A_586, %log3A_593 : vector<256x1xf32>
    %div3A_595 = arith.constant 1.000000e+00 : f32
    %div3A_596 = vector.broadcast %div3A_595 : f32 to vector<256x1xf32>
    %div3A_597 = arith.divf %div3A_596, %broadcast_in_dim3A_592 : vector<256x1xf32>
    %mul3A_598 = vector.broadcast %div3A_597 : vector<256x1xf32> to vector<256x320xf32>
    %mul3A_599 = arith.mulf %exp3A_589, %mul3A_598 : vector<256x320xf32>
    %dot_general3A_600 = arith.constant dense<0.000000e+00> : vector<256x64xf32>
    %dot_general3A_601 = tpu.matmul %mul3A_599, %slice3A_489, %dot_general3A_600 {dimension_numbers = #tpu.dot_dimension_numbers<[1], [0], [0], [1], [0, 0, 1, 1], [], []>, transpose_lhs_hint = false} : vector<256x320xf32>, vector<320x64xf32>, vector<256x64xf32> -> vector<256x64xf32>
    %swap3A_602 = arith.constant 0 : index
    %swap3A_603 = arith.constant 768 : index
    %swap3A_604 = arith.constant 0 : index
    %swap3A_605 = vector.load %arg4[%swap3A_602, %swap3A_603, %swap3A_604] : memref<1x2048x128xf32, #tpu.memory_space<vmem>>, vector<1x256x64xf32>
    %swap3A_606 = vector.shape_cast %swap3A_605 : vector<1x256x64xf32> to vector<256x64xf32>
    %swap3A_607 = vector.shape_cast %dot_general3A_601 : vector<256x64xf32> to vector<1x256x64xf32>
    tpu.vector_store %arg4[%swap3A_602, %swap3A_603, %swap3A_604], %swap3A_607 {strides = array<i32>} : memref<1x2048x128xf32, #tpu.memory_space<vmem>>, vector<1x256x64xf32>,
    %broadcast_in_dim3A_608 = vector.shape_cast %add3A_594 : vector<256x1xf32> to vector<256x1xf32>
    %broadcast_in_dim3A_609 = vector.broadcast %broadcast_in_dim3A_608 : vector<256x1xf32> to vector<256x64xf32>
    %swap3A_610 = arith.constant 0 : index
    %swap3A_611 = arith.constant 768 : index
    %swap3A_612 = arith.constant 64 : index
    %swap3A_613 = vector.load %arg4[%swap3A_610, %swap3A_611, %swap3A_612] : memref<1x2048x128xf32, #tpu.memory_space<vmem>>, vector<1x256x64xf32>
    %swap3A_614 = vector.shape_cast %swap3A_613 : vector<1x256x64xf32> to vector<256x64xf32>
    %swap3A_615 = vector.shape_cast %broadcast_in_dim3A_609 : vector<256x64xf32> to vector<1x256x64xf32>
    tpu.vector_store %arg4[%swap3A_610, %swap3A_611, %swap3A_612], %swap3A_615 {strides = array<i32>} : memref<1x2048x128xf32, #tpu.memory_space<vmem>>, vector<1x256x64xf32>,
    %slice3A_616 = vector.extract_strided_slice %slice3A {offsets = [1024, 0], sizes = [256, 64], strides = [1, 1]} : vector<2048x64xf32> to vector<256x64xf32>
    %slice3A_617 = vector.extract_strided_slice %get3A_9 {offsets = [1024, 0], sizes = [256, 8], strides = [1, 1]} : vector<2048x8xi32> to vector<256x8xi32>
    %slice3A_618 = vector.extract_strided_slice %mul3A_33 {offsets = [992, 0], sizes = [320, 64], strides = [1, 1]} : vector<2048x64xf32> to vector<320x64xf32>
    %slice3A_619 = vector.extract_strided_slice %slice3A_4 {offsets = [992, 0], sizes = [320, 64], strides = [1, 1]} : vector<2048x64xf32> to vector<320x64xf32>
    %slice3A_620 = vector.extract_strided_slice %get3A_14 {offsets = [0, 992], sizes = [8, 320], strides = [1, 1]} : vector<8x2048xi32> to vector<8x320xi32>
    %dot_general3A_621 = arith.constant dense<0.000000e+00> : vector<256x320xf32>
    %dot_general3A_622 = tpu.matmul %slice3A_616, %slice3A_618, %dot_general3A_621 {dimension_numbers = #tpu.dot_dimension_numbers<[1], [1], [0], [0], [0, 0, 1, 0], [], []>, transpose_lhs_hint = false} : vector<256x64xf32>, vector<320x64xf32>, vector<256x320xf32> -> vector<256x320xf32>
    %slice3A_623 = vector.extract_strided_slice %slice3A_617 {offsets = [0, 0], sizes = [256, 1], strides = [1, 1]} : vector<256x8xi32> to vector<256x1xi32>
    %slice3A_624 = vector.extract_strided_slice %slice3A_620 {offsets = [0, 0], sizes = [1, 320], strides = [1, 1]} : vector<8x320xi32> to vector<1x320xi32>
    %slice3A_625 = vector.extract_strided_slice %slice3A_617 {offsets = [0, 1], sizes = [256, 1], strides = [1, 1]} : vector<256x8xi32> to vector<256x1xi32>
    %slice3A_626 = vector.extract_strided_slice %slice3A_620 {offsets = [1, 0], sizes = [1, 320], strides = [1, 1]} : vector<8x320xi32> to vector<1x320xi32>
    %xor3A_627 = vector.broadcast %slice3A_625 : vector<256x1xi32> to vector<256x320xi32>
    %xor3A_628 = vector.broadcast %slice3A_626 : vector<1x320xi32> to vector<256x320xi32>
    %xor3A_629 = arith.xori %xor3A_627, %xor3A_628 : vector<256x320xi32>
    %and3A_630 = arith.constant 63 : i32
    %and3A_631 = vector.broadcast %and3A_630 : i32 to vector<256x320xi32>
    %and3A_632 = arith.andi %xor3A_629, %and3A_631 : vector<256x320xi32>
    %eq3A_633 = arith.constant 0 : i32
    %eq3A_634 = vector.broadcast %eq3A_633 : i32 to vector<256x320xi32>
    %eq3A_635 = arith.cmpi eq, %and3A_632, %eq3A_634 : vector<256x320xi32>
    %convert_element_type3A_636 = arith.extui %eq3A_635 : vector<256x320xi1> to vector<256x320xi32>
    %add3A_637 = arith.constant 0 : i32
    %add3A_638 = vector.broadcast %add3A_637 : i32 to vector<256x320xi32>
    %add3A_639 = arith.addi %add3A_638, %convert_element_type3A_636 : vector<256x320xi32>
    %and3A_640 = arith.constant 4032 : i32
    %and3A_641 = vector.broadcast %and3A_640 : i32 to vector<256x320xi32>
    %and3A_642 = arith.andi %xor3A_629, %and3A_641 : vector<256x320xi32>
    %eq3A_643 = arith.constant 0 : i32
    %eq3A_644 = vector.broadcast %eq3A_643 : i32 to vector<256x320xi32>
    %eq3A_645 = arith.cmpi eq, %and3A_642, %eq3A_644 : vector<256x320xi32>
    %convert_element_type3A_646 = arith.extui %eq3A_645 : vector<256x320xi1> to vector<256x320xi32>
    %add3A_647 = arith.addi %add3A_639, %convert_element_type3A_646 : vector<256x320xi32>
    %and3A_648 = arith.constant 258048 : i32
    %and3A_649 = vector.broadcast %and3A_648 : i32 to vector<256x320xi32>
    %and3A_650 = arith.andi %xor3A_629, %and3A_649 : vector<256x320xi32>
    %eq3A_651 = arith.constant 0 : i32
    %eq3A_652 = vector.broadcast %eq3A_651 : i32 to vector<256x320xi32>
    %eq3A_653 = arith.cmpi eq, %and3A_650, %eq3A_652 : vector<256x320xi32>
    %convert_element_type3A_654 = arith.extui %eq3A_653 : vector<256x320xi1> to vector<256x320xi32>
    %add3A_655 = arith.addi %add3A_647, %convert_element_type3A_654 : vector<256x320xi32>
    %and3A_656 = arith.constant 16515072 : i32
    %and3A_657 = vector.broadcast %and3A_656 : i32 to vector<256x320xi32>
    %and3A_658 = arith.andi %xor3A_629, %and3A_657 : vector<256x320xi32>
    %eq3A_659 = arith.constant 0 : i32
    %eq3A_660 = vector.broadcast %eq3A_659 : i32 to vector<256x320xi32>
    %eq3A_661 = arith.cmpi eq, %and3A_658, %eq3A_660 : vector<256x320xi32>
    %convert_element_type3A_662 = arith.extui %eq3A_661 : vector<256x320xi1> to vector<256x320xi32>
    %add3A_663 = arith.addi %add3A_655, %convert_element_type3A_662 : vector<256x320xi32>
    %eq3A_664 = arith.constant 0 : i32
    %eq3A_665 = vector.broadcast %eq3A_664 : i32 to vector<256x320xi32>
    %eq3A_666 = arith.cmpi eq, %add3A_663, %eq3A_665 : vector<256x320xi32>
    %eq3A_667 = arith.constant 1 : i32
    %eq3A_668 = vector.broadcast %eq3A_667 : i32 to vector<256x320xi32>
    %eq3A_669 = arith.cmpi eq, %add3A_663, %eq3A_668 : vector<256x320xi32>
    %eq3A_670 = arith.constant 2 : i32
    %eq3A_671 = vector.broadcast %eq3A_670 : i32 to vector<256x320xi32>
    %eq3A_672 = arith.cmpi eq, %add3A_663, %eq3A_671 : vector<256x320xi32>
    %eq3A_673 = arith.constant 3 : i32
    %eq3A_674 = vector.broadcast %eq3A_673 : i32 to vector<256x320xi32>
    %eq3A_675 = arith.cmpi eq, %add3A_663, %eq3A_674 : vector<256x320xi32>
    %jit3A_676 = arith.constant 1.09861231 : f32
    %jit3A_677 = arith.constant 1.38629436 : f32
    %broadcast_in_dim3A_678 = vector.broadcast %jit3A_676 : f32 to vector<256x320xf32>
    %broadcast_in_dim3A_679 = vector.broadcast %jit3A_677 : f32 to vector<256x320xf32>
    %select_n3A_680 = arith.select %eq3A_675, %broadcast_in_dim3A_678, %broadcast_in_dim3A_679 : vector<256x320xi1>, vector<256x320xf32>
    %jit3A_681 = arith.constant 0.693147182 : f32
    %broadcast_in_dim3A_682 = vector.broadcast %jit3A_681 : f32 to vector<256x320xf32>
    %select_n3A_683 = arith.select %eq3A_672, %broadcast_in_dim3A_682, %select_n3A_680 : vector<256x320xi1>, vector<256x320xf32>
    %jit3A_684 = arith.constant 1.00000008E-9 : f32
    %broadcast_in_dim3A_685 = vector.broadcast %jit3A_684 : f32 to vector<256x320xf32>
    %select_n3A_686 = arith.select %eq3A_669, %broadcast_in_dim3A_685, %select_n3A_683 : vector<256x320xi1>, vector<256x320xf32>
    %jit3A_687 = arith.constant -20.7232666 : f32
    %broadcast_in_dim3A_688 = vector.broadcast %jit3A_687 : f32 to vector<256x320xf32>
    %select_n3A_689 = arith.select %eq3A_666, %broadcast_in_dim3A_688, %select_n3A_686 : vector<256x320xi1>, vector<256x320xf32>
    %shift_right_logical3A_690 = vector.broadcast %mul3A_23 : i32 to vector<256x1xi32>
    %shift_right_logical3A_691 = arith.shrui %slice3A_625, %shift_right_logical3A_690 : vector<256x1xi32>
    %and3A_692 = arith.constant 63 : i32
    %and3A_693 = vector.broadcast %and3A_692 : i32 to vector<256x1xi32>
    %and3A_694 = arith.andi %shift_right_logical3A_691, %and3A_693 : vector<256x1xi32>
    %shift_right_logical3A_695 = vector.broadcast %mul3A_23 : i32 to vector<1x320xi32>
    %shift_right_logical3A_696 = arith.shrui %slice3A_626, %shift_right_logical3A_695 : vector<1x320xi32>
    %and3A_697 = arith.constant 63 : i32
    %and3A_698 = vector.broadcast %and3A_697 : i32 to vector<1x320xi32>
    %and3A_699 = arith.andi %shift_right_logical3A_696, %and3A_698 : vector<1x320xi32>
    %ne3A_700 = vector.broadcast %and3A_694 : vector<256x1xi32> to vector<256x320xi32>
    %ne3A_701 = vector.broadcast %and3A_699 : vector<1x320xi32> to vector<256x320xi32>
    %ne3A_702 = arith.cmpi ne, %ne3A_700, %ne3A_701 : vector<256x320xi32>
    %or3A_703 = arith.ori %ne3A_702, %gt3A_99 : vector<256x320xi1>
    %eq3A_704 = vector.broadcast %slice3A_623 : vector<256x1xi32> to vector<256x320xi32>
    %eq3A_705 = vector.broadcast %slice3A_624 : vector<1x320xi32> to vector<256x320xi32>
    %eq3A_706 = arith.cmpi eq, %eq3A_704, %eq3A_705 : vector<256x320xi32>
    %jit3A_707 = arith.constant -1.000000e+05 : f32
    %broadcast_in_dim3A_708 = vector.broadcast %jit3A_707 : f32 to vector<256x320xf32>
    %select_n3A_709 = arith.select %eq3A_706, %broadcast_in_dim3A_708, %dot_general3A_622 : vector<256x320xi1>, vector<256x320xf32>
    %jit3A_710 = arith.constant -3.40282347E+38 : f32
    %broadcast_in_dim3A_711 = vector.broadcast %jit3A_710 : f32 to vector<256x320xf32>
    %select_n3A_712 = arith.select %or3A_703, %broadcast_in_dim3A_711, %select_n3A_709 : vector<256x320xi1>, vector<256x320xf32>
    %sub3A_713 = arith.subf %select_n3A_712, %select_n3A_689 : vector<256x320xf32>
    %reduce_max3A_714 = arith.constant dense<0xFF800000> : vector<256xf32>
    %reduce_max3A_715 = vector.multi_reduction <maximumf>, %sub3A_713, %reduce_max3A_714 [1] : vector<256x320xf32> to vector<256xf32>
    %broadcast_in_dim3A_716 = vector.shape_cast %reduce_max3A_715 : vector<256xf32> to vector<256x1xf32>
    %sub3A_717 = vector.broadcast %broadcast_in_dim3A_716 : vector<256x1xf32> to vector<256x320xf32>
    %sub3A_718 = arith.subf %sub3A_713, %sub3A_717 : vector<256x320xf32>
    %exp3A_719 = math.exp %sub3A_718 : vector<256x320xf32>
    %reduce_sum3A_720 = arith.constant dense<0.000000e+00> : vector<256xf32>
    %reduce_sum3A_721 = vector.multi_reduction <add>, %exp3A_719, %reduce_sum3A_720 [1] : vector<256x320xf32> to vector<256xf32>
    %broadcast_in_dim3A_722 = vector.shape_cast %reduce_sum3A_721 : vector<256xf32> to vector<256x1xf32>
    %log3A_723 = math.log %broadcast_in_dim3A_722 : vector<256x1xf32>
    %add3A_724 = arith.addf %broadcast_in_dim3A_716, %log3A_723 : vector<256x1xf32>
    %div3A_725 = arith.constant 1.000000e+00 : f32
    %div3A_726 = vector.broadcast %div3A_725 : f32 to vector<256x1xf32>
    %div3A_727 = arith.divf %div3A_726, %broadcast_in_dim3A_722 : vector<256x1xf32>
    %mul3A_728 = vector.broadcast %div3A_727 : vector<256x1xf32> to vector<256x320xf32>
    %mul3A_729 = arith.mulf %exp3A_719, %mul3A_728 : vector<256x320xf32>
    %dot_general3A_730 = arith.constant dense<0.000000e+00> : vector<256x64xf32>
    %dot_general3A_731 = tpu.matmul %mul3A_729, %slice3A_619, %dot_general3A_730 {dimension_numbers = #tpu.dot_dimension_numbers<[1], [0], [0], [1], [0, 0, 1, 1], [], []>, transpose_lhs_hint = false} : vector<256x320xf32>, vector<320x64xf32>, vector<256x64xf32> -> vector<256x64xf32>
    %swap3A_732 = arith.constant 0 : index
    %swap3A_733 = arith.constant 1024 : index
    %swap3A_734 = arith.constant 0 : index
    %swap3A_735 = vector.load %arg4[%swap3A_732, %swap3A_733, %swap3A_734] : memref<1x2048x128xf32, #tpu.memory_space<vmem>>, vector<1x256x64xf32>
    %swap3A_736 = vector.shape_cast %swap3A_735 : vector<1x256x64xf32> to vector<256x64xf32>
    %swap3A_737 = vector.shape_cast %dot_general3A_731 : vector<256x64xf32> to vector<1x256x64xf32>
    tpu.vector_store %arg4[%swap3A_732, %swap3A_733, %swap3A_734], %swap3A_737 {strides = array<i32>} : memref<1x2048x128xf32, #tpu.memory_space<vmem>>, vector<1x256x64xf32>,
    %broadcast_in_dim3A_738 = vector.shape_cast %add3A_724 : vector<256x1xf32> to vector<256x1xf32>
    %broadcast_in_dim3A_739 = vector.broadcast %broadcast_in_dim3A_738 : vector<256x1xf32> to vector<256x64xf32>
    %swap3A_740 = arith.constant 0 : index
    %swap3A_741 = arith.constant 1024 : index
    %swap3A_742 = arith.constant 64 : index
    %swap3A_743 = vector.load %arg4[%swap3A_740, %swap3A_741, %swap3A_742] : memref<1x2048x128xf32, #tpu.memory_space<vmem>>, vector<1x256x64xf32>
    %swap3A_744 = vector.shape_cast %swap3A_743 : vector<1x256x64xf32> to vector<256x64xf32>
    %swap3A_745 = vector.shape_cast %broadcast_in_dim3A_739 : vector<256x64xf32> to vector<1x256x64xf32>
    tpu.vector_store %arg4[%swap3A_740, %swap3A_741, %swap3A_742], %swap3A_745 {strides = array<i32>} : memref<1x2048x128xf32, #tpu.memory_space<vmem>>, vector<1x256x64xf32>,
    %slice3A_746 = vector.extract_strided_slice %slice3A {offsets = [1280, 0], sizes = [256, 64], strides = [1, 1]} : vector<2048x64xf32> to vector<256x64xf32>
    %slice3A_747 = vector.extract_strided_slice %get3A_9 {offsets = [1280, 0], sizes = [256, 8], strides = [1, 1]} : vector<2048x8xi32> to vector<256x8xi32>
    %slice3A_748 = vector.extract_strided_slice %mul3A_33 {offsets = [1248, 0], sizes = [320, 64], strides = [1, 1]} : vector<2048x64xf32> to vector<320x64xf32>
    %slice3A_749 = vector.extract_strided_slice %slice3A_4 {offsets = [1248, 0], sizes = [320, 64], strides = [1, 1]} : vector<2048x64xf32> to vector<320x64xf32>
    %slice3A_750 = vector.extract_strided_slice %get3A_14 {offsets = [0, 1248], sizes = [8, 320], strides = [1, 1]} : vector<8x2048xi32> to vector<8x320xi32>
    %dot_general3A_751 = arith.constant dense<0.000000e+00> : vector<256x320xf32>
    %dot_general3A_752 = tpu.matmul %slice3A_746, %slice3A_748, %dot_general3A_751 {dimension_numbers = #tpu.dot_dimension_numbers<[1], [1], [0], [0], [0, 0, 1, 0], [], []>, transpose_lhs_hint = false} : vector<256x64xf32>, vector<320x64xf32>, vector<256x320xf32> -> vector<256x320xf32>
    %slice3A_753 = vector.extract_strided_slice %slice3A_747 {offsets = [0, 0], sizes = [256, 1], strides = [1, 1]} : vector<256x8xi32> to vector<256x1xi32>
    %slice3A_754 = vector.extract_strided_slice %slice3A_750 {offsets = [0, 0], sizes = [1, 320], strides = [1, 1]} : vector<8x320xi32> to vector<1x320xi32>
    %slice3A_755 = vector.extract_strided_slice %slice3A_747 {offsets = [0, 1], sizes = [256, 1], strides = [1, 1]} : vector<256x8xi32> to vector<256x1xi32>
    %slice3A_756 = vector.extract_strided_slice %slice3A_750 {offsets = [1, 0], sizes = [1, 320], strides = [1, 1]} : vector<8x320xi32> to vector<1x320xi32>
    %xor3A_757 = vector.broadcast %slice3A_755 : vector<256x1xi32> to vector<256x320xi32>
    %xor3A_758 = vector.broadcast %slice3A_756 : vector<1x320xi32> to vector<256x320xi32>
    %xor3A_759 = arith.xori %xor3A_757, %xor3A_758 : vector<256x320xi32>
    %and3A_760 = arith.constant 63 : i32
    %and3A_761 = vector.broadcast %and3A_760 : i32 to vector<256x320xi32>
    %and3A_762 = arith.andi %xor3A_759, %and3A_761 : vector<256x320xi32>
    %eq3A_763 = arith.constant 0 : i32
    %eq3A_764 = vector.broadcast %eq3A_763 : i32 to vector<256x320xi32>
    %eq3A_765 = arith.cmpi eq, %and3A_762, %eq3A_764 : vector<256x320xi32>
    %convert_element_type3A_766 = arith.extui %eq3A_765 : vector<256x320xi1> to vector<256x320xi32>
    %add3A_767 = arith.constant 0 : i32
    %add3A_768 = vector.broadcast %add3A_767 : i32 to vector<256x320xi32>
    %add3A_769 = arith.addi %add3A_768, %convert_element_type3A_766 : vector<256x320xi32>
    %and3A_770 = arith.constant 4032 : i32
    %and3A_771 = vector.broadcast %and3A_770 : i32 to vector<256x320xi32>
    %and3A_772 = arith.andi %xor3A_759, %and3A_771 : vector<256x320xi32>
    %eq3A_773 = arith.constant 0 : i32
    %eq3A_774 = vector.broadcast %eq3A_773 : i32 to vector<256x320xi32>
    %eq3A_775 = arith.cmpi eq, %and3A_772, %eq3A_774 : vector<256x320xi32>
    %convert_element_type3A_776 = arith.extui %eq3A_775 : vector<256x320xi1> to vector<256x320xi32>
    %add3A_777 = arith.addi %add3A_769, %convert_element_type3A_776 : vector<256x320xi32>
    %and3A_778 = arith.constant 258048 : i32
    %and3A_779 = vector.broadcast %and3A_778 : i32 to vector<256x320xi32>
    %and3A_780 = arith.andi %xor3A_759, %and3A_779 : vector<256x320xi32>
    %eq3A_781 = arith.constant 0 : i32
    %eq3A_782 = vector.broadcast %eq3A_781 : i32 to vector<256x320xi32>
    %eq3A_783 = arith.cmpi eq, %and3A_780, %eq3A_782 : vector<256x320xi32>
    %convert_element_type3A_784 = arith.extui %eq3A_783 : vector<256x320xi1> to vector<256x320xi32>
    %add3A_785 = arith.addi %add3A_777, %convert_element_type3A_784 : vector<256x320xi32>
    %and3A_786 = arith.constant 16515072 : i32
    %and3A_787 = vector.broadcast %and3A_786 : i32 to vector<256x320xi32>
    %and3A_788 = arith.andi %xor3A_759, %and3A_787 : vector<256x320xi32>
    %eq3A_789 = arith.constant 0 : i32
    %eq3A_790 = vector.broadcast %eq3A_789 : i32 to vector<256x320xi32>
    %eq3A_791 = arith.cmpi eq, %and3A_788, %eq3A_790 : vector<256x320xi32>
    %convert_element_type3A_792 = arith.extui %eq3A_791 : vector<256x320xi1> to vector<256x320xi32>
    %add3A_793 = arith.addi %add3A_785, %convert_element_type3A_792 : vector<256x320xi32>
    %eq3A_794 = arith.constant 0 : i32
    %eq3A_795 = vector.broadcast %eq3A_794 : i32 to vector<256x320xi32>
    %eq3A_796 = arith.cmpi eq, %add3A_793, %eq3A_795 : vector<256x320xi32>
    %eq3A_797 = arith.constant 1 : i32
    %eq3A_798 = vector.broadcast %eq3A_797 : i32 to vector<256x320xi32>
    %eq3A_799 = arith.cmpi eq, %add3A_793, %eq3A_798 : vector<256x320xi32>
    %eq3A_800 = arith.constant 2 : i32
    %eq3A_801 = vector.broadcast %eq3A_800 : i32 to vector<256x320xi32>
    %eq3A_802 = arith.cmpi eq, %add3A_793, %eq3A_801 : vector<256x320xi32>
    %eq3A_803 = arith.constant 3 : i32
    %eq3A_804 = vector.broadcast %eq3A_803 : i32 to vector<256x320xi32>
    %eq3A_805 = arith.cmpi eq, %add3A_793, %eq3A_804 : vector<256x320xi32>
    %jit3A_806 = arith.constant 1.09861231 : f32
    %jit3A_807 = arith.constant 1.38629436 : f32
    %broadcast_in_dim3A_808 = vector.broadcast %jit3A_806 : f32 to vector<256x320xf32>
    %broadcast_in_dim3A_809 = vector.broadcast %jit3A_807 : f32 to vector<256x320xf32>
    %select_n3A_810 = arith.select %eq3A_805, %broadcast_in_dim3A_808, %broadcast_in_dim3A_809 : vector<256x320xi1>, vector<256x320xf32>
    %jit3A_811 = arith.constant 0.693147182 : f32
    %broadcast_in_dim3A_812 = vector.broadcast %jit3A_811 : f32 to vector<256x320xf32>
    %select_n3A_813 = arith.select %eq3A_802, %broadcast_in_dim3A_812, %select_n3A_810 : vector<256x320xi1>, vector<256x320xf32>
    %jit3A_814 = arith.constant 1.00000008E-9 : f32
    %broadcast_in_dim3A_815 = vector.broadcast %jit3A_814 : f32 to vector<256x320xf32>
    %select_n3A_816 = arith.select %eq3A_799, %broadcast_in_dim3A_815, %select_n3A_813 : vector<256x320xi1>, vector<256x320xf32>
    %jit3A_817 = arith.constant -20.7232666 : f32
    %broadcast_in_dim3A_818 = vector.broadcast %jit3A_817 : f32 to vector<256x320xf32>
    %select_n3A_819 = arith.select %eq3A_796, %broadcast_in_dim3A_818, %select_n3A_816 : vector<256x320xi1>, vector<256x320xf32>
    %shift_right_logical3A_820 = vector.broadcast %mul3A_23 : i32 to vector<256x1xi32>
    %shift_right_logical3A_821 = arith.shrui %slice3A_755, %shift_right_logical3A_820 : vector<256x1xi32>
    %and3A_822 = arith.constant 63 : i32
    %and3A_823 = vector.broadcast %and3A_822 : i32 to vector<256x1xi32>
    %and3A_824 = arith.andi %shift_right_logical3A_821, %and3A_823 : vector<256x1xi32>
    %shift_right_logical3A_825 = vector.broadcast %mul3A_23 : i32 to vector<1x320xi32>
    %shift_right_logical3A_826 = arith.shrui %slice3A_756, %shift_right_logical3A_825 : vector<1x320xi32>
    %and3A_827 = arith.constant 63 : i32
    %and3A_828 = vector.broadcast %and3A_827 : i32 to vector<1x320xi32>
    %and3A_829 = arith.andi %shift_right_logical3A_826, %and3A_828 : vector<1x320xi32>
    %ne3A_830 = vector.broadcast %and3A_824 : vector<256x1xi32> to vector<256x320xi32>
    %ne3A_831 = vector.broadcast %and3A_829 : vector<1x320xi32> to vector<256x320xi32>
    %ne3A_832 = arith.cmpi ne, %ne3A_830, %ne3A_831 : vector<256x320xi32>
    %or3A_833 = arith.ori %ne3A_832, %gt3A_99 : vector<256x320xi1>
    %eq3A_834 = vector.broadcast %slice3A_753 : vector<256x1xi32> to vector<256x320xi32>
    %eq3A_835 = vector.broadcast %slice3A_754 : vector<1x320xi32> to vector<256x320xi32>
    %eq3A_836 = arith.cmpi eq, %eq3A_834, %eq3A_835 : vector<256x320xi32>
    %jit3A_837 = arith.constant -1.000000e+05 : f32
    %broadcast_in_dim3A_838 = vector.broadcast %jit3A_837 : f32 to vector<256x320xf32>
    %select_n3A_839 = arith.select %eq3A_836, %broadcast_in_dim3A_838, %dot_general3A_752 : vector<256x320xi1>, vector<256x320xf32>
    %jit3A_840 = arith.constant -3.40282347E+38 : f32
    %broadcast_in_dim3A_841 = vector.broadcast %jit3A_840 : f32 to vector<256x320xf32>
    %select_n3A_842 = arith.select %or3A_833, %broadcast_in_dim3A_841, %select_n3A_839 : vector<256x320xi1>, vector<256x320xf32>
    %sub3A_843 = arith.subf %select_n3A_842, %select_n3A_819 : vector<256x320xf32>
    %reduce_max3A_844 = arith.constant dense<0xFF800000> : vector<256xf32>
    %reduce_max3A_845 = vector.multi_reduction <maximumf>, %sub3A_843, %reduce_max3A_844 [1] : vector<256x320xf32> to vector<256xf32>
    %broadcast_in_dim3A_846 = vector.shape_cast %reduce_max3A_845 : vector<256xf32> to vector<256x1xf32>
    %sub3A_847 = vector.broadcast %broadcast_in_dim3A_846 : vector<256x1xf32> to vector<256x320xf32>
    %sub3A_848 = arith.subf %sub3A_843, %sub3A_847 : vector<256x320xf32>
    %exp3A_849 = math.exp %sub3A_848 : vector<256x320xf32>
    %reduce_sum3A_850 = arith.constant dense<0.000000e+00> : vector<256xf32>
    %reduce_sum3A_851 = vector.multi_reduction <add>, %exp3A_849, %reduce_sum3A_850 [1] : vector<256x320xf32> to vector<256xf32>
    %broadcast_in_dim3A_852 = vector.shape_cast %reduce_sum3A_851 : vector<256xf32> to vector<256x1xf32>
    %log3A_853 = math.log %broadcast_in_dim3A_852 : vector<256x1xf32>
    %add3A_854 = arith.addf %broadcast_in_dim3A_846, %log3A_853 : vector<256x1xf32>
    %div3A_855 = arith.constant 1.000000e+00 : f32
    %div3A_856 = vector.broadcast %div3A_855 : f32 to vector<256x1xf32>
    %div3A_857 = arith.divf %div3A_856, %broadcast_in_dim3A_852 : vector<256x1xf32>
    %mul3A_858 = vector.broadcast %div3A_857 : vector<256x1xf32> to vector<256x320xf32>
    %mul3A_859 = arith.mulf %exp3A_849, %mul3A_858 : vector<256x320xf32>
    %dot_general3A_860 = arith.constant dense<0.000000e+00> : vector<256x64xf32>
    %dot_general3A_861 = tpu.matmul %mul3A_859, %slice3A_749, %dot_general3A_860 {dimension_numbers = #tpu.dot_dimension_numbers<[1], [0], [0], [1], [0, 0, 1, 1], [], []>, transpose_lhs_hint = false} : vector<256x320xf32>, vector<320x64xf32>, vector<256x64xf32> -> vector<256x64xf32>
    %swap3A_862 = arith.constant 0 : index
    %swap3A_863 = arith.constant 1280 : index
    %swap3A_864 = arith.constant 0 : index
    %swap3A_865 = vector.load %arg4[%swap3A_862, %swap3A_863, %swap3A_864] : memref<1x2048x128xf32, #tpu.memory_space<vmem>>, vector<1x256x64xf32>
    %swap3A_866 = vector.shape_cast %swap3A_865 : vector<1x256x64xf32> to vector<256x64xf32>
    %swap3A_867 = vector.shape_cast %dot_general3A_861 : vector<256x64xf32> to vector<1x256x64xf32>
    tpu.vector_store %arg4[%swap3A_862, %swap3A_863, %swap3A_864], %swap3A_867 {strides = array<i32>} : memref<1x2048x128xf32, #tpu.memory_space<vmem>>, vector<1x256x64xf32>,
    %broadcast_in_dim3A_868 = vector.shape_cast %add3A_854 : vector<256x1xf32> to vector<256x1xf32>
    %broadcast_in_dim3A_869 = vector.broadcast %broadcast_in_dim3A_868 : vector<256x1xf32> to vector<256x64xf32>
    %swap3A_870 = arith.constant 0 : index
    %swap3A_871 = arith.constant 1280 : index
    %swap3A_872 = arith.constant 64 : index
    %swap3A_873 = vector.load %arg4[%swap3A_870, %swap3A_871, %swap3A_872] : memref<1x2048x128xf32, #tpu.memory_space<vmem>>, vector<1x256x64xf32>
    %swap3A_874 = vector.shape_cast %swap3A_873 : vector<1x256x64xf32> to vector<256x64xf32>
    %swap3A_875 = vector.shape_cast %broadcast_in_dim3A_869 : vector<256x64xf32> to vector<1x256x64xf32>
    tpu.vector_store %arg4[%swap3A_870, %swap3A_871, %swap3A_872], %swap3A_875 {strides = array<i32>} : memref<1x2048x128xf32, #tpu.memory_space<vmem>>, vector<1x256x64xf32>,
    %slice3A_876 = vector.extract_strided_slice %slice3A {offsets = [1536, 0], sizes = [256, 64], strides = [1, 1]} : vector<2048x64xf32> to vector<256x64xf32>
    %slice3A_877 = vector.extract_strided_slice %get3A_9 {offsets = [1536, 0], sizes = [256, 8], strides = [1, 1]} : vector<2048x8xi32> to vector<256x8xi32>
    %slice3A_878 = vector.extract_strided_slice %mul3A_33 {offsets = [1504, 0], sizes = [320, 64], strides = [1, 1]} : vector<2048x64xf32> to vector<320x64xf32>
    %slice3A_879 = vector.extract_strided_slice %slice3A_4 {offsets = [1504, 0], sizes = [320, 64], strides = [1, 1]} : vector<2048x64xf32> to vector<320x64xf32>
    %slice3A_880 = vector.extract_strided_slice %get3A_14 {offsets = [0, 1504], sizes = [8, 320], strides = [1, 1]} : vector<8x2048xi32> to vector<8x320xi32>
    %dot_general3A_881 = arith.constant dense<0.000000e+00> : vector<256x320xf32>
    %dot_general3A_882 = tpu.matmul %slice3A_876, %slice3A_878, %dot_general3A_881 {dimension_numbers = #tpu.dot_dimension_numbers<[1], [1], [0], [0], [0, 0, 1, 0], [], []>, transpose_lhs_hint = false} : vector<256x64xf32>, vector<320x64xf32>, vector<256x320xf32> -> vector<256x320xf32>
    %slice3A_883 = vector.extract_strided_slice %slice3A_877 {offsets = [0, 0], sizes = [256, 1], strides = [1, 1]} : vector<256x8xi32> to vector<256x1xi32>
    %slice3A_884 = vector.extract_strided_slice %slice3A_880 {offsets = [0, 0], sizes = [1, 320], strides = [1, 1]} : vector<8x320xi32> to vector<1x320xi32>
    %slice3A_885 = vector.extract_strided_slice %slice3A_877 {offsets = [0, 1], sizes = [256, 1], strides = [1, 1]} : vector<256x8xi32> to vector<256x1xi32>
    %slice3A_886 = vector.extract_strided_slice %slice3A_880 {offsets = [1, 0], sizes = [1, 320], strides = [1, 1]} : vector<8x320xi32> to vector<1x320xi32>
    %xor3A_887 = vector.broadcast %slice3A_885 : vector<256x1xi32> to vector<256x320xi32>
    %xor3A_888 = vector.broadcast %slice3A_886 : vector<1x320xi32> to vector<256x320xi32>
    %xor3A_889 = arith.xori %xor3A_887, %xor3A_888 : vector<256x320xi32>
    %and3A_890 = arith.constant 63 : i32
    %and3A_891 = vector.broadcast %and3A_890 : i32 to vector<256x320xi32>
    %and3A_892 = arith.andi %xor3A_889, %and3A_891 : vector<256x320xi32>
    %eq3A_893 = arith.constant 0 : i32
    %eq3A_894 = vector.broadcast %eq3A_893 : i32 to vector<256x320xi32>
    %eq3A_895 = arith.cmpi eq, %and3A_892, %eq3A_894 : vector<256x320xi32>
    %convert_element_type3A_896 = arith.extui %eq3A_895 : vector<256x320xi1> to vector<256x320xi32>
    %add3A_897 = arith.constant 0 : i32
    %add3A_898 = vector.broadcast %add3A_897 : i32 to vector<256x320xi32>
    %add3A_899 = arith.addi %add3A_898, %convert_element_type3A_896 : vector<256x320xi32>
    %and3A_900 = arith.constant 4032 : i32
    %and3A_901 = vector.broadcast %and3A_900 : i32 to vector<256x320xi32>
    %and3A_902 = arith.andi %xor3A_889, %and3A_901 : vector<256x320xi32>
    %eq3A_903 = arith.constant 0 : i32
    %eq3A_904 = vector.broadcast %eq3A_903 : i32 to vector<256x320xi32>
    %eq3A_905 = arith.cmpi eq, %and3A_902, %eq3A_904 : vector<256x320xi32>
    %convert_element_type3A_906 = arith.extui %eq3A_905 : vector<256x320xi1> to vector<256x320xi32>
    %add3A_907 = arith.addi %add3A_899, %convert_element_type3A_906 : vector<256x320xi32>
    %and3A_908 = arith.constant 258048 : i32
    %and3A_909 = vector.broadcast %and3A_908 : i32 to vector<256x320xi32>
    %and3A_910 = arith.andi %xor3A_889, %and3A_909 : vector<256x320xi32>
    %eq3A_911 = arith.constant 0 : i32
    %eq3A_912 = vector.broadcast %eq3A_911 : i32 to vector<256x320xi32>
    %eq3A_913 = arith.cmpi eq, %and3A_910, %eq3A_912 : vector<256x320xi32>
    %convert_element_type3A_914 = arith.extui %eq3A_913 : vector<256x320xi1> to vector<256x320xi32>
    %add3A_915 = arith.addi %add3A_907, %convert_element_type3A_914 : vector<256x320xi32>
    %and3A_916 = arith.constant 16515072 : i32
    %and3A_917 = vector.broadcast %and3A_916 : i32 to vector<256x320xi32>
    %and3A_918 = arith.andi %xor3A_889, %and3A_917 : vector<256x320xi32>
    %eq3A_919 = arith.constant 0 : i32
    %eq3A_920 = vector.broadcast %eq3A_919 : i32 to vector<256x320xi32>
    %eq3A_921 = arith.cmpi eq, %and3A_918, %eq3A_920 : vector<256x320xi32>
    %convert_element_type3A_922 = arith.extui %eq3A_921 : vector<256x320xi1> to vector<256x320xi32>
    %add3A_923 = arith.addi %add3A_915, %convert_element_type3A_922 : vector<256x320xi32>
    %eq3A_924 = arith.constant 0 : i32
    %eq3A_925 = vector.broadcast %eq3A_924 : i32 to vector<256x320xi32>
    %eq3A_926 = arith.cmpi eq, %add3A_923, %eq3A_925 : vector<256x320xi32>
    %eq3A_927 = arith.constant 1 : i32
    %eq3A_928 = vector.broadcast %eq3A_927 : i32 to vector<256x320xi32>
    %eq3A_929 = arith.cmpi eq, %add3A_923, %eq3A_928 : vector<256x320xi32>
    %eq3A_930 = arith.constant 2 : i32
    %eq3A_931 = vector.broadcast %eq3A_930 : i32 to vector<256x320xi32>
    %eq3A_932 = arith.cmpi eq, %add3A_923, %eq3A_931 : vector<256x320xi32>
    %eq3A_933 = arith.constant 3 : i32
    %eq3A_934 = vector.broadcast %eq3A_933 : i32 to vector<256x320xi32>
    %eq3A_935 = arith.cmpi eq, %add3A_923, %eq3A_934 : vector<256x320xi32>
    %jit3A_936 = arith.constant 1.09861231 : f32
    %jit3A_937 = arith.constant 1.38629436 : f32
    %broadcast_in_dim3A_938 = vector.broadcast %jit3A_936 : f32 to vector<256x320xf32>
    %broadcast_in_dim3A_939 = vector.broadcast %jit3A_937 : f32 to vector<256x320xf32>
    %select_n3A_940 = arith.select %eq3A_935, %broadcast_in_dim3A_938, %broadcast_in_dim3A_939 : vector<256x320xi1>, vector<256x320xf32>
    %jit3A_941 = arith.constant 0.693147182 : f32
    %broadcast_in_dim3A_942 = vector.broadcast %jit3A_941 : f32 to vector<256x320xf32>
    %select_n3A_943 = arith.select %eq3A_932, %broadcast_in_dim3A_942, %select_n3A_940 : vector<256x320xi1>, vector<256x320xf32>
    %jit3A_944 = arith.constant 1.00000008E-9 : f32
    %broadcast_in_dim3A_945 = vector.broadcast %jit3A_944 : f32 to vector<256x320xf32>
    %select_n3A_946 = arith.select %eq3A_929, %broadcast_in_dim3A_945, %select_n3A_943 : vector<256x320xi1>, vector<256x320xf32>
    %jit3A_947 = arith.constant -20.7232666 : f32
    %broadcast_in_dim3A_948 = vector.broadcast %jit3A_947 : f32 to vector<256x320xf32>
    %select_n3A_949 = arith.select %eq3A_926, %broadcast_in_dim3A_948, %select_n3A_946 : vector<256x320xi1>, vector<256x320xf32>
    %shift_right_logical3A_950 = vector.broadcast %mul3A_23 : i32 to vector<256x1xi32>
    %shift_right_logical3A_951 = arith.shrui %slice3A_885, %shift_right_logical3A_950 : vector<256x1xi32>
    %and3A_952 = arith.constant 63 : i32
    %and3A_953 = vector.broadcast %and3A_952 : i32 to vector<256x1xi32>
    %and3A_954 = arith.andi %shift_right_logical3A_951, %and3A_953 : vector<256x1xi32>
    %shift_right_logical3A_955 = vector.broadcast %mul3A_23 : i32 to vector<1x320xi32>
    %shift_right_logical3A_956 = arith.shrui %slice3A_886, %shift_right_logical3A_955 : vector<1x320xi32>
    %and3A_957 = arith.constant 63 : i32
    %and3A_958 = vector.broadcast %and3A_957 : i32 to vector<1x320xi32>
    %and3A_959 = arith.andi %shift_right_logical3A_956, %and3A_958 : vector<1x320xi32>
    %ne3A_960 = vector.broadcast %and3A_954 : vector<256x1xi32> to vector<256x320xi32>
    %ne3A_961 = vector.broadcast %and3A_959 : vector<1x320xi32> to vector<256x320xi32>
    %ne3A_962 = arith.cmpi ne, %ne3A_960, %ne3A_961 : vector<256x320xi32>
    %or3A_963 = arith.ori %ne3A_962, %gt3A_99 : vector<256x320xi1>
    %eq3A_964 = vector.broadcast %slice3A_883 : vector<256x1xi32> to vector<256x320xi32>
    %eq3A_965 = vector.broadcast %slice3A_884 : vector<1x320xi32> to vector<256x320xi32>
    %eq3A_966 = arith.cmpi eq, %eq3A_964, %eq3A_965 : vector<256x320xi32>
    %jit3A_967 = arith.constant -1.000000e+05 : f32
    %broadcast_in_dim3A_968 = vector.broadcast %jit3A_967 : f32 to vector<256x320xf32>
    %select_n3A_969 = arith.select %eq3A_966, %broadcast_in_dim3A_968, %dot_general3A_882 : vector<256x320xi1>, vector<256x320xf32>
    %jit3A_970 = arith.constant -3.40282347E+38 : f32
    %broadcast_in_dim3A_971 = vector.broadcast %jit3A_970 : f32 to vector<256x320xf32>
    %select_n3A_972 = arith.select %or3A_963, %broadcast_in_dim3A_971, %select_n3A_969 : vector<256x320xi1>, vector<256x320xf32>
    %sub3A_973 = arith.subf %select_n3A_972, %select_n3A_949 : vector<256x320xf32>
    %reduce_max3A_974 = arith.constant dense<0xFF800000> : vector<256xf32>
    %reduce_max3A_975 = vector.multi_reduction <maximumf>, %sub3A_973, %reduce_max3A_974 [1] : vector<256x320xf32> to vector<256xf32>
    %broadcast_in_dim3A_976 = vector.shape_cast %reduce_max3A_975 : vector<256xf32> to vector<256x1xf32>
    %sub3A_977 = vector.broadcast %broadcast_in_dim3A_976 : vector<256x1xf32> to vector<256x320xf32>
    %sub3A_978 = arith.subf %sub3A_973, %sub3A_977 : vector<256x320xf32>
    %exp3A_979 = math.exp %sub3A_978 : vector<256x320xf32>
    %reduce_sum3A_980 = arith.constant dense<0.000000e+00> : vector<256xf32>
    %reduce_sum3A_981 = vector.multi_reduction <add>, %exp3A_979, %reduce_sum3A_980 [1] : vector<256x320xf32> to vector<256xf32>
    %broadcast_in_dim3A_982 = vector.shape_cast %reduce_sum3A_981 : vector<256xf32> to vector<256x1xf32>
    %log3A_983 = math.log %broadcast_in_dim3A_982 : vector<256x1xf32>
    %add3A_984 = arith.addf %broadcast_in_dim3A_976, %log3A_983 : vector<256x1xf32>
    %div3A_985 = arith.constant 1.000000e+00 : f32
    %div3A_986 = vector.broadcast %div3A_985 : f32 to vector<256x1xf32>
    %div3A_987 = arith.divf %div3A_986, %broadcast_in_dim3A_982 : vector<256x1xf32>
    %mul3A_988 = vector.broadcast %div3A_987 : vector<256x1xf32> to vector<256x320xf32>
    %mul3A_989 = arith.mulf %exp3A_979, %mul3A_988 : vector<256x320xf32>
    %dot_general3A_990 = arith.constant dense<0.000000e+00> : vector<256x64xf32>
    %dot_general3A_991 = tpu.matmul %mul3A_989, %slice3A_879, %dot_general3A_990 {dimension_numbers = #tpu.dot_dimension_numbers<[1], [0], [0], [1], [0, 0, 1, 1], [], []>, transpose_lhs_hint = false} : vector<256x320xf32>, vector<320x64xf32>, vector<256x64xf32> -> vector<256x64xf32>
    %swap3A_992 = arith.constant 0 : index
    %swap3A_993 = arith.constant 1536 : index
    %swap3A_994 = arith.constant 0 : index
    %swap3A_995 = vector.load %arg4[%swap3A_992, %swap3A_993, %swap3A_994] : memref<1x2048x128xf32, #tpu.memory_space<vmem>>, vector<1x256x64xf32>
    %swap3A_996 = vector.shape_cast %swap3A_995 : vector<1x256x64xf32> to vector<256x64xf32>
    %swap3A_997 = vector.shape_cast %dot_general3A_991 : vector<256x64xf32> to vector<1x256x64xf32>
    tpu.vector_store %arg4[%swap3A_992, %swap3A_993, %swap3A_994], %swap3A_997 {strides = array<i32>} : memref<1x2048x128xf32, #tpu.memory_space<vmem>>, vector<1x256x64xf32>,
    %broadcast_in_dim3A_998 = vector.shape_cast %add3A_984 : vector<256x1xf32> to vector<256x1xf32>
    %broadcast_in_dim3A_999 = vector.broadcast %broadcast_in_dim3A_998 : vector<256x1xf32> to vector<256x64xf32>
    %swap3A_1000 = arith.constant 0 : index
    %swap3A_1001 = arith.constant 1536 : index
    %swap3A_1002 = arith.constant 64 : index
    %swap3A_1003 = vector.load %arg4[%swap3A_1000, %swap3A_1001, %swap3A_1002] : memref<1x2048x128xf32, #tpu.memory_space<vmem>>, vector<1x256x64xf32>
    %swap3A_1004 = vector.shape_cast %swap3A_1003 : vector<1x256x64xf32> to vector<256x64xf32>
    %swap3A_1005 = vector.shape_cast %broadcast_in_dim3A_999 : vector<256x64xf32> to vector<1x256x64xf32>
    tpu.vector_store %arg4[%swap3A_1000, %swap3A_1001, %swap3A_1002], %swap3A_1005 {strides = array<i32>} : memref<1x2048x128xf32, #tpu.memory_space<vmem>>, vector<1x256x64xf32>,
    %slice3A_1006 = vector.extract_strided_slice %slice3A {offsets = [1792, 0], sizes = [256, 64], strides = [1, 1]} : vector<2048x64xf32> to vector<256x64xf32>
    %slice3A_1007 = vector.extract_strided_slice %get3A_9 {offsets = [1792, 0], sizes = [256, 8], strides = [1, 1]} : vector<2048x8xi32> to vector<256x8xi32>
    %slice3A_1008 = vector.extract_strided_slice %mul3A_33 {offsets = [1760, 0], sizes = [288, 64], strides = [1, 1]} : vector<2048x64xf32> to vector<288x64xf32>
    %slice3A_1009 = vector.extract_strided_slice %mul3A_33 {offsets = [0, 0], sizes = [32, 64], strides = [1, 1]} : vector<2048x64xf32> to vector<32x64xf32>
    %concatenate3A_1010 = tpu.concatenate %slice3A_1008, %slice3A_1009 in 0 : vector<288x64xf32>, vector<32x64xf32> -> vector<320x64xf32>
    %slice3A_1011 = vector.extract_strided_slice %slice3A_4 {offsets = [1760, 0], sizes = [288, 64], strides = [1, 1]} : vector<2048x64xf32> to vector<288x64xf32>
    %slice3A_1012 = vector.extract_strided_slice %slice3A_4 {offsets = [0, 0], sizes = [32, 64], strides = [1, 1]} : vector<2048x64xf32> to vector<32x64xf32>
    %concatenate3A_1013 = tpu.concatenate %slice3A_1011, %slice3A_1012 in 0 : vector<288x64xf32>, vector<32x64xf32> -> vector<320x64xf32>
    %slice3A_1014 = vector.extract_strided_slice %get3A_14 {offsets = [0, 1760], sizes = [8, 288], strides = [1, 1]} : vector<8x2048xi32> to vector<8x288xi32>
    %slice3A_1015 = vector.extract_strided_slice %get3A_14 {offsets = [0, 0], sizes = [8, 32], strides = [1, 1]} : vector<8x2048xi32> to vector<8x32xi32>
    %concatenate3A_1016 = tpu.concatenate %slice3A_1014, %slice3A_1015 in 1 : vector<8x288xi32>, vector<8x32xi32> -> vector<8x320xi32>
    %dot_general3A_1017 = arith.constant dense<0.000000e+00> : vector<256x320xf32>
    %dot_general3A_1018 = tpu.matmul %slice3A_1006, %concatenate3A_1010, %dot_general3A_1017 {dimension_numbers = #tpu.dot_dimension_numbers<[1], [1], [0], [0], [0, 0, 1, 0], [], []>, transpose_lhs_hint = false} : vector<256x64xf32>, vector<320x64xf32>, vector<256x320xf32> -> vector<256x320xf32>
    %slice3A_1019 = vector.extract_strided_slice %slice3A_1007 {offsets = [0, 0], sizes = [256, 1], strides = [1, 1]} : vector<256x8xi32> to vector<256x1xi32>
    %slice3A_1020 = vector.extract_strided_slice %concatenate3A_1016 {offsets = [0, 0], sizes = [1, 320], strides = [1, 1]} : vector<8x320xi32> to vector<1x320xi32>
    %slice3A_1021 = vector.extract_strided_slice %slice3A_1007 {offsets = [0, 1], sizes = [256, 1], strides = [1, 1]} : vector<256x8xi32> to vector<256x1xi32>
    %slice3A_1022 = vector.extract_strided_slice %concatenate3A_1016 {offsets = [1, 0], sizes = [1, 320], strides = [1, 1]} : vector<8x320xi32> to vector<1x320xi32>
    %xor3A_1023 = vector.broadcast %slice3A_1021 : vector<256x1xi32> to vector<256x320xi32>
    %xor3A_1024 = vector.broadcast %slice3A_1022 : vector<1x320xi32> to vector<256x320xi32>
    %xor3A_1025 = arith.xori %xor3A_1023, %xor3A_1024 : vector<256x320xi32>
    %and3A_1026 = arith.constant 63 : i32
    %and3A_1027 = vector.broadcast %and3A_1026 : i32 to vector<256x320xi32>
    %and3A_1028 = arith.andi %xor3A_1025, %and3A_1027 : vector<256x320xi32>
    %eq3A_1029 = arith.constant 0 : i32
    %eq3A_1030 = vector.broadcast %eq3A_1029 : i32 to vector<256x320xi32>
    %eq3A_1031 = arith.cmpi eq, %and3A_1028, %eq3A_1030 : vector<256x320xi32>
    %convert_element_type3A_1032 = arith.extui %eq3A_1031 : vector<256x320xi1> to vector<256x320xi32>
    %add3A_1033 = arith.constant 0 : i32
    %add3A_1034 = vector.broadcast %add3A_1033 : i32 to vector<256x320xi32>
    %add3A_1035 = arith.addi %add3A_1034, %convert_element_type3A_1032 : vector<256x320xi32>
    %and3A_1036 = arith.constant 4032 : i32
    %and3A_1037 = vector.broadcast %and3A_1036 : i32 to vector<256x320xi32>
    %and3A_1038 = arith.andi %xor3A_1025, %and3A_1037 : vector<256x320xi32>
    %eq3A_1039 = arith.constant 0 : i32
    %eq3A_1040 = vector.broadcast %eq3A_1039 : i32 to vector<256x320xi32>
    %eq3A_1041 = arith.cmpi eq, %and3A_1038, %eq3A_1040 : vector<256x320xi32>
    %convert_element_type3A_1042 = arith.extui %eq3A_1041 : vector<256x320xi1> to vector<256x320xi32>
    %add3A_1043 = arith.addi %add3A_1035, %convert_element_type3A_1042 : vector<256x320xi32>
    %and3A_1044 = arith.constant 258048 : i32
    %and3A_1045 = vector.broadcast %and3A_1044 : i32 to vector<256x320xi32>
    %and3A_1046 = arith.andi %xor3A_1025, %and3A_1045 : vector<256x320xi32>
    %eq3A_1047 = arith.constant 0 : i32
    %eq3A_1048 = vector.broadcast %eq3A_1047 : i32 to vector<256x320xi32>
    %eq3A_1049 = arith.cmpi eq, %and3A_1046, %eq3A_1048 : vector<256x320xi32>
    %convert_element_type3A_1050 = arith.extui %eq3A_1049 : vector<256x320xi1> to vector<256x320xi32>
    %add3A_1051 = arith.addi %add3A_1043, %convert_element_type3A_1050 : vector<256x320xi32>
    %and3A_1052 = arith.constant 16515072 : i32
    %and3A_1053 = vector.broadcast %and3A_1052 : i32 to vector<256x320xi32>
    %and3A_1054 = arith.andi %xor3A_1025, %and3A_1053 : vector<256x320xi32>
    %eq3A_1055 = arith.constant 0 : i32
    %eq3A_1056 = vector.broadcast %eq3A_1055 : i32 to vector<256x320xi32>
    %eq3A_1057 = arith.cmpi eq, %and3A_1054, %eq3A_1056 : vector<256x320xi32>
    %convert_element_type3A_1058 = arith.extui %eq3A_1057 : vector<256x320xi1> to vector<256x320xi32>
    %add3A_1059 = arith.addi %add3A_1051, %convert_element_type3A_1058 : vector<256x320xi32>
    %eq3A_1060 = arith.constant 0 : i32
    %eq3A_1061 = vector.broadcast %eq3A_1060 : i32 to vector<256x320xi32>
    %eq3A_1062 = arith.cmpi eq, %add3A_1059, %eq3A_1061 : vector<256x320xi32>
    %eq3A_1063 = arith.constant 1 : i32
    %eq3A_1064 = vector.broadcast %eq3A_1063 : i32 to vector<256x320xi32>
    %eq3A_1065 = arith.cmpi eq, %add3A_1059, %eq3A_1064 : vector<256x320xi32>
    %eq3A_1066 = arith.constant 2 : i32
    %eq3A_1067 = vector.broadcast %eq3A_1066 : i32 to vector<256x320xi32>
    %eq3A_1068 = arith.cmpi eq, %add3A_1059, %eq3A_1067 : vector<256x320xi32>
    %eq3A_1069 = arith.constant 3 : i32
    %eq3A_1070 = vector.broadcast %eq3A_1069 : i32 to vector<256x320xi32>
    %eq3A_1071 = arith.cmpi eq, %add3A_1059, %eq3A_1070 : vector<256x320xi32>
    %jit3A_1072 = arith.constant 1.09861231 : f32
    %jit3A_1073 = arith.constant 1.38629436 : f32
    %broadcast_in_dim3A_1074 = vector.broadcast %jit3A_1072 : f32 to vector<256x320xf32>
    %broadcast_in_dim3A_1075 = vector.broadcast %jit3A_1073 : f32 to vector<256x320xf32>
    %select_n3A_1076 = arith.select %eq3A_1071, %broadcast_in_dim3A_1074, %broadcast_in_dim3A_1075 : vector<256x320xi1>, vector<256x320xf32>
    %jit3A_1077 = arith.constant 0.693147182 : f32
    %broadcast_in_dim3A_1078 = vector.broadcast %jit3A_1077 : f32 to vector<256x320xf32>
    %select_n3A_1079 = arith.select %eq3A_1068, %broadcast_in_dim3A_1078, %select_n3A_1076 : vector<256x320xi1>, vector<256x320xf32>
    %jit3A_1080 = arith.constant 1.00000008E-9 : f32
    %broadcast_in_dim3A_1081 = vector.broadcast %jit3A_1080 : f32 to vector<256x320xf32>
    %select_n3A_1082 = arith.select %eq3A_1065, %broadcast_in_dim3A_1081, %select_n3A_1079 : vector<256x320xi1>, vector<256x320xf32>
    %jit3A_1083 = arith.constant -20.7232666 : f32
    %broadcast_in_dim3A_1084 = vector.broadcast %jit3A_1083 : f32 to vector<256x320xf32>
    %select_n3A_1085 = arith.select %eq3A_1062, %broadcast_in_dim3A_1084, %select_n3A_1082 : vector<256x320xi1>, vector<256x320xf32>
    %shift_right_logical3A_1086 = vector.broadcast %mul3A_23 : i32 to vector<256x1xi32>
    %shift_right_logical3A_1087 = arith.shrui %slice3A_1021, %shift_right_logical3A_1086 : vector<256x1xi32>
    %and3A_1088 = arith.constant 63 : i32
    %and3A_1089 = vector.broadcast %and3A_1088 : i32 to vector<256x1xi32>
    %and3A_1090 = arith.andi %shift_right_logical3A_1087, %and3A_1089 : vector<256x1xi32>
    %shift_right_logical3A_1091 = vector.broadcast %mul3A_23 : i32 to vector<1x320xi32>
    %shift_right_logical3A_1092 = arith.shrui %slice3A_1022, %shift_right_logical3A_1091 : vector<1x320xi32>
    %and3A_1093 = arith.constant 63 : i32
    %and3A_1094 = vector.broadcast %and3A_1093 : i32 to vector<1x320xi32>
    %and3A_1095 = arith.andi %shift_right_logical3A_1092, %and3A_1094 : vector<1x320xi32>
    %ne3A_1096 = vector.broadcast %and3A_1090 : vector<256x1xi32> to vector<256x320xi32>
    %ne3A_1097 = vector.broadcast %and3A_1095 : vector<1x320xi32> to vector<256x320xi32>
    %ne3A_1098 = arith.cmpi ne, %ne3A_1096, %ne3A_1097 : vector<256x320xi32>
    %or3A_1099 = arith.ori %ne3A_1098, %gt3A_99 : vector<256x320xi1>
    %eq3A_1100 = vector.broadcast %slice3A_1019 : vector<256x1xi32> to vector<256x320xi32>
    %eq3A_1101 = vector.broadcast %slice3A_1020 : vector<1x320xi32> to vector<256x320xi32>
    %eq3A_1102 = arith.cmpi eq, %eq3A_1100, %eq3A_1101 : vector<256x320xi32>
    %jit3A_1103 = arith.constant -1.000000e+05 : f32
    %broadcast_in_dim3A_1104 = vector.broadcast %jit3A_1103 : f32 to vector<256x320xf32>
    %select_n3A_1105 = arith.select %eq3A_1102, %broadcast_in_dim3A_1104, %dot_general3A_1018 : vector<256x320xi1>, vector<256x320xf32>
    %jit3A_1106 = arith.constant -3.40282347E+38 : f32
    %broadcast_in_dim3A_1107 = vector.broadcast %jit3A_1106 : f32 to vector<256x320xf32>
    %select_n3A_1108 = arith.select %or3A_1099, %broadcast_in_dim3A_1107, %select_n3A_1105 : vector<256x320xi1>, vector<256x320xf32>
    %sub3A_1109 = arith.subf %select_n3A_1108, %select_n3A_1085 : vector<256x320xf32>
    %reduce_max3A_1110 = arith.constant dense<0xFF800000> : vector<256xf32>
    %reduce_max3A_1111 = vector.multi_reduction <maximumf>, %sub3A_1109, %reduce_max3A_1110 [1] : vector<256x320xf32> to vector<256xf32>
    %broadcast_in_dim3A_1112 = vector.shape_cast %reduce_max3A_1111 : vector<256xf32> to vector<256x1xf32>
    %sub3A_1113 = vector.broadcast %broadcast_in_dim3A_1112 : vector<256x1xf32> to vector<256x320xf32>
    %sub3A_1114 = arith.subf %sub3A_1109, %sub3A_1113 : vector<256x320xf32>
    %exp3A_1115 = math.exp %sub3A_1114 : vector<256x320xf32>
    %reduce_sum3A_1116 = arith.constant dense<0.000000e+00> : vector<256xf32>
    %reduce_sum3A_1117 = vector.multi_reduction <add>, %exp3A_1115, %reduce_sum3A_1116 [1] : vector<256x320xf32> to vector<256xf32>
    %broadcast_in_dim3A_1118 = vector.shape_cast %reduce_sum3A_1117 : vector<256xf32> to vector<256x1xf32>
    %log3A_1119 = math.log %broadcast_in_dim3A_1118 : vector<256x1xf32>
    %add3A_1120 = arith.addf %broadcast_in_dim3A_1112, %log3A_1119 : vector<256x1xf32>
    %div3A_1121 = arith.constant 1.000000e+00 : f32
    %div3A_1122 = vector.broadcast %div3A_1121 : f32 to vector<256x1xf32>
    %div3A_1123 = arith.divf %div3A_1122, %broadcast_in_dim3A_1118 : vector<256x1xf32>
    %mul3A_1124 = vector.broadcast %div3A_1123 : vector<256x1xf32> to vector<256x320xf32>
    %mul3A_1125 = arith.mulf %exp3A_1115, %mul3A_1124 : vector<256x320xf32>
    %dot_general3A_1126 = arith.constant dense<0.000000e+00> : vector<256x64xf32>
    %dot_general3A_1127 = tpu.matmul %mul3A_1125, %concatenate3A_1013, %dot_general3A_1126 {dimension_numbers = #tpu.dot_dimension_numbers<[1], [0], [0], [1], [0, 0, 1, 1], [], []>, transpose_lhs_hint = false} : vector<256x320xf32>, vector<320x64xf32>, vector<256x64xf32> -> vector<256x64xf32>
    %swap3A_1128 = arith.constant 0 : index
    %swap3A_1129 = arith.constant 1792 : index
    %swap3A_1130 = arith.constant 0 : index
    %swap3A_1131 = vector.load %arg4[%swap3A_1128, %swap3A_1129, %swap3A_1130] : memref<1x2048x128xf32, #tpu.memory_space<vmem>>, vector<1x256x64xf32>
    %swap3A_1132 = vector.shape_cast %swap3A_1131 : vector<1x256x64xf32> to vector<256x64xf32>
    %swap3A_1133 = vector.shape_cast %dot_general3A_1127 : vector<256x64xf32> to vector<1x256x64xf32>
    tpu.vector_store %arg4[%swap3A_1128, %swap3A_1129, %swap3A_1130], %swap3A_1133 {strides = array<i32>} : memref<1x2048x128xf32, #tpu.memory_space<vmem>>, vector<1x256x64xf32>,
    %broadcast_in_dim3A_1134 = vector.shape_cast %add3A_1120 : vector<256x1xf32> to vector<256x1xf32>
    %broadcast_in_dim3A_1135 = vector.broadcast %broadcast_in_dim3A_1134 : vector<256x1xf32> to vector<256x64xf32>
    %swap3A_1136 = arith.constant 0 : index
    %swap3A_1137 = arith.constant 1792 : index
    %swap3A_1138 = arith.constant 64 : index
    %swap3A_1139 = vector.load %arg4[%swap3A_1136, %swap3A_1137, %swap3A_1138] : memref<1x2048x128xf32, #tpu.memory_space<vmem>>, vector<1x256x64xf32>
    %swap3A_1140 = vector.shape_cast %swap3A_1139 : vector<1x256x64xf32> to vector<256x64xf32>
    %swap3A_1141 = vector.shape_cast %broadcast_in_dim3A_1135 : vector<256x64xf32> to vector<1x256x64xf32>
    tpu.vector_store %arg4[%swap3A_1136, %swap3A_1137, %swap3A_1138], %swap3A_1141 {strides = array<i32>} : memref<1x2048x128xf32, #tpu.memory_space<vmem>>, vector<1x256x64xf32>,
    return
  }
  func.func @transform_0(%arg0: i32) -> (i32, i32, i32) {
    %c0_i32 = arith.constant 0 : i32
    %c0_i32_0 = arith.constant 0 : i32
    %c0_i32_1 = arith.constant 0 : i32
    return %arg0, %c0_i32, %c0_i32_0 : i32, i32, i32
  }
  func.func @transform_1(%arg0: i32) -> (i32, i32, i32) {
    %c0_i32 = arith.constant 0 : i32
    %c0_i32_0 = arith.constant 0 : i32
    %c0_i32_1 = arith.constant 0 : i32
    return %arg0, %c0_i32, %c0_i32_0 : i32, i32, i32
  }
  func.func @transform_2(%arg0: i32) -> (i32, i32, i32) {
    %c0_i32 = arith.constant 0 : i32
    %c0_i32_0 = arith.constant 0 : i32
    %c0_i32_1 = arith.constant 0 : i32
    return %arg0, %c0_i32, %c0_i32_0 : i32, i32, i32
  }
  func.func @transform_3(%arg0: i32) -> (i32, i32, i32) {
    %c0_i32 = arith.constant 0 : i32
    %c0_i32_0 = arith.constant 0 : i32
    %c0_i32_1 = arith.constant 0 : i32
    return %arg0, %c0_i32, %c0_i32_0 : i32, i32, i32
  }
}

module attributes {stable_mosaic.version = 14 : i64} {
  func.func @_combine_body(%arg0: i32, %arg1: memref<1x4x2048x128xf32, #tpu.memory_space<vmem>>, %arg2: memref<1x2048x64xf32, #tpu.memory_space<vmem>>) attributes {dimension_semantics = [#tpu.dimension_semantics<arbitrary>], iteration_bounds = array<i64: 32>, scalar_prefetch = 0 : i64, scratch_operands = 0 : i64, tpu.core_type = #tpu.core_type<tc>, window_params = [{transform_indices = @transform_0, window_bounds = array<i64: 1, 4, 2048, 128>}, {transform_indices = @transform_1, window_bounds = array<i64: 1, 2048, 64>}]} {
    %get3A = arith.constant 0 : index
    %get3A_0 = arith.constant 0 : index
    %get3A_1 = arith.constant 0 : index
    %get3A_2 = arith.constant 0 : index
    %get3A_3 = vector.load %arg1[%get3A, %get3A_0, %get3A_1, %get3A_2] : memref<1x4x2048x128xf32, #tpu.memory_space<vmem>>, vector<1x1x2048x128xf32>
    %get3A_4 = vector.shape_cast %get3A_3 : vector<1x1x2048x128xf32> to vector<2048x128xf32>
    %slice3A = vector.extract_strided_slice %get3A_4 {offsets = [0, 64], sizes = [2048, 1], strides = [1, 1]} : vector<2048x128xf32> to vector<2048x1xf32>
    %get3A_5 = arith.constant 0 : index
    %get3A_6 = arith.constant 1 : index
    %get3A_7 = arith.constant 0 : index
    %get3A_8 = arith.constant 0 : index
    %get3A_9 = vector.load %arg1[%get3A_5, %get3A_6, %get3A_7, %get3A_8] : memref<1x4x2048x128xf32, #tpu.memory_space<vmem>>, vector<1x1x2048x128xf32>
    %get3A_10 = vector.shape_cast %get3A_9 : vector<1x1x2048x128xf32> to vector<2048x128xf32>
    %slice3A_11 = vector.extract_strided_slice %get3A_10 {offsets = [0, 64], sizes = [2048, 1], strides = [1, 1]} : vector<2048x128xf32> to vector<2048x1xf32>
    %get3A_12 = arith.constant 0 : index
    %get3A_13 = arith.constant 2 : index
    %get3A_14 = arith.constant 0 : index
    %get3A_15 = arith.constant 0 : index
    %get3A_16 = vector.load %arg1[%get3A_12, %get3A_13, %get3A_14, %get3A_15] : memref<1x4x2048x128xf32, #tpu.memory_space<vmem>>, vector<1x1x2048x128xf32>
    %get3A_17 = vector.shape_cast %get3A_16 : vector<1x1x2048x128xf32> to vector<2048x128xf32>
    %slice3A_18 = vector.extract_strided_slice %get3A_17 {offsets = [0, 64], sizes = [2048, 1], strides = [1, 1]} : vector<2048x128xf32> to vector<2048x1xf32>
    %get3A_19 = arith.constant 0 : index
    %get3A_20 = arith.constant 3 : index
    %get3A_21 = arith.constant 0 : index
    %get3A_22 = arith.constant 0 : index
    %get3A_23 = vector.load %arg1[%get3A_19, %get3A_20, %get3A_21, %get3A_22] : memref<1x4x2048x128xf32, #tpu.memory_space<vmem>>, vector<1x1x2048x128xf32>
    %get3A_24 = vector.shape_cast %get3A_23 : vector<1x1x2048x128xf32> to vector<2048x128xf32>
    %slice3A_25 = vector.extract_strided_slice %get3A_24 {offsets = [0, 64], sizes = [2048, 1], strides = [1, 1]} : vector<2048x128xf32> to vector<2048x1xf32>
    %max3A = arith.maximumf %slice3A, %slice3A_11 : vector<2048x1xf32>
    %max3A_26 = arith.maximumf %max3A, %slice3A_18 : vector<2048x1xf32>
    %max3A_27 = arith.maximumf %max3A_26, %slice3A_25 : vector<2048x1xf32>
    %sub3A = arith.subf %slice3A, %max3A_27 : vector<2048x1xf32>
    %exp3A = math.exp %sub3A : vector<2048x1xf32>
    %sub3A_28 = arith.subf %slice3A_11, %max3A_27 : vector<2048x1xf32>
    %exp3A_29 = math.exp %sub3A_28 : vector<2048x1xf32>
    %sub3A_30 = arith.subf %slice3A_18, %max3A_27 : vector<2048x1xf32>
    %exp3A_31 = math.exp %sub3A_30 : vector<2048x1xf32>
    %sub3A_32 = arith.subf %slice3A_25, %max3A_27 : vector<2048x1xf32>
    %exp3A_33 = math.exp %sub3A_32 : vector<2048x1xf32>
    %add3A = arith.addf %exp3A, %exp3A_29 : vector<2048x1xf32>
    %add3A_34 = arith.addf %add3A, %exp3A_31 : vector<2048x1xf32>
    %add3A_35 = arith.addf %add3A_34, %exp3A_33 : vector<2048x1xf32>
    %get3A_36 = arith.constant 0 : index
    %get3A_37 = arith.constant 0 : index
    %get3A_38 = arith.constant 0 : index
    %get3A_39 = arith.constant 0 : index
    %get3A_40 = vector.load %arg1[%get3A_36, %get3A_37, %get3A_38, %get3A_39] : memref<1x4x2048x128xf32, #tpu.memory_space<vmem>>, vector<1x1x2048x128xf32>
    %get3A_41 = vector.shape_cast %get3A_40 : vector<1x1x2048x128xf32> to vector<2048x128xf32>
    %slice3A_42 = vector.extract_strided_slice %get3A_41 {offsets = [0, 0], sizes = [2048, 64], strides = [1, 1]} : vector<2048x128xf32> to vector<2048x64xf32>
    %mul3A = vector.broadcast %exp3A : vector<2048x1xf32> to vector<2048x64xf32>
    %mul3A_43 = arith.mulf %slice3A_42, %mul3A : vector<2048x64xf32>
    %get3A_44 = arith.constant 0 : index
    %get3A_45 = arith.constant 1 : index
    %get3A_46 = arith.constant 0 : index
    %get3A_47 = arith.constant 0 : index
    %get3A_48 = vector.load %arg1[%get3A_44, %get3A_45, %get3A_46, %get3A_47] : memref<1x4x2048x128xf32, #tpu.memory_space<vmem>>, vector<1x1x2048x128xf32>
    %get3A_49 = vector.shape_cast %get3A_48 : vector<1x1x2048x128xf32> to vector<2048x128xf32>
    %slice3A_50 = vector.extract_strided_slice %get3A_49 {offsets = [0, 0], sizes = [2048, 64], strides = [1, 1]} : vector<2048x128xf32> to vector<2048x64xf32>
    %mul3A_51 = vector.broadcast %exp3A_29 : vector<2048x1xf32> to vector<2048x64xf32>
    %mul3A_52 = arith.mulf %slice3A_50, %mul3A_51 : vector<2048x64xf32>
    %add3A_53 = arith.addf %mul3A_43, %mul3A_52 : vector<2048x64xf32>
    %get3A_54 = arith.constant 0 : index
    %get3A_55 = arith.constant 2 : index
    %get3A_56 = arith.constant 0 : index
    %get3A_57 = arith.constant 0 : index
    %get3A_58 = vector.load %arg1[%get3A_54, %get3A_55, %get3A_56, %get3A_57] : memref<1x4x2048x128xf32, #tpu.memory_space<vmem>>, vector<1x1x2048x128xf32>
    %get3A_59 = vector.shape_cast %get3A_58 : vector<1x1x2048x128xf32> to vector<2048x128xf32>
    %slice3A_60 = vector.extract_strided_slice %get3A_59 {offsets = [0, 0], sizes = [2048, 64], strides = [1, 1]} : vector<2048x128xf32> to vector<2048x64xf32>
    %mul3A_61 = vector.broadcast %exp3A_31 : vector<2048x1xf32> to vector<2048x64xf32>
    %mul3A_62 = arith.mulf %slice3A_60, %mul3A_61 : vector<2048x64xf32>
    %add3A_63 = arith.addf %add3A_53, %mul3A_62 : vector<2048x64xf32>
    %get3A_64 = arith.constant 0 : index
    %get3A_65 = arith.constant 3 : index
    %get3A_66 = arith.constant 0 : index
    %get3A_67 = arith.constant 0 : index
    %get3A_68 = vector.load %arg1[%get3A_64, %get3A_65, %get3A_66, %get3A_67] : memref<1x4x2048x128xf32, #tpu.memory_space<vmem>>, vector<1x1x2048x128xf32>
    %get3A_69 = vector.shape_cast %get3A_68 : vector<1x1x2048x128xf32> to vector<2048x128xf32>
    %slice3A_70 = vector.extract_strided_slice %get3A_69 {offsets = [0, 0], sizes = [2048, 64], strides = [1, 1]} : vector<2048x128xf32> to vector<2048x64xf32>
    %mul3A_71 = vector.broadcast %exp3A_33 : vector<2048x1xf32> to vector<2048x64xf32>
    %mul3A_72 = arith.mulf %slice3A_70, %mul3A_71 : vector<2048x64xf32>
    %add3A_73 = arith.addf %add3A_63, %mul3A_72 : vector<2048x64xf32>
    %div3A = vector.broadcast %add3A_35 : vector<2048x1xf32> to vector<2048x64xf32>
    %div3A_74 = arith.divf %add3A_73, %div3A : vector<2048x64xf32>
    %swap3A = arith.constant 0 : index
    %swap3A_75 = arith.constant 0 : index
    %swap3A_76 = arith.constant 0 : index
    %swap3A_77 = vector.load %arg2[%swap3A, %swap3A_75, %swap3A_76] : memref<1x2048x64xf32, #tpu.memory_space<vmem>>, vector<1x2048x64xf32>
    %swap3A_78 = vector.shape_cast %swap3A_77 : vector<1x2048x64xf32> to vector<2048x64xf32>
    %swap3A_79 = vector.shape_cast %div3A_74 : vector<2048x64xf32> to vector<1x2048x64xf32>
    tpu.vector_store %arg2[%swap3A, %swap3A_75, %swap3A_76], %swap3A_79 {strides = array<i32>} : memref<1x2048x64xf32, #tpu.memory_space<vmem>>, vector<1x2048x64xf32>,
    return
  }
  func.func @transform_0(%arg0: i32) -> (i32, i32, i32, i32) {
    %c0_i32 = arith.constant 0 : i32
    %c0_i32_0 = arith.constant 0 : i32
    %c0_i32_1 = arith.constant 0 : i32
    %c0_i32_2 = arith.constant 0 : i32
    return %arg0, %c0_i32, %c0_i32_0, %c0_i32_1 : i32, i32, i32, i32
  }
  func.func @transform_1(%arg0: i32) -> (i32, i32, i32) {
    %c0_i32 = arith.constant 0 : i32
    %c0_i32_0 = arith.constant 0 : i32
    %c0_i32_1 = arith.constant 0 : i32
    return %arg0, %c0_i32, %c0_i32_0 : i32, i32, i32
  }
}

module attributes {stable_mosaic.version = 14 : i64} {
  func.func @_matmul_body(%arg0: i32, %arg1: i32, %arg2: memref<512x1024xf32, #tpu.memory_space<vmem>>, %arg3: memref<1024x512xf32, #tpu.memory_space<vmem>>, %arg4: memref<1x512xf32, #tpu.memory_space<vmem>>, %arg5: memref<512x512xf32, #tpu.memory_space<vmem>>) attributes {dimension_semantics = [#tpu.dimension_semantics<arbitrary>, #tpu.dimension_semantics<arbitrary>], iteration_bounds = array<i64: 8, 2>, scalar_prefetch = 0 : i64, scratch_operands = 0 : i64, tpu.core_type = #tpu.core_type<tc>, window_params = [{transform_indices = @transform_0, window_bounds = array<i64: 512, 1024>}, {transform_indices = @transform_1, window_bounds = array<i64: 1024, 512>}, {transform_indices = @transform_2, window_bounds = array<i64: 1, 512>}, {transform_indices = @transform_3, window_bounds = array<i64: 512, 512>}]} {
    %get3A = arith.constant 0 : index
    %get3A_0 = arith.constant 0 : index
    %get3A_1 = vector.load %arg2[%get3A, %get3A_0] : memref<512x1024xf32, #tpu.memory_space<vmem>>, vector<512x1024xf32>
    %get3A_2 = arith.constant 0 : index
    %get3A_3 = arith.constant 0 : index
    %get3A_4 = vector.load %arg3[%get3A_2, %get3A_3] : memref<1024x512xf32, #tpu.memory_space<vmem>>, vector<1024x512xf32>
    %dot_general3A = arith.constant dense<0.000000e+00> : vector<512x512xf32>
    %dot_general3A_5 = tpu.matmul %get3A_1, %get3A_4, %dot_general3A {dimension_numbers = #tpu.dot_dimension_numbers<[1], [0], [0], [1], [0, 0, 1, 1], [], []>, transpose_lhs_hint = false} : vector<512x1024xf32>, vector<1024x512xf32>, vector<512x512xf32> -> vector<512x512xf32>
    %get3A_6 = arith.constant 0 : index
    %get3A_7 = arith.constant 0 : index
    %get3A_8 = vector.load %arg4[%get3A_6, %get3A_7] : memref<1x512xf32, #tpu.memory_space<vmem>>, vector<1x512xf32>
    %add3A = vector.broadcast %get3A_8 : vector<1x512xf32> to vector<512x512xf32>
    %add3A_9 = arith.addf %dot_general3A_5, %add3A : vector<512x512xf32>
    %swap3A = arith.constant 0 : index
    %swap3A_10 = arith.constant 0 : index
    %swap3A_11 = vector.load %arg5[%swap3A, %swap3A_10] : memref<512x512xf32, #tpu.memory_space<vmem>>, vector<512x512xf32>
    tpu.vector_store %arg5[%swap3A, %swap3A_10], %add3A_9 {strides = array<i32>} : memref<512x512xf32, #tpu.memory_space<vmem>>, vector<512x512xf32>,
    return
  }
  func.func @transform_0(%arg0: i32, %arg1: i32) -> (i32, i32) {
    %c0_i32 = arith.constant 0 : i32
    %c0_i32_0 = arith.constant 0 : i32
    return %arg0, %c0_i32 : i32, i32
  }
  func.func @transform_1(%arg0: i32, %arg1: i32) -> (i32, i32) {
    %c0_i32 = arith.constant 0 : i32
    %c0_i32_0 = arith.constant 0 : i32
    return %c0_i32, %arg1 : i32, i32
  }
  func.func @transform_2(%arg0: i32, %arg1: i32) -> (i32, i32) {
    %c0_i32 = arith.constant 0 : i32
    %c0_i32_0 = arith.constant 0 : i32
    return %c0_i32, %arg1 : i32, i32
  }
  func.func @transform_3(%arg0: i32, %arg1: i32) -> (i32, i32) {
    %c0_i32 = arith.constant 0 : i32
    return %arg0, %arg1 : i32, i32
  }
}

</mosaic_0001>

<sc_bundles>
// kernel: kernel.10.cloned.1.call-start
scs
__scs_entry_jumppad:
0x0: {  	(pc) =	sbr.rel $0x88, $3  }
0x1: {  	(tag) =	ssettag $0x0;
	lr =	simm.s32 $0x1  }
0x2: {  	[smem:$0x3F99] =	sst lr;
	_ =	strace $0xD0000000  }
0x3: {  	_ = 	snop  }
0x4: {  	_ = 	snop  }
0x5: {  	_ = 	snop  }
0x6: {  	_ = 	snop  }
0x7: {  	_ = 	snop  }
__scs_overlays_trampoline_lowered:
0x8: {  	[smem:$0x3FA8] =	sst s0  }
0x9: {  	[smem:$0x3FA9] =	sst s1  }
0xa: {  	[smem:$0x3FAA] =	sst s2  }
0xb: {  	[smem:$0x3FAB] =	sst s3  }
0xc: {  	[smem:$0x3FAC] =	sst s4  }
0xd: {  	[smem:$0x3FAD] =	sst s5  }
0xe: {  	[smem:$0x3FAE] =	sst s6  }
0xf: {  	[smem:$0x3FAF] =	sst s7  }
0x10: {  	[smem:$0x3FB0] =	sst s8  }
0x11: {  	[smem:$0x3FB1] =	sst s9;
	s0 =	simm.s32 @!p0 $0x0  }
0x12: {  	s1 =	sld [smem:$0x3F97];
	s0 =	simm.s32 @p0 $0x1  }
0x13: {  	[smem:$0x3FB2] =	sst s0;
	s0 =	simm.s32 @!p1 $0x0  }
0x14: {  	s2 =	sld [smem:$0x3F96];
	s0 =	simm.s32 @p1 $0x1  }
0x15: {  	[smem:$0x3FB3] =	sst s0;
	s0 =	simm.s32 @!p2 $0x0  }
0x16: {  	s3 =	sld [smem:$0x3FDB];
	s0 =	simm.s32 @p2 $0x1  }
0x17: {  	s4 =	simm.s32 $0x1BF5;
	[smem:$0x3FB5] =	sst s0  }
0x18: {  	s0 =	sld [smem:$0x3F98];
	_ =	swait.ge [sflag:s4], $0x0  }
0x19: {  	s7 =	sld [smem:$0x3F99]  }
0x1a: {  	s8 =	sadd.s32 $0xFFFFE003, lr  }
0x1b: {  	s9 =	sadd.s32 $0xFFFFFEF7, lr;
	s5 =	simm.s32 $0xFFFFFFFF;
	p2 =	slt.u32 s8, $0xFFFFF086  }
0x1c: {  	p1 =	slt.u32 s9, $0xF7A;
	s5 =	simm.s32 @!p2 $0x0  }
0x1d: {  	s5 =	simm.s32 @p1 $0x1;
	p0 =	seq.s32 s7, s2  }
0x1e: {  	s7 =	smul.u32 @!p0 $0xF7A, s2;
	p2 =	seq.s32 @!p0 s5, $0x0  }
0x1f: {  	s9 =	smul.u32 $0xF7A, s1;
	s8 =	simm.s32 @!p0 $0x1BF5;
	p2 =	por !p2, p0  }
0x20: {  	[sflag:s8] =	ssyncset.s32 @!p0 $0xFFFFF086;
	s6 =	sadd.s32 @!p0 s3, s7;
	s7 =	simm.s32 @!p0 $0x108  }
0x21: {  	s3 =	sadd.s32 s3, s9;
	s6 =	sadd.s32 @!p0 $0x88, s6;
	s7 =	simm.s32 @p2 $0x1082  }
0x22: {  	[simem:s7], [sflag:s8] =	dma.local @!p0 [hbm:s6], $0xF7A  }
0x23: {  	s9 =	sor.u32 $0xD0000000, s2;
	s6 =	simm.s32 $0x108;
	_ =	swait.ge @!p0 [sflag:s8], $0x0  }
0x24: {  	s3 =	sadd.s32 $0x88, s3;
	s6 =	simm.s32 @!p1 $0x1082;
	[sflag:s4] =	ssyncset.s32 $0xFFFFF086  }
0x25: {  	[simem:s6], [sflag:s4] =	dma.local [hbm:s3], $0xF7A  }
0x26: {  	[smem:$0x3F99] =	sst s1;
	(tag) =	ssettag s2;
	_ =	strace s9  }
0x27: {  	s1 =	sld [smem:$0x3FA9]  }
0x28: {  	s2 =	sld [smem:$0x3FAA]  }
0x29: {  	s4 =	sld [smem:$0x3FAC]  }
0x2a: {  	p0 =	seq.s32 s5, $0x0;
	s5 =	sld [smem:$0x3FAD]  }
0x2b: {  	s6 =	sld [smem:$0x3FAE]  }
0x2c: {  	s7 =	sld [smem:$0x3FAF]  }
0x2d: {  	s3 =	simm.s32 $0x108;
	s8 =	sld [smem:$0x3FB0]  }
0x2e: {  	s3 =	simm.s32 @!p0 $0x1082;
	s9 =	sld [smem:$0x3FB1]  }
0x2f: {  	lr =	sadd.s32 s0, s3;
	s0 =	sld [smem:$0x3FA8]  }
0x30: {  	s3 =	sld [smem:$0x3FAB]  }
0x31: {  	[smem:$0x3FB4] =	sst s10  }
0x32: {  	s10 =	sld [smem:$0x3FB2];
	_ =	sdelay $0x3  }
0x33: {  	p0 =	seq.s32 s10, $0x1;
	s10 =	sld [smem:$0x3FB4];
	_ =	sdelay $0x3  }
0x34: {  	[smem:$0x3FB4] =	sst s10  }
0x35: {  	s10 =	sld [smem:$0x3FB3];
	_ =	sdelay $0x3  }
0x36: {  	p1 =	seq.s32 s10, $0x1;
	s10 =	sld [smem:$0x3FB4];
	_ =	sdelay $0x3  }
0x37: {  	[smem:$0x3FB4] =	sst s10  }
0x38: {  	s10 =	sld [smem:$0x3FB5]  }
0x39: {  	_ = 	snop;
	(pc) =	sbr.ind lr, $3  }
0x3a: {  	_ = 	snop  }
0x3b: {  	_ = 	snop  }
0x3c: {  	p2 =	seq.s32 s10, $0x1;
	s10 =	sld [smem:$0x3FB4]  }
0x3d: {  	_ =	shalt  }
0x3e: {  	_ =	shalt  }
0x3f: {  	_ =	shalt  }
0x40: {  	_ =	shalt  }
0x41: {  	_ =	shalt  }
0x42: {  	_ =	shalt  }
0x43: {  	_ =	shalt  }
0x44: {  	_ =	shalt  }
0x45: {  	_ =	shalt  }
0x46: {  	_ =	shalt  }
0x47: {  	_ =	shalt  }
0x48: {  	_ =	shalt  }
0x49: {  	_ =	shalt  }
0x4a: {  	_ =	shalt  }
0x4b: {  	_ =	shalt  }
0x4c: {  	_ =	shalt  }
0x4d: {  	_ =	shalt  }
0x4e: {  	_ =	shalt  }
0x4f: {  	_ =	shalt  }
0x50: {  	_ =	shalt  }
0x51: {  	_ =	shalt  }
0x52: {  	_ =	shalt  }
0x53: {  	_ =	shalt  }
0x54: {  	_ =	shalt  }
0x55: {  	_ =	shalt  }
0x56: {  	_ =	shalt  }
0x57: {  	_ =	shalt  }
0x58: {  	_ =	shalt  }
0x59: {  	_ =	shalt  }
0x5a: {  	_ =	shalt  }
0x5b: {  	_ =	shalt  }
0x5c: {  	_ =	shalt  }
0x5d: {  	_ =	shalt  }
0x5e: {  	_ =	shalt  }
0x5f: {  	_ =	shalt  }
0x60: {  	_ =	shalt  }
0x61: {  	_ =	shalt  }
0x62: {  	_ =	shalt  }
0x63: {  	_ =	shalt  }
0x64: {  	_ =	shalt  }
0x65: {  	_ =	shalt  }
0x66: {  	_ =	shalt  }
0x67: {  	_ =	shalt  }
0x68: {  	_ =	shalt  }
0x69: {  	_ =	shalt  }
0x6a: {  	_ =	shalt  }
0x6b: {  	_ =	shalt  }
0x6c: {  	_ =	shalt  }
0x6d: {  	_ =	shalt  }
0x6e: {  	_ =	shalt  }
0x6f: {  	_ =	shalt  }
0x70: {  	_ =	shalt  }
0x71: {  	_ =	shalt  }
0x72: {  	_ =	shalt  }
0x73: {  	_ =	shalt  }
0x74: {  	_ =	shalt  }
0x75: {  	_ =	shalt  }
0x76: {  	_ =	shalt  }
0x77: {  	_ =	shalt  }
0x78: {  	_ =	shalt  }
0x79: {  	_ =	shalt  }
0x7a: {  	_ =	shalt  }
0x7b: {  	_ =	shalt  }
0x7c: {  	_ =	shalt  }
0x7d: {  	_ =	shalt  }
0x7e: {  	_ =	shalt  }
0x7f: {  	_ =	shalt  }
0x80: {  	_ =	shalt  }
0x81: {  	_ =	shalt  }
0x82: {  	_ =	shalt  }
0x83: {  	_ =	shalt  }
0x84: {  	_ =	shalt  }
0x85: {  	_ =	shalt  }
0x86: {  	_ =	shalt  }
0x87: {  	_ =	shalt  }
.Lfunc_end0:
.L_simem_size_0:
called_computation_lowered:
.L_overlay_start_0:
0x88: {  	s2 =	sld [smem:$0x3FD9]  }
0x89: {  	s3 =	sld [smem:$0x3FFE];
	_ =	sdelay $0x1  }
0x8a: {  	s1 =	srdreg.scid  }
0x8b: {  	s0 =	sand.u32 $0x1, s1  }
0x8c: {  	s14 =	sshll.u32 s0, $0xA;
	s2 =	sadd.s32 s3, s2  }
0x8d: {  	s2 =	sadd.s32 s2, s14  }
0x8e: {  	[smem:$0x3FC0] =	sst s2  }
0x8f: {  	_ = 	snop  }
0x90: {  	s2 =	sld [smem:$0x3FD0];
	_ =	sdelay $0x2  }
0x91: {  	s15 =	simm.s32 $0xA;
	s4 =	simm.s32 $0x10  }
0x92: {  	[smem:s4], [sflag:s15] =	dma.local [hbm:s2], $0x1  }
0x93: {  	_ =	swait.eq [sflag:s15], $0x1  }
0x94: {  	[sflag:s15] =	ssyncset.done $0x0  }
0x95: {  	[sflag:s15] =	ssyncadd.s32 $0xFFFFFFFF  }
0x96: {  	s16 =	sld [smem:$0x11];
	(tm) =	ssettm $0x1  }
0x97: {  	s17 =	sld [smem:$0x3FFB];
	_ =	sdelay $0x3  }
0x98: {  	_ =	strace s17  }
0x99: {  	s3 =	sld [smem:$0x3FFC];
	_ =	sdelay $0x3  }
0x9a: {  	_ =	strace s3  }
0x9b: {  	s3 =	sld [smem:$0x3FFD];
	_ =	sdelay $0x3  }
0x9c: {  	_ =	strace s3  }
0x9d: {  	_ =	strace $0x8FFFFFFF  }
0x9e: {  	s18 =	sld [smem:$0x3FDB];
	_ =	sdelay $0x1  }
0x9f: {  	s19 =	simm.s32 $_scs_section_size  }
0xa0: {  	s5 =	simm.s32 $_size__tile_overlayer_lowered;
	s6 =	simm.s32 $_tile_overlayer_lowered  }
0xa1: {  	s22 =	simm.s32 $0x1BFF;
	s21 =	sshll.u32 s6, $0x1;
	s3 =	sadd.s32 s19, s18  }
0xa2: {  	s7 =	simm.s32 $0x0;
	s20 =	sshll.u32 s5, $0x1;
	s5 =	sadd.s32 s21, s3  }
0xa3: {  	[timem:s7], [sflag:s22] =	dma.local [hbm:s5], s20  }
0xa4: {  	_ =	swait.ge [sflag:s22], s20  }
0xa5: {  	s4 =	ssub.s32 $0x0, s20;
	[sflag:s22] =	ssyncset.done $0x0  }
0xa6: {  	[sflag:s22] =	ssyncadd.s32 s4;
	_ =	sdelay $0x1  }
0xa7: {  	s23 =	simm.s32 $0x1B8B  }
0xa8: {  	_ =	swait.ge [sflag:s23], $0x1  }
0xa9: {  	[sflag:s23] =	ssyncset.done $0x0  }
0xaa: {  	s25 =	simm.s32 $0x1B8E;
	s24 =	sld [smem:$0x3FFE];
	[sflag:s23] =	ssyncadd.s32 $0xFFFFFFFF  }
0xab: {  	s26 =	simm.s32 $execute0_lowered;
	[smem:$0x3FD2] =	sst s25  }
0xac: {  	s5 =	sshll.u32 s26, $0x1;
	_ =	strace $0x80000046;
	[dreg:$0x1] =	wrdreg $0xFFFFFFFF  }
0xad: {  	s28 =	simm.s32 $_size_execute0_lowered;
	s3 =	sadd.s32 s3, s5;
	[dreg:$0x0] =	wrdreg $0x0  }
0xae: {  	s5 =	sshll.u32 s28, $0x1;
	[dreg:$0x2] =	wrdreg s3  }
0xaf: {  	[dreg:$0x3] =	wrdreg s5  }
0xb0: {  	[dreg:$0x4] =	wrdreg $0xC0  }
0xb1: {  	_ =	task [dreg:s7], $0x5FFFF  }
0xb2: {  	[dreg:$0x1] =	wrdreg $0xFFFFFFFF  }
0xb3: {  	[dreg:$0x0] =	wrdreg $0x60  }
0xb4: {  	[dreg:$0x2] =	wrdreg s16  }
0xb5: {  	[dreg:$0x3] =	wrdreg s24  }
0xb6: {  	[dreg:$0x4] =	wrdreg $0x9  }
0xb7: {  	_ =	task.clear_ibuf [dreg:s7], $0x5FFFF;
	_ =	strace $0x90000046  }
0xb8: {  	s29 =	simm.s32 $0x9;
	_ =	strace $0x80000048  }
0xb9: {  	_ =	swait.ge [sflag:s29], $0x1  }
0xba: {  	[sflag:s29] =	ssyncadd.s32 $0xFFFFFFFF  }
0xbb: {  	_ =	strace $0x90000048  }
0xbc: {  	_ =	sfence  }
0xbd: {  	s30 =	sld [smem:$0x0];
	_ =	sdelay $0x2  }
0xbe: {  	s31 =	sshll.u32 s1, $0xD;
	s1 =	sshrl.u32 s1, $0x2  }
0xbf: {  	s3 =	sand.u32 $0x4000, s31;
	s1 =	sadd.s32 s1, s30  }
0xc0: {  	s0 =	sor.u32 s3, s0;
	s1 =	sshll.u32 s1, $0x11  }
0xc1: {  	s0 =	sor.u32 s1, s0  }
0xc2: {  	s0 =	sadd.s32 $0x8F2B, s0  }
0xc3: {  	[sflag:s0] =	ssyncadd.remote.s32 $0x1  }
0xc4: {  	_ =	sfence.sel $0xFFFF  }
0xc5: {  	[dreg:$0x0] =	wrdreg $0xFFFFFFFF;
	(pc) =	sbr.abs _section_cstart, $3  }
0xc6: {  	[dreg:$0x1] =	wrdreg $0xFFFFFFFF  }
0xc7: {  	_ =	task.clear_ibuf [dreg:s7], $0x2FFFF;
	_ =	strace $0x9FFFFFFF  }
0xc8: {  	(tm) =	ssettm $0x7FFFFFFF  }
0xc9: {  	_ =	shalt  }
tec
execute0_lowered:
.L_overlay_start_1:
0x0: {  	(tag) =	ssettag $0x1  }
0x1: {  	s0 =	rddreg [dreg:$0x0]  }
0x2: {  	s1 =	rddreg [dreg:$0x1]  }
0x3: {  	s3 =	srdreg.scid;
	s19 =	stileid.u32;
	s2 =	simm.s32 $0x0  }
0x4: {  	s28 =	simm.s32 $0x80;
	s29 =	simm.s32 $0x2000;
	s30 =	simm.s32 $0x1  }
0x5: {  	s31 =	simm.s32 $0x0;
	s4 =	sand.u32 $0x1, s3;
	s18 =	sshll.u32 s19, $0x1  }
0x6: {  	[smem:$0x7FF] =	sst s2;
	s7 =	sshll.u32 s19, $0x12;
	s15 =	sadd.s32 $0x1A00, s1  }
0x7: {  	s26 =	sshll.u32 s19, $0xC;
	s5 =	sor.u32 s4, s18;
	_ =	strace $0x80000047  }
0x8: {  	s17 =	sadd.s32 s7, s1;
	s20 =	ssub.s32 $0x2, s4;
	s25 =	sshll.u32 s4, $0x11  }
0x9: {  	s4 =	sshll.u32 s4, $0xB;
	s3 =	sshll.u32 s5, $0x8;
	s8 =	sshrl.u32 s20, $0x1  }
0xa: {  	s12 =	sshll.u32 s5, $0xA;
	s6 =	sadd.s32 s3, s1;
	s3 =	sadd.s32 $0x303A00, s1  }
0xb: {  	s1 =	sadd.s32 $0x9A00, s1;
	s18 =	ssub.s32 s20, s8;
	s5 =	sadd.s32 s0, s12  }
0xc: {  	s21 =	sadd.s32 s15, s12;
	s23 =	sor.u32 $0x100, s12;
	s13 =	sor.u32 $0x200, s12  }
0xd: {  	s24 =	sor.u32 $0x300, s12;
	[dreg:$0x3] =	wrdreg s5;
	s5 =	sadd.s32 $0x301A00, s6  }
0xe: {  	[dreg:$0x4] =	wrdreg s21;
	s22 =	sadd.s32 s1, s12;
	s8 =	sadd.s32 s0, s23  }
0xf: {  	s9 =	sadd.s32 s15, s23;
	s10 =	sadd.s32 s1, s23;
	s11 =	sadd.s32 s0, s13  }
0x10: {  	s12 =	sadd.s32 s15, s13;
	s13 =	sadd.s32 s1, s13;
	s14 =	sadd.s32 s0, s24  }
0x11: {  	s15 =	sadd.s32 s15, s24;
	s16 =	sadd.s32 s1, s24;
	s0 =	sadd.s32 s25, s17  }
0x12: {  	s17 =	smax.u32 s18, $0x1;
	s1 =	sor.u32 s4, s26;
	s23 =	simm.s32 $0x2  }
0x13: {  	s24 =	simm.s32 $0x800;
	s25 =	simm.s32 $0x1000;
	s26 =	simm.s32 $0x1800  }
0x14: {  	[dreg:$0x5] =	wrdreg s22;
	s18 =	sadd.s32 $0x403A00, s0;
	s20 =	sadd.s32 $0x40BA00, s0  }
0x15: {  	v0 =	vlaneseq.u32;
	s6 =	sor.u32 $0x30, s1;
	s21 =	sadd.s32 $0x413A00, s0;
	s22 =	sadd.s32 $0x41BA00, s0  }
.LBB2_1:
0x16: {  	s0 =	rddreg [dreg:$0x3]  }
0x17: {  	[tilespmem:s2], [sflag:$0x2] =	stream.linear.gather [hbm4b:s0+s2], $0x800, $0x38;
	[tilespmem:$0x6000] =	vst v63  }
0x18: {  	_ =	swait.ge [sflag:s23], $0x800  }
0x19: {  	[sflag:s23] =	ssyncset.done $0x0  }
0x1a: {  	[sflag:s23] =	ssyncadd.s32 $0xFFFFF800  }
0x1b: {  	[tilespmem:s24], [sflag:$0x2] =	stream.linear.gather [hbm4b:s5+s2], $0x800, $0x38;
	[tilespmem:$0x6000] =	vst v63  }
0x1c: {  	_ =	swait.ge [sflag:s23], $0x800  }
0x1d: {  	s1 =	simm.s32 $0x20;
	s4 =	simm.s32 $0x820;
	[sflag:s23] =	ssyncset.done $0x0  }
0x1e: {  	s19 =	smov.u32 s6;
	s0 =	simm.s32 $0xFFFFFFFC;
	[sflag:s23] =	ssyncadd.s32 $0xFFFFF800  }
.LBB2_2:
0x1f: {  	v1 =	vld [tilespmem:s1+$0xFFFFFFE0];
	_ =	sdelay $0x5  }
0x20: {  	s7 =	sadd.s32 $0xFFFFFFD0, s19  }
0x21: {  	v2 =	vor.u32 s7, v0  }
0x22: {  	[tilespmem:v1+s25+$0x0] =	vst.idx.msk $0xffff, v2  }
0x23: {  	v2 =	vld [tilespmem:s4+$0xFFFFFFE0];
	_ =	sdelay $0x4  }
0x24: {  	[tilespmem:v1+s26+$0x0] =	vst.idx.msk $0xffff, v2  }
0x25: {  	v1 =	vld [tilespmem:s1+$0xFFFFFFF0];
	_ =	sdelay $0x5  }
0x26: {  	s7 =	sadd.s32 $0xFFFFFFE0, s19  }
0x27: {  	v2 =	vor.u32 s7, v0  }
0x28: {  	[tilespmem:v1+s25+$0x0] =	vst.idx.msk $0xffff, v2  }
0x29: {  	v2 =	vld [tilespmem:s4+$0xFFFFFFF0];
	_ =	sdelay $0x4  }
0x2a: {  	[tilespmem:v1+s26+$0x0] =	vst.idx.msk $0xffff, v2  }
0x2b: {  	v1 =	vld [tilespmem:s1+$0x0];
	_ =	sdelay $0x5  }
0x2c: {  	s7 =	sadd.s32 $0xFFFFFFF0, s19  }
0x2d: {  	v2 =	vor.u32 s7, v0  }
0x2e: {  	[tilespmem:v1+s25+$0x0] =	vst.idx.msk $0xffff, v2  }
0x2f: {  	v2 =	vld [tilespmem:s4+$0x0];
	_ =	sdelay $0x4  }
0x30: {  	[tilespmem:v1+s26+$0x0] =	vst.idx.msk $0xffff, v2  }
0x31: {  	v1 =	vld [tilespmem:s1+$0x10];
	_ =	sdelay $0x6  }
0x32: {  	v2 =	vor.u32 s19, v0  }
0x33: {  	s0 =	sadd.s32 $0x4, s0;
	[tilespmem:v1+s25+$0x0] =	vst.idx.msk $0xffff, v2  }
0x34: {  	p0 =	slt.u32 s0, $0x7C;
	v2 =	vld [tilespmem:s4+$0x10]  }
.Ltmp0:
0x35: {  	_ = 	snop;
	(pc) =	sbr.rel @p0 .LBB2_2-.Ltmp0, $2  }
0x36: {  	_ =	sdelay $0x2  }
0x37: {  	s19 =	sadd.s32 $0x40, s19;
	s1 =	sadd.s32 $0x40, s1;
	s4 =	sadd.s32 $0x40, s4;
	[tilespmem:v1+s26+$0x0] =	vst.idx.msk $0xffff, v2  }
0x38: {  	s0 =	simm.s32 $0x0;
	s1 =	rddreg [dreg:$0x4]  }
0x39: {  	[hbm4b:s1+s0] =	stream.linear.scatter [tilespmem:s25], [sflag:$0x2], $0x800, $0x38;
	[tilespmem:$0x6000] =	vst v63  }
0x3a: {  	_ =	swait.ge [sflag:s23], $0x800  }
0x3b: {  	[sflag:s23] =	ssyncset.done $0x0  }
0x3c: {  	s7 =	rddreg [dreg:$0x5];
	[sflag:s23] =	ssyncadd.s32 $0xFFFFF800  }
0x3d: {  	[hbm4b:s7+s0] =	stream.linear.scatter [tilespmem:s26], [sflag:$0x2], $0x800, $0x38;
	[tilespmem:$0x6000] =	vst v63  }
0x3e: {  	_ =	swait.ge [sflag:s23], $0x800  }
0x3f: {  	[sflag:s23] =	ssyncset.done $0x0  }
0x40: {  	s19 =	simm.s32 $0x1000;
	[sflag:s23] =	ssyncadd.s32 $0xFFFFF800  }
0x41: {  	[tilespmem:s29], [sflag:$0x1] =	stream.indirect.gather [hbm4b:s3+s28], $0x80, s19, s28, $0xb8;
	[tilespmem:$0x6000] =	vst v63  }
0x42: {  	_ =	swait.ge [sflag:s30], $0x4000  }
0x43: {  	[sflag:s30] =	ssyncset.done $0x0  }
0x44: {  	[sflag:s30] =	ssyncadd.s32 $0xFFFFC000  }
0x45: {  	[hbm4b:s18+s2] =	stream.linear.scatter [tilespmem:s29], [sflag:$0x2], $0x4000, $0x38;
	[tilespmem:$0x6000] =	vst v63  }
0x46: {  	s4 =	simm.s32 $0x80;
	_ =	swait.ge [sflag:s23], $0x4000  }
0x47: {  	s1 =	simm.s32 $0x400;
	s0 =	sadd.s32 $0x800, s18;
	[sflag:s23] =	ssyncset.done $0x0  }
.LBB2_4:
0x48: {  	s4 =	sadd.s32 $0x1000, s4  }
0x49: {  	[sflag:s23] =	ssyncadd.s32 $0xFFFFC000;
	s7 =	smov.u32 s1;
	s19 =	sadd.s32 $0x200, s1  }
0x4a: {  	[tilespmem:s29], [sflag:$0x1] =	stream.indirect.gather [hbm4b:s3+s28], $0x80, s4, s28, $0xb8;
	[tilespmem:$0x6000] =	vst v63  }
0x4b: {  	p0 =	sne.s32 s1, $0x1E00;
	_ =	swait.ge [sflag:s30], $0x4000  }
.Ltmp1:
0x4c: {  	[sflag:s30] =	ssyncset.done $0x0;
	(pc) =	sbr.rel @p0 .LBB2_4-.Ltmp1, $4  }
0x4d: {  	[sflag:s30] =	ssyncadd.s32 $0xFFFFC000  }
0x4e: {  	[hbm4b:s0+s2] =	stream.linear.scatter [tilespmem:s29], [sflag:$0x2], $0x4000, $0x38;
	[tilespmem:$0x6000] =	vst v63  }
0x4f: {  	s4 =	sshra.s32 s7, $0x2;
	_ =	swait.ge [sflag:s23], $0x4000  }
0x50: {  	s1 =	smov.u32 s19;
	s0 =	sadd.s32 $0x800, s0;
	[sflag:s23] =	ssyncset.done $0x0  }
0x51: {  	s1 =	sadd.s32 $0x1000, s4;
	[sflag:s23] =	ssyncadd.s32 $0xFFFFC000  }
0x52: {  	[tilespmem:s29], [sflag:$0x1] =	stream.indirect.gather [hbm4b:s3+s28], $0x80, s1, s28, $0xb8;
	[tilespmem:$0x6000] =	vst v63  }
0x53: {  	_ =	swait.ge [sflag:s30], $0x4000  }
0x54: {  	[sflag:s30] =	ssyncset.done $0x0  }
0x55: {  	[sflag:s30] =	ssyncadd.s32 $0xFFFFC000  }
0x56: {  	[hbm4b:s0+s2] =	stream.linear.scatter [tilespmem:s29], [sflag:$0x2], $0x4000, $0x38;
	[tilespmem:$0x6000] =	vst v63  }
0x57: {  	_ =	swait.ge [sflag:s23], $0x4000  }
0x58: {  	[sflag:s23] =	ssyncset.done $0x0  }
0x59: {  	[sflag:s23] =	ssyncadd.s32 $0xFFFFC000  }
0x5a: {  	[tilespmem:s2], [sflag:$0x2] =	stream.linear.gather [hbm4b:s8+s2], $0x800, $0x38;
	[tilespmem:$0x6000] =	vst v63  }
0x5b: {  	_ =	swait.ge [sflag:s23], $0x800  }
0x5c: {  	[sflag:s23] =	ssyncset.done $0x0  }
0x5d: {  	[sflag:s23] =	ssyncadd.s32 $0xFFFFF800  }
0x5e: {  	[tilespmem:s24], [sflag:$0x2] =	stream.linear.gather [hbm4b:s5+s2], $0x800, $0x38;
	[tilespmem:$0x6000] =	vst v63  }
0x5f: {  	_ =	swait.ge [sflag:s23], $0x800  }
0x60: {  	s4 =	simm.s32 $0x820;
	s19 =	smov.u32 s6;
	[sflag:s23] =	ssyncset.done $0x0  }
0x61: {  	s1 =	simm.s32 $0x20;
	s0 =	simm.s32 $0xFFFFFFFC;
	[sflag:s23] =	ssyncadd.s32 $0xFFFFF800  }
.LBB2_6:
0x62: {  	v1 =	vld [tilespmem:s1+$0xFFFFFFE0];
	_ =	sdelay $0x5  }
0x63: {  	s7 =	sadd.s32 $0xFFFFFFD0, s19  }
0x64: {  	v2 =	vor.u32 s7, v0  }
0x65: {  	[tilespmem:v1+s25+$0x0] =	vst.idx.msk $0xffff, v2  }
0x66: {  	v2 =	vld [tilespmem:s4+$0xFFFFFFE0];
	_ =	sdelay $0x4  }
0x67: {  	[tilespmem:v1+s26+$0x0] =	vst.idx.msk $0xffff, v2  }
0x68: {  	v1 =	vld [tilespmem:s1+$0xFFFFFFF0];
	_ =	sdelay $0x5  }
0x69: {  	s7 =	sadd.s32 $0xFFFFFFE0, s19  }
0x6a: {  	v2 =	vor.u32 s7, v0  }
0x6b: {  	[tilespmem:v1+s25+$0x0] =	vst.idx.msk $0xffff, v2  }
0x6c: {  	v2 =	vld [tilespmem:s4+$0xFFFFFFF0];
	_ =	sdelay $0x4  }
0x6d: {  	[tilespmem:v1+s26+$0x0] =	vst.idx.msk $0xffff, v2  }
0x6e: {  	v1 =	vld [tilespmem:s1+$0x0];
	_ =	sdelay $0x5  }
0x6f: {  	s7 =	sadd.s32 $0xFFFFFFF0, s19  }
0x70: {  	v2 =	vor.u32 s7, v0  }
0x71: {  	[tilespmem:v1+s25+$0x0] =	vst.idx.msk $0xffff, v2  }
0x72: {  	v2 =	vld [tilespmem:s4+$0x0];
	_ =	sdelay $0x4  }
0x73: {  	[tilespmem:v1+s26+$0x0] =	vst.idx.msk $0xffff, v2  }
0x74: {  	v1 =	vld [tilespmem:s1+$0x10];
	_ =	sdelay $0x6  }
0x75: {  	v2 =	vor.u32 s19, v0  }
0x76: {  	s0 =	sadd.s32 $0x4, s0;
	[tilespmem:v1+s25+$0x0] =	vst.idx.msk $0xffff, v2  }
0x77: {  	p0 =	slt.u32 s0, $0x7C;
	v2 =	vld [tilespmem:s4+$0x10]  }
.Ltmp2:
0x78: {  	_ = 	snop;
	(pc) =	sbr.rel @p0 .LBB2_6-.Ltmp2, $2  }
0x79: {  	_ =	sdelay $0x2  }
0x7a: {  	s19 =	sadd.s32 $0x40, s19;
	s1 =	sadd.s32 $0x40, s1;
	s4 =	sadd.s32 $0x40, s4;
	[tilespmem:v1+s26+$0x0] =	vst.idx.msk $0xffff, v2  }
0x7b: {  	s0 =	simm.s32 $0x0  }
0x7c: {  	[hbm4b:s9+s0] =	stream.linear.scatter [tilespmem:s25], [sflag:$0x2], $0x800, $0x38;
	[tilespmem:$0x6000] =	vst v63  }
0x7d: {  	_ =	swait.ge [sflag:s23], $0x800  }
0x7e: {  	[sflag:s23] =	ssyncset.done $0x0  }
0x7f: {  	[sflag:s23] =	ssyncadd.s32 $0xFFFFF800  }
0x80: {  	[hbm4b:s10+s0] =	stream.linear.scatter [tilespmem:s26], [sflag:$0x2], $0x800, $0x38;
	[tilespmem:$0x6000] =	vst v63  }
0x81: {  	_ =	swait.ge [sflag:s23], $0x800  }
0x82: {  	[sflag:s23] =	ssyncset.done $0x0  }
0x83: {  	s19 =	simm.s32 $0x1000;
	[sflag:s23] =	ssyncadd.s32 $0xFFFFF800  }
0x84: {  	[tilespmem:s29], [sflag:$0x1] =	stream.indirect.gather [hbm4b:s3+s28], $0x80, s19, s28, $0xb8;
	[tilespmem:$0x6000] =	vst v63  }
0x85: {  	_ =	swait.ge [sflag:s30], $0x4000  }
0x86: {  	[sflag:s30] =	ssyncset.done $0x0  }
0x87: {  	[sflag:s30] =	ssyncadd.s32 $0xFFFFC000  }
0x88: {  	[hbm4b:s20+s2] =	stream.linear.scatter [tilespmem:s29], [sflag:$0x2], $0x4000, $0x38;
	[tilespmem:$0x6000] =	vst v63  }
0x89: {  	s1 =	simm.s32 $0x400;
	_ =	swait.ge [sflag:s23], $0x4000  }
0x8a: {  	s4 =	simm.s32 $0x80;
	s0 =	sadd.s32 $0x800, s20;
	[sflag:s23] =	ssyncset.done $0x0  }
.LBB2_8:
0x8b: {  	s4 =	sadd.s32 $0x1000, s4  }
0x8c: {  	[sflag:s23] =	ssyncadd.s32 $0xFFFFC000;
	s7 =	smov.u32 s1;
	s19 =	sadd.s32 $0x200, s1  }
0x8d: {  	[tilespmem:s29], [sflag:$0x1] =	stream.indirect.gather [hbm4b:s3+s28], $0x80, s4, s28, $0xb8;
	[tilespmem:$0x6000] =	vst v63  }
0x8e: {  	p0 =	sne.s32 s1, $0x1E00;
	_ =	swait.ge [sflag:s30], $0x4000  }
.Ltmp3:
0x8f: {  	[sflag:s30] =	ssyncset.done $0x0;
	(pc) =	sbr.rel @p0 .LBB2_8-.Ltmp3, $4  }
0x90: {  	[sflag:s30] =	ssyncadd.s32 $0xFFFFC000  }
0x91: {  	[hbm4b:s0+s2] =	stream.linear.scatter [tilespmem:s29], [sflag:$0x2], $0x4000, $0x38;
	[tilespmem:$0x6000] =	vst v63  }
0x92: {  	s4 =	sshra.s32 s7, $0x2;
	_ =	swait.ge [sflag:s23], $0x4000  }
0x93: {  	s1 =	smov.u32 s19;
	s0 =	sadd.s32 $0x800, s0;
	[sflag:s23] =	ssyncset.done $0x0  }
0x94: {  	s1 =	sadd.s32 $0x1000, s4;
	[sflag:s23] =	ssyncadd.s32 $0xFFFFC000  }
0x95: {  	[tilespmem:s29], [sflag:$0x1] =	stream.indirect.gather [hbm4b:s3+s28], $0x80, s1, s28, $0xb8;
	[tilespmem:$0x6000] =	vst v63  }
0x96: {  	_ =	swait.ge [sflag:s30], $0x4000  }
0x97: {  	[sflag:s30] =	ssyncset.done $0x0  }
0x98: {  	[sflag:s30] =	ssyncadd.s32 $0xFFFFC000  }
0x99: {  	[hbm4b:s0+s2] =	stream.linear.scatter [tilespmem:s29], [sflag:$0x2], $0x4000, $0x38;
	[tilespmem:$0x6000] =	vst v63  }
0x9a: {  	_ =	swait.ge [sflag:s23], $0x4000  }
0x9b: {  	[sflag:s23] =	ssyncset.done $0x0  }
0x9c: {  	[sflag:s23] =	ssyncadd.s32 $0xFFFFC000  }
0x9d: {  	[tilespmem:s2], [sflag:$0x2] =	stream.linear.gather [hbm4b:s11+s2], $0x800, $0x38;
	[tilespmem:$0x6000] =	vst v63  }
0x9e: {  	_ =	swait.ge [sflag:s23], $0x800  }
0x9f: {  	[sflag:s23] =	ssyncset.done $0x0  }
0xa0: {  	[sflag:s23] =	ssyncadd.s32 $0xFFFFF800  }
0xa1: {  	[tilespmem:s24], [sflag:$0x2] =	stream.linear.gather [hbm4b:s5+s2], $0x800, $0x38;
	[tilespmem:$0x6000] =	vst v63  }
0xa2: {  	_ =	swait.ge [sflag:s23], $0x800  }
0xa3: {  	s4 =	simm.s32 $0x820;
	s19 =	smov.u32 s6;
	[sflag:s23] =	ssyncset.done $0x0  }
0xa4: {  	s1 =	simm.s32 $0x20;
	s0 =	simm.s32 $0xFFFFFFFC;
	[sflag:s23] =	ssyncadd.s32 $0xFFFFF800  }
.LBB2_10:
0xa5: {  	v1 =	vld [tilespmem:s1+$0xFFFFFFE0];
	_ =	sdelay $0x5  }
0xa6: {  	s7 =	sadd.s32 $0xFFFFFFD0, s19  }
0xa7: {  	v2 =	vor.u32 s7, v0  }
0xa8: {  	[tilespmem:v1+s25+$0x0] =	vst.idx.msk $0xffff, v2  }
0xa9: {  	v2 =	vld [tilespmem:s4+$0xFFFFFFE0];
	_ =	sdelay $0x4  }
0xaa: {  	[tilespmem:v1+s26+$0x0] =	vst.idx.msk $0xffff, v2  }
0xab: {  	v1 =	vld [tilespmem:s1+$0xFFFFFFF0];
	_ =	sdelay $0x5  }
0xac: {  	s7 =	sadd.s32 $0xFFFFFFE0, s19  }
0xad: {  	v2 =	vor.u32 s7, v0  }
0xae: {  	[tilespmem:v1+s25+$0x0] =	vst.idx.msk $0xffff, v2  }
0xaf: {  	v2 =	vld [tilespmem:s4+$0xFFFFFFF0];
	_ =	sdelay $0x4  }
0xb0: {  	[tilespmem:v1+s26+$0x0] =	vst.idx.msk $0xffff, v2  }
0xb1: {  	v1 =	vld [tilespmem:s1+$0x0];
	_ =	sdelay $0x5  }
0xb2: {  	s7 =	sadd.s32 $0xFFFFFFF0, s19  }
0xb3: {  	v2 =	vor.u32 s7, v0  }
0xb4: {  	[tilespmem:v1+s25+$0x0] =	vst.idx.msk $0xffff, v2  }
0xb5: {  	v2 =	vld [tilespmem:s4+$0x0];
	_ =	sdelay $0x4  }
0xb6: {  	[tilespmem:v1+s26+$0x0] =	vst.idx.msk $0xffff, v2  }
0xb7: {  	v1 =	vld [tilespmem:s1+$0x10];
	_ =	sdelay $0x6  }
0xb8: {  	v2 =	vor.u32 s19, v0  }
0xb9: {  	s0 =	sadd.s32 $0x4, s0;
	[tilespmem:v1+s25+$0x0] =	vst.idx.msk $0xffff, v2  }
0xba: {  	p0 =	slt.u32 s0, $0x7C;
	v2 =	vld [tilespmem:s4+$0x10]  }
.Ltmp4:
0xbb: {  	_ = 	snop;
	(pc) =	sbr.rel @p0 .LBB2_10-.Ltmp4, $2  }
0xbc: {  	_ =	sdelay $0x2  }
0xbd: {  	s19 =	sadd.s32 $0x40, s19;
	s1 =	sadd.s32 $0x40, s1;
	s4 =	sadd.s32 $0x40, s4;
	[tilespmem:v1+s26+$0x0] =	vst.idx.msk $0xffff, v2  }
0xbe: {  	s0 =	simm.s32 $0x0  }
0xbf: {  	[hbm4b:s12+s0] =	stream.linear.scatter [tilespmem:s25], [sflag:$0x2], $0x800, $0x38;
	[tilespmem:$0x6000] =	vst v63  }
0xc0: {  	_ =	swait.ge [sflag:s23], $0x800  }
0xc1: {  	[sflag:s23] =	ssyncset.done $0x0  }
0xc2: {  	[sflag:s23] =	ssyncadd.s32 $0xFFFFF800  }
0xc3: {  	[hbm4b:s13+s0] =	stream.linear.scatter [tilespmem:s26], [sflag:$0x2], $0x800, $0x38;
	[tilespmem:$0x6000] =	vst v63  }
0xc4: {  	_ =	swait.ge [sflag:s23], $0x800  }
0xc5: {  	[sflag:s23] =	ssyncset.done $0x0  }
0xc6: {  	s19 =	simm.s32 $0x1000;
	[sflag:s23] =	ssyncadd.s32 $0xFFFFF800  }
0xc7: {  	[tilespmem:s29], [sflag:$0x1] =	stream.indirect.gather [hbm4b:s3+s28], $0x80, s19, s28, $0xb8;
	[tilespmem:$0x6000] =	vst v63  }
0xc8: {  	_ =	swait.ge [sflag:s30], $0x4000  }
0xc9: {  	[sflag:s30] =	ssyncset.done $0x0  }
0xca: {  	[sflag:s30] =	ssyncadd.s32 $0xFFFFC000  }
0xcb: {  	[hbm4b:s21+s2] =	stream.linear.scatter [tilespmem:s29], [sflag:$0x2], $0x4000, $0x38;
	[tilespmem:$0x6000] =	vst v63  }
0xcc: {  	s1 =	simm.s32 $0x400;
	_ =	swait.ge [sflag:s23], $0x4000  }
0xcd: {  	s4 =	simm.s32 $0x80;
	s0 =	sadd.s32 $0x800, s21;
	[sflag:s23] =	ssyncset.done $0x0  }
.LBB2_12:
0xce: {  	s4 =	sadd.s32 $0x1000, s4  }
0xcf: {  	[sflag:s23] =	ssyncadd.s32 $0xFFFFC000;
	s7 =	smov.u32 s1;
	s19 =	sadd.s32 $0x200, s1  }
0xd0: {  	[tilespmem:s29], [sflag:$0x1] =	stream.indirect.gather [hbm4b:s3+s28], $0x80, s4, s28, $0xb8;
	[tilespmem:$0x6000] =	vst v63  }
0xd1: {  	p0 =	sne.s32 s1, $0x1E00;
	_ =	swait.ge [sflag:s30], $0x4000  }
.Ltmp5:
0xd2: {  	[sflag:s30] =	ssyncset.done $0x0;
	(pc) =	sbr.rel @p0 .LBB2_12-.Ltmp5, $4  }
0xd3: {  	[sflag:s30] =	ssyncadd.s32 $0xFFFFC000  }
0xd4: {  	[hbm4b:s0+s2] =	stream.linear.scatter [tilespmem:s29], [sflag:$0x2], $0x4000, $0x38;
	[tilespmem:$0x6000] =	vst v63  }
0xd5: {  	s4 =	sshra.s32 s7, $0x2;
	_ =	swait.ge [sflag:s23], $0x4000  }
0xd6: {  	s1 =	smov.u32 s19;
	s0 =	sadd.s32 $0x800, s0;
	[sflag:s23] =	ssyncset.done $0x0  }
0xd7: {  	s1 =	sadd.s32 $0x1000, s4;
	[sflag:s23] =	ssyncadd.s32 $0xFFFFC000  }
0xd8: {  	[tilespmem:s29], [sflag:$0x1] =	stream.indirect.gather [hbm4b:s3+s28], $0x80, s1, s28, $0xb8;
	[tilespmem:$0x6000] =	vst v63  }
0xd9: {  	_ =	swait.ge [sflag:s30], $0x4000  }
0xda: {  	[sflag:s30] =	ssyncset.done $0x0  }
0xdb: {  	[sflag:s30] =	ssyncadd.s32 $0xFFFFC000  }
0xdc: {  	[hbm4b:s0+s2] =	stream.linear.scatter [tilespmem:s29], [sflag:$0x2], $0x4000, $0x38;
	[tilespmem:$0x6000] =	vst v63  }
0xdd: {  	_ =	swait.ge [sflag:s23], $0x4000  }
0xde: {  	[sflag:s23] =	ssyncset.done $0x0  }
0xdf: {  	[sflag:s23] =	ssyncadd.s32 $0xFFFFC000  }
0xe0: {  	[tilespmem:s2], [sflag:$0x2] =	stream.linear.gather [hbm4b:s14+s2], $0x800, $0x38;
	[tilespmem:$0x6000] =	vst v63  }
0xe1: {  	_ =	swait.ge [sflag:s23], $0x800  }
0xe2: {  	[sflag:s23] =	ssyncset.done $0x0  }
0xe3: {  	[sflag:s23] =	ssyncadd.s32 $0xFFFFF800  }
0xe4: {  	[tilespmem:s24], [sflag:$0x2] =	stream.linear.gather [hbm4b:s5+s2], $0x800, $0x38;
	[tilespmem:$0x6000] =	vst v63  }
0xe5: {  	_ =	swait.ge [sflag:s23], $0x800  }
0xe6: {  	s4 =	simm.s32 $0x820;
	s19 =	smov.u32 s6;
	[sflag:s23] =	ssyncset.done $0x0  }
0xe7: {  	s1 =	simm.s32 $0x20;
	s0 =	simm.s32 $0xFFFFFFFC;
	[sflag:s23] =	ssyncadd.s32 $0xFFFFF800  }
.LBB2_14:
0xe8: {  	v1 =	vld [tilespmem:s1+$0xFFFFFFE0];
	_ =	sdelay $0x5  }
0xe9: {  	s7 =	sadd.s32 $0xFFFFFFD0, s19  }
0xea: {  	v2 =	vor.u32 s7, v0  }
0xeb: {  	[tilespmem:v1+s25+$0x0] =	vst.idx.msk $0xffff, v2  }
0xec: {  	v2 =	vld [tilespmem:s4+$0xFFFFFFE0];
	_ =	sdelay $0x4  }
0xed: {  	[tilespmem:v1+s26+$0x0] =	vst.idx.msk $0xffff, v2  }
0xee: {  	v1 =	vld [tilespmem:s1+$0xFFFFFFF0];
	_ =	sdelay $0x5  }
0xef: {  	s7 =	sadd.s32 $0xFFFFFFE0, s19  }
0xf0: {  	v2 =	vor.u32 s7, v0  }
0xf1: {  	[tilespmem:v1+s25+$0x0] =	vst.idx.msk $0xffff, v2  }
0xf2: {  	v2 =	vld [tilespmem:s4+$0xFFFFFFF0];
	_ =	sdelay $0x4  }
0xf3: {  	[tilespmem:v1+s26+$0x0] =	vst.idx.msk $0xffff, v2  }
0xf4: {  	v1 =	vld [tilespmem:s1+$0x0];
	_ =	sdelay $0x5  }
0xf5: {  	s7 =	sadd.s32 $0xFFFFFFF0, s19  }
0xf6: {  	v2 =	vor.u32 s7, v0  }
0xf7: {  	[tilespmem:v1+s25+$0x0] =	vst.idx.msk $0xffff, v2  }
0xf8: {  	v2 =	vld [tilespmem:s4+$0x0];
	_ =	sdelay $0x4  }
0xf9: {  	[tilespmem:v1+s26+$0x0] =	vst.idx.msk $0xffff, v2  }
0xfa: {  	v1 =	vld [tilespmem:s1+$0x10];
	_ =	sdelay $0x6  }
0xfb: {  	v2 =	vor.u32 s19, v0  }
0xfc: {  	s0 =	sadd.s32 $0x4, s0;
	[tilespmem:v1+s25+$0x0] =	vst.idx.msk $0xffff, v2  }
0xfd: {  	p0 =	slt.u32 s0, $0x7C;
	v2 =	vld [tilespmem:s4+$0x10]  }
.Ltmp6:
0xfe: {  	_ = 	snop;
	(pc) =	sbr.rel @p0 .LBB2_14-.Ltmp6, $2  }
0xff: {  	_ =	sdelay $0x2  }
0x100: {  	s19 =	sadd.s32 $0x40, s19;
	s1 =	sadd.s32 $0x40, s1;
	s4 =	sadd.s32 $0x40, s4;
	[tilespmem:v1+s26+$0x0] =	vst.idx.msk $0xffff, v2  }
0x101: {  	s0 =	simm.s32 $0x0  }
0x102: {  	[hbm4b:s15+s0] =	stream.linear.scatter [tilespmem:s25], [sflag:$0x2], $0x800, $0x38;
	[tilespmem:$0x6000] =	vst v63  }
0x103: {  	_ =	swait.ge [sflag:s23], $0x800  }
0x104: {  	[sflag:s23] =	ssyncset.done $0x0  }
0x105: {  	[sflag:s23] =	ssyncadd.s32 $0xFFFFF800  }
0x106: {  	[hbm4b:s16+s0] =	stream.linear.scatter [tilespmem:s26], [sflag:$0x2], $0x800, $0x38;
	[tilespmem:$0x6000] =	vst v63  }
0x107: {  	_ =	swait.ge [sflag:s23], $0x800  }
0x108: {  	[sflag:s23] =	ssyncset.done $0x0  }
0x109: {  	s19 =	simm.s32 $0x1000;
	[sflag:s23] =	ssyncadd.s32 $0xFFFFF800  }
0x10a: {  	[tilespmem:s29], [sflag:$0x1] =	stream.indirect.gather [hbm4b:s3+s28], $0x80, s19, s28, $0xb8;
	[tilespmem:$0x6000] =	vst v63  }
0x10b: {  	_ =	swait.ge [sflag:s30], $0x4000  }
0x10c: {  	[sflag:s30] =	ssyncset.done $0x0  }
0x10d: {  	[sflag:s30] =	ssyncadd.s32 $0xFFFFC000  }
0x10e: {  	[hbm4b:s22+s2] =	stream.linear.scatter [tilespmem:s29], [sflag:$0x2], $0x4000, $0x38;
	[tilespmem:$0x6000] =	vst v63  }
0x10f: {  	s1 =	simm.s32 $0x400;
	_ =	swait.ge [sflag:s23], $0x4000  }
0x110: {  	s4 =	simm.s32 $0x80;
	s0 =	sadd.s32 $0x800, s22;
	[sflag:s23] =	ssyncset.done $0x0  }
.LBB2_16:
0x111: {  	s4 =	sadd.s32 $0x1000, s4  }
0x112: {  	[sflag:s23] =	ssyncadd.s32 $0xFFFFC000;
	s7 =	smov.u32 s1;
	s19 =	sadd.s32 $0x200, s1  }
0x113: {  	[tilespmem:s29], [sflag:$0x1] =	stream.indirect.gather [hbm4b:s3+s28], $0x80, s4, s28, $0xb8;
	[tilespmem:$0x6000] =	vst v63  }
0x114: {  	p0 =	sne.s32 s1, $0x1E00;
	_ =	swait.ge [sflag:s30], $0x4000  }
.Ltmp7:
0x115: {  	[sflag:s30] =	ssyncset.done $0x0;
	(pc) =	sbr.rel @p0 .LBB2_16-.Ltmp7, $4  }
0x116: {  	[sflag:s30] =	ssyncadd.s32 $0xFFFFC000  }
0x117: {  	[hbm4b:s0+s2] =	stream.linear.scatter [tilespmem:s29], [sflag:$0x2], $0x4000, $0x38;
	[tilespmem:$0x6000] =	vst v63  }
0x118: {  	s4 =	sshra.s32 s7, $0x2;
	_ =	swait.ge [sflag:s23], $0x4000  }
0x119: {  	s1 =	smov.u32 s19;
	s0 =	sadd.s32 $0x800, s0;
	[sflag:s23] =	ssyncset.done $0x0  }
0x11a: {  	s1 =	sadd.s32 $0x1000, s4;
	[sflag:s23] =	ssyncadd.s32 $0xFFFFC000  }
0x11b: {  	[tilespmem:s29], [sflag:$0x1] =	stream.indirect.gather [hbm4b:s3+s28], $0x80, s1, s28, $0xb8;
	[tilespmem:$0x6000] =	vst v63  }
0x11c: {  	s31 =	sadd.s32 $0x1, s31;
	_ =	swait.ge [sflag:s30], $0x4000  }
0x11d: {  	p0 =	sne.s32 s31, s17;
	[sflag:s30] =	ssyncset.done $0x0  }
.Ltmp8:
0x11e: {  	[sflag:s30] =	ssyncadd.s32 $0xFFFFC000;
	(pc) =	sbr.rel @p0 .LBB2_1-.Ltmp8, $4  }
0x11f: {  	[hbm4b:s0+s2] =	stream.linear.scatter [tilespmem:s29], [sflag:$0x2], $0x4000, $0x38;
	[tilespmem:$0x6000] =	vst v63  }
0x120: {  	_ =	swait.ge [sflag:s23], $0x4000  }
0x121: {  	[sflag:s23] =	ssyncset.done $0x0  }
0x122: {  	[sflag:s23] =	ssyncadd.s32 $0xFFFFC000  }
0x123: {  	_ =	sfence.sel $0x180000  }
0x124: {  	[bflag:$0x0] =	sbarrier.arrive $0xFFFF  }
0x125: {  	_ =	strace $0x90000047  }
0x126: {  	s0 =	stileid.u32;
	[bflag:$0x2] =	sbarrier.arrive $0xFFFF  }
0x127: {  	p0 =	sne.s32 s0, $0x0;
	s0 =	rddreg [dreg:$0x2]  }
0x128: {  	s0 =	sadd.s32 @!p0 $0x100000, s0  }
0x129: {  	[sflag:s0] =	ssyncadd.tile.s32 @!p0 $0x1;
	_ =	shalt  }
.Lfunc_end2:
_tile_overlayer_lowered:
.L_overlay_start_2:
0x12a: {  	(tag) =	ssettag $0x2  }
0x12b: {  	s0 =	rddreg [dreg:$0x0];
	s2 =	stileid.u32  }
0x12c: {  	s1 =	rddreg [dreg:$0x1];
	p0 =	sne.s32 s2, $0x0  }
0x12d: {  	s3 =	rddreg [dreg:$0x2];
	[bflag:$0x3] =	sbarrier.arrive $0xFFFF;
	s2 =	simm.s32 @!p0 $0x1C02  }
0x12e: {  	[timem:s3], [sflag:s2] =	dma.local @!p0 [hbm:s0], s1  }
0x12f: {  	s0 =	simm.s32 @!p0 $0x2  }
0x130: {  	_ =	swait.ge @!p0 [sflag:s0], s1  }
0x131: {  	s1 =	ssub.s32 @!p0 $0x0, s1;
	[sflag:s0] =	ssyncset.done @!p0 $0x0  }
0x132: {  	[sflag:s0] =	ssyncadd.s32 @!p0 s1  }
0x133: {  	[bflag:$0x3] =	sbarrier.arrive $0xFFFF  }
0x134: {  	_ =	shalt  }

// kernel: kernel.13.cloned.1.call-start
scs
__scs_entry_jumppad:
0x0: {  	(pc) =	sbr.rel $0x88, $3  }
0x1: {  	(tag) =	ssettag $0x0;
	lr =	simm.s32 $0x1  }
0x2: {  	[smem:$0x3F99] =	sst lr;
	_ =	strace $0xD0000000  }
0x3: {  	_ = 	snop  }
0x4: {  	_ = 	snop  }
0x5: {  	_ = 	snop  }
0x6: {  	_ = 	snop  }
0x7: {  	_ = 	snop  }
__scs_overlays_trampoline_lowered:
0x8: {  	[smem:$0x3FA8] =	sst s0  }
0x9: {  	[smem:$0x3FA9] =	sst s1  }
0xa: {  	[smem:$0x3FAA] =	sst s2  }
0xb: {  	[smem:$0x3FAB] =	sst s3  }
0xc: {  	[smem:$0x3FAC] =	sst s4  }
0xd: {  	[smem:$0x3FAD] =	sst s5  }
0xe: {  	[smem:$0x3FAE] =	sst s6  }
0xf: {  	[smem:$0x3FAF] =	sst s7  }
0x10: {  	[smem:$0x3FB0] =	sst s8  }
0x11: {  	[smem:$0x3FB1] =	sst s9;
	s0 =	simm.s32 @!p0 $0x0  }
0x12: {  	s1 =	sld [smem:$0x3F97];
	s0 =	simm.s32 @p0 $0x1  }
0x13: {  	[smem:$0x3FB2] =	sst s0;
	s0 =	simm.s32 @!p1 $0x0  }
0x14: {  	s2 =	sld [smem:$0x3F96];
	s0 =	simm.s32 @p1 $0x1  }
0x15: {  	[smem:$0x3FB3] =	sst s0;
	s0 =	simm.s32 @!p2 $0x0  }
0x16: {  	s3 =	sld [smem:$0x3FDB];
	s0 =	simm.s32 @p2 $0x1  }
0x17: {  	s4 =	simm.s32 $0x1BF5;
	[smem:$0x3FB5] =	sst s0  }
0x18: {  	s0 =	sld [smem:$0x3F98];
	_ =	swait.ge [sflag:s4], $0x0  }
0x19: {  	s7 =	sld [smem:$0x3F99]  }
0x1a: {  	s8 =	sadd.s32 $0xFFFFE003, lr  }
0x1b: {  	s9 =	sadd.s32 $0xFFFFFEF7, lr;
	s5 =	simm.s32 $0xFFFFFFFF;
	p2 =	slt.u32 s8, $0xFFFFF086  }
0x1c: {  	p1 =	slt.u32 s9, $0xF7A;
	s5 =	simm.s32 @!p2 $0x0  }
0x1d: {  	s5 =	simm.s32 @p1 $0x1;
	p0 =	seq.s32 s7, s2  }
0x1e: {  	s7 =	smul.u32 @!p0 $0xF7A, s2;
	p2 =	seq.s32 @!p0 s5, $0x0  }
0x1f: {  	s9 =	smul.u32 $0xF7A, s1;
	s8 =	simm.s32 @!p0 $0x1BF5;
	p2 =	por !p2, p0  }
0x20: {  	[sflag:s8] =	ssyncset.s32 @!p0 $0xFFFFF086;
	s6 =	sadd.s32 @!p0 s3, s7;
	s7 =	simm.s32 @!p0 $0x108  }
0x21: {  	s3 =	sadd.s32 s3, s9;
	s6 =	sadd.s32 @!p0 $0x88, s6;
	s7 =	simm.s32 @p2 $0x1082  }
0x22: {  	[simem:s7], [sflag:s8] =	dma.local @!p0 [hbm:s6], $0xF7A  }
0x23: {  	s9 =	sor.u32 $0xD0000000, s2;
	s6 =	simm.s32 $0x108;
	_ =	swait.ge @!p0 [sflag:s8], $0x0  }
0x24: {  	s3 =	sadd.s32 $0x88, s3;
	s6 =	simm.s32 @!p1 $0x1082;
	[sflag:s4] =	ssyncset.s32 $0xFFFFF086  }
0x25: {  	[simem:s6], [sflag:s4] =	dma.local [hbm:s3], $0xF7A  }
0x26: {  	[smem:$0x3F99] =	sst s1;
	(tag) =	ssettag s2;
	_ =	strace s9  }
0x27: {  	s1 =	sld [smem:$0x3FA9]  }
0x28: {  	s2 =	sld [smem:$0x3FAA]  }
0x29: {  	s4 =	sld [smem:$0x3FAC]  }
0x2a: {  	p0 =	seq.s32 s5, $0x0;
	s5 =	sld [smem:$0x3FAD]  }
0x2b: {  	s6 =	sld [smem:$0x3FAE]  }
0x2c: {  	s7 =	sld [smem:$0x3FAF]  }
0x2d: {  	s3 =	simm.s32 $0x108;
	s8 =	sld [smem:$0x3FB0]  }
0x2e: {  	s3 =	simm.s32 @!p0 $0x1082;
	s9 =	sld [smem:$0x3FB1]  }
0x2f: {  	lr =	sadd.s32 s0, s3;
	s0 =	sld [smem:$0x3FA8]  }
0x30: {  	s3 =	sld [smem:$0x3FAB]  }
0x31: {  	[smem:$0x3FB4] =	sst s10  }
0x32: {  	s10 =	sld [smem:$0x3FB2];
	_ =	sdelay $0x3  }
0x33: {  	p0 =	seq.s32 s10, $0x1;
	s10 =	sld [smem:$0x3FB4];
	_ =	sdelay $0x3  }
0x34: {  	[smem:$0x3FB4] =	sst s10  }
0x35: {  	s10 =	sld [smem:$0x3FB3];
	_ =	sdelay $0x3  }
0x36: {  	p1 =	seq.s32 s10, $0x1;
	s10 =	sld [smem:$0x3FB4];
	_ =	sdelay $0x3  }
0x37: {  	[smem:$0x3FB4] =	sst s10  }
0x38: {  	s10 =	sld [smem:$0x3FB5]  }
0x39: {  	_ = 	snop;
	(pc) =	sbr.ind lr, $3  }
0x3a: {  	_ = 	snop  }
0x3b: {  	_ = 	snop  }
0x3c: {  	p2 =	seq.s32 s10, $0x1;
	s10 =	sld [smem:$0x3FB4]  }
0x3d: {  	_ =	shalt  }
0x3e: {  	_ =	shalt  }
0x3f: {  	_ =	shalt  }
0x40: {  	_ =	shalt  }
0x41: {  	_ =	shalt  }
0x42: {  	_ =	shalt  }
0x43: {  	_ =	shalt  }
0x44: {  	_ =	shalt  }
0x45: {  	_ =	shalt  }
0x46: {  	_ =	shalt  }
0x47: {  	_ =	shalt  }
0x48: {  	_ =	shalt  }
0x49: {  	_ =	shalt  }
0x4a: {  	_ =	shalt  }
0x4b: {  	_ =	shalt  }
0x4c: {  	_ =	shalt  }
0x4d: {  	_ =	shalt  }
0x4e: {  	_ =	shalt  }
0x4f: {  	_ =	shalt  }
0x50: {  	_ =	shalt  }
0x51: {  	_ =	shalt  }
0x52: {  	_ =	shalt  }
0x53: {  	_ =	shalt  }
0x54: {  	_ =	shalt  }
0x55: {  	_ =	shalt  }
0x56: {  	_ =	shalt  }
0x57: {  	_ =	shalt  }
0x58: {  	_ =	shalt  }
0x59: {  	_ =	shalt  }
0x5a: {  	_ =	shalt  }
0x5b: {  	_ =	shalt  }
0x5c: {  	_ =	shalt  }
0x5d: {  	_ =	shalt  }
0x5e: {  	_ =	shalt  }
0x5f: {  	_ =	shalt  }
0x60: {  	_ =	shalt  }
0x61: {  	_ =	shalt  }
0x62: {  	_ =	shalt  }
0x63: {  	_ =	shalt  }
0x64: {  	_ =	shalt  }
0x65: {  	_ =	shalt  }
0x66: {  	_ =	shalt  }
0x67: {  	_ =	shalt  }
0x68: {  	_ =	shalt  }
0x69: {  	_ =	shalt  }
0x6a: {  	_ =	shalt  }
0x6b: {  	_ =	shalt  }
0x6c: {  	_ =	shalt  }
0x6d: {  	_ =	shalt  }
0x6e: {  	_ =	shalt  }
0x6f: {  	_ =	shalt  }
0x70: {  	_ =	shalt  }
0x71: {  	_ =	shalt  }
0x72: {  	_ =	shalt  }
0x73: {  	_ =	shalt  }
0x74: {  	_ =	shalt  }
0x75: {  	_ =	shalt  }
0x76: {  	_ =	shalt  }
0x77: {  	_ =	shalt  }
0x78: {  	_ =	shalt  }
0x79: {  	_ =	shalt  }
0x7a: {  	_ =	shalt  }
0x7b: {  	_ =	shalt  }
0x7c: {  	_ =	shalt  }
0x7d: {  	_ =	shalt  }
0x7e: {  	_ =	shalt  }
0x7f: {  	_ =	shalt  }
0x80: {  	_ =	shalt  }
0x81: {  	_ =	shalt  }
0x82: {  	_ =	shalt  }
0x83: {  	_ =	shalt  }
0x84: {  	_ =	shalt  }
0x85: {  	_ =	shalt  }
0x86: {  	_ =	shalt  }
0x87: {  	_ =	shalt  }
.Lfunc_end0:
.L_simem_size_0:
called_computation.1_lowered:
.L_overlay_start_0:
0x88: {  	s2 =	sld [smem:$0x3FD9]  }
0x89: {  	s3 =	sld [smem:$0x3FFE];
	_ =	sdelay $0x1  }
0x8a: {  	s1 =	srdreg.scid  }
0x8b: {  	s0 =	sand.u32 $0x1, s1  }
0x8c: {  	s14 =	sshll.u32 s0, $0xA;
	s2 =	sadd.s32 s3, s2  }
0x8d: {  	s2 =	sadd.s32 s2, s14  }
0x8e: {  	[smem:$0x3FC0] =	sst s2  }
0x8f: {  	_ = 	snop  }
0x90: {  	s2 =	sld [smem:$0x3FD0];
	_ =	sdelay $0x2  }
0x91: {  	s15 =	simm.s32 $0xA;
	s4 =	simm.s32 $0x10  }
0x92: {  	[smem:s4], [sflag:s15] =	dma.local [hbm:s2], $0x1  }
0x93: {  	_ =	swait.eq [sflag:s15], $0x1  }
0x94: {  	[sflag:s15] =	ssyncset.done $0x0  }
0x95: {  	[sflag:s15] =	ssyncadd.s32 $0xFFFFFFFF  }
0x96: {  	s16 =	sld [smem:$0x10];
	(tm) =	ssettm $0x1  }
0x97: {  	s17 =	sld [smem:$0x3FFB];
	_ =	sdelay $0x3  }
0x98: {  	_ =	strace s17  }
0x99: {  	s3 =	sld [smem:$0x3FFC];
	_ =	sdelay $0x3  }
0x9a: {  	_ =	strace s3  }
0x9b: {  	s3 =	sld [smem:$0x3FFD];
	_ =	sdelay $0x3  }
0x9c: {  	_ =	strace s3  }
0x9d: {  	_ =	strace $0x8FFFFFFF  }
0x9e: {  	s18 =	sld [smem:$0x3FDB];
	_ =	sdelay $0x1  }
0x9f: {  	s19 =	simm.s32 $_scs_section_size  }
0xa0: {  	s5 =	simm.s32 $_size__tile_overlayer_lowered;
	s6 =	simm.s32 $_tile_overlayer_lowered  }
0xa1: {  	s22 =	simm.s32 $0x1BFF;
	s21 =	sshll.u32 s6, $0x1;
	s3 =	sadd.s32 s19, s18  }
0xa2: {  	s7 =	simm.s32 $0x0;
	s20 =	sshll.u32 s5, $0x1;
	s5 =	sadd.s32 s21, s3  }
0xa3: {  	[timem:s7], [sflag:s22] =	dma.local [hbm:s5], s20  }
0xa4: {  	_ =	swait.ge [sflag:s22], s20  }
0xa5: {  	s4 =	ssub.s32 $0x0, s20;
	[sflag:s22] =	ssyncset.done $0x0  }
0xa6: {  	[sflag:s22] =	ssyncadd.s32 s4;
	_ =	sdelay $0x1  }
0xa7: {  	s23 =	simm.s32 $0x1B8B  }
0xa8: {  	_ =	swait.ge [sflag:s23], $0x1  }
0xa9: {  	[sflag:s23] =	ssyncset.done $0x0  }
0xaa: {  	s25 =	simm.s32 $0x1B8E;
	s24 =	sld [smem:$0x3FFE];
	[sflag:s23] =	ssyncadd.s32 $0xFFFFFFFF  }
0xab: {  	s26 =	simm.s32 $execute0_lowered;
	[smem:$0x3FD2] =	sst s25  }
0xac: {  	s5 =	sshll.u32 s26, $0x1;
	_ =	strace $0x80000049;
	[dreg:$0x1] =	wrdreg $0xFFFFFFFF  }
0xad: {  	s28 =	simm.s32 $_size_execute0_lowered;
	s3 =	sadd.s32 s3, s5;
	[dreg:$0x0] =	wrdreg $0x0  }
0xae: {  	s5 =	sshll.u32 s28, $0x1;
	[dreg:$0x2] =	wrdreg s3  }
0xaf: {  	[dreg:$0x3] =	wrdreg s5  }
0xb0: {  	[dreg:$0x4] =	wrdreg $0xC0  }
0xb1: {  	_ =	task [dreg:s7], $0x5FFFF  }
0xb2: {  	[dreg:$0x1] =	wrdreg $0xFFFFFFFF  }
0xb3: {  	[dreg:$0x0] =	wrdreg $0x60  }
0xb4: {  	[dreg:$0x2] =	wrdreg s16  }
0xb5: {  	[dreg:$0x3] =	wrdreg s24  }
0xb6: {  	[dreg:$0x4] =	wrdreg $0x9  }
0xb7: {  	_ =	task.clear_ibuf [dreg:s7], $0x5FFFF;
	_ =	strace $0x90000049  }
0xb8: {  	s29 =	simm.s32 $0x9;
	_ =	strace $0x8000004B  }
0xb9: {  	_ =	swait.ge [sflag:s29], $0x1  }
0xba: {  	[sflag:s29] =	ssyncadd.s32 $0xFFFFFFFF  }
0xbb: {  	_ =	strace $0x9000004B  }
0xbc: {  	_ =	sfence  }
0xbd: {  	s30 =	sld [smem:$0x0];
	_ =	sdelay $0x2  }
0xbe: {  	s31 =	sshll.u32 s1, $0xD;
	s1 =	sshrl.u32 s1, $0x2  }
0xbf: {  	s3 =	sand.u32 $0x4000, s31;
	s1 =	sadd.s32 s1, s30  }
0xc0: {  	s0 =	sor.u32 s3, s0;
	s1 =	sshll.u32 s1, $0x11  }
0xc1: {  	s0 =	sor.u32 s1, s0  }
0xc2: {  	s0 =	sadd.s32 $0x8F2B, s0  }
0xc3: {  	[sflag:s0] =	ssyncadd.remote.s32 $0x1  }
0xc4: {  	_ =	sfence.sel $0xFFFF  }
0xc5: {  	[dreg:$0x0] =	wrdreg $0xFFFFFFFF;
	(pc) =	sbr.abs _section_cstart, $3  }
0xc6: {  	[dreg:$0x1] =	wrdreg $0xFFFFFFFF  }
0xc7: {  	_ =	task.clear_ibuf [dreg:s7], $0x2FFFF;
	_ =	strace $0x9FFFFFFF  }
0xc8: {  	(tm) =	ssettm $0x7FFFFFFF  }
0xc9: {  	_ =	shalt  }
tec
execute0_lowered:
.L_overlay_start_1:
0x0: {  	(tag) =	ssettag $0x1  }
0x1: {  	s4 =	rddreg [dreg:$0x0]  }
0x2: {  	s5 =	rddreg [dreg:$0x1]  }
0x3: {  	s0 =	rddreg [dreg:$0x2];
	s1 =	simm.s32 $0x0  }
0x4: {  	s6 =	srdreg.scid;
	s2 =	stileid.u32;
	s13 =	simm.s32 $0x2  }
0x5: {  	s14 =	simm.s32 $0x80;
	s15 =	simm.s32 $0x800;
	s16 =	simm.s32 $0x1  }
0x6: {  	s17 =	simm.s32 $0x0;
	[smem:$0x7FF] =	sst s1;
	s3 =	sadd.s32 $0xC03A00, s5  }
0x7: {  	s6 =	sand.u32 $0x1, s6;
	s7 =	sshll.u32 s2, $0x12;
	s8 =	sshll.u32 s2, $0xB  }
0x8: {  	_ =	strace $0x8000004A;
	s9 =	sshll.u32 s6, $0xA;
	s7 =	sadd.s32 s7, s5  }
0x9: {  	s30 =	ssub.s32 $0x2, s6;
	s6 =	sshll.u32 s6, $0x11;
	s8 =	sor.u32 s9, s8  }
0xa: {  	s31 =	sshrl.u32 s30, $0x1;
	s12 =	sadd.s32 s6, s7;
	s4 =	sadd.s32 s4, s8  }
0xb: {  	s9 =	ssub.s32 s30, s31;
	s8 =	sadd.s32 $0x301A00, s12;
	s10 =	sadd.s32 $0x309A00, s12  }
0xc: {  	s11 =	sadd.s32 $0x311A00, s12;
	s12 =	sadd.s32 $0x319A00, s12;
	s5 =	sadd.s32 $0x100, s4  }
0xd: {  	s6 =	sadd.s32 $0x200, s4;
	s7 =	sadd.s32 $0x300, s4;
	s9 =	smax.u32 s9, $0x1  }
.LBB2_1:
0xe: {  	[tilespmem:s1], [sflag:$0x2] =	stream.linear.gather [hbm4b:s4+s1], $0x800, $0x38;
	[tilespmem:$0x4800] =	vst v63  }
0xf: {  	_ =	swait.ge [sflag:s13], $0x800  }
0x10: {  	[sflag:s13] =	ssyncset.done $0x0  }
0x11: {  	s18 =	simm.s32 $0x0;
	[sflag:s13] =	ssyncadd.s32 $0xFFFFF800  }
0x12: {  	[tilespmem:s15], [sflag:$0x1] =	stream.indirect.gather [hbm4b:s3+s14], $0x80, s18, s14, $0xb8;
	[tilespmem:$0x4800] =	vst v63  }
0x13: {  	_ =	swait.ge [sflag:s16], $0x4000  }
0x14: {  	[sflag:s16] =	ssyncset.done $0x0  }
0x15: {  	[sflag:s16] =	ssyncadd.s32 $0xFFFFC000  }
0x16: {  	[hbm4b:s8+s1] =	stream.linear.scatter [tilespmem:s15], [sflag:$0x2], $0x4000, $0x38;
	[tilespmem:$0x4800] =	vst v63  }
0x17: {  	s19 =	simm.s32 $0x200;
	_ =	swait.ge [sflag:s13], $0x4000  }
0x18: {  	s20 =	simm.s32 $0x400;
	s18 =	sadd.s32 $0x800, s8;
	[sflag:s13] =	ssyncset.done $0x0  }
.LBB2_2:
0x19: {  	s21 =	sshra.s32 s19, $0x2  }
0x1a: {  	[sflag:s13] =	ssyncadd.s32 $0xFFFFC000;
	s19 =	smov.u32 s20;
	s22 =	sadd.s32 $0x200, s20  }
0x1b: {  	[tilespmem:s15], [sflag:$0x1] =	stream.indirect.gather [hbm4b:s3+s14], $0x80, s21, s14, $0xb8;
	[tilespmem:$0x4800] =	vst v63  }
0x1c: {  	p0 =	sne.s32 s20, $0x1E00;
	_ =	swait.ge [sflag:s16], $0x4000  }
.Ltmp0:
0x1d: {  	[sflag:s16] =	ssyncset.done $0x0;
	(pc) =	sbr.rel @p0 .LBB2_2-.Ltmp0, $4  }
0x1e: {  	[sflag:s16] =	ssyncadd.s32 $0xFFFFC000  }
0x1f: {  	[hbm4b:s18+s1] =	stream.linear.scatter [tilespmem:s15], [sflag:$0x2], $0x4000, $0x38;
	[tilespmem:$0x4800] =	vst v63  }
0x20: {  	_ =	swait.ge [sflag:s13], $0x4000  }
0x21: {  	s20 =	smov.u32 s22;
	s18 =	sadd.s32 $0x800, s18;
	[sflag:s13] =	ssyncset.done $0x0  }
0x22: {  	s19 =	sshra.s32 s19, $0x2;
	[sflag:s13] =	ssyncadd.s32 $0xFFFFC000  }
0x23: {  	[tilespmem:s15], [sflag:$0x1] =	stream.indirect.gather [hbm4b:s3+s14], $0x80, s19, s14, $0xb8;
	[tilespmem:$0x4800] =	vst v63  }
0x24: {  	_ =	swait.ge [sflag:s16], $0x4000  }
0x25: {  	[sflag:s16] =	ssyncset.done $0x0  }
0x26: {  	[sflag:s16] =	ssyncadd.s32 $0xFFFFC000  }
0x27: {  	[hbm4b:s18+s1] =	stream.linear.scatter [tilespmem:s15], [sflag:$0x2], $0x4000, $0x38;
	[tilespmem:$0x4800] =	vst v63  }
0x28: {  	_ =	swait.ge [sflag:s13], $0x4000  }
0x29: {  	[sflag:s13] =	ssyncset.done $0x0  }
0x2a: {  	s30 =	simm.s32 $0x0;
	[sflag:s13] =	ssyncadd.s32 $0xFFFFC000  }
0x2b: {  	[tilespmem:s30], [sflag:$0x2] =	stream.linear.gather [hbm4b:s5+s30], $0x800, $0x38;
	[tilespmem:$0x4800] =	vst v63  }
0x2c: {  	_ =	swait.ge [sflag:s13], $0x800  }
0x2d: {  	[sflag:s13] =	ssyncset.done $0x0  }
0x2e: {  	s31 =	simm.s32 $0x0;
	[sflag:s13] =	ssyncadd.s32 $0xFFFFF800  }
0x2f: {  	[tilespmem:s15], [sflag:$0x1] =	stream.indirect.gather [hbm4b:s3+s14], $0x80, s31, s14, $0xb8;
	[tilespmem:$0x4800] =	vst v63  }
0x30: {  	_ =	swait.ge [sflag:s16], $0x4000  }
0x31: {  	[sflag:s16] =	ssyncset.done $0x0  }
0x32: {  	[sflag:s16] =	ssyncadd.s32 $0xFFFFC000  }
0x33: {  	[hbm4b:s10+s1] =	stream.linear.scatter [tilespmem:s15], [sflag:$0x2], $0x4000, $0x38;
	[tilespmem:$0x4800] =	vst v63  }
0x34: {  	s20 =	simm.s32 $0x400;
	_ =	swait.ge [sflag:s13], $0x4000  }
0x35: {  	s19 =	simm.s32 $0x200;
	s18 =	sadd.s32 $0x800, s10;
	[sflag:s13] =	ssyncset.done $0x0  }
.LBB2_4:
0x36: {  	s21 =	sshra.s32 s19, $0x2  }
0x37: {  	[sflag:s13] =	ssyncadd.s32 $0xFFFFC000;
	s19 =	smov.u32 s20;
	s22 =	sadd.s32 $0x200, s20  }
0x38: {  	[tilespmem:s15], [sflag:$0x1] =	stream.indirect.gather [hbm4b:s3+s14], $0x80, s21, s14, $0xb8;
	[tilespmem:$0x4800] =	vst v63  }
0x39: {  	p0 =	sne.s32 s20, $0x1E00;
	_ =	swait.ge [sflag:s16], $0x4000  }
.Ltmp1:
0x3a: {  	[sflag:s16] =	ssyncset.done $0x0;
	(pc) =	sbr.rel @p0 .LBB2_4-.Ltmp1, $4  }
0x3b: {  	[sflag:s16] =	ssyncadd.s32 $0xFFFFC000  }
0x3c: {  	[hbm4b:s18+s1] =	stream.linear.scatter [tilespmem:s15], [sflag:$0x2], $0x4000, $0x38;
	[tilespmem:$0x4800] =	vst v63  }
0x3d: {  	_ =	swait.ge [sflag:s13], $0x4000  }
0x3e: {  	s20 =	smov.u32 s22;
	s18 =	sadd.s32 $0x800, s18;
	[sflag:s13] =	ssyncset.done $0x0  }
0x3f: {  	s19 =	sshra.s32 s19, $0x2;
	[sflag:s13] =	ssyncadd.s32 $0xFFFFC000  }
0x40: {  	[tilespmem:s15], [sflag:$0x1] =	stream.indirect.gather [hbm4b:s3+s14], $0x80, s19, s14, $0xb8;
	[tilespmem:$0x4800] =	vst v63  }
0x41: {  	_ =	swait.ge [sflag:s16], $0x4000  }
0x42: {  	[sflag:s16] =	ssyncset.done $0x0  }
0x43: {  	[sflag:s16] =	ssyncadd.s32 $0xFFFFC000  }
0x44: {  	[hbm4b:s18+s1] =	stream.linear.scatter [tilespmem:s15], [sflag:$0x2], $0x4000, $0x38;
	[tilespmem:$0x4800] =	vst v63  }
0x45: {  	_ =	swait.ge [sflag:s13], $0x4000  }
0x46: {  	[sflag:s13] =	ssyncset.done $0x0  }
0x47: {  	s30 =	simm.s32 $0x0;
	[sflag:s13] =	ssyncadd.s32 $0xFFFFC000  }
0x48: {  	[tilespmem:s30], [sflag:$0x2] =	stream.linear.gather [hbm4b:s6+s30], $0x800, $0x38;
	[tilespmem:$0x4800] =	vst v63  }
0x49: {  	_ =	swait.ge [sflag:s13], $0x800  }
0x4a: {  	[sflag:s13] =	ssyncset.done $0x0  }
0x4b: {  	s31 =	simm.s32 $0x0;
	[sflag:s13] =	ssyncadd.s32 $0xFFFFF800  }
0x4c: {  	[tilespmem:s15], [sflag:$0x1] =	stream.indirect.gather [hbm4b:s3+s14], $0x80, s31, s14, $0xb8;
	[tilespmem:$0x4800] =	vst v63  }
0x4d: {  	_ =	swait.ge [sflag:s16], $0x4000  }
0x4e: {  	[sflag:s16] =	ssyncset.done $0x0  }
0x4f: {  	[sflag:s16] =	ssyncadd.s32 $0xFFFFC000  }
0x50: {  	[hbm4b:s11+s1] =	stream.linear.scatter [tilespmem:s15], [sflag:$0x2], $0x4000, $0x38;
	[tilespmem:$0x4800] =	vst v63  }
0x51: {  	s20 =	simm.s32 $0x400;
	_ =	swait.ge [sflag:s13], $0x4000  }
0x52: {  	s19 =	simm.s32 $0x200;
	s18 =	sadd.s32 $0x800, s11;
	[sflag:s13] =	ssyncset.done $0x0  }
.LBB2_6:
0x53: {  	s21 =	sshra.s32 s19, $0x2  }
0x54: {  	[sflag:s13] =	ssyncadd.s32 $0xFFFFC000;
	s19 =	smov.u32 s20;
	s22 =	sadd.s32 $0x200, s20  }
0x55: {  	[tilespmem:s15], [sflag:$0x1] =	stream.indirect.gather [hbm4b:s3+s14], $0x80, s21, s14, $0xb8;
	[tilespmem:$0x4800] =	vst v63  }
0x56: {  	p0 =	sne.s32 s20, $0x1E00;
	_ =	swait.ge [sflag:s16], $0x4000  }
.Ltmp2:
0x57: {  	[sflag:s16] =	ssyncset.done $0x0;
	(pc) =	sbr.rel @p0 .LBB2_6-.Ltmp2, $4  }
0x58: {  	[sflag:s16] =	ssyncadd.s32 $0xFFFFC000  }
0x59: {  	[hbm4b:s18+s1] =	stream.linear.scatter [tilespmem:s15], [sflag:$0x2], $0x4000, $0x38;
	[tilespmem:$0x4800] =	vst v63  }
0x5a: {  	_ =	swait.ge [sflag:s13], $0x4000  }
0x5b: {  	s20 =	smov.u32 s22;
	s18 =	sadd.s32 $0x800, s18;
	[sflag:s13] =	ssyncset.done $0x0  }
0x5c: {  	s19 =	sshra.s32 s19, $0x2;
	[sflag:s13] =	ssyncadd.s32 $0xFFFFC000  }
0x5d: {  	[tilespmem:s15], [sflag:$0x1] =	stream.indirect.gather [hbm4b:s3+s14], $0x80, s19, s14, $0xb8;
	[tilespmem:$0x4800] =	vst v63  }
0x5e: {  	_ =	swait.ge [sflag:s16], $0x4000  }
0x5f: {  	[sflag:s16] =	ssyncset.done $0x0  }
0x60: {  	[sflag:s16] =	ssyncadd.s32 $0xFFFFC000  }
0x61: {  	[hbm4b:s18+s1] =	stream.linear.scatter [tilespmem:s15], [sflag:$0x2], $0x4000, $0x38;
	[tilespmem:$0x4800] =	vst v63  }
0x62: {  	_ =	swait.ge [sflag:s13], $0x4000  }
0x63: {  	[sflag:s13] =	ssyncset.done $0x0  }
0x64: {  	s30 =	simm.s32 $0x0;
	[sflag:s13] =	ssyncadd.s32 $0xFFFFC000  }
0x65: {  	[tilespmem:s30], [sflag:$0x2] =	stream.linear.gather [hbm4b:s7+s30], $0x800, $0x38;
	[tilespmem:$0x4800] =	vst v63  }
0x66: {  	_ =	swait.ge [sflag:s13], $0x800  }
0x67: {  	[sflag:s13] =	ssyncset.done $0x0  }
0x68: {  	s31 =	simm.s32 $0x0;
	[sflag:s13] =	ssyncadd.s32 $0xFFFFF800  }
0x69: {  	[tilespmem:s15], [sflag:$0x1] =	stream.indirect.gather [hbm4b:s3+s14], $0x80, s31, s14, $0xb8;
	[tilespmem:$0x4800] =	vst v63  }
0x6a: {  	_ =	swait.ge [sflag:s16], $0x4000  }
0x6b: {  	[sflag:s16] =	ssyncset.done $0x0  }
0x6c: {  	[sflag:s16] =	ssyncadd.s32 $0xFFFFC000  }
0x6d: {  	[hbm4b:s12+s1] =	stream.linear.scatter [tilespmem:s15], [sflag:$0x2], $0x4000, $0x38;
	[tilespmem:$0x4800] =	vst v63  }
0x6e: {  	s20 =	simm.s32 $0x400;
	_ =	swait.ge [sflag:s13], $0x4000  }
0x6f: {  	s19 =	simm.s32 $0x200;
	s18 =	sadd.s32 $0x800, s12;
	[sflag:s13] =	ssyncset.done $0x0  }
.LBB2_8:
0x70: {  	s21 =	sshra.s32 s19, $0x2  }
0x71: {  	[sflag:s13] =	ssyncadd.s32 $0xFFFFC000;
	s19 =	smov.u32 s20;
	s22 =	sadd.s32 $0x200, s20  }
0x72: {  	[tilespmem:s15], [sflag:$0x1] =	stream.indirect.gather [hbm4b:s3+s14], $0x80, s21, s14, $0xb8;
	[tilespmem:$0x4800] =	vst v63  }
0x73: {  	p0 =	sne.s32 s20, $0x1E00;
	_ =	swait.ge [sflag:s16], $0x4000  }
.Ltmp3:
0x74: {  	[sflag:s16] =	ssyncset.done $0x0;
	(pc) =	sbr.rel @p0 .LBB2_8-.Ltmp3, $4  }
0x75: {  	[sflag:s16] =	ssyncadd.s32 $0xFFFFC000  }
0x76: {  	[hbm4b:s18+s1] =	stream.linear.scatter [tilespmem:s15], [sflag:$0x2], $0x4000, $0x38;
	[tilespmem:$0x4800] =	vst v63  }
0x77: {  	_ =	swait.ge [sflag:s13], $0x4000  }
0x78: {  	s20 =	smov.u32 s22;
	s18 =	sadd.s32 $0x800, s18;
	[sflag:s13] =	ssyncset.done $0x0  }
0x79: {  	s19 =	sshra.s32 s19, $0x2;
	[sflag:s13] =	ssyncadd.s32 $0xFFFFC000  }
0x7a: {  	[tilespmem:s15], [sflag:$0x1] =	stream.indirect.gather [hbm4b:s3+s14], $0x80, s19, s14, $0xb8;
	[tilespmem:$0x4800] =	vst v63  }
0x7b: {  	s17 =	sadd.s32 $0x1, s17;
	_ =	swait.ge [sflag:s16], $0x4000  }
0x7c: {  	p0 =	sne.s32 s17, s9;
	[sflag:s16] =	ssyncset.done $0x0  }
.Ltmp4:
0x7d: {  	[sflag:s16] =	ssyncadd.s32 $0xFFFFC000;
	(pc) =	sbr.rel @p0 .LBB2_1-.Ltmp4, $4  }
0x7e: {  	[hbm4b:s18+s1] =	stream.linear.scatter [tilespmem:s15], [sflag:$0x2], $0x4000, $0x38;
	[tilespmem:$0x4800] =	vst v63  }
0x7f: {  	_ =	swait.ge [sflag:s13], $0x4000  }
0x80: {  	[sflag:s13] =	ssyncset.done $0x0  }
0x81: {  	[sflag:s13] =	ssyncadd.s32 $0xFFFFC000  }
0x82: {  	_ =	sfence.sel $0x180000  }
0x83: {  	[bflag:$0x0] =	sbarrier.arrive $0xFFFF  }
0x84: {  	p0 =	sne.s32 s2, $0x0;
	_ =	strace $0x9000004A  }
0x85: {  	s0 =	sadd.s32 @!p0 $0x100000, s0;
	[bflag:$0x2] =	sbarrier.arrive $0xFFFF  }
0x86: {  	[sflag:s0] =	ssyncadd.tile.s32 @!p0 $0x1;
	_ =	shalt  }
.Lfunc_end2:
_tile_overlayer_lowered:
.L_overlay_start_2:
0x87: {  	(tag) =	ssettag $0x2  }
0x88: {  	s0 =	rddreg [dreg:$0x0];
	s2 =	stileid.u32  }
0x89: {  	s1 =	rddreg [dreg:$0x1];
	p0 =	sne.s32 s2, $0x0  }
0x8a: {  	s3 =	rddreg [dreg:$0x2];
	[bflag:$0x3] =	sbarrier.arrive $0xFFFF;
	s2 =	simm.s32 @!p0 $0x1C02  }
0x8b: {  	[timem:s3], [sflag:s2] =	dma.local @!p0 [hbm:s0], s1  }
0x8c: {  	s0 =	simm.s32 @!p0 $0x2  }
0x8d: {  	_ =	swait.ge @!p0 [sflag:s0], s1  }
0x8e: {  	s1 =	ssub.s32 @!p0 $0x0, s1;
	[sflag:s0] =	ssyncset.done @!p0 $0x0  }
0x8f: {  	[sflag:s0] =	ssyncadd.s32 @!p0 s1  }
0x90: {  	[bflag:$0x3] =	sbarrier.arrive $0xFFFF  }
0x91: {  	_ =	shalt  }

</sc_bundles>
